<compile_context>
chip_gen: v7x
topology: tpu7x:2x2x1
jax: 0.10.2.dev20260603
libtpu: 0.0.44.dev20260713+nightly
codegen_flags: <defaults>
</compile_context>

<pallas_src>
import functools
import math

import jax
import jax.numpy as jnp
from jax import lax
from jax.experimental import pallas as pl
from jax.experimental.pallas import tpu as pltpu
from jax.experimental.pallas import tpu_sc as plsc

N = 10000
E = 160000
H = 128

NC = 2
NS = 16
NW = NC * NS
C = 128
NCH = 40
WE = C * NCH
EPAD = NW * WE
NPAD = 10240
NPS = NPAD // NS

EB = 2048
NBE = EPAD // EB
NB = 1000
NBN = N // NB

_INV_SQRT_H = 1.0 / math.sqrt(H)


def _mesh():
    return plsc.VectorSubcoreMesh(core_axis_name="c", subcore_axis_name="s")




@functools.lru_cache(maxsize=None)
def _make_gather(T):

    def body(*refs):
        tabs = refs[:T]
        idxs = refs[T:2 * T]
        outs = refs[2 * T:3 * T]
        idx_v, rows_a, rows_b, sem_a, sem_b = refs[3 * T:]
        cid = lax.axis_index("c")
        sid = lax.axis_index("s")
        wid = sid * NC + cid
        for t in range(T):
            pltpu.sync_copy(idxs[t].at[pl.ds(wid * NCH, NCH)], idx_v.at[t])

        def chunk(i, carry):
            ja = 2 * i
            jb = 2 * i + 1
            for t in range(T):
                da = pltpu.async_copy(tabs[t].at[idx_v.at[t, ja]], rows_a,
                                      sem_a)
                db = pltpu.async_copy(tabs[t].at[idx_v.at[t, jb]], rows_b,
                                      sem_b)
                da.wait()
                pltpu.sync_copy(rows_a, outs[t].at[pl.ds(wid * WE + ja * C, C)])
                db.wait()
                pltpu.sync_copy(rows_b, outs[t].at[pl.ds(wid * WE + jb * C, C)])
            return carry

        lax.fori_loop(0, NCH // 2, chunk, 0)

    return pl.kernel(
        body,
        out_type=[jax.ShapeDtypeStruct((EPAD, H), jnp.float32)] * T,
        mesh=_mesh(),
        scratch_types=[
            pltpu.VMEM((T, NCH, C), jnp.int32),
            pltpu.VMEM((C, H), jnp.float32),
            pltpu.VMEM((C, H), jnp.float32),
            pltpu.SemaphoreType.DMA,
            pltpu.SemaphoreType.DMA,
        ],
    )


@functools.lru_cache(maxsize=None)
def _make_scatter(D):

    def body(vals, idx, zeros, out, idx_v, val_v, acc, sem):
        del sem
        cid = lax.axis_index("c")
        sid = lax.axis_index("s")
        wid = sid * NC + cid
        pltpu.sync_copy(zeros.at[pl.ds(sid * NPS, NPS)],
                        acc.at[pl.ds(sid * NPS, NPS)])
        pltpu.sync_copy(idx.at[pl.ds(wid * NCH, NCH)], idx_v)
        plsc.subcore_barrier()

        def chunk(j, carry):
            pltpu.sync_copy(vals.at[pl.ds(wid * WE + j * C, C)], val_v)
            pltpu.sync_copy(val_v, acc.at[idx_v.at[j]], add=True)
            return carry

        lax.fori_loop(0, NCH, chunk, 0)
        plsc.subcore_barrier()
        pltpu.sync_copy(acc.at[pl.ds(sid * NPS, NPS)],
                        out.at[cid, pl.ds(sid * NPS, NPS)])

    return pl.kernel(
        body,
        out_type=jax.ShapeDtypeStruct((NC, NPAD, D), jnp.float32),
        mesh=_mesh(),
        scratch_types=[
            pltpu.VMEM((NCH, C), jnp.int32),
            pltpu.VMEM((C, D), jnp.float32),
            pltpu.VMEM_SHARED((NPAD, D), jnp.float32),
            pltpu.SemaphoreType.DMA,
        ],
    )



def _full(shape):
    return pl.BlockSpec(shape, lambda i: (0,) * len(shape))


def _nrow(d):
    return pl.BlockSpec((NB, d), lambda i: (i, 0))


def _erow(d):
    return pl.BlockSpec((EB, d), lambda i: (i, 0))


def _dot(a, b):
    return jnp.dot(a, b, preferred_element_type=jnp.float32)


def _dense_pre(x, win, bin_, wq, bq, wk, bk, wv, bv, ws, bs):
    def body(x_ref, win_ref, bin_ref, wq_ref, bq_ref, wk_ref, bk_ref,
             wv_ref, bv_ref, ws_ref, bs_ref,
             h_ref, q_ref, k_ref, v_ref, hs_ref):
        h = _dot(x_ref[...], win_ref[...]) + bin_ref[...]
        h_ref[...] = h
        q_ref[...] = _dot(h, wq_ref[...]) + bq_ref[...]
        k_ref[...] = _dot(h, wk_ref[...]) + bk_ref[...]
        v_ref[...] = _dot(h, wv_ref[...]) + bv_ref[...]
        hs_ref[...] = _dot(h, ws_ref[...]) + bs_ref[...]

    out = [jax.ShapeDtypeStruct((N, H), jnp.float32)] * 5
    return pl.pallas_call(
        body,
        grid=(NBN,),
        in_specs=[_nrow(H), _full((H, H)), _full((1, H)),
                  _full((H, H)), _full((1, H)), _full((H, H)), _full((1, H)),
                  _full((H, H)), _full((1, H)), _full((H, H)), _full((1, H))],
        out_specs=[_nrow(H)] * 5,
        out_shape=out,
    )(x, win, bin_, wq, bq, wk, bk, wv, bv, ws, bs)


def _att_edge(qc, kr, vr):
    def body(qc_ref, kr_ref, vr_ref, mv_ref, ex_ref):
        i = pl.program_id(0)
        alpha = jnp.sum(qc_ref[...] * kr_ref[...], axis=1,
                        keepdims=True) * _INV_SQRT_H
        rows = i * EB + lax.broadcasted_iota(jnp.int32, (EB, 1), 0)
        ex = jnp.where(rows < E, jnp.exp(alpha), 0.0)
        mv_ref[...] = ex * vr_ref[...]
        ex_ref[...] = jnp.broadcast_to(ex, (EB, H))

    return pl.pallas_call(
        body,
        grid=(NBE,),
        in_specs=[_erow(H)] * 3,
        out_specs=[_erow(H)] * 2,
        out_shape=[jax.ShapeDtypeStruct((EPAD, H), jnp.float32)] * 2,
    )(qc, kr, vr)


def _gcn_dense_first(sm, sd, hskip, wa, ba, wb, bb, wc, bc, wr, br):
    def body(sm_ref, sd_ref, hs_ref, wa_ref, ba_ref, wb_ref, bb_ref, wc_ref,
             bc_ref, wr_ref, br_ref, ha_ref, hb_ref, hc_ref, hr_ref):
        tot = sm_ref[0] + sm_ref[1]
        den = sd_ref[0, :, 0:1] + sd_ref[1, :, 0:1] + 1e-16
        h = tot / den + hs_ref[...]
        ha_ref[...] = _dot(h, wa_ref[...]) + ba_ref[...]
        hb_ref[...] = _dot(h, wb_ref[...]) + bb_ref[...]
        hc_ref[...] = _dot(h, wc_ref[...]) + bc_ref[...]
        hr_ref[...] = _dot(h, wr_ref[...]) + br_ref[...]

    out = [jax.ShapeDtypeStruct((N, H), jnp.float32)] * 4
    return pl.pallas_call(
        body,
        grid=(NBN,),
        in_specs=[pl.BlockSpec((NC, NB, H), lambda i: (0, i, 0)),
                  pl.BlockSpec((NC, NB, H), lambda i: (0, i, 0)), _nrow(H),
                  _full((H, H)), _full((1, H)), _full((H, H)), _full((1, H)),
                  _full((H, H)), _full((1, H)), _full((H, H)), _full((1, H))],
        out_specs=[_nrow(H)] * 4,
        out_shape=out,
    )(sm, sd, hskip, wa, ba, wb, bb, wc, bc, wr, br)


def _gcn_dense_mid(agg, hres, wa, ba, wb, bb, wc, bc, wr, br):
    def body(agg_ref, hres_ref, wa_ref, ba_ref, wb_ref, bb_ref, wc_ref,
             bc_ref, wr_ref, br_ref, ha_ref, hb_ref, hc_ref, hr_ref):
        h = jnp.maximum(agg_ref[0] + agg_ref[1] + hres_ref[...], 0.0)
        ha_ref[...] = _dot(h, wa_ref[...]) + ba_ref[...]
        hb_ref[...] = _dot(h, wb_ref[...]) + bb_ref[...]
        hc_ref[...] = _dot(h, wc_ref[...]) + bc_ref[...]
        hr_ref[...] = _dot(h, wr_ref[...]) + br_ref[...]

    out = [jax.ShapeDtypeStruct((N, H), jnp.float32)] * 4
    return pl.pallas_call(
        body,
        grid=(NBN,),
        in_specs=[pl.BlockSpec((NC, NB, H), lambda i: (0, i, 0)), _nrow(H),
                  _full((H, H)), _full((1, H)), _full((H, H)), _full((1, H)),
                  _full((H, H)), _full((1, H)), _full((H, H)), _full((1, H))],
        out_specs=[_nrow(H)] * 4,
        out_shape=out,
    )(agg, hres, wa, ba, wb, bb, wc, bc, wr, br)


def _combine_final(agg, hres):
    def body(agg_ref, hres_ref, h_ref):
        h_ref[...] = jnp.maximum(agg_ref[0] + agg_ref[1] + hres_ref[...], 0.0)

    return pl.pallas_call(
        body,
        grid=(NBN,),
        in_specs=[pl.BlockSpec((NC, NB, H), lambda i: (0, i, 0)), _nrow(H)],
        out_specs=_nrow(H),
        out_shape=jax.ShapeDtypeStruct((N, H), jnp.float32),
    )(agg, hres)


def _gcn_edge(brow, ccol, arow, attr, we, be):
    def body(br_ref, cc_ref, ar_ref, attr_ref, we_ref, be_ref, m_ref):
        i = pl.program_id(0)
        e = attr_ref[...] * we_ref[...] + be_ref[...]
        g = jax.nn.sigmoid(br_ref[...] + cc_ref[...] + e)
        rows = i * EB + lax.broadcasted_iota(jnp.int32, (EB, 1), 0)
        m_ref[...] = jnp.where(rows < E, g * ar_ref[...], 0.0)

    return pl.pallas_call(
        body,
        grid=(NBE,),
        in_specs=[_erow(H), _erow(H), _erow(H), _erow(1),
                  _full((1, H)), _full((1, H))],
        out_specs=_erow(H),
        out_shape=jax.ShapeDtypeStruct((EPAD, H), jnp.float32),
    )(brow, ccol, arow, attr, we, be)


def _head(hr, hc, wm1, bm1, wm2, bm2):
    def body(hr_ref, hc_ref, wm1_ref, bm1_ref, wm2_ref, bm2_ref, out_ref):
        ef = jnp.abs(hr_ref[...] - hc_ref[...])
        hid = jnp.maximum(_dot(ef, wm1_ref[...]) + bm1_ref[...], 0.0)
        out_ref[...] = _dot(hid, wm2_ref[...]) + bm2_ref[...]

    return pl.pallas_call(
        body,
        grid=(NBE,),
        in_specs=[_erow(H), _erow(H), _full((H, H)), _full((1, H)),
                  _full((H, 1)), _full((1, 1))],
        out_specs=_erow(1),
        out_shape=jax.ShapeDtypeStruct((EPAD, 1), jnp.float32),
    )(hr, hc, wm1, bm1, wm2, bm2)



def kernel(x, edge_index, edge_attr, params):
    p = params
    row = edge_index[0]
    col = edge_index[1]
    pad = EPAD - E
    rowp = jnp.concatenate([row, jnp.zeros((pad,), row.dtype)]).reshape(
        EPAD // C, C)
    colp = jnp.concatenate([col, jnp.zeros((pad,), col.dtype)]).reshape(
        EPAD // C, C)
    attrp = jnp.concatenate(
        [edge_attr, jnp.zeros((pad, 1), edge_attr.dtype)], axis=0)
    zeros_h = jnp.zeros((NPAD, H), jnp.float32)

    def rb(v):
        return v.reshape(1, -1)

    xp = jnp.concatenate([x, jnp.zeros((N, H - 2), x.dtype)], axis=1)
    winp = jnp.concatenate(
        [p['W_in'], jnp.zeros((H - 2, H), p['W_in'].dtype)], axis=0)

    h0, q, k, v, hskip = _dense_pre(
        xp, winp, rb(p['b_in']), p['W_q'], rb(p['b_q']),
        p['W_k'], rb(p['b_k']), p['W_v'], rb(p['b_v']),
        p['W_skip'], rb(p['b_skip']))
    del h0

    qc, kr, vr = _make_gather(3)(q, k, v, colp, rowp, rowp)
    mv, exr = _att_edge(qc, kr, vr)
    sm = _make_scatter(H)(mv, colp, zeros_h)
    sd = _make_scatter(H)(exr, colp, zeros_h)

    g0 = p['gcn'][0]
    ha, hb, hc, hres = _gcn_dense_first(
        sm, sd, hskip, g0['W_A'], rb(g0['b_A']), g0['W_B'], rb(g0['b_B']),
        g0['W_C'], rb(g0['b_C']), g0['W_res'], rb(g0['b_res']))

    we = p['W_e']
    be = rb(p['b_e'])
    hfin = None
    for li in range(3):
        brow, ccol, arow = _make_gather(3)(hb, hc, ha, rowp, colp, rowp)
        m = _gcn_edge(brow, ccol, arow, attrp, we, be)
        agg = _make_scatter(H)(m, colp, zeros_h)
        if li < 2:
            g = p['gcn'][li + 1]
            ha, hb, hc, hres = _gcn_dense_mid(
                agg, hres, g['W_A'], rb(g['b_A']), g['W_B'], rb(g['b_B']),
                g['W_C'], rb(g['b_C']), g['W_res'], rb(g['b_res']))
        else:
            hfin = _combine_final(agg, hres)

    hr, hcg = _make_gather(2)(hfin, hfin, rowp, colp)
    sc = _head(hr, hcg, p['W_m1'], rb(p['b_m1']), p['W_m2'], rb(p['b_m2']))
    return sc[:E, 0]

# --- scband reference (transcript-rebuilt; emitter-appended) ---
"""Pipeline reference for scband-tspgnn-16724602650929 (READ-ONLY COPY).

The authoritative reference and input builder live on the scoring server;
editing this copy changes nothing except your own understanding.
"""

import jax, jax.numpy as jnp
import numpy as np

N = 10000
E = 160000
H = 128
NUM_GCN = 3


def _linear_params(key, din, dout):
    k1, k2 = jax.random.split(key)
    s = 1.0 / np.sqrt(din)
    W = jax.random.uniform(k1, (din, dout), minval=-s, maxval=s, dtype=jnp.float32)
    b = jax.random.uniform(k2, (dout,), minval=-s, maxval=s, dtype=jnp.float32)
    return W, b


def setup_inputs(seed: int = 0):
    key = jax.random.key(seed)
    ks = jax.random.split(key, 40)
    x = jax.random.normal(ks[0], (N, 2), dtype=jnp.float32)
    edge_index = jax.random.randint(ks[1], (2, E), 0, N, dtype=jnp.int32)
    edge_attr = jax.random.uniform(ks[2], (E, 1), dtype=jnp.float32)
    params = {}
    params['W_in'], params['b_in'] = _linear_params(ks[3], 2, H)
    params['W_e'], params['b_e'] = _linear_params(ks[4], 1, H)
    params['W_q'], params['b_q'] = _linear_params(ks[5], H, H)
    params['W_k'], params['b_k'] = _linear_params(ks[6], H, H)
    params['W_v'], params['b_v'] = _linear_params(ks[7], H, H)
    params['W_skip'], params['b_skip'] = _linear_params(ks[8], H, H)
    gcn = []
    idx = 9
    for _ in range(NUM_GCN):
        lp = {}
        for nm in ['A', 'B', 'C', 'E', 'res']:
            lp['W_' + nm], lp['b_' + nm] = _linear_params(ks[idx], H, H)
            idx += 1
        gcn.append(lp)
    params['gcn'] = gcn
    params['W_m1'], params['b_m1'] = _linear_params(ks[idx], H, H)
    idx += 1
    params['W_m2'], params['b_m2'] = _linear_params(ks[idx], H, 1)
    return {'x': x, 'edge_index': edge_index, 'edge_attr': edge_attr, 'params': params}


def _forward(x, edge_attr, params, edge_index):
    row, col = edge_index[0], edge_index[1]
    # input projections
    h = x @ params['W_in'] + params['b_in']
    e = edge_attr @ params['W_e'] + params['b_e']
    # TransformerConv, heads=1, concat=True, root_weight=True (PyG semantics):
    # query from dst (col), key/value from src (row), softmax over incoming edges per dst
    q = h @ params['W_q'] + params['b_q']
    k = h @ params['W_k'] + params['b_k']
    v = h @ params['W_v'] + params['b_v']
    alpha = jnp.sum(q[col] * k[row], axis=-1) / jnp.sqrt(jnp.float32(H))
    amax = jax.ops.segment_max(alpha, col, num_segments=N)
    amax = jnp.where(jnp.isfinite(amax), amax, 0.0)
    ex = jnp.exp(alpha - amax[col])
    denom = jax.ops.segment_sum(ex, col, num_segments=N)
    w = ex / (denom[col] + 1e-16)
    h = jax.ops.segment_sum(v[row] * w[:, None], col, num_segments=N) + (h @ params['W_skip'] + params['b_skip'])
    # GatedGCN layers
    for lp in params['gcn']:
        m = (h @ lp['W_B'] + lp['b_B'])[row] + (h @ lp['W_C'] + lp['b_C'])[col] + e
        m = jax.nn.sigmoid(m) * (h @ lp['W_A'] + lp['b_A'])[row]
        agg = jax.ops.segment_sum(m, col, num_segments=N)
        h = jax.nn.relu(agg + (h @ lp['W_res'] + lp['b_res']))
    # edge scoring head
    ef = jnp.abs(h[row] - h[col])
    hid = jax.nn.relu(ef @ params['W_m1'] + params['b_m1'])
    scores = (hid @ params['W_m2'] + params['b_m2'])[:, 0]
    return scores


def reference(x, edge_index, edge_attr, params):
    return _forward(x, edge_attr, params, edge_index)

if __name__ == "__main__":
    import jax
    _d = setup_inputs()
    print(jax.jit(kernel)(*tuple(_d.values())))

</pallas_src>

<mosaic_0001>
#map = affine_map<(d0, d1) -> (0, 0)>
#map1 = affine_map<(d0, d1) -> (0, 0, 0)>
module attributes {stable_mosaic.version = 14 : i64} {
  func.func @body(%arg0: i32, %arg1: i32, %arg2: memref<163840x128xf32, #tpu.memory_space<hbm>>, %arg3: memref<1280x128xi32, #tpu.memory_space<hbm>>, %arg4: memref<10240x128xf32, #tpu.memory_space<hbm>>, %arg5: memref<2x10240x128xf32, #tpu.memory_space<hbm>>, %arg6: memref<40x128xi32, #tpu.memory_space<vmem>>, %arg7: memref<128x128xf32, #tpu.memory_space<vmem>>, %arg8: memref<10240x128xf32, #tpu.memory_space<vmem_shared>>, %arg9: memref<!tpu.dma_semaphore, #tpu.memory_space<semaphore_mem>>) attributes {dimension_semantics = [#tpu.dimension_semantics<core_parallel>, #tpu.dimension_semantics<subcore_parallel>], iteration_bounds = array<i64: 2, 16>, scalar_prefetch = 0 : i64, scratch_operands = 4 : i64, tpu.core_type = #tpu.core_type<sc_vector_subcore>, window_params = [{transform_indices = #map}, {transform_indices = #map}, {transform_indices = #map}, {transform_indices = #map1}]} {
    %mul3A = arith.constant 2 : i32
    %mul3A_0 = arith.muli %arg1, %mul3A : i32
    %add3A = arith.addi %mul3A_0, %arg0 : i32
    %mul3A_1 = arith.constant 640 : i32
    %mul3A_2 = arith.muli %arg1, %mul3A_1 : i32
    %mul3A_3 = arith.constant 640 : i32
    %mul3A_4 = arith.muli %arg1, %mul3A_3 : i32
    "tpu.region"() ({
      %run_scoped3A = tpu.sem_alloc : memref<!tpu.dma_semaphore, #tpu.memory_space<semaphore_mem>>
      %dma_start3A = arith.constant 0 : i32
      %dma_start3A_17 = tpu.memref_slice %arg8[%mul3A_4, %dma_start3A] : memref<10240x128xf32, #tpu.memory_space<vmem_shared>> -> memref<640x128xf32, #tpu.memory_space<vmem_shared>>
      %dma_start3A_18 = arith.constant 0 : i32
      %dma_start3A_19 = tpu.memref_slice %arg4[%mul3A_2, %dma_start3A_18] : memref<10240x128xf32, #tpu.memory_space<hbm>> -> memref<640x128xf32, #tpu.memory_space<hbm>>
      tpu.enqueue_dma source(%dma_start3A_19 : memref<640x128xf32, #tpu.memory_space<hbm>>) target(%dma_start3A_17 : memref<640x128xf32, #tpu.memory_space<vmem_shared>>) target_semaphore(%run_scoped3A : memref<!tpu.dma_semaphore, #tpu.memory_space<semaphore_mem>>)
      %dma_wait3A = arith.constant 0 : i32
      %dma_wait3A_20 = tpu.memref_slice %arg8[%mul3A_4, %dma_wait3A] : memref<10240x128xf32, #tpu.memory_space<vmem_shared>> -> memref<640x128xf32, #tpu.memory_space<vmem_shared>>
      %dma_wait3A_21 = arith.constant 0 : i32
      %dma_wait3A_22 = tpu.memref_slice %arg4[%mul3A_2, %dma_wait3A_21] : memref<10240x128xf32, #tpu.memory_space<hbm>> -> memref<640x128xf32, #tpu.memory_space<hbm>>
      tpu.wait_dma2 semaphore(%run_scoped3A : memref<!tpu.dma_semaphore, #tpu.memory_space<semaphore_mem>>) src(%dma_wait3A_22 : memref<640x128xf32, #tpu.memory_space<hbm>>) dst(%dma_wait3A_20 : memref<640x128xf32, #tpu.memory_space<vmem_shared>>)
      tpu.yield
    }) : () -> ()
    %mul3A_5 = arith.constant 40 : i32
    %mul3A_6 = arith.muli %add3A, %mul3A_5 : i32
    "tpu.region"() ({
      %run_scoped3A = tpu.sem_alloc : memref<!tpu.dma_semaphore, #tpu.memory_space<semaphore_mem>>
      %dma_start3A = arith.constant 0 : i32
      %dma_start3A_17 = tpu.memref_slice %arg3[%mul3A_6, %dma_start3A] : memref<1280x128xi32, #tpu.memory_space<hbm>> -> memref<40x128xi32, #tpu.memory_space<hbm>>
      %dma_start3A_18 = arith.constant 0 : i32
      %dma_start3A_19 = tpu.memref_slice %arg3[%mul3A_6, %dma_start3A_18] : memref<1280x128xi32, #tpu.memory_space<hbm>> -> memref<40x128xi32, #tpu.memory_space<hbm>>
      tpu.enqueue_dma source(%dma_start3A_19 : memref<40x128xi32, #tpu.memory_space<hbm>>) target(%arg6 : memref<40x128xi32, #tpu.memory_space<vmem>>) target_semaphore(%run_scoped3A : memref<!tpu.dma_semaphore, #tpu.memory_space<semaphore_mem>>)
      %dma_wait3A = arith.constant 0 : i32
      %dma_wait3A_20 = tpu.memref_slice %arg3[%mul3A_6, %dma_wait3A] : memref<1280x128xi32, #tpu.memory_space<hbm>> -> memref<40x128xi32, #tpu.memory_space<hbm>>
      %dma_wait3A_21 = arith.constant 0 : i32
      %dma_wait3A_22 = tpu.memref_slice %arg3[%mul3A_6, %dma_wait3A_21] : memref<1280x128xi32, #tpu.memory_space<hbm>> -> memref<40x128xi32, #tpu.memory_space<hbm>>
      tpu.wait_dma2 semaphore(%run_scoped3A : memref<!tpu.dma_semaphore, #tpu.memory_space<semaphore_mem>>) src(%dma_wait3A_22 : memref<40x128xi32, #tpu.memory_space<hbm>>) dst(%arg6 : memref<40x128xi32, #tpu.memory_space<vmem>>)
      tpu.yield
    }) : () -> ()
    %barrier3A = arith.constant 0 : index
    tpu.barrier barrier_id(%barrier3A)
    %scan3A = arith.constant 0 : i32
    %scan3A_7 = arith.constant 0 : i32
    %scan3A_8 = arith.constant 40 : i32
    %scan3A_9 = arith.addi %scan3A_7, %scan3A_8 : i32
    %scan3A_10 = arith.constant 1 : i32
    scf.for %scan3A_17 = %scan3A_7 to %scan3A_9 step %scan3A_10  : i32 {
      %mul3A_18 = arith.constant 5120 : i32
      %mul3A_19 = arith.muli %add3A, %mul3A_18 : i32
      %mul3A_20 = arith.constant 128 : i32
      %mul3A_21 = arith.muli %scan3A_17, %mul3A_20 : i32
      %add3A_22 = arith.addi %mul3A_19, %mul3A_21 : i32
      "tpu.region"() ({
        %run_scoped3A = tpu.sem_alloc : memref<!tpu.dma_semaphore, #tpu.memory_space<semaphore_mem>>
        %dma_start3A = arith.constant 0 : i32
        %dma_start3A_23 = tpu.memref_slice %arg2[%add3A_22, %dma_start3A] : memref<163840x128xf32, #tpu.memory_space<hbm>> -> memref<128x128xf32, #tpu.memory_space<hbm>>
        %dma_start3A_24 = arith.constant 0 : i32
        %dma_start3A_25 = tpu.memref_slice %arg2[%add3A_22, %dma_start3A_24] : memref<163840x128xf32, #tpu.memory_space<hbm>> -> memref<128x128xf32, #tpu.memory_space<hbm>>
        tpu.enqueue_dma source(%dma_start3A_25 : memref<128x128xf32, #tpu.memory_space<hbm>>) target(%arg7 : memref<128x128xf32, #tpu.memory_space<vmem>>) target_semaphore(%run_scoped3A : memref<!tpu.dma_semaphore, #tpu.memory_space<semaphore_mem>>)
        %dma_wait3A = arith.constant 0 : i32
        %dma_wait3A_26 = tpu.memref_slice %arg2[%add3A_22, %dma_wait3A] : memref<163840x128xf32, #tpu.memory_space<hbm>> -> memref<128x128xf32, #tpu.memory_space<hbm>>
        %dma_wait3A_27 = arith.constant 0 : i32
        %dma_wait3A_28 = tpu.memref_slice %arg2[%add3A_22, %dma_wait3A_27] : memref<163840x128xf32, #tpu.memory_space<hbm>> -> memref<128x128xf32, #tpu.memory_space<hbm>>
        tpu.wait_dma2 semaphore(%run_scoped3A : memref<!tpu.dma_semaphore, #tpu.memory_space<semaphore_mem>>) src(%dma_wait3A_28 : memref<128x128xf32, #tpu.memory_space<hbm>>) dst(%arg7 : memref<128x128xf32, #tpu.memory_space<vmem>>)
        tpu.yield
      }) : () -> ()
      "tpu.region"() ({
        %run_scoped3A = tpu.sem_alloc : memref<!tpu.dma_semaphore, #tpu.memory_space<semaphore_mem>>
        %dma_start3A = arith.constant 0 : i32
        %dma_start3A_23 = tpu.memref_slice %arg6[%scan3A_17, %dma_start3A] : memref<40x128xi32, #tpu.memory_space<vmem>> -> memref<1x128xi32, #tpu.memory_space<vmem>>
        %dma_start3A_24 = tpu.memref_squeeze %dma_start3A_23 : memref<1x128xi32, #tpu.memory_space<vmem>> -> memref<128xi32, #tpu.memory_space<vmem>>
        %dma_start3A_25 = arith.constant 0 : i32
        %dma_start3A_26 = arith.constant 0 : i32
        %dma_start3A_27 = tpu.memref_slice %arg8[%dma_start3A_25, %dma_start3A_26] : memref<10240x128xf32, #tpu.memory_space<vmem_shared>> -> memref<10240x128xf32, #tpu.memory_space<vmem_shared>>
        tpu.enqueue_indirect_dma source(%arg7 : memref<128x128xf32, #tpu.memory_space<vmem>>) target(%dma_start3A_27 : memref<10240x128xf32, #tpu.memory_space<vmem_shared>>) offsets(%dma_start3A_24 : memref<128xi32, #tpu.memory_space<vmem>>) semaphore(%run_scoped3A : memref<!tpu.dma_semaphore, #tpu.memory_space<semaphore_mem>>) {add = true}
        %dma_wait3A = arith.constant 0 : i32
        %dma_wait3A_28 = tpu.memref_slice %arg6[%scan3A_17, %dma_wait3A] : memref<40x128xi32, #tpu.memory_space<vmem>> -> memref<1x128xi32, #tpu.memory_space<vmem>>
        %dma_wait3A_29 = tpu.memref_squeeze %dma_wait3A_28 : memref<1x128xi32, #tpu.memory_space<vmem>> -> memref<128xi32, #tpu.memory_space<vmem>>
        %dma_wait3A_30 = arith.constant 0 : i32
        %dma_wait3A_31 = arith.constant 0 : i32
        %dma_wait3A_32 = tpu.memref_slice %arg8[%dma_wait3A_30, %dma_wait3A_31] : memref<10240x128xf32, #tpu.memory_space<vmem_shared>> -> memref<10240x128xf32, #tpu.memory_space<vmem_shared>>
        tpu.wait_indirect_dma semaphore(%run_scoped3A : memref<!tpu.dma_semaphore, #tpu.memory_space<semaphore_mem>>) src(%arg7 : memref<128x128xf32, #tpu.memory_space<vmem>>) dst(%dma_wait3A_32 : memref<10240x128xf32, #tpu.memory_space<vmem_shared>>)
        tpu.yield
      }) : () -> ()
    }
    %scan3A_11 = arith.constant 40 : i32
    %barrier3A_12 = arith.constant 0 : index
    tpu.barrier barrier_id(%barrier3A_12)
    %mul3A_13 = arith.constant 640 : i32
    %mul3A_14 = arith.muli %arg1, %mul3A_13 : i32
    %mul3A_15 = arith.constant 640 : i32
    %mul3A_16 = arith.muli %arg1, %mul3A_15 : i32
    "tpu.region"() ({
      %run_scoped3A = tpu.sem_alloc : memref<!tpu.dma_semaphore, #tpu.memory_space<semaphore_mem>>
      %dma_start3A = arith.constant 0 : i32
      %dma_start3A_17 = tpu.memref_slice %arg5[%arg0, %mul3A_16, %dma_start3A] : memref<2x10240x128xf32, #tpu.memory_space<hbm>> -> memref<1x640x128xf32, #tpu.memory_space<hbm>>
      %dma_start3A_18 = tpu.memref_squeeze %dma_start3A_17 : memref<1x640x128xf32, #tpu.memory_space<hbm>> -> memref<640x128xf32, #tpu.memory_space<hbm>>
      %dma_start3A_19 = arith.constant 0 : i32
      %dma_start3A_20 = tpu.memref_slice %arg8[%mul3A_14, %dma_start3A_19] : memref<10240x128xf32, #tpu.memory_space<vmem_shared>> -> memref<640x128xf32, #tpu.memory_space<vmem_shared>>
      tpu.enqueue_dma source(%dma_start3A_20 : memref<640x128xf32, #tpu.memory_space<vmem_shared>>) target(%dma_start3A_18 : memref<640x128xf32, #tpu.memory_space<hbm>>) target_semaphore(%run_scoped3A : memref<!tpu.dma_semaphore, #tpu.memory_space<semaphore_mem>>)
      %dma_wait3A = arith.constant 0 : i32
      %dma_wait3A_21 = tpu.memref_slice %arg5[%arg0, %mul3A_16, %dma_wait3A] : memref<2x10240x128xf32, #tpu.memory_space<hbm>> -> memref<1x640x128xf32, #tpu.memory_space<hbm>>
      %dma_wait3A_22 = tpu.memref_squeeze %dma_wait3A_21 : memref<1x640x128xf32, #tpu.memory_space<hbm>> -> memref<640x128xf32, #tpu.memory_space<hbm>>
      %dma_wait3A_23 = arith.constant 0 : i32
      %dma_wait3A_24 = tpu.memref_slice %arg8[%mul3A_14, %dma_wait3A_23] : memref<10240x128xf32, #tpu.memory_space<vmem_shared>> -> memref<640x128xf32, #tpu.memory_space<vmem_shared>>
      tpu.wait_dma2 semaphore(%run_scoped3A : memref<!tpu.dma_semaphore, #tpu.memory_space<semaphore_mem>>) src(%dma_wait3A_24 : memref<640x128xf32, #tpu.memory_space<vmem_shared>>) dst(%dma_wait3A_22 : memref<640x128xf32, #tpu.memory_space<hbm>>)
      tpu.yield
    }) : () -> ()
    return
  }
}

#map = affine_map<(d0, d1) -> (0, 0)>
module attributes {stable_mosaic.version = 14 : i64} {
  func.func @body(%arg0: i32, %arg1: i32, %arg2: memref<10000x128xf32, #tpu.memory_space<hbm>>, %arg3: memref<10000x128xf32, #tpu.memory_space<hbm>>, %arg4: memref<10000x128xf32, #tpu.memory_space<hbm>>, %arg5: memref<1280x128xi32, #tpu.memory_space<hbm>>, %arg6: memref<1280x128xi32, #tpu.memory_space<hbm>>, %arg7: memref<1280x128xi32, #tpu.memory_space<hbm>>, %arg8: memref<163840x128xf32, #tpu.memory_space<hbm>>, %arg9: memref<163840x128xf32, #tpu.memory_space<hbm>>, %arg10: memref<163840x128xf32, #tpu.memory_space<hbm>>, %arg11: memref<3x40x128xi32, #tpu.memory_space<vmem>>, %arg12: memref<128x128xf32, #tpu.memory_space<vmem>>, %arg13: memref<128x128xf32, #tpu.memory_space<vmem>>, %arg14: memref<!tpu.dma_semaphore, #tpu.memory_space<semaphore_mem>>, %arg15: memref<!tpu.dma_semaphore, #tpu.memory_space<semaphore_mem>>) attributes {dimension_semantics = [#tpu.dimension_semantics<core_parallel>, #tpu.dimension_semantics<subcore_parallel>], iteration_bounds = array<i64: 2, 16>, scalar_prefetch = 0 : i64, scratch_operands = 5 : i64, tpu.core_type = #tpu.core_type<sc_vector_subcore>, window_params = [{transform_indices = #map}, {transform_indices = #map}, {transform_indices = #map}, {transform_indices = #map}, {transform_indices = #map}, {transform_indices = #map}, {transform_indices = #map}, {transform_indices = #map}, {transform_indices = #map}]} {
    %mul3A = arith.constant 2 : i32
    %mul3A_0 = arith.muli %arg1, %mul3A : i32
    %add3A = arith.addi %mul3A_0, %arg0 : i32
    %mul3A_1 = arith.constant 40 : i32
    %mul3A_2 = arith.muli %add3A, %mul3A_1 : i32
    %run_scoped3A = arith.constant 0 : i32
    "tpu.region"() ({
      %run_scoped3A_14 = tpu.sem_alloc : memref<!tpu.dma_semaphore, #tpu.memory_space<semaphore_mem>>
      %dma_start3A = arith.constant 0 : i32
      %dma_start3A_15 = arith.constant 0 : i32
      %dma_start3A_16 = tpu.memref_slice %arg11[%run_scoped3A, %dma_start3A, %dma_start3A_15] : memref<3x40x128xi32, #tpu.memory_space<vmem>> -> memref<1x40x128xi32, #tpu.memory_space<vmem>>
      %dma_start3A_17 = tpu.memref_squeeze %dma_start3A_16 : memref<1x40x128xi32, #tpu.memory_space<vmem>> -> memref<40x128xi32, #tpu.memory_space<vmem>>
      %dma_start3A_18 = arith.constant 0 : i32
      %dma_start3A_19 = tpu.memref_slice %arg5[%mul3A_2, %dma_start3A_18] : memref<1280x128xi32, #tpu.memory_space<hbm>> -> memref<40x128xi32, #tpu.memory_space<hbm>>
      %dma_start3A_20 = arith.constant 0 : i32
      %dma_start3A_21 = arith.constant 0 : i32
      %dma_start3A_22 = tpu.memref_slice %arg11[%run_scoped3A, %dma_start3A_20, %dma_start3A_21] : memref<3x40x128xi32, #tpu.memory_space<vmem>> -> memref<1x40x128xi32, #tpu.memory_space<vmem>>
      %dma_start3A_23 = tpu.memref_squeeze %dma_start3A_22 : memref<1x40x128xi32, #tpu.memory_space<vmem>> -> memref<40x128xi32, #tpu.memory_space<vmem>>
      %dma_start3A_24 = arith.constant 0 : i32
      %dma_start3A_25 = tpu.memref_slice %arg5[%mul3A_2, %dma_start3A_24] : memref<1280x128xi32, #tpu.memory_space<hbm>> -> memref<40x128xi32, #tpu.memory_space<hbm>>
      tpu.enqueue_dma source(%dma_start3A_25 : memref<40x128xi32, #tpu.memory_space<hbm>>) target(%dma_start3A_23 : memref<40x128xi32, #tpu.memory_space<vmem>>) target_semaphore(%run_scoped3A_14 : memref<!tpu.dma_semaphore, #tpu.memory_space<semaphore_mem>>)
      %dma_wait3A = arith.constant 0 : i32
      %dma_wait3A_26 = arith.constant 0 : i32
      %dma_wait3A_27 = tpu.memref_slice %arg11[%run_scoped3A, %dma_wait3A, %dma_wait3A_26] : memref<3x40x128xi32, #tpu.memory_space<vmem>> -> memref<1x40x128xi32, #tpu.memory_space<vmem>>
      %dma_wait3A_28 = tpu.memref_squeeze %dma_wait3A_27 : memref<1x40x128xi32, #tpu.memory_space<vmem>> -> memref<40x128xi32, #tpu.memory_space<vmem>>
      %dma_wait3A_29 = arith.constant 0 : i32
      %dma_wait3A_30 = tpu.memref_slice %arg5[%mul3A_2, %dma_wait3A_29] : memref<1280x128xi32, #tpu.memory_space<hbm>> -> memref<40x128xi32, #tpu.memory_space<hbm>>
      %dma_wait3A_31 = arith.constant 0 : i32
      %dma_wait3A_32 = arith.constant 0 : i32
      %dma_wait3A_33 = tpu.memref_slice %arg11[%run_scoped3A, %dma_wait3A_31, %dma_wait3A_32] : memref<3x40x128xi32, #tpu.memory_space<vmem>> -> memref<1x40x128xi32, #tpu.memory_space<vmem>>
      %dma_wait3A_34 = tpu.memref_squeeze %dma_wait3A_33 : memref<1x40x128xi32, #tpu.memory_space<vmem>> -> memref<40x128xi32, #tpu.memory_space<vmem>>
      %dma_wait3A_35 = arith.constant 0 : i32
      %dma_wait3A_36 = tpu.memref_slice %arg5[%mul3A_2, %dma_wait3A_35] : memref<1280x128xi32, #tpu.memory_space<hbm>> -> memref<40x128xi32, #tpu.memory_space<hbm>>
      tpu.wait_dma2 semaphore(%run_scoped3A_14 : memref<!tpu.dma_semaphore, #tpu.memory_space<semaphore_mem>>) src(%dma_wait3A_36 : memref<40x128xi32, #tpu.memory_space<hbm>>) dst(%dma_wait3A_34 : memref<40x128xi32, #tpu.memory_space<vmem>>)
      tpu.yield
    }) : () -> ()
    %mul3A_3 = arith.constant 40 : i32
    %mul3A_4 = arith.muli %add3A, %mul3A_3 : i32
    %run_scoped3A_5 = arith.constant 1 : i32
    "tpu.region"() ({
      %run_scoped3A_14 = tpu.sem_alloc : memref<!tpu.dma_semaphore, #tpu.memory_space<semaphore_mem>>
      %dma_start3A = arith.constant 0 : i32
      %dma_start3A_15 = arith.constant 0 : i32
      %dma_start3A_16 = tpu.memref_slice %arg11[%run_scoped3A_5, %dma_start3A, %dma_start3A_15] : memref<3x40x128xi32, #tpu.memory_space<vmem>> -> memref<1x40x128xi32, #tpu.memory_space<vmem>>
      %dma_start3A_17 = tpu.memref_squeeze %dma_start3A_16 : memref<1x40x128xi32, #tpu.memory_space<vmem>> -> memref<40x128xi32, #tpu.memory_space<vmem>>
      %dma_start3A_18 = arith.constant 0 : i32
      %dma_start3A_19 = tpu.memref_slice %arg6[%mul3A_4, %dma_start3A_18] : memref<1280x128xi32, #tpu.memory_space<hbm>> -> memref<40x128xi32, #tpu.memory_space<hbm>>
      %dma_start3A_20 = arith.constant 0 : i32
      %dma_start3A_21 = arith.constant 0 : i32
      %dma_start3A_22 = tpu.memref_slice %arg11[%run_scoped3A_5, %dma_start3A_20, %dma_start3A_21] : memref<3x40x128xi32, #tpu.memory_space<vmem>> -> memref<1x40x128xi32, #tpu.memory_space<vmem>>
      %dma_start3A_23 = tpu.memref_squeeze %dma_start3A_22 : memref<1x40x128xi32, #tpu.memory_space<vmem>> -> memref<40x128xi32, #tpu.memory_space<vmem>>
      %dma_start3A_24 = arith.constant 0 : i32
      %dma_start3A_25 = tpu.memref_slice %arg6[%mul3A_4, %dma_start3A_24] : memref<1280x128xi32, #tpu.memory_space<hbm>> -> memref<40x128xi32, #tpu.memory_space<hbm>>
      tpu.enqueue_dma source(%dma_start3A_25 : memref<40x128xi32, #tpu.memory_space<hbm>>) target(%dma_start3A_23 : memref<40x128xi32, #tpu.memory_space<vmem>>) target_semaphore(%run_scoped3A_14 : memref<!tpu.dma_semaphore, #tpu.memory_space<semaphore_mem>>)
      %dma_wait3A = arith.constant 0 : i32
      %dma_wait3A_26 = arith.constant 0 : i32
      %dma_wait3A_27 = tpu.memref_slice %arg11[%run_scoped3A_5, %dma_wait3A, %dma_wait3A_26] : memref<3x40x128xi32, #tpu.memory_space<vmem>> -> memref<1x40x128xi32, #tpu.memory_space<vmem>>
      %dma_wait3A_28 = tpu.memref_squeeze %dma_wait3A_27 : memref<1x40x128xi32, #tpu.memory_space<vmem>> -> memref<40x128xi32, #tpu.memory_space<vmem>>
      %dma_wait3A_29 = arith.constant 0 : i32
      %dma_wait3A_30 = tpu.memref_slice %arg6[%mul3A_4, %dma_wait3A_29] : memref<1280x128xi32, #tpu.memory_space<hbm>> -> memref<40x128xi32, #tpu.memory_space<hbm>>
      %dma_wait3A_31 = arith.constant 0 : i32
      %dma_wait3A_32 = arith.constant 0 : i32
      %dma_wait3A_33 = tpu.memref_slice %arg11[%run_scoped3A_5, %dma_wait3A_31, %dma_wait3A_32] : memref<3x40x128xi32, #tpu.memory_space<vmem>> -> memref<1x40x128xi32, #tpu.memory_space<vmem>>
      %dma_wait3A_34 = tpu.memref_squeeze %dma_wait3A_33 : memref<1x40x128xi32, #tpu.memory_space<vmem>> -> memref<40x128xi32, #tpu.memory_space<vmem>>
      %dma_wait3A_35 = arith.constant 0 : i32
      %dma_wait3A_36 = tpu.memref_slice %arg6[%mul3A_4, %dma_wait3A_35] : memref<1280x128xi32, #tpu.memory_space<hbm>> -> memref<40x128xi32, #tpu.memory_space<hbm>>
      tpu.wait_dma2 semaphore(%run_scoped3A_14 : memref<!tpu.dma_semaphore, #tpu.memory_space<semaphore_mem>>) src(%dma_wait3A_36 : memref<40x128xi32, #tpu.memory_space<hbm>>) dst(%dma_wait3A_34 : memref<40x128xi32, #tpu.memory_space<vmem>>)
      tpu.yield
    }) : () -> ()
    %mul3A_6 = arith.constant 40 : i32
    %mul3A_7 = arith.muli %add3A, %mul3A_6 : i32
    %run_scoped3A_8 = arith.constant 2 : i32
    "tpu.region"() ({
      %run_scoped3A_14 = tpu.sem_alloc : memref<!tpu.dma_semaphore, #tpu.memory_space<semaphore_mem>>
      %dma_start3A = arith.constant 0 : i32
      %dma_start3A_15 = arith.constant 0 : i32
      %dma_start3A_16 = tpu.memref_slice %arg11[%run_scoped3A_8, %dma_start3A, %dma_start3A_15] : memref<3x40x128xi32, #tpu.memory_space<vmem>> -> memref<1x40x128xi32, #tpu.memory_space<vmem>>
      %dma_start3A_17 = tpu.memref_squeeze %dma_start3A_16 : memref<1x40x128xi32, #tpu.memory_space<vmem>> -> memref<40x128xi32, #tpu.memory_space<vmem>>
      %dma_start3A_18 = arith.constant 0 : i32
      %dma_start3A_19 = tpu.memref_slice %arg7[%mul3A_7, %dma_start3A_18] : memref<1280x128xi32, #tpu.memory_space<hbm>> -> memref<40x128xi32, #tpu.memory_space<hbm>>
      %dma_start3A_20 = arith.constant 0 : i32
      %dma_start3A_21 = arith.constant 0 : i32
      %dma_start3A_22 = tpu.memref_slice %arg11[%run_scoped3A_8, %dma_start3A_20, %dma_start3A_21] : memref<3x40x128xi32, #tpu.memory_space<vmem>> -> memref<1x40x128xi32, #tpu.memory_space<vmem>>
      %dma_start3A_23 = tpu.memref_squeeze %dma_start3A_22 : memref<1x40x128xi32, #tpu.memory_space<vmem>> -> memref<40x128xi32, #tpu.memory_space<vmem>>
      %dma_start3A_24 = arith.constant 0 : i32
      %dma_start3A_25 = tpu.memref_slice %arg7[%mul3A_7, %dma_start3A_24] : memref<1280x128xi32, #tpu.memory_space<hbm>> -> memref<40x128xi32, #tpu.memory_space<hbm>>
      tpu.enqueue_dma source(%dma_start3A_25 : memref<40x128xi32, #tpu.memory_space<hbm>>) target(%dma_start3A_23 : memref<40x128xi32, #tpu.memory_space<vmem>>) target_semaphore(%run_scoped3A_14 : memref<!tpu.dma_semaphore, #tpu.memory_space<semaphore_mem>>)
      %dma_wait3A = arith.constant 0 : i32
      %dma_wait3A_26 = arith.constant 0 : i32
      %dma_wait3A_27 = tpu.memref_slice %arg11[%run_scoped3A_8, %dma_wait3A, %dma_wait3A_26] : memref<3x40x128xi32, #tpu.memory_space<vmem>> -> memref<1x40x128xi32, #tpu.memory_space<vmem>>
      %dma_wait3A_28 = tpu.memref_squeeze %dma_wait3A_27 : memref<1x40x128xi32, #tpu.memory_space<vmem>> -> memref<40x128xi32, #tpu.memory_space<vmem>>
      %dma_wait3A_29 = arith.constant 0 : i32
      %dma_wait3A_30 = tpu.memref_slice %arg7[%mul3A_7, %dma_wait3A_29] : memref<1280x128xi32, #tpu.memory_space<hbm>> -> memref<40x128xi32, #tpu.memory_space<hbm>>
      %dma_wait3A_31 = arith.constant 0 : i32
      %dma_wait3A_32 = arith.constant 0 : i32
      %dma_wait3A_33 = tpu.memref_slice %arg11[%run_scoped3A_8, %dma_wait3A_31, %dma_wait3A_32] : memref<3x40x128xi32, #tpu.memory_space<vmem>> -> memref<1x40x128xi32, #tpu.memory_space<vmem>>
      %dma_wait3A_34 = tpu.memref_squeeze %dma_wait3A_33 : memref<1x40x128xi32, #tpu.memory_space<vmem>> -> memref<40x128xi32, #tpu.memory_space<vmem>>
      %dma_wait3A_35 = arith.constant 0 : i32
      %dma_wait3A_36 = tpu.memref_slice %arg7[%mul3A_7, %dma_wait3A_35] : memref<1280x128xi32, #tpu.memory_space<hbm>> -> memref<40x128xi32, #tpu.memory_space<hbm>>
      tpu.wait_dma2 semaphore(%run_scoped3A_14 : memref<!tpu.dma_semaphore, #tpu.memory_space<semaphore_mem>>) src(%dma_wait3A_36 : memref<40x128xi32, #tpu.memory_space<hbm>>) dst(%dma_wait3A_34 : memref<40x128xi32, #tpu.memory_space<vmem>>)
      tpu.yield
    }) : () -> ()
    %scan3A = arith.constant 0 : i32
    %scan3A_9 = arith.constant 0 : i32
    %scan3A_10 = arith.constant 20 : i32
    %scan3A_11 = arith.addi %scan3A_9, %scan3A_10 : i32
    %scan3A_12 = arith.constant 1 : i32
    scf.for %scan3A_14 = %scan3A_9 to %scan3A_11 step %scan3A_12  : i32 {
      %mul3A_15 = arith.constant 2 : i32
      %mul3A_16 = arith.muli %mul3A_15, %scan3A_14 : i32
      %mul3A_17 = arith.constant 2 : i32
      %mul3A_18 = arith.muli %mul3A_17, %scan3A_14 : i32
      %add3A_19 = arith.constant 1 : i32
      %add3A_20 = arith.addi %mul3A_18, %add3A_19 : i32
      %dma_start3A = arith.constant 0 : i32
      %dma_start3A_21 = arith.constant 0 : i32
      %dma_start3A_22 = tpu.memref_slice %arg11[%dma_start3A, %mul3A_16, %dma_start3A_21] : memref<3x40x128xi32, #tpu.memory_space<vmem>> -> memref<1x1x128xi32, #tpu.memory_space<vmem>>
      %dma_start3A_23 = tpu.memref_squeeze %dma_start3A_22 : memref<1x1x128xi32, #tpu.memory_space<vmem>> -> memref<128xi32, #tpu.memory_space<vmem>>
      %dma_start3A_24 = arith.constant 0 : i32
      %dma_start3A_25 = arith.constant 0 : i32
      %dma_start3A_26 = tpu.memref_slice %arg2[%dma_start3A_24, %dma_start3A_25] : memref<10000x128xf32, #tpu.memory_space<hbm>> -> memref<10000x128xf32, #tpu.memory_space<hbm>>
      tpu.enqueue_indirect_dma source(%dma_start3A_26 : memref<10000x128xf32, #tpu.memory_space<hbm>>) target(%arg12 : memref<128x128xf32, #tpu.memory_space<vmem>>) offsets(%dma_start3A_23 : memref<128xi32, #tpu.memory_space<vmem>>) semaphore(%arg14 : memref<!tpu.dma_semaphore, #tpu.memory_space<semaphore_mem>>)
      %dma_start3A_27 = arith.constant 0 : i32
      %dma_start3A_28 = arith.constant 0 : i32
      %dma_start3A_29 = tpu.memref_slice %arg11[%dma_start3A_27, %add3A_20, %dma_start3A_28] : memref<3x40x128xi32, #tpu.memory_space<vmem>> -> memref<1x1x128xi32, #tpu.memory_space<vmem>>
      %dma_start3A_30 = tpu.memref_squeeze %dma_start3A_29 : memref<1x1x128xi32, #tpu.memory_space<vmem>> -> memref<128xi32, #tpu.memory_space<vmem>>
      %dma_start3A_31 = arith.constant 0 : i32
      %dma_start3A_32 = arith.constant 0 : i32
      %dma_start3A_33 = tpu.memref_slice %arg2[%dma_start3A_31, %dma_start3A_32] : memref<10000x128xf32, #tpu.memory_space<hbm>> -> memref<10000x128xf32, #tpu.memory_space<hbm>>
      tpu.enqueue_indirect_dma source(%dma_start3A_33 : memref<10000x128xf32, #tpu.memory_space<hbm>>) target(%arg13 : memref<128x128xf32, #tpu.memory_space<vmem>>) offsets(%dma_start3A_30 : memref<128xi32, #tpu.memory_space<vmem>>) semaphore(%arg15 : memref<!tpu.dma_semaphore, #tpu.memory_space<semaphore_mem>>)
      %dma_wait3A = arith.constant 0 : i32
      %dma_wait3A_34 = arith.constant 0 : i32
      %dma_wait3A_35 = tpu.memref_slice %arg11[%dma_wait3A, %mul3A_16, %dma_wait3A_34] : memref<3x40x128xi32, #tpu.memory_space<vmem>> -> memref<1x1x128xi32, #tpu.memory_space<vmem>>
      %dma_wait3A_36 = tpu.memref_squeeze %dma_wait3A_35 : memref<1x1x128xi32, #tpu.memory_space<vmem>> -> memref<128xi32, #tpu.memory_space<vmem>>
      %dma_wait3A_37 = arith.constant 0 : i32
      %dma_wait3A_38 = arith.constant 0 : i32
      %dma_wait3A_39 = tpu.memref_slice %arg2[%dma_wait3A_37, %dma_wait3A_38] : memref<10000x128xf32, #tpu.memory_space<hbm>> -> memref<10000x128xf32, #tpu.memory_space<hbm>>
      tpu.wait_indirect_dma semaphore(%arg14 : memref<!tpu.dma_semaphore, #tpu.memory_space<semaphore_mem>>) src(%dma_wait3A_39 : memref<10000x128xf32, #tpu.memory_space<hbm>>) dst(%arg12 : memref<128x128xf32, #tpu.memory_space<vmem>>)
      %mul3A_40 = arith.constant 5120 : i32
      %mul3A_41 = arith.muli %add3A, %mul3A_40 : i32
      %mul3A_42 = arith.constant 128 : i32
      %mul3A_43 = arith.muli %mul3A_16, %mul3A_42 : i32
      %add3A_44 = arith.addi %mul3A_41, %mul3A_43 : i32
      "tpu.region"() ({
        %run_scoped3A_133 = tpu.sem_alloc : memref<!tpu.dma_semaphore, #tpu.memory_space<semaphore_mem>>
        %dma_start3A_134 = arith.constant 0 : i32
        %dma_start3A_135 = tpu.memref_slice %arg8[%add3A_44, %dma_start3A_134] : memref<163840x128xf32, #tpu.memory_space<hbm>> -> memref<128x128xf32, #tpu.memory_space<hbm>>
        %dma_start3A_136 = arith.constant 0 : i32
        %dma_start3A_137 = tpu.memref_slice %arg8[%add3A_44, %dma_start3A_136] : memref<163840x128xf32, #tpu.memory_space<hbm>> -> memref<128x128xf32, #tpu.memory_space<hbm>>
        tpu.enqueue_dma source(%arg12 : memref<128x128xf32, #tpu.memory_space<vmem>>) target(%dma_start3A_137 : memref<128x128xf32, #tpu.memory_space<hbm>>) target_semaphore(%run_scoped3A_133 : memref<!tpu.dma_semaphore, #tpu.memory_space<semaphore_mem>>)
        %dma_wait3A_138 = arith.constant 0 : i32
        %dma_wait3A_139 = tpu.memref_slice %arg8[%add3A_44, %dma_wait3A_138] : memref<163840x128xf32, #tpu.memory_space<hbm>> -> memref<128x128xf32, #tpu.memory_space<hbm>>
        %dma_wait3A_140 = arith.constant 0 : i32
        %dma_wait3A_141 = tpu.memref_slice %arg8[%add3A_44, %dma_wait3A_140] : memref<163840x128xf32, #tpu.memory_space<hbm>> -> memref<128x128xf32, #tpu.memory_space<hbm>>
        tpu.wait_dma2 semaphore(%run_scoped3A_133 : memref<!tpu.dma_semaphore, #tpu.memory_space<semaphore_mem>>) src(%arg12 : memref<128x128xf32, #tpu.memory_space<vmem>>) dst(%dma_wait3A_141 : memref<128x128xf32, #tpu.memory_space<hbm>>)
        tpu.yield
      }) : () -> ()
      %dma_wait3A_45 = arith.constant 0 : i32
      %dma_wait3A_46 = arith.constant 0 : i32
      %dma_wait3A_47 = tpu.memref_slice %arg11[%dma_wait3A_45, %add3A_20, %dma_wait3A_46] : memref<3x40x128xi32, #tpu.memory_space<vmem>> -> memref<1x1x128xi32, #tpu.memory_space<vmem>>
      %dma_wait3A_48 = tpu.memref_squeeze %dma_wait3A_47 : memref<1x1x128xi32, #tpu.memory_space<vmem>> -> memref<128xi32, #tpu.memory_space<vmem>>
      %dma_wait3A_49 = arith.constant 0 : i32
      %dma_wait3A_50 = arith.constant 0 : i32
      %dma_wait3A_51 = tpu.memref_slice %arg2[%dma_wait3A_49, %dma_wait3A_50] : memref<10000x128xf32, #tpu.memory_space<hbm>> -> memref<10000x128xf32, #tpu.memory_space<hbm>>
      tpu.wait_indirect_dma semaphore(%arg15 : memref<!tpu.dma_semaphore, #tpu.memory_space<semaphore_mem>>) src(%dma_wait3A_51 : memref<10000x128xf32, #tpu.memory_space<hbm>>) dst(%arg13 : memref<128x128xf32, #tpu.memory_space<vmem>>)
      %mul3A_52 = arith.constant 5120 : i32
      %mul3A_53 = arith.muli %add3A, %mul3A_52 : i32
      %mul3A_54 = arith.constant 128 : i32
      %mul3A_55 = arith.muli %add3A_20, %mul3A_54 : i32
      %add3A_56 = arith.addi %mul3A_53, %mul3A_55 : i32
      "tpu.region"() ({
        %run_scoped3A_133 = tpu.sem_alloc : memref<!tpu.dma_semaphore, #tpu.memory_space<semaphore_mem>>
        %dma_start3A_134 = arith.constant 0 : i32
        %dma_start3A_135 = tpu.memref_slice %arg8[%add3A_56, %dma_start3A_134] : memref<163840x128xf32, #tpu.memory_space<hbm>> -> memref<128x128xf32, #tpu.memory_space<hbm>>
        %dma_start3A_136 = arith.constant 0 : i32
        %dma_start3A_137 = tpu.memref_slice %arg8[%add3A_56, %dma_start3A_136] : memref<163840x128xf32, #tpu.memory_space<hbm>> -> memref<128x128xf32, #tpu.memory_space<hbm>>
        tpu.enqueue_dma source(%arg13 : memref<128x128xf32, #tpu.memory_space<vmem>>) target(%dma_start3A_137 : memref<128x128xf32, #tpu.memory_space<hbm>>) target_semaphore(%run_scoped3A_133 : memref<!tpu.dma_semaphore, #tpu.memory_space<semaphore_mem>>)
        %dma_wait3A_138 = arith.constant 0 : i32
        %dma_wait3A_139 = tpu.memref_slice %arg8[%add3A_56, %dma_wait3A_138] : memref<163840x128xf32, #tpu.memory_space<hbm>> -> memref<128x128xf32, #tpu.memory_space<hbm>>
        %dma_wait3A_140 = arith.constant 0 : i32
        %dma_wait3A_141 = tpu.memref_slice %arg8[%add3A_56, %dma_wait3A_140] : memref<163840x128xf32, #tpu.memory_space<hbm>> -> memref<128x128xf32, #tpu.memory_space<hbm>>
        tpu.wait_dma2 semaphore(%run_scoped3A_133 : memref<!tpu.dma_semaphore, #tpu.memory_space<semaphore_mem>>) src(%arg13 : memref<128x128xf32, #tpu.memory_space<vmem>>) dst(%dma_wait3A_141 : memref<128x128xf32, #tpu.memory_space<hbm>>)
        tpu.yield
      }) : () -> ()
      %dma_start3A_57 = arith.constant 1 : i32
      %dma_start3A_58 = arith.constant 0 : i32
      %dma_start3A_59 = tpu.memref_slice %arg11[%dma_start3A_57, %mul3A_16, %dma_start3A_58] : memref<3x40x128xi32, #tpu.memory_space<vmem>> -> memref<1x1x128xi32, #tpu.memory_space<vmem>>
      %dma_start3A_60 = tpu.memref_squeeze %dma_start3A_59 : memref<1x1x128xi32, #tpu.memory_space<vmem>> -> memref<128xi32, #tpu.memory_space<vmem>>
      %dma_start3A_61 = arith.constant 0 : i32
      %dma_start3A_62 = arith.constant 0 : i32
      %dma_start3A_63 = tpu.memref_slice %arg3[%dma_start3A_61, %dma_start3A_62] : memref<10000x128xf32, #tpu.memory_space<hbm>> -> memref<10000x128xf32, #tpu.memory_space<hbm>>
      tpu.enqueue_indirect_dma source(%dma_start3A_63 : memref<10000x128xf32, #tpu.memory_space<hbm>>) target(%arg12 : memref<128x128xf32, #tpu.memory_space<vmem>>) offsets(%dma_start3A_60 : memref<128xi32, #tpu.memory_space<vmem>>) semaphore(%arg14 : memref<!tpu.dma_semaphore, #tpu.memory_space<semaphore_mem>>)
      %dma_start3A_64 = arith.constant 1 : i32
      %dma_start3A_65 = arith.constant 0 : i32
      %dma_start3A_66 = tpu.memref_slice %arg11[%dma_start3A_64, %add3A_20, %dma_start3A_65] : memref<3x40x128xi32, #tpu.memory_space<vmem>> -> memref<1x1x128xi32, #tpu.memory_space<vmem>>
      %dma_start3A_67 = tpu.memref_squeeze %dma_start3A_66 : memref<1x1x128xi32, #tpu.memory_space<vmem>> -> memref<128xi32, #tpu.memory_space<vmem>>
      %dma_start3A_68 = arith.constant 0 : i32
      %dma_start3A_69 = arith.constant 0 : i32
      %dma_start3A_70 = tpu.memref_slice %arg3[%dma_start3A_68, %dma_start3A_69] : memref<10000x128xf32, #tpu.memory_space<hbm>> -> memref<10000x128xf32, #tpu.memory_space<hbm>>
      tpu.enqueue_indirect_dma source(%dma_start3A_70 : memref<10000x128xf32, #tpu.memory_space<hbm>>) target(%arg13 : memref<128x128xf32, #tpu.memory_space<vmem>>) offsets(%dma_start3A_67 : memref<128xi32, #tpu.memory_space<vmem>>) semaphore(%arg15 : memref<!tpu.dma_semaphore, #tpu.memory_space<semaphore_mem>>)
      %dma_wait3A_71 = arith.constant 1 : i32
      %dma_wait3A_72 = arith.constant 0 : i32
      %dma_wait3A_73 = tpu.memref_slice %arg11[%dma_wait3A_71, %mul3A_16, %dma_wait3A_72] : memref<3x40x128xi32, #tpu.memory_space<vmem>> -> memref<1x1x128xi32, #tpu.memory_space<vmem>>
      %dma_wait3A_74 = tpu.memref_squeeze %dma_wait3A_73 : memref<1x1x128xi32, #tpu.memory_space<vmem>> -> memref<128xi32, #tpu.memory_space<vmem>>
      %dma_wait3A_75 = arith.constant 0 : i32
      %dma_wait3A_76 = arith.constant 0 : i32
      %dma_wait3A_77 = tpu.memref_slice %arg3[%dma_wait3A_75, %dma_wait3A_76] : memref<10000x128xf32, #tpu.memory_space<hbm>> -> memref<10000x128xf32, #tpu.memory_space<hbm>>
      tpu.wait_indirect_dma semaphore(%arg14 : memref<!tpu.dma_semaphore, #tpu.memory_space<semaphore_mem>>) src(%dma_wait3A_77 : memref<10000x128xf32, #tpu.memory_space<hbm>>) dst(%arg12 : memref<128x128xf32, #tpu.memory_space<vmem>>)
      %mul3A_78 = arith.constant 5120 : i32
      %mul3A_79 = arith.muli %add3A, %mul3A_78 : i32
      %mul3A_80 = arith.constant 128 : i32
      %mul3A_81 = arith.muli %mul3A_16, %mul3A_80 : i32
      %add3A_82 = arith.addi %mul3A_79, %mul3A_81 : i32
      "tpu.region"() ({
        %run_scoped3A_133 = tpu.sem_alloc : memref<!tpu.dma_semaphore, #tpu.memory_space<semaphore_mem>>
        %dma_start3A_134 = arith.constant 0 : i32
        %dma_start3A_135 = tpu.memref_slice %arg9[%add3A_82, %dma_start3A_134] : memref<163840x128xf32, #tpu.memory_space<hbm>> -> memref<128x128xf32, #tpu.memory_space<hbm>>
        %dma_start3A_136 = arith.constant 0 : i32
        %dma_start3A_137 = tpu.memref_slice %arg9[%add3A_82, %dma_start3A_136] : memref<163840x128xf32, #tpu.memory_space<hbm>> -> memref<128x128xf32, #tpu.memory_space<hbm>>
        tpu.enqueue_dma source(%arg12 : memref<128x128xf32, #tpu.memory_space<vmem>>) target(%dma_start3A_137 : memref<128x128xf32, #tpu.memory_space<hbm>>) target_semaphore(%run_scoped3A_133 : memref<!tpu.dma_semaphore, #tpu.memory_space<semaphore_mem>>)
        %dma_wait3A_138 = arith.constant 0 : i32
        %dma_wait3A_139 = tpu.memref_slice %arg9[%add3A_82, %dma_wait3A_138] : memref<163840x128xf32, #tpu.memory_space<hbm>> -> memref<128x128xf32, #tpu.memory_space<hbm>>
        %dma_wait3A_140 = arith.constant 0 : i32
        %dma_wait3A_141 = tpu.memref_slice %arg9[%add3A_82, %dma_wait3A_140] : memref<163840x128xf32, #tpu.memory_space<hbm>> -> memref<128x128xf32, #tpu.memory_space<hbm>>
        tpu.wait_dma2 semaphore(%run_scoped3A_133 : memref<!tpu.dma_semaphore, #tpu.memory_space<semaphore_mem>>) src(%arg12 : memref<128x128xf32, #tpu.memory_space<vmem>>) dst(%dma_wait3A_141 : memref<128x128xf32, #tpu.memory_space<hbm>>)
        tpu.yield
      }) : () -> ()
      %dma_wait3A_83 = arith.constant 1 : i32
      %dma_wait3A_84 = arith.constant 0 : i32
      %dma_wait3A_85 = tpu.memref_slice %arg11[%dma_wait3A_83, %add3A_20, %dma_wait3A_84] : memref<3x40x128xi32, #tpu.memory_space<vmem>> -> memref<1x1x128xi32, #tpu.memory_space<vmem>>
      %dma_wait3A_86 = tpu.memref_squeeze %dma_wait3A_85 : memref<1x1x128xi32, #tpu.memory_space<vmem>> -> memref<128xi32, #tpu.memory_space<vmem>>
      %dma_wait3A_87 = arith.constant 0 : i32
      %dma_wait3A_88 = arith.constant 0 : i32
      %dma_wait3A_89 = tpu.memref_slice %arg3[%dma_wait3A_87, %dma_wait3A_88] : memref<10000x128xf32, #tpu.memory_space<hbm>> -> memref<10000x128xf32, #tpu.memory_space<hbm>>
      tpu.wait_indirect_dma semaphore(%arg15 : memref<!tpu.dma_semaphore, #tpu.memory_space<semaphore_mem>>) src(%dma_wait3A_89 : memref<10000x128xf32, #tpu.memory_space<hbm>>) dst(%arg13 : memref<128x128xf32, #tpu.memory_space<vmem>>)
      %mul3A_90 = arith.constant 5120 : i32
      %mul3A_91 = arith.muli %add3A, %mul3A_90 : i32
      %mul3A_92 = arith.constant 128 : i32
      %mul3A_93 = arith.muli %add3A_20, %mul3A_92 : i32
      %add3A_94 = arith.addi %mul3A_91, %mul3A_93 : i32
      "tpu.region"() ({
        %run_scoped3A_133 = tpu.sem_alloc : memref<!tpu.dma_semaphore, #tpu.memory_space<semaphore_mem>>
        %dma_start3A_134 = arith.constant 0 : i32
        %dma_start3A_135 = tpu.memref_slice %arg9[%add3A_94, %dma_start3A_134] : memref<163840x128xf32, #tpu.memory_space<hbm>> -> memref<128x128xf32, #tpu.memory_space<hbm>>
        %dma_start3A_136 = arith.constant 0 : i32
        %dma_start3A_137 = tpu.memref_slice %arg9[%add3A_94, %dma_start3A_136] : memref<163840x128xf32, #tpu.memory_space<hbm>> -> memref<128x128xf32, #tpu.memory_space<hbm>>
        tpu.enqueue_dma source(%arg13 : memref<128x128xf32, #tpu.memory_space<vmem>>) target(%dma_start3A_137 : memref<128x128xf32, #tpu.memory_space<hbm>>) target_semaphore(%run_scoped3A_133 : memref<!tpu.dma_semaphore, #tpu.memory_space<semaphore_mem>>)
        %dma_wait3A_138 = arith.constant 0 : i32
        %dma_wait3A_139 = tpu.memref_slice %arg9[%add3A_94, %dma_wait3A_138] : memref<163840x128xf32, #tpu.memory_space<hbm>> -> memref<128x128xf32, #tpu.memory_space<hbm>>
        %dma_wait3A_140 = arith.constant 0 : i32
        %dma_wait3A_141 = tpu.memref_slice %arg9[%add3A_94, %dma_wait3A_140] : memref<163840x128xf32, #tpu.memory_space<hbm>> -> memref<128x128xf32, #tpu.memory_space<hbm>>
        tpu.wait_dma2 semaphore(%run_scoped3A_133 : memref<!tpu.dma_semaphore, #tpu.memory_space<semaphore_mem>>) src(%arg13 : memref<128x128xf32, #tpu.memory_space<vmem>>) dst(%dma_wait3A_141 : memref<128x128xf32, #tpu.memory_space<hbm>>)
        tpu.yield
      }) : () -> ()
      %dma_start3A_95 = arith.constant 2 : i32
      %dma_start3A_96 = arith.constant 0 : i32
      %dma_start3A_97 = tpu.memref_slice %arg11[%dma_start3A_95, %mul3A_16, %dma_start3A_96] : memref<3x40x128xi32, #tpu.memory_space<vmem>> -> memref<1x1x128xi32, #tpu.memory_space<vmem>>
      %dma_start3A_98 = tpu.memref_squeeze %dma_start3A_97 : memref<1x1x128xi32, #tpu.memory_space<vmem>> -> memref<128xi32, #tpu.memory_space<vmem>>
      %dma_start3A_99 = arith.constant 0 : i32
      %dma_start3A_100 = arith.constant 0 : i32
      %dma_start3A_101 = tpu.memref_slice %arg4[%dma_start3A_99, %dma_start3A_100] : memref<10000x128xf32, #tpu.memory_space<hbm>> -> memref<10000x128xf32, #tpu.memory_space<hbm>>
      tpu.enqueue_indirect_dma source(%dma_start3A_101 : memref<10000x128xf32, #tpu.memory_space<hbm>>) target(%arg12 : memref<128x128xf32, #tpu.memory_space<vmem>>) offsets(%dma_start3A_98 : memref<128xi32, #tpu.memory_space<vmem>>) semaphore(%arg14 : memref<!tpu.dma_semaphore, #tpu.memory_space<semaphore_mem>>)
      %dma_start3A_102 = arith.constant 2 : i32
      %dma_start3A_103 = arith.constant 0 : i32
      %dma_start3A_104 = tpu.memref_slice %arg11[%dma_start3A_102, %add3A_20, %dma_start3A_103] : memref<3x40x128xi32, #tpu.memory_space<vmem>> -> memref<1x1x128xi32, #tpu.memory_space<vmem>>
      %dma_start3A_105 = tpu.memref_squeeze %dma_start3A_104 : memref<1x1x128xi32, #tpu.memory_space<vmem>> -> memref<128xi32, #tpu.memory_space<vmem>>
      %dma_start3A_106 = arith.constant 0 : i32
      %dma_start3A_107 = arith.constant 0 : i32
      %dma_start3A_108 = tpu.memref_slice %arg4[%dma_start3A_106, %dma_start3A_107] : memref<10000x128xf32, #tpu.memory_space<hbm>> -> memref<10000x128xf32, #tpu.memory_space<hbm>>
      tpu.enqueue_indirect_dma source(%dma_start3A_108 : memref<10000x128xf32, #tpu.memory_space<hbm>>) target(%arg13 : memref<128x128xf32, #tpu.memory_space<vmem>>) offsets(%dma_start3A_105 : memref<128xi32, #tpu.memory_space<vmem>>) semaphore(%arg15 : memref<!tpu.dma_semaphore, #tpu.memory_space<semaphore_mem>>)
      %dma_wait3A_109 = arith.constant 2 : i32
      %dma_wait3A_110 = arith.constant 0 : i32
      %dma_wait3A_111 = tpu.memref_slice %arg11[%dma_wait3A_109, %mul3A_16, %dma_wait3A_110] : memref<3x40x128xi32, #tpu.memory_space<vmem>> -> memref<1x1x128xi32, #tpu.memory_space<vmem>>
      %dma_wait3A_112 = tpu.memref_squeeze %dma_wait3A_111 : memref<1x1x128xi32, #tpu.memory_space<vmem>> -> memref<128xi32, #tpu.memory_space<vmem>>
      %dma_wait3A_113 = arith.constant 0 : i32
      %dma_wait3A_114 = arith.constant 0 : i32
      %dma_wait3A_115 = tpu.memref_slice %arg4[%dma_wait3A_113, %dma_wait3A_114] : memref<10000x128xf32, #tpu.memory_space<hbm>> -> memref<10000x128xf32, #tpu.memory_space<hbm>>
      tpu.wait_indirect_dma semaphore(%arg14 : memref<!tpu.dma_semaphore, #tpu.memory_space<semaphore_mem>>) src(%dma_wait3A_115 : memref<10000x128xf32, #tpu.memory_space<hbm>>) dst(%arg12 : memref<128x128xf32, #tpu.memory_space<vmem>>)
      %mul3A_116 = arith.constant 5120 : i32
      %mul3A_117 = arith.muli %add3A, %mul3A_116 : i32
      %mul3A_118 = arith.constant 128 : i32
      %mul3A_119 = arith.muli %mul3A_16, %mul3A_118 : i32
      %add3A_120 = arith.addi %mul3A_117, %mul3A_119 : i32
      "tpu.region"() ({
        %run_scoped3A_133 = tpu.sem_alloc : memref<!tpu.dma_semaphore, #tpu.memory_space<semaphore_mem>>
        %dma_start3A_134 = arith.constant 0 : i32
        %dma_start3A_135 = tpu.memref_slice %arg10[%add3A_120, %dma_start3A_134] : memref<163840x128xf32, #tpu.memory_space<hbm>> -> memref<128x128xf32, #tpu.memory_space<hbm>>
        %dma_start3A_136 = arith.constant 0 : i32
        %dma_start3A_137 = tpu.memref_slice %arg10[%add3A_120, %dma_start3A_136] : memref<163840x128xf32, #tpu.memory_space<hbm>> -> memref<128x128xf32, #tpu.memory_space<hbm>>
        tpu.enqueue_dma source(%arg12 : memref<128x128xf32, #tpu.memory_space<vmem>>) target(%dma_start3A_137 : memref<128x128xf32, #tpu.memory_space<hbm>>) target_semaphore(%run_scoped3A_133 : memref<!tpu.dma_semaphore, #tpu.memory_space<semaphore_mem>>)
        %dma_wait3A_138 = arith.constant 0 : i32
        %dma_wait3A_139 = tpu.memref_slice %arg10[%add3A_120, %dma_wait3A_138] : memref<163840x128xf32, #tpu.memory_space<hbm>> -> memref<128x128xf32, #tpu.memory_space<hbm>>
        %dma_wait3A_140 = arith.constant 0 : i32
        %dma_wait3A_141 = tpu.memref_slice %arg10[%add3A_120, %dma_wait3A_140] : memref<163840x128xf32, #tpu.memory_space<hbm>> -> memref<128x128xf32, #tpu.memory_space<hbm>>
        tpu.wait_dma2 semaphore(%run_scoped3A_133 : memref<!tpu.dma_semaphore, #tpu.memory_space<semaphore_mem>>) src(%arg12 : memref<128x128xf32, #tpu.memory_space<vmem>>) dst(%dma_wait3A_141 : memref<128x128xf32, #tpu.memory_space<hbm>>)
        tpu.yield
      }) : () -> ()
      %dma_wait3A_121 = arith.constant 2 : i32
      %dma_wait3A_122 = arith.constant 0 : i32
      %dma_wait3A_123 = tpu.memref_slice %arg11[%dma_wait3A_121, %add3A_20, %dma_wait3A_122] : memref<3x40x128xi32, #tpu.memory_space<vmem>> -> memref<1x1x128xi32, #tpu.memory_space<vmem>>
      %dma_wait3A_124 = tpu.memref_squeeze %dma_wait3A_123 : memref<1x1x128xi32, #tpu.memory_space<vmem>> -> memref<128xi32, #tpu.memory_space<vmem>>
      %dma_wait3A_125 = arith.constant 0 : i32
      %dma_wait3A_126 = arith.constant 0 : i32
      %dma_wait3A_127 = tpu.memref_slice %arg4[%dma_wait3A_125, %dma_wait3A_126] : memref<10000x128xf32, #tpu.memory_space<hbm>> -> memref<10000x128xf32, #tpu.memory_space<hbm>>
      tpu.wait_indirect_dma semaphore(%arg15 : memref<!tpu.dma_semaphore, #tpu.memory_space<semaphore_mem>>) src(%dma_wait3A_127 : memref<10000x128xf32, #tpu.memory_space<hbm>>) dst(%arg13 : memref<128x128xf32, #tpu.memory_space<vmem>>)
      %mul3A_128 = arith.constant 5120 : i32
      %mul3A_129 = arith.muli %add3A, %mul3A_128 : i32
      %mul3A_130 = arith.constant 128 : i32
      %mul3A_131 = arith.muli %add3A_20, %mul3A_130 : i32
      %add3A_132 = arith.addi %mul3A_129, %mul3A_131 : i32
      "tpu.region"() ({
        %run_scoped3A_133 = tpu.sem_alloc : memref<!tpu.dma_semaphore, #tpu.memory_space<semaphore_mem>>
        %dma_start3A_134 = arith.constant 0 : i32
        %dma_start3A_135 = tpu.memref_slice %arg10[%add3A_132, %dma_start3A_134] : memref<163840x128xf32, #tpu.memory_space<hbm>> -> memref<128x128xf32, #tpu.memory_space<hbm>>
        %dma_start3A_136 = arith.constant 0 : i32
        %dma_start3A_137 = tpu.memref_slice %arg10[%add3A_132, %dma_start3A_136] : memref<163840x128xf32, #tpu.memory_space<hbm>> -> memref<128x128xf32, #tpu.memory_space<hbm>>
        tpu.enqueue_dma source(%arg13 : memref<128x128xf32, #tpu.memory_space<vmem>>) target(%dma_start3A_137 : memref<128x128xf32, #tpu.memory_space<hbm>>) target_semaphore(%run_scoped3A_133 : memref<!tpu.dma_semaphore, #tpu.memory_space<semaphore_mem>>)
        %dma_wait3A_138 = arith.constant 0 : i32
        %dma_wait3A_139 = tpu.memref_slice %arg10[%add3A_132, %dma_wait3A_138] : memref<163840x128xf32, #tpu.memory_space<hbm>> -> memref<128x128xf32, #tpu.memory_space<hbm>>
        %dma_wait3A_140 = arith.constant 0 : i32
        %dma_wait3A_141 = tpu.memref_slice %arg10[%add3A_132, %dma_wait3A_140] : memref<163840x128xf32, #tpu.memory_space<hbm>> -> memref<128x128xf32, #tpu.memory_space<hbm>>
        tpu.wait_dma2 semaphore(%run_scoped3A_133 : memref<!tpu.dma_semaphore, #tpu.memory_space<semaphore_mem>>) src(%arg13 : memref<128x128xf32, #tpu.memory_space<vmem>>) dst(%dma_wait3A_141 : memref<128x128xf32, #tpu.memory_space<hbm>>)
        tpu.yield
      }) : () -> ()
    }
    %scan3A_13 = arith.constant 20 : i32
    return
  }
}

#map = affine_map<(d0, d1) -> (0, 0)>
#map1 = affine_map<(d0, d1) -> (0, 0, 0)>
module attributes {stable_mosaic.version = 14 : i64} {
  func.func @body(%arg0: i32, %arg1: i32, %arg2: memref<163840x128xf32, #tpu.memory_space<hbm>>, %arg3: memref<1280x128xi32, #tpu.memory_space<hbm>>, %arg4: memref<10240x128xf32, #tpu.memory_space<hbm>>, %arg5: memref<2x10240x128xf32, #tpu.memory_space<hbm>>, %arg6: memref<40x128xi32, #tpu.memory_space<vmem>>, %arg7: memref<128x128xf32, #tpu.memory_space<vmem>>, %arg8: memref<10240x128xf32, #tpu.memory_space<vmem_shared>>, %arg9: memref<!tpu.dma_semaphore, #tpu.memory_space<semaphore_mem>>) attributes {dimension_semantics = [#tpu.dimension_semantics<core_parallel>, #tpu.dimension_semantics<subcore_parallel>], iteration_bounds = array<i64: 2, 16>, scalar_prefetch = 0 : i64, scratch_operands = 4 : i64, tpu.core_type = #tpu.core_type<sc_vector_subcore>, window_params = [{transform_indices = #map}, {transform_indices = #map}, {transform_indices = #map}, {transform_indices = #map1}]} {
    %mul3A = arith.constant 2 : i32
    %mul3A_0 = arith.muli %arg1, %mul3A : i32
    %add3A = arith.addi %mul3A_0, %arg0 : i32
    %mul3A_1 = arith.constant 640 : i32
    %mul3A_2 = arith.muli %arg1, %mul3A_1 : i32
    %mul3A_3 = arith.constant 640 : i32
    %mul3A_4 = arith.muli %arg1, %mul3A_3 : i32
    "tpu.region"() ({
      %run_scoped3A = tpu.sem_alloc : memref<!tpu.dma_semaphore, #tpu.memory_space<semaphore_mem>>
      %dma_start3A = arith.constant 0 : i32
      %dma_start3A_17 = tpu.memref_slice %arg8[%mul3A_4, %dma_start3A] : memref<10240x128xf32, #tpu.memory_space<vmem_shared>> -> memref<640x128xf32, #tpu.memory_space<vmem_shared>>
      %dma_start3A_18 = arith.constant 0 : i32
      %dma_start3A_19 = tpu.memref_slice %arg4[%mul3A_2, %dma_start3A_18] : memref<10240x128xf32, #tpu.memory_space<hbm>> -> memref<640x128xf32, #tpu.memory_space<hbm>>
      tpu.enqueue_dma source(%dma_start3A_19 : memref<640x128xf32, #tpu.memory_space<hbm>>) target(%dma_start3A_17 : memref<640x128xf32, #tpu.memory_space<vmem_shared>>) target_semaphore(%run_scoped3A : memref<!tpu.dma_semaphore, #tpu.memory_space<semaphore_mem>>)
      %dma_wait3A = arith.constant 0 : i32
      %dma_wait3A_20 = tpu.memref_slice %arg8[%mul3A_4, %dma_wait3A] : memref<10240x128xf32, #tpu.memory_space<vmem_shared>> -> memref<640x128xf32, #tpu.memory_space<vmem_shared>>
      %dma_wait3A_21 = arith.constant 0 : i32
      %dma_wait3A_22 = tpu.memref_slice %arg4[%mul3A_2, %dma_wait3A_21] : memref<10240x128xf32, #tpu.memory_space<hbm>> -> memref<640x128xf32, #tpu.memory_space<hbm>>
      tpu.wait_dma2 semaphore(%run_scoped3A : memref<!tpu.dma_semaphore, #tpu.memory_space<semaphore_mem>>) src(%dma_wait3A_22 : memref<640x128xf32, #tpu.memory_space<hbm>>) dst(%dma_wait3A_20 : memref<640x128xf32, #tpu.memory_space<vmem_shared>>)
      tpu.yield
    }) : () -> ()
    %mul3A_5 = arith.constant 40 : i32
    %mul3A_6 = arith.muli %add3A, %mul3A_5 : i32
    "tpu.region"() ({
      %run_scoped3A = tpu.sem_alloc : memref<!tpu.dma_semaphore, #tpu.memory_space<semaphore_mem>>
      %dma_start3A = arith.constant 0 : i32
      %dma_start3A_17 = tpu.memref_slice %arg3[%mul3A_6, %dma_start3A] : memref<1280x128xi32, #tpu.memory_space<hbm>> -> memref<40x128xi32, #tpu.memory_space<hbm>>
      %dma_start3A_18 = arith.constant 0 : i32
      %dma_start3A_19 = tpu.memref_slice %arg3[%mul3A_6, %dma_start3A_18] : memref<1280x128xi32, #tpu.memory_space<hbm>> -> memref<40x128xi32, #tpu.memory_space<hbm>>
      tpu.enqueue_dma source(%dma_start3A_19 : memref<40x128xi32, #tpu.memory_space<hbm>>) target(%arg6 : memref<40x128xi32, #tpu.memory_space<vmem>>) target_semaphore(%run_scoped3A : memref<!tpu.dma_semaphore, #tpu.memory_space<semaphore_mem>>)
      %dma_wait3A = arith.constant 0 : i32
      %dma_wait3A_20 = tpu.memref_slice %arg3[%mul3A_6, %dma_wait3A] : memref<1280x128xi32, #tpu.memory_space<hbm>> -> memref<40x128xi32, #tpu.memory_space<hbm>>
      %dma_wait3A_21 = arith.constant 0 : i32
      %dma_wait3A_22 = tpu.memref_slice %arg3[%mul3A_6, %dma_wait3A_21] : memref<1280x128xi32, #tpu.memory_space<hbm>> -> memref<40x128xi32, #tpu.memory_space<hbm>>
      tpu.wait_dma2 semaphore(%run_scoped3A : memref<!tpu.dma_semaphore, #tpu.memory_space<semaphore_mem>>) src(%dma_wait3A_22 : memref<40x128xi32, #tpu.memory_space<hbm>>) dst(%arg6 : memref<40x128xi32, #tpu.memory_space<vmem>>)
      tpu.yield
    }) : () -> ()
    %barrier3A = arith.constant 0 : index
    tpu.barrier barrier_id(%barrier3A)
    %scan3A = arith.constant 0 : i32
    %scan3A_7 = arith.constant 0 : i32
    %scan3A_8 = arith.constant 40 : i32
    %scan3A_9 = arith.addi %scan3A_7, %scan3A_8 : i32
    %scan3A_10 = arith.constant 1 : i32
    scf.for %scan3A_17 = %scan3A_7 to %scan3A_9 step %scan3A_10  : i32 {
      %mul3A_18 = arith.constant 5120 : i32
      %mul3A_19 = arith.muli %add3A, %mul3A_18 : i32
      %mul3A_20 = arith.constant 128 : i32
      %mul3A_21 = arith.muli %scan3A_17, %mul3A_20 : i32
      %add3A_22 = arith.addi %mul3A_19, %mul3A_21 : i32
      "tpu.region"() ({
        %run_scoped3A = tpu.sem_alloc : memref<!tpu.dma_semaphore, #tpu.memory_space<semaphore_mem>>
        %dma_start3A = arith.constant 0 : i32
        %dma_start3A_23 = tpu.memref_slice %arg2[%add3A_22, %dma_start3A] : memref<163840x128xf32, #tpu.memory_space<hbm>> -> memref<128x128xf32, #tpu.memory_space<hbm>>
        %dma_start3A_24 = arith.constant 0 : i32
        %dma_start3A_25 = tpu.memref_slice %arg2[%add3A_22, %dma_start3A_24] : memref<163840x128xf32, #tpu.memory_space<hbm>> -> memref<128x128xf32, #tpu.memory_space<hbm>>
        tpu.enqueue_dma source(%dma_start3A_25 : memref<128x128xf32, #tpu.memory_space<hbm>>) target(%arg7 : memref<128x128xf32, #tpu.memory_space<vmem>>) target_semaphore(%run_scoped3A : memref<!tpu.dma_semaphore, #tpu.memory_space<semaphore_mem>>)
        %dma_wait3A = arith.constant 0 : i32
        %dma_wait3A_26 = tpu.memref_slice %arg2[%add3A_22, %dma_wait3A] : memref<163840x128xf32, #tpu.memory_space<hbm>> -> memref<128x128xf32, #tpu.memory_space<hbm>>
        %dma_wait3A_27 = arith.constant 0 : i32
        %dma_wait3A_28 = tpu.memref_slice %arg2[%add3A_22, %dma_wait3A_27] : memref<163840x128xf32, #tpu.memory_space<hbm>> -> memref<128x128xf32, #tpu.memory_space<hbm>>
        tpu.wait_dma2 semaphore(%run_scoped3A : memref<!tpu.dma_semaphore, #tpu.memory_space<semaphore_mem>>) src(%dma_wait3A_28 : memref<128x128xf32, #tpu.memory_space<hbm>>) dst(%arg7 : memref<128x128xf32, #tpu.memory_space<vmem>>)
        tpu.yield
      }) : () -> ()
      "tpu.region"() ({
        %run_scoped3A = tpu.sem_alloc : memref<!tpu.dma_semaphore, #tpu.memory_space<semaphore_mem>>
        %dma_start3A = arith.constant 0 : i32
        %dma_start3A_23 = tpu.memref_slice %arg6[%scan3A_17, %dma_start3A] : memref<40x128xi32, #tpu.memory_space<vmem>> -> memref<1x128xi32, #tpu.memory_space<vmem>>
        %dma_start3A_24 = tpu.memref_squeeze %dma_start3A_23 : memref<1x128xi32, #tpu.memory_space<vmem>> -> memref<128xi32, #tpu.memory_space<vmem>>
        %dma_start3A_25 = arith.constant 0 : i32
        %dma_start3A_26 = arith.constant 0 : i32
        %dma_start3A_27 = tpu.memref_slice %arg8[%dma_start3A_25, %dma_start3A_26] : memref<10240x128xf32, #tpu.memory_space<vmem_shared>> -> memref<10240x128xf32, #tpu.memory_space<vmem_shared>>
        tpu.enqueue_indirect_dma source(%arg7 : memref<128x128xf32, #tpu.memory_space<vmem>>) target(%dma_start3A_27 : memref<10240x128xf32, #tpu.memory_space<vmem_shared>>) offsets(%dma_start3A_24 : memref<128xi32, #tpu.memory_space<vmem>>) semaphore(%run_scoped3A : memref<!tpu.dma_semaphore, #tpu.memory_space<semaphore_mem>>) {add = true}
        %dma_wait3A = arith.constant 0 : i32
        %dma_wait3A_28 = tpu.memref_slice %arg6[%scan3A_17, %dma_wait3A] : memref<40x128xi32, #tpu.memory_space<vmem>> -> memref<1x128xi32, #tpu.memory_space<vmem>>
        %dma_wait3A_29 = tpu.memref_squeeze %dma_wait3A_28 : memref<1x128xi32, #tpu.memory_space<vmem>> -> memref<128xi32, #tpu.memory_space<vmem>>
        %dma_wait3A_30 = arith.constant 0 : i32
        %dma_wait3A_31 = arith.constant 0 : i32
        %dma_wait3A_32 = tpu.memref_slice %arg8[%dma_wait3A_30, %dma_wait3A_31] : memref<10240x128xf32, #tpu.memory_space<vmem_shared>> -> memref<10240x128xf32, #tpu.memory_space<vmem_shared>>
        tpu.wait_indirect_dma semaphore(%run_scoped3A : memref<!tpu.dma_semaphore, #tpu.memory_space<semaphore_mem>>) src(%arg7 : memref<128x128xf32, #tpu.memory_space<vmem>>) dst(%dma_wait3A_32 : memref<10240x128xf32, #tpu.memory_space<vmem_shared>>)
        tpu.yield
      }) : () -> ()
    }
    %scan3A_11 = arith.constant 40 : i32
    %barrier3A_12 = arith.constant 0 : index
    tpu.barrier barrier_id(%barrier3A_12)
    %mul3A_13 = arith.constant 640 : i32
    %mul3A_14 = arith.muli %arg1, %mul3A_13 : i32
    %mul3A_15 = arith.constant 640 : i32
    %mul3A_16 = arith.muli %arg1, %mul3A_15 : i32
    "tpu.region"() ({
      %run_scoped3A = tpu.sem_alloc : memref<!tpu.dma_semaphore, #tpu.memory_space<semaphore_mem>>
      %dma_start3A = arith.constant 0 : i32
      %dma_start3A_17 = tpu.memref_slice %arg5[%arg0, %mul3A_16, %dma_start3A] : memref<2x10240x128xf32, #tpu.memory_space<hbm>> -> memref<1x640x128xf32, #tpu.memory_space<hbm>>
      %dma_start3A_18 = tpu.memref_squeeze %dma_start3A_17 : memref<1x640x128xf32, #tpu.memory_space<hbm>> -> memref<640x128xf32, #tpu.memory_space<hbm>>
      %dma_start3A_19 = arith.constant 0 : i32
      %dma_start3A_20 = tpu.memref_slice %arg8[%mul3A_14, %dma_start3A_19] : memref<10240x128xf32, #tpu.memory_space<vmem_shared>> -> memref<640x128xf32, #tpu.memory_space<vmem_shared>>
      tpu.enqueue_dma source(%dma_start3A_20 : memref<640x128xf32, #tpu.memory_space<vmem_shared>>) target(%dma_start3A_18 : memref<640x128xf32, #tpu.memory_space<hbm>>) target_semaphore(%run_scoped3A : memref<!tpu.dma_semaphore, #tpu.memory_space<semaphore_mem>>)
      %dma_wait3A = arith.constant 0 : i32
      %dma_wait3A_21 = tpu.memref_slice %arg5[%arg0, %mul3A_16, %dma_wait3A] : memref<2x10240x128xf32, #tpu.memory_space<hbm>> -> memref<1x640x128xf32, #tpu.memory_space<hbm>>
      %dma_wait3A_22 = tpu.memref_squeeze %dma_wait3A_21 : memref<1x640x128xf32, #tpu.memory_space<hbm>> -> memref<640x128xf32, #tpu.memory_space<hbm>>
      %dma_wait3A_23 = arith.constant 0 : i32
      %dma_wait3A_24 = tpu.memref_slice %arg8[%mul3A_14, %dma_wait3A_23] : memref<10240x128xf32, #tpu.memory_space<vmem_shared>> -> memref<640x128xf32, #tpu.memory_space<vmem_shared>>
      tpu.wait_dma2 semaphore(%run_scoped3A : memref<!tpu.dma_semaphore, #tpu.memory_space<semaphore_mem>>) src(%dma_wait3A_24 : memref<640x128xf32, #tpu.memory_space<vmem_shared>>) dst(%dma_wait3A_22 : memref<640x128xf32, #tpu.memory_space<hbm>>)
      tpu.yield
    }) : () -> ()
    return
  }
}

#map = affine_map<(d0, d1) -> (0, 0)>
module attributes {stable_mosaic.version = 14 : i64} {
  func.func @body(%arg0: i32, %arg1: i32, %arg2: memref<10000x128xf32, #tpu.memory_space<hbm>>, %arg3: memref<10000x128xf32, #tpu.memory_space<hbm>>, %arg4: memref<10000x128xf32, #tpu.memory_space<hbm>>, %arg5: memref<1280x128xi32, #tpu.memory_space<hbm>>, %arg6: memref<1280x128xi32, #tpu.memory_space<hbm>>, %arg7: memref<1280x128xi32, #tpu.memory_space<hbm>>, %arg8: memref<163840x128xf32, #tpu.memory_space<hbm>>, %arg9: memref<163840x128xf32, #tpu.memory_space<hbm>>, %arg10: memref<163840x128xf32, #tpu.memory_space<hbm>>, %arg11: memref<3x40x128xi32, #tpu.memory_space<vmem>>, %arg12: memref<128x128xf32, #tpu.memory_space<vmem>>, %arg13: memref<128x128xf32, #tpu.memory_space<vmem>>, %arg14: memref<!tpu.dma_semaphore, #tpu.memory_space<semaphore_mem>>, %arg15: memref<!tpu.dma_semaphore, #tpu.memory_space<semaphore_mem>>) attributes {dimension_semantics = [#tpu.dimension_semantics<core_parallel>, #tpu.dimension_semantics<subcore_parallel>], iteration_bounds = array<i64: 2, 16>, scalar_prefetch = 0 : i64, scratch_operands = 5 : i64, tpu.core_type = #tpu.core_type<sc_vector_subcore>, window_params = [{transform_indices = #map}, {transform_indices = #map}, {transform_indices = #map}, {transform_indices = #map}, {transform_indices = #map}, {transform_indices = #map}, {transform_indices = #map}, {transform_indices = #map}, {transform_indices = #map}]} {
    %mul3A = arith.constant 2 : i32
    %mul3A_0 = arith.muli %arg1, %mul3A : i32
    %add3A = arith.addi %mul3A_0, %arg0 : i32
    %mul3A_1 = arith.constant 40 : i32
    %mul3A_2 = arith.muli %add3A, %mul3A_1 : i32
    %run_scoped3A = arith.constant 0 : i32
    "tpu.region"() ({
      %run_scoped3A_14 = tpu.sem_alloc : memref<!tpu.dma_semaphore, #tpu.memory_space<semaphore_mem>>
      %dma_start3A = arith.constant 0 : i32
      %dma_start3A_15 = arith.constant 0 : i32
      %dma_start3A_16 = tpu.memref_slice %arg11[%run_scoped3A, %dma_start3A, %dma_start3A_15] : memref<3x40x128xi32, #tpu.memory_space<vmem>> -> memref<1x40x128xi32, #tpu.memory_space<vmem>>
      %dma_start3A_17 = tpu.memref_squeeze %dma_start3A_16 : memref<1x40x128xi32, #tpu.memory_space<vmem>> -> memref<40x128xi32, #tpu.memory_space<vmem>>
      %dma_start3A_18 = arith.constant 0 : i32
      %dma_start3A_19 = tpu.memref_slice %arg5[%mul3A_2, %dma_start3A_18] : memref<1280x128xi32, #tpu.memory_space<hbm>> -> memref<40x128xi32, #tpu.memory_space<hbm>>
      %dma_start3A_20 = arith.constant 0 : i32
      %dma_start3A_21 = arith.constant 0 : i32
      %dma_start3A_22 = tpu.memref_slice %arg11[%run_scoped3A, %dma_start3A_20, %dma_start3A_21] : memref<3x40x128xi32, #tpu.memory_space<vmem>> -> memref<1x40x128xi32, #tpu.memory_space<vmem>>
      %dma_start3A_23 = tpu.memref_squeeze %dma_start3A_22 : memref<1x40x128xi32, #tpu.memory_space<vmem>> -> memref<40x128xi32, #tpu.memory_space<vmem>>
      %dma_start3A_24 = arith.constant 0 : i32
      %dma_start3A_25 = tpu.memref_slice %arg5[%mul3A_2, %dma_start3A_24] : memref<1280x128xi32, #tpu.memory_space<hbm>> -> memref<40x128xi32, #tpu.memory_space<hbm>>
      tpu.enqueue_dma source(%dma_start3A_25 : memref<40x128xi32, #tpu.memory_space<hbm>>) target(%dma_start3A_23 : memref<40x128xi32, #tpu.memory_space<vmem>>) target_semaphore(%run_scoped3A_14 : memref<!tpu.dma_semaphore, #tpu.memory_space<semaphore_mem>>)
      %dma_wait3A = arith.constant 0 : i32
      %dma_wait3A_26 = arith.constant 0 : i32
      %dma_wait3A_27 = tpu.memref_slice %arg11[%run_scoped3A, %dma_wait3A, %dma_wait3A_26] : memref<3x40x128xi32, #tpu.memory_space<vmem>> -> memref<1x40x128xi32, #tpu.memory_space<vmem>>
      %dma_wait3A_28 = tpu.memref_squeeze %dma_wait3A_27 : memref<1x40x128xi32, #tpu.memory_space<vmem>> -> memref<40x128xi32, #tpu.memory_space<vmem>>
      %dma_wait3A_29 = arith.constant 0 : i32
      %dma_wait3A_30 = tpu.memref_slice %arg5[%mul3A_2, %dma_wait3A_29] : memref<1280x128xi32, #tpu.memory_space<hbm>> -> memref<40x128xi32, #tpu.memory_space<hbm>>
      %dma_wait3A_31 = arith.constant 0 : i32
      %dma_wait3A_32 = arith.constant 0 : i32
      %dma_wait3A_33 = tpu.memref_slice %arg11[%run_scoped3A, %dma_wait3A_31, %dma_wait3A_32] : memref<3x40x128xi32, #tpu.memory_space<vmem>> -> memref<1x40x128xi32, #tpu.memory_space<vmem>>
      %dma_wait3A_34 = tpu.memref_squeeze %dma_wait3A_33 : memref<1x40x128xi32, #tpu.memory_space<vmem>> -> memref<40x128xi32, #tpu.memory_space<vmem>>
      %dma_wait3A_35 = arith.constant 0 : i32
      %dma_wait3A_36 = tpu.memref_slice %arg5[%mul3A_2, %dma_wait3A_35] : memref<1280x128xi32, #tpu.memory_space<hbm>> -> memref<40x128xi32, #tpu.memory_space<hbm>>
      tpu.wait_dma2 semaphore(%run_scoped3A_14 : memref<!tpu.dma_semaphore, #tpu.memory_space<semaphore_mem>>) src(%dma_wait3A_36 : memref<40x128xi32, #tpu.memory_space<hbm>>) dst(%dma_wait3A_34 : memref<40x128xi32, #tpu.memory_space<vmem>>)
      tpu.yield
    }) : () -> ()
    %mul3A_3 = arith.constant 40 : i32
    %mul3A_4 = arith.muli %add3A, %mul3A_3 : i32
    %run_scoped3A_5 = arith.constant 1 : i32
    "tpu.region"() ({
      %run_scoped3A_14 = tpu.sem_alloc : memref<!tpu.dma_semaphore, #tpu.memory_space<semaphore_mem>>
      %dma_start3A = arith.constant 0 : i32
      %dma_start3A_15 = arith.constant 0 : i32
      %dma_start3A_16 = tpu.memref_slice %arg11[%run_scoped3A_5, %dma_start3A, %dma_start3A_15] : memref<3x40x128xi32, #tpu.memory_space<vmem>> -> memref<1x40x128xi32, #tpu.memory_space<vmem>>
      %dma_start3A_17 = tpu.memref_squeeze %dma_start3A_16 : memref<1x40x128xi32, #tpu.memory_space<vmem>> -> memref<40x128xi32, #tpu.memory_space<vmem>>
      %dma_start3A_18 = arith.constant 0 : i32
      %dma_start3A_19 = tpu.memref_slice %arg6[%mul3A_4, %dma_start3A_18] : memref<1280x128xi32, #tpu.memory_space<hbm>> -> memref<40x128xi32, #tpu.memory_space<hbm>>
      %dma_start3A_20 = arith.constant 0 : i32
      %dma_start3A_21 = arith.constant 0 : i32
      %dma_start3A_22 = tpu.memref_slice %arg11[%run_scoped3A_5, %dma_start3A_20, %dma_start3A_21] : memref<3x40x128xi32, #tpu.memory_space<vmem>> -> memref<1x40x128xi32, #tpu.memory_space<vmem>>
      %dma_start3A_23 = tpu.memref_squeeze %dma_start3A_22 : memref<1x40x128xi32, #tpu.memory_space<vmem>> -> memref<40x128xi32, #tpu.memory_space<vmem>>
      %dma_start3A_24 = arith.constant 0 : i32
      %dma_start3A_25 = tpu.memref_slice %arg6[%mul3A_4, %dma_start3A_24] : memref<1280x128xi32, #tpu.memory_space<hbm>> -> memref<40x128xi32, #tpu.memory_space<hbm>>
      tpu.enqueue_dma source(%dma_start3A_25 : memref<40x128xi32, #tpu.memory_space<hbm>>) target(%dma_start3A_23 : memref<40x128xi32, #tpu.memory_space<vmem>>) target_semaphore(%run_scoped3A_14 : memref<!tpu.dma_semaphore, #tpu.memory_space<semaphore_mem>>)
      %dma_wait3A = arith.constant 0 : i32
      %dma_wait3A_26 = arith.constant 0 : i32
      %dma_wait3A_27 = tpu.memref_slice %arg11[%run_scoped3A_5, %dma_wait3A, %dma_wait3A_26] : memref<3x40x128xi32, #tpu.memory_space<vmem>> -> memref<1x40x128xi32, #tpu.memory_space<vmem>>
      %dma_wait3A_28 = tpu.memref_squeeze %dma_wait3A_27 : memref<1x40x128xi32, #tpu.memory_space<vmem>> -> memref<40x128xi32, #tpu.memory_space<vmem>>
      %dma_wait3A_29 = arith.constant 0 : i32
      %dma_wait3A_30 = tpu.memref_slice %arg6[%mul3A_4, %dma_wait3A_29] : memref<1280x128xi32, #tpu.memory_space<hbm>> -> memref<40x128xi32, #tpu.memory_space<hbm>>
      %dma_wait3A_31 = arith.constant 0 : i32
      %dma_wait3A_32 = arith.constant 0 : i32
      %dma_wait3A_33 = tpu.memref_slice %arg11[%run_scoped3A_5, %dma_wait3A_31, %dma_wait3A_32] : memref<3x40x128xi32, #tpu.memory_space<vmem>> -> memref<1x40x128xi32, #tpu.memory_space<vmem>>
      %dma_wait3A_34 = tpu.memref_squeeze %dma_wait3A_33 : memref<1x40x128xi32, #tpu.memory_space<vmem>> -> memref<40x128xi32, #tpu.memory_space<vmem>>
      %dma_wait3A_35 = arith.constant 0 : i32
      %dma_wait3A_36 = tpu.memref_slice %arg6[%mul3A_4, %dma_wait3A_35] : memref<1280x128xi32, #tpu.memory_space<hbm>> -> memref<40x128xi32, #tpu.memory_space<hbm>>
      tpu.wait_dma2 semaphore(%run_scoped3A_14 : memref<!tpu.dma_semaphore, #tpu.memory_space<semaphore_mem>>) src(%dma_wait3A_36 : memref<40x128xi32, #tpu.memory_space<hbm>>) dst(%dma_wait3A_34 : memref<40x128xi32, #tpu.memory_space<vmem>>)
      tpu.yield
    }) : () -> ()
    %mul3A_6 = arith.constant 40 : i32
    %mul3A_7 = arith.muli %add3A, %mul3A_6 : i32
    %run_scoped3A_8 = arith.constant 2 : i32
    "tpu.region"() ({
      %run_scoped3A_14 = tpu.sem_alloc : memref<!tpu.dma_semaphore, #tpu.memory_space<semaphore_mem>>
      %dma_start3A = arith.constant 0 : i32
      %dma_start3A_15 = arith.constant 0 : i32
      %dma_start3A_16 = tpu.memref_slice %arg11[%run_scoped3A_8, %dma_start3A, %dma_start3A_15] : memref<3x40x128xi32, #tpu.memory_space<vmem>> -> memref<1x40x128xi32, #tpu.memory_space<vmem>>
      %dma_start3A_17 = tpu.memref_squeeze %dma_start3A_16 : memref<1x40x128xi32, #tpu.memory_space<vmem>> -> memref<40x128xi32, #tpu.memory_space<vmem>>
      %dma_start3A_18 = arith.constant 0 : i32
      %dma_start3A_19 = tpu.memref_slice %arg7[%mul3A_7, %dma_start3A_18] : memref<1280x128xi32, #tpu.memory_space<hbm>> -> memref<40x128xi32, #tpu.memory_space<hbm>>
      %dma_start3A_20 = arith.constant 0 : i32
      %dma_start3A_21 = arith.constant 0 : i32
      %dma_start3A_22 = tpu.memref_slice %arg11[%run_scoped3A_8, %dma_start3A_20, %dma_start3A_21] : memref<3x40x128xi32, #tpu.memory_space<vmem>> -> memref<1x40x128xi32, #tpu.memory_space<vmem>>
      %dma_start3A_23 = tpu.memref_squeeze %dma_start3A_22 : memref<1x40x128xi32, #tpu.memory_space<vmem>> -> memref<40x128xi32, #tpu.memory_space<vmem>>
      %dma_start3A_24 = arith.constant 0 : i32
      %dma_start3A_25 = tpu.memref_slice %arg7[%mul3A_7, %dma_start3A_24] : memref<1280x128xi32, #tpu.memory_space<hbm>> -> memref<40x128xi32, #tpu.memory_space<hbm>>
      tpu.enqueue_dma source(%dma_start3A_25 : memref<40x128xi32, #tpu.memory_space<hbm>>) target(%dma_start3A_23 : memref<40x128xi32, #tpu.memory_space<vmem>>) target_semaphore(%run_scoped3A_14 : memref<!tpu.dma_semaphore, #tpu.memory_space<semaphore_mem>>)
      %dma_wait3A = arith.constant 0 : i32
      %dma_wait3A_26 = arith.constant 0 : i32
      %dma_wait3A_27 = tpu.memref_slice %arg11[%run_scoped3A_8, %dma_wait3A, %dma_wait3A_26] : memref<3x40x128xi32, #tpu.memory_space<vmem>> -> memref<1x40x128xi32, #tpu.memory_space<vmem>>
      %dma_wait3A_28 = tpu.memref_squeeze %dma_wait3A_27 : memref<1x40x128xi32, #tpu.memory_space<vmem>> -> memref<40x128xi32, #tpu.memory_space<vmem>>
      %dma_wait3A_29 = arith.constant 0 : i32
      %dma_wait3A_30 = tpu.memref_slice %arg7[%mul3A_7, %dma_wait3A_29] : memref<1280x128xi32, #tpu.memory_space<hbm>> -> memref<40x128xi32, #tpu.memory_space<hbm>>
      %dma_wait3A_31 = arith.constant 0 : i32
      %dma_wait3A_32 = arith.constant 0 : i32
      %dma_wait3A_33 = tpu.memref_slice %arg11[%run_scoped3A_8, %dma_wait3A_31, %dma_wait3A_32] : memref<3x40x128xi32, #tpu.memory_space<vmem>> -> memref<1x40x128xi32, #tpu.memory_space<vmem>>
      %dma_wait3A_34 = tpu.memref_squeeze %dma_wait3A_33 : memref<1x40x128xi32, #tpu.memory_space<vmem>> -> memref<40x128xi32, #tpu.memory_space<vmem>>
      %dma_wait3A_35 = arith.constant 0 : i32
      %dma_wait3A_36 = tpu.memref_slice %arg7[%mul3A_7, %dma_wait3A_35] : memref<1280x128xi32, #tpu.memory_space<hbm>> -> memref<40x128xi32, #tpu.memory_space<hbm>>
      tpu.wait_dma2 semaphore(%run_scoped3A_14 : memref<!tpu.dma_semaphore, #tpu.memory_space<semaphore_mem>>) src(%dma_wait3A_36 : memref<40x128xi32, #tpu.memory_space<hbm>>) dst(%dma_wait3A_34 : memref<40x128xi32, #tpu.memory_space<vmem>>)
      tpu.yield
    }) : () -> ()
    %scan3A = arith.constant 0 : i32
    %scan3A_9 = arith.constant 0 : i32
    %scan3A_10 = arith.constant 20 : i32
    %scan3A_11 = arith.addi %scan3A_9, %scan3A_10 : i32
    %scan3A_12 = arith.constant 1 : i32
    scf.for %scan3A_14 = %scan3A_9 to %scan3A_11 step %scan3A_12  : i32 {
      %mul3A_15 = arith.constant 2 : i32
      %mul3A_16 = arith.muli %mul3A_15, %scan3A_14 : i32
      %mul3A_17 = arith.constant 2 : i32
      %mul3A_18 = arith.muli %mul3A_17, %scan3A_14 : i32
      %add3A_19 = arith.constant 1 : i32
      %add3A_20 = arith.addi %mul3A_18, %add3A_19 : i32
      %dma_start3A = arith.constant 0 : i32
      %dma_start3A_21 = arith.constant 0 : i32
      %dma_start3A_22 = tpu.memref_slice %arg11[%dma_start3A, %mul3A_16, %dma_start3A_21] : memref<3x40x128xi32, #tpu.memory_space<vmem>> -> memref<1x1x128xi32, #tpu.memory_space<vmem>>
      %dma_start3A_23 = tpu.memref_squeeze %dma_start3A_22 : memref<1x1x128xi32, #tpu.memory_space<vmem>> -> memref<128xi32, #tpu.memory_space<vmem>>
      %dma_start3A_24 = arith.constant 0 : i32
      %dma_start3A_25 = arith.constant 0 : i32
      %dma_start3A_26 = tpu.memref_slice %arg2[%dma_start3A_24, %dma_start3A_25] : memref<10000x128xf32, #tpu.memory_space<hbm>> -> memref<10000x128xf32, #tpu.memory_space<hbm>>
      tpu.enqueue_indirect_dma source(%dma_start3A_26 : memref<10000x128xf32, #tpu.memory_space<hbm>>) target(%arg12 : memref<128x128xf32, #tpu.memory_space<vmem>>) offsets(%dma_start3A_23 : memref<128xi32, #tpu.memory_space<vmem>>) semaphore(%arg14 : memref<!tpu.dma_semaphore, #tpu.memory_space<semaphore_mem>>)
      %dma_start3A_27 = arith.constant 0 : i32
      %dma_start3A_28 = arith.constant 0 : i32
      %dma_start3A_29 = tpu.memref_slice %arg11[%dma_start3A_27, %add3A_20, %dma_start3A_28] : memref<3x40x128xi32, #tpu.memory_space<vmem>> -> memref<1x1x128xi32, #tpu.memory_space<vmem>>
      %dma_start3A_30 = tpu.memref_squeeze %dma_start3A_29 : memref<1x1x128xi32, #tpu.memory_space<vmem>> -> memref<128xi32, #tpu.memory_space<vmem>>
      %dma_start3A_31 = arith.constant 0 : i32
      %dma_start3A_32 = arith.constant 0 : i32
      %dma_start3A_33 = tpu.memref_slice %arg2[%dma_start3A_31, %dma_start3A_32] : memref<10000x128xf32, #tpu.memory_space<hbm>> -> memref<10000x128xf32, #tpu.memory_space<hbm>>
      tpu.enqueue_indirect_dma source(%dma_start3A_33 : memref<10000x128xf32, #tpu.memory_space<hbm>>) target(%arg13 : memref<128x128xf32, #tpu.memory_space<vmem>>) offsets(%dma_start3A_30 : memref<128xi32, #tpu.memory_space<vmem>>) semaphore(%arg15 : memref<!tpu.dma_semaphore, #tpu.memory_space<semaphore_mem>>)
      %dma_wait3A = arith.constant 0 : i32
      %dma_wait3A_34 = arith.constant 0 : i32
      %dma_wait3A_35 = tpu.memref_slice %arg11[%dma_wait3A, %mul3A_16, %dma_wait3A_34] : memref<3x40x128xi32, #tpu.memory_space<vmem>> -> memref<1x1x128xi32, #tpu.memory_space<vmem>>
      %dma_wait3A_36 = tpu.memref_squeeze %dma_wait3A_35 : memref<1x1x128xi32, #tpu.memory_space<vmem>> -> memref<128xi32, #tpu.memory_space<vmem>>
      %dma_wait3A_37 = arith.constant 0 : i32
      %dma_wait3A_38 = arith.constant 0 : i32
      %dma_wait3A_39 = tpu.memref_slice %arg2[%dma_wait3A_37, %dma_wait3A_38] : memref<10000x128xf32, #tpu.memory_space<hbm>> -> memref<10000x128xf32, #tpu.memory_space<hbm>>
      tpu.wait_indirect_dma semaphore(%arg14 : memref<!tpu.dma_semaphore, #tpu.memory_space<semaphore_mem>>) src(%dma_wait3A_39 : memref<10000x128xf32, #tpu.memory_space<hbm>>) dst(%arg12 : memref<128x128xf32, #tpu.memory_space<vmem>>)
      %mul3A_40 = arith.constant 5120 : i32
      %mul3A_41 = arith.muli %add3A, %mul3A_40 : i32
      %mul3A_42 = arith.constant 128 : i32
      %mul3A_43 = arith.muli %mul3A_16, %mul3A_42 : i32
      %add3A_44 = arith.addi %mul3A_41, %mul3A_43 : i32
      "tpu.region"() ({
        %run_scoped3A_133 = tpu.sem_alloc : memref<!tpu.dma_semaphore, #tpu.memory_space<semaphore_mem>>
        %dma_start3A_134 = arith.constant 0 : i32
        %dma_start3A_135 = tpu.memref_slice %arg8[%add3A_44, %dma_start3A_134] : memref<163840x128xf32, #tpu.memory_space<hbm>> -> memref<128x128xf32, #tpu.memory_space<hbm>>
        %dma_start3A_136 = arith.constant 0 : i32
        %dma_start3A_137 = tpu.memref_slice %arg8[%add3A_44, %dma_start3A_136] : memref<163840x128xf32, #tpu.memory_space<hbm>> -> memref<128x128xf32, #tpu.memory_space<hbm>>
        tpu.enqueue_dma source(%arg12 : memref<128x128xf32, #tpu.memory_space<vmem>>) target(%dma_start3A_137 : memref<128x128xf32, #tpu.memory_space<hbm>>) target_semaphore(%run_scoped3A_133 : memref<!tpu.dma_semaphore, #tpu.memory_space<semaphore_mem>>)
        %dma_wait3A_138 = arith.constant 0 : i32
        %dma_wait3A_139 = tpu.memref_slice %arg8[%add3A_44, %dma_wait3A_138] : memref<163840x128xf32, #tpu.memory_space<hbm>> -> memref<128x128xf32, #tpu.memory_space<hbm>>
        %dma_wait3A_140 = arith.constant 0 : i32
        %dma_wait3A_141 = tpu.memref_slice %arg8[%add3A_44, %dma_wait3A_140] : memref<163840x128xf32, #tpu.memory_space<hbm>> -> memref<128x128xf32, #tpu.memory_space<hbm>>
        tpu.wait_dma2 semaphore(%run_scoped3A_133 : memref<!tpu.dma_semaphore, #tpu.memory_space<semaphore_mem>>) src(%arg12 : memref<128x128xf32, #tpu.memory_space<vmem>>) dst(%dma_wait3A_141 : memref<128x128xf32, #tpu.memory_space<hbm>>)
        tpu.yield
      }) : () -> ()
      %dma_wait3A_45 = arith.constant 0 : i32
      %dma_wait3A_46 = arith.constant 0 : i32
      %dma_wait3A_47 = tpu.memref_slice %arg11[%dma_wait3A_45, %add3A_20, %dma_wait3A_46] : memref<3x40x128xi32, #tpu.memory_space<vmem>> -> memref<1x1x128xi32, #tpu.memory_space<vmem>>
      %dma_wait3A_48 = tpu.memref_squeeze %dma_wait3A_47 : memref<1x1x128xi32, #tpu.memory_space<vmem>> -> memref<128xi32, #tpu.memory_space<vmem>>
      %dma_wait3A_49 = arith.constant 0 : i32
      %dma_wait3A_50 = arith.constant 0 : i32
      %dma_wait3A_51 = tpu.memref_slice %arg2[%dma_wait3A_49, %dma_wait3A_50] : memref<10000x128xf32, #tpu.memory_space<hbm>> -> memref<10000x128xf32, #tpu.memory_space<hbm>>
      tpu.wait_indirect_dma semaphore(%arg15 : memref<!tpu.dma_semaphore, #tpu.memory_space<semaphore_mem>>) src(%dma_wait3A_51 : memref<10000x128xf32, #tpu.memory_space<hbm>>) dst(%arg13 : memref<128x128xf32, #tpu.memory_space<vmem>>)
      %mul3A_52 = arith.constant 5120 : i32
      %mul3A_53 = arith.muli %add3A, %mul3A_52 : i32
      %mul3A_54 = arith.constant 128 : i32
      %mul3A_55 = arith.muli %add3A_20, %mul3A_54 : i32
      %add3A_56 = arith.addi %mul3A_53, %mul3A_55 : i32
      "tpu.region"() ({
        %run_scoped3A_133 = tpu.sem_alloc : memref<!tpu.dma_semaphore, #tpu.memory_space<semaphore_mem>>
        %dma_start3A_134 = arith.constant 0 : i32
        %dma_start3A_135 = tpu.memref_slice %arg8[%add3A_56, %dma_start3A_134] : memref<163840x128xf32, #tpu.memory_space<hbm>> -> memref<128x128xf32, #tpu.memory_space<hbm>>
        %dma_start3A_136 = arith.constant 0 : i32
        %dma_start3A_137 = tpu.memref_slice %arg8[%add3A_56, %dma_start3A_136] : memref<163840x128xf32, #tpu.memory_space<hbm>> -> memref<128x128xf32, #tpu.memory_space<hbm>>
        tpu.enqueue_dma source(%arg13 : memref<128x128xf32, #tpu.memory_space<vmem>>) target(%dma_start3A_137 : memref<128x128xf32, #tpu.memory_space<hbm>>) target_semaphore(%run_scoped3A_133 : memref<!tpu.dma_semaphore, #tpu.memory_space<semaphore_mem>>)
        %dma_wait3A_138 = arith.constant 0 : i32
        %dma_wait3A_139 = tpu.memref_slice %arg8[%add3A_56, %dma_wait3A_138] : memref<163840x128xf32, #tpu.memory_space<hbm>> -> memref<128x128xf32, #tpu.memory_space<hbm>>
        %dma_wait3A_140 = arith.constant 0 : i32
        %dma_wait3A_141 = tpu.memref_slice %arg8[%add3A_56, %dma_wait3A_140] : memref<163840x128xf32, #tpu.memory_space<hbm>> -> memref<128x128xf32, #tpu.memory_space<hbm>>
        tpu.wait_dma2 semaphore(%run_scoped3A_133 : memref<!tpu.dma_semaphore, #tpu.memory_space<semaphore_mem>>) src(%arg13 : memref<128x128xf32, #tpu.memory_space<vmem>>) dst(%dma_wait3A_141 : memref<128x128xf32, #tpu.memory_space<hbm>>)
        tpu.yield
      }) : () -> ()
      %dma_start3A_57 = arith.constant 1 : i32
      %dma_start3A_58 = arith.constant 0 : i32
      %dma_start3A_59 = tpu.memref_slice %arg11[%dma_start3A_57, %mul3A_16, %dma_start3A_58] : memref<3x40x128xi32, #tpu.memory_space<vmem>> -> memref<1x1x128xi32, #tpu.memory_space<vmem>>
      %dma_start3A_60 = tpu.memref_squeeze %dma_start3A_59 : memref<1x1x128xi32, #tpu.memory_space<vmem>> -> memref<128xi32, #tpu.memory_space<vmem>>
      %dma_start3A_61 = arith.constant 0 : i32
      %dma_start3A_62 = arith.constant 0 : i32
      %dma_start3A_63 = tpu.memref_slice %arg3[%dma_start3A_61, %dma_start3A_62] : memref<10000x128xf32, #tpu.memory_space<hbm>> -> memref<10000x128xf32, #tpu.memory_space<hbm>>
      tpu.enqueue_indirect_dma source(%dma_start3A_63 : memref<10000x128xf32, #tpu.memory_space<hbm>>) target(%arg12 : memref<128x128xf32, #tpu.memory_space<vmem>>) offsets(%dma_start3A_60 : memref<128xi32, #tpu.memory_space<vmem>>) semaphore(%arg14 : memref<!tpu.dma_semaphore, #tpu.memory_space<semaphore_mem>>)
      %dma_start3A_64 = arith.constant 1 : i32
      %dma_start3A_65 = arith.constant 0 : i32
      %dma_start3A_66 = tpu.memref_slice %arg11[%dma_start3A_64, %add3A_20, %dma_start3A_65] : memref<3x40x128xi32, #tpu.memory_space<vmem>> -> memref<1x1x128xi32, #tpu.memory_space<vmem>>
      %dma_start3A_67 = tpu.memref_squeeze %dma_start3A_66 : memref<1x1x128xi32, #tpu.memory_space<vmem>> -> memref<128xi32, #tpu.memory_space<vmem>>
      %dma_start3A_68 = arith.constant 0 : i32
      %dma_start3A_69 = arith.constant 0 : i32
      %dma_start3A_70 = tpu.memref_slice %arg3[%dma_start3A_68, %dma_start3A_69] : memref<10000x128xf32, #tpu.memory_space<hbm>> -> memref<10000x128xf32, #tpu.memory_space<hbm>>
      tpu.enqueue_indirect_dma source(%dma_start3A_70 : memref<10000x128xf32, #tpu.memory_space<hbm>>) target(%arg13 : memref<128x128xf32, #tpu.memory_space<vmem>>) offsets(%dma_start3A_67 : memref<128xi32, #tpu.memory_space<vmem>>) semaphore(%arg15 : memref<!tpu.dma_semaphore, #tpu.memory_space<semaphore_mem>>)
      %dma_wait3A_71 = arith.constant 1 : i32
      %dma_wait3A_72 = arith.constant 0 : i32
      %dma_wait3A_73 = tpu.memref_slice %arg11[%dma_wait3A_71, %mul3A_16, %dma_wait3A_72] : memref<3x40x128xi32, #tpu.memory_space<vmem>> -> memref<1x1x128xi32, #tpu.memory_space<vmem>>
      %dma_wait3A_74 = tpu.memref_squeeze %dma_wait3A_73 : memref<1x1x128xi32, #tpu.memory_space<vmem>> -> memref<128xi32, #tpu.memory_space<vmem>>
      %dma_wait3A_75 = arith.constant 0 : i32
      %dma_wait3A_76 = arith.constant 0 : i32
      %dma_wait3A_77 = tpu.memref_slice %arg3[%dma_wait3A_75, %dma_wait3A_76] : memref<10000x128xf32, #tpu.memory_space<hbm>> -> memref<10000x128xf32, #tpu.memory_space<hbm>>
      tpu.wait_indirect_dma semaphore(%arg14 : memref<!tpu.dma_semaphore, #tpu.memory_space<semaphore_mem>>) src(%dma_wait3A_77 : memref<10000x128xf32, #tpu.memory_space<hbm>>) dst(%arg12 : memref<128x128xf32, #tpu.memory_space<vmem>>)
      %mul3A_78 = arith.constant 5120 : i32
      %mul3A_79 = arith.muli %add3A, %mul3A_78 : i32
      %mul3A_80 = arith.constant 128 : i32
      %mul3A_81 = arith.muli %mul3A_16, %mul3A_80 : i32
      %add3A_82 = arith.addi %mul3A_79, %mul3A_81 : i32
      "tpu.region"() ({
        %run_scoped3A_133 = tpu.sem_alloc : memref<!tpu.dma_semaphore, #tpu.memory_space<semaphore_mem>>
        %dma_start3A_134 = arith.constant 0 : i32
        %dma_start3A_135 = tpu.memref_slice %arg9[%add3A_82, %dma_start3A_134] : memref<163840x128xf32, #tpu.memory_space<hbm>> -> memref<128x128xf32, #tpu.memory_space<hbm>>
        %dma_start3A_136 = arith.constant 0 : i32
        %dma_start3A_137 = tpu.memref_slice %arg9[%add3A_82, %dma_start3A_136] : memref<163840x128xf32, #tpu.memory_space<hbm>> -> memref<128x128xf32, #tpu.memory_space<hbm>>
        tpu.enqueue_dma source(%arg12 : memref<128x128xf32, #tpu.memory_space<vmem>>) target(%dma_start3A_137 : memref<128x128xf32, #tpu.memory_space<hbm>>) target_semaphore(%run_scoped3A_133 : memref<!tpu.dma_semaphore, #tpu.memory_space<semaphore_mem>>)
        %dma_wait3A_138 = arith.constant 0 : i32
        %dma_wait3A_139 = tpu.memref_slice %arg9[%add3A_82, %dma_wait3A_138] : memref<163840x128xf32, #tpu.memory_space<hbm>> -> memref<128x128xf32, #tpu.memory_space<hbm>>
        %dma_wait3A_140 = arith.constant 0 : i32
        %dma_wait3A_141 = tpu.memref_slice %arg9[%add3A_82, %dma_wait3A_140] : memref<163840x128xf32, #tpu.memory_space<hbm>> -> memref<128x128xf32, #tpu.memory_space<hbm>>
        tpu.wait_dma2 semaphore(%run_scoped3A_133 : memref<!tpu.dma_semaphore, #tpu.memory_space<semaphore_mem>>) src(%arg12 : memref<128x128xf32, #tpu.memory_space<vmem>>) dst(%dma_wait3A_141 : memref<128x128xf32, #tpu.memory_space<hbm>>)
        tpu.yield
      }) : () -> ()
      %dma_wait3A_83 = arith.constant 1 : i32
      %dma_wait3A_84 = arith.constant 0 : i32
      %dma_wait3A_85 = tpu.memref_slice %arg11[%dma_wait3A_83, %add3A_20, %dma_wait3A_84] : memref<3x40x128xi32, #tpu.memory_space<vmem>> -> memref<1x1x128xi32, #tpu.memory_space<vmem>>
      %dma_wait3A_86 = tpu.memref_squeeze %dma_wait3A_85 : memref<1x1x128xi32, #tpu.memory_space<vmem>> -> memref<128xi32, #tpu.memory_space<vmem>>
      %dma_wait3A_87 = arith.constant 0 : i32
      %dma_wait3A_88 = arith.constant 0 : i32
      %dma_wait3A_89 = tpu.memref_slice %arg3[%dma_wait3A_87, %dma_wait3A_88] : memref<10000x128xf32, #tpu.memory_space<hbm>> -> memref<10000x128xf32, #tpu.memory_space<hbm>>
      tpu.wait_indirect_dma semaphore(%arg15 : memref<!tpu.dma_semaphore, #tpu.memory_space<semaphore_mem>>) src(%dma_wait3A_89 : memref<10000x128xf32, #tpu.memory_space<hbm>>) dst(%arg13 : memref<128x128xf32, #tpu.memory_space<vmem>>)
      %mul3A_90 = arith.constant 5120 : i32
      %mul3A_91 = arith.muli %add3A, %mul3A_90 : i32
      %mul3A_92 = arith.constant 128 : i32
      %mul3A_93 = arith.muli %add3A_20, %mul3A_92 : i32
      %add3A_94 = arith.addi %mul3A_91, %mul3A_93 : i32
      "tpu.region"() ({
        %run_scoped3A_133 = tpu.sem_alloc : memref<!tpu.dma_semaphore, #tpu.memory_space<semaphore_mem>>
        %dma_start3A_134 = arith.constant 0 : i32
        %dma_start3A_135 = tpu.memref_slice %arg9[%add3A_94, %dma_start3A_134] : memref<163840x128xf32, #tpu.memory_space<hbm>> -> memref<128x128xf32, #tpu.memory_space<hbm>>
        %dma_start3A_136 = arith.constant 0 : i32
        %dma_start3A_137 = tpu.memref_slice %arg9[%add3A_94, %dma_start3A_136] : memref<163840x128xf32, #tpu.memory_space<hbm>> -> memref<128x128xf32, #tpu.memory_space<hbm>>
        tpu.enqueue_dma source(%arg13 : memref<128x128xf32, #tpu.memory_space<vmem>>) target(%dma_start3A_137 : memref<128x128xf32, #tpu.memory_space<hbm>>) target_semaphore(%run_scoped3A_133 : memref<!tpu.dma_semaphore, #tpu.memory_space<semaphore_mem>>)
        %dma_wait3A_138 = arith.constant 0 : i32
        %dma_wait3A_139 = tpu.memref_slice %arg9[%add3A_94, %dma_wait3A_138] : memref<163840x128xf32, #tpu.memory_space<hbm>> -> memref<128x128xf32, #tpu.memory_space<hbm>>
        %dma_wait3A_140 = arith.constant 0 : i32
        %dma_wait3A_141 = tpu.memref_slice %arg9[%add3A_94, %dma_wait3A_140] : memref<163840x128xf32, #tpu.memory_space<hbm>> -> memref<128x128xf32, #tpu.memory_space<hbm>>
        tpu.wait_dma2 semaphore(%run_scoped3A_133 : memref<!tpu.dma_semaphore, #tpu.memory_space<semaphore_mem>>) src(%arg13 : memref<128x128xf32, #tpu.memory_space<vmem>>) dst(%dma_wait3A_141 : memref<128x128xf32, #tpu.memory_space<hbm>>)
        tpu.yield
      }) : () -> ()
      %dma_start3A_95 = arith.constant 2 : i32
      %dma_start3A_96 = arith.constant 0 : i32
      %dma_start3A_97 = tpu.memref_slice %arg11[%dma_start3A_95, %mul3A_16, %dma_start3A_96] : memref<3x40x128xi32, #tpu.memory_space<vmem>> -> memref<1x1x128xi32, #tpu.memory_space<vmem>>
      %dma_start3A_98 = tpu.memref_squeeze %dma_start3A_97 : memref<1x1x128xi32, #tpu.memory_space<vmem>> -> memref<128xi32, #tpu.memory_space<vmem>>
      %dma_start3A_99 = arith.constant 0 : i32
      %dma_start3A_100 = arith.constant 0 : i32
      %dma_start3A_101 = tpu.memref_slice %arg4[%dma_start3A_99, %dma_start3A_100] : memref<10000x128xf32, #tpu.memory_space<hbm>> -> memref<10000x128xf32, #tpu.memory_space<hbm>>
      tpu.enqueue_indirect_dma source(%dma_start3A_101 : memref<10000x128xf32, #tpu.memory_space<hbm>>) target(%arg12 : memref<128x128xf32, #tpu.memory_space<vmem>>) offsets(%dma_start3A_98 : memref<128xi32, #tpu.memory_space<vmem>>) semaphore(%arg14 : memref<!tpu.dma_semaphore, #tpu.memory_space<semaphore_mem>>)
      %dma_start3A_102 = arith.constant 2 : i32
      %dma_start3A_103 = arith.constant 0 : i32
      %dma_start3A_104 = tpu.memref_slice %arg11[%dma_start3A_102, %add3A_20, %dma_start3A_103] : memref<3x40x128xi32, #tpu.memory_space<vmem>> -> memref<1x1x128xi32, #tpu.memory_space<vmem>>
      %dma_start3A_105 = tpu.memref_squeeze %dma_start3A_104 : memref<1x1x128xi32, #tpu.memory_space<vmem>> -> memref<128xi32, #tpu.memory_space<vmem>>
      %dma_start3A_106 = arith.constant 0 : i32
      %dma_start3A_107 = arith.constant 0 : i32
      %dma_start3A_108 = tpu.memref_slice %arg4[%dma_start3A_106, %dma_start3A_107] : memref<10000x128xf32, #tpu.memory_space<hbm>> -> memref<10000x128xf32, #tpu.memory_space<hbm>>
      tpu.enqueue_indirect_dma source(%dma_start3A_108 : memref<10000x128xf32, #tpu.memory_space<hbm>>) target(%arg13 : memref<128x128xf32, #tpu.memory_space<vmem>>) offsets(%dma_start3A_105 : memref<128xi32, #tpu.memory_space<vmem>>) semaphore(%arg15 : memref<!tpu.dma_semaphore, #tpu.memory_space<semaphore_mem>>)
      %dma_wait3A_109 = arith.constant 2 : i32
      %dma_wait3A_110 = arith.constant 0 : i32
      %dma_wait3A_111 = tpu.memref_slice %arg11[%dma_wait3A_109, %mul3A_16, %dma_wait3A_110] : memref<3x40x128xi32, #tpu.memory_space<vmem>> -> memref<1x1x128xi32, #tpu.memory_space<vmem>>
      %dma_wait3A_112 = tpu.memref_squeeze %dma_wait3A_111 : memref<1x1x128xi32, #tpu.memory_space<vmem>> -> memref<128xi32, #tpu.memory_space<vmem>>
      %dma_wait3A_113 = arith.constant 0 : i32
      %dma_wait3A_114 = arith.constant 0 : i32
      %dma_wait3A_115 = tpu.memref_slice %arg4[%dma_wait3A_113, %dma_wait3A_114] : memref<10000x128xf32, #tpu.memory_space<hbm>> -> memref<10000x128xf32, #tpu.memory_space<hbm>>
      tpu.wait_indirect_dma semaphore(%arg14 : memref<!tpu.dma_semaphore, #tpu.memory_space<semaphore_mem>>) src(%dma_wait3A_115 : memref<10000x128xf32, #tpu.memory_space<hbm>>) dst(%arg12 : memref<128x128xf32, #tpu.memory_space<vmem>>)
      %mul3A_116 = arith.constant 5120 : i32
      %mul3A_117 = arith.muli %add3A, %mul3A_116 : i32
      %mul3A_118 = arith.constant 128 : i32
      %mul3A_119 = arith.muli %mul3A_16, %mul3A_118 : i32
      %add3A_120 = arith.addi %mul3A_117, %mul3A_119 : i32
      "tpu.region"() ({
        %run_scoped3A_133 = tpu.sem_alloc : memref<!tpu.dma_semaphore, #tpu.memory_space<semaphore_mem>>
        %dma_start3A_134 = arith.constant 0 : i32
        %dma_start3A_135 = tpu.memref_slice %arg10[%add3A_120, %dma_start3A_134] : memref<163840x128xf32, #tpu.memory_space<hbm>> -> memref<128x128xf32, #tpu.memory_space<hbm>>
        %dma_start3A_136 = arith.constant 0 : i32
        %dma_start3A_137 = tpu.memref_slice %arg10[%add3A_120, %dma_start3A_136] : memref<163840x128xf32, #tpu.memory_space<hbm>> -> memref<128x128xf32, #tpu.memory_space<hbm>>
        tpu.enqueue_dma source(%arg12 : memref<128x128xf32, #tpu.memory_space<vmem>>) target(%dma_start3A_137 : memref<128x128xf32, #tpu.memory_space<hbm>>) target_semaphore(%run_scoped3A_133 : memref<!tpu.dma_semaphore, #tpu.memory_space<semaphore_mem>>)
        %dma_wait3A_138 = arith.constant 0 : i32
        %dma_wait3A_139 = tpu.memref_slice %arg10[%add3A_120, %dma_wait3A_138] : memref<163840x128xf32, #tpu.memory_space<hbm>> -> memref<128x128xf32, #tpu.memory_space<hbm>>
        %dma_wait3A_140 = arith.constant 0 : i32
        %dma_wait3A_141 = tpu.memref_slice %arg10[%add3A_120, %dma_wait3A_140] : memref<163840x128xf32, #tpu.memory_space<hbm>> -> memref<128x128xf32, #tpu.memory_space<hbm>>
        tpu.wait_dma2 semaphore(%run_scoped3A_133 : memref<!tpu.dma_semaphore, #tpu.memory_space<semaphore_mem>>) src(%arg12 : memref<128x128xf32, #tpu.memory_space<vmem>>) dst(%dma_wait3A_141 : memref<128x128xf32, #tpu.memory_space<hbm>>)
        tpu.yield
      }) : () -> ()
      %dma_wait3A_121 = arith.constant 2 : i32
      %dma_wait3A_122 = arith.constant 0 : i32
      %dma_wait3A_123 = tpu.memref_slice %arg11[%dma_wait3A_121, %add3A_20, %dma_wait3A_122] : memref<3x40x128xi32, #tpu.memory_space<vmem>> -> memref<1x1x128xi32, #tpu.memory_space<vmem>>
      %dma_wait3A_124 = tpu.memref_squeeze %dma_wait3A_123 : memref<1x1x128xi32, #tpu.memory_space<vmem>> -> memref<128xi32, #tpu.memory_space<vmem>>
      %dma_wait3A_125 = arith.constant 0 : i32
      %dma_wait3A_126 = arith.constant 0 : i32
      %dma_wait3A_127 = tpu.memref_slice %arg4[%dma_wait3A_125, %dma_wait3A_126] : memref<10000x128xf32, #tpu.memory_space<hbm>> -> memref<10000x128xf32, #tpu.memory_space<hbm>>
      tpu.wait_indirect_dma semaphore(%arg15 : memref<!tpu.dma_semaphore, #tpu.memory_space<semaphore_mem>>) src(%dma_wait3A_127 : memref<10000x128xf32, #tpu.memory_space<hbm>>) dst(%arg13 : memref<128x128xf32, #tpu.memory_space<vmem>>)
      %mul3A_128 = arith.constant 5120 : i32
      %mul3A_129 = arith.muli %add3A, %mul3A_128 : i32
      %mul3A_130 = arith.constant 128 : i32
      %mul3A_131 = arith.muli %add3A_20, %mul3A_130 : i32
      %add3A_132 = arith.addi %mul3A_129, %mul3A_131 : i32
      "tpu.region"() ({
        %run_scoped3A_133 = tpu.sem_alloc : memref<!tpu.dma_semaphore, #tpu.memory_space<semaphore_mem>>
        %dma_start3A_134 = arith.constant 0 : i32
        %dma_start3A_135 = tpu.memref_slice %arg10[%add3A_132, %dma_start3A_134] : memref<163840x128xf32, #tpu.memory_space<hbm>> -> memref<128x128xf32, #tpu.memory_space<hbm>>
        %dma_start3A_136 = arith.constant 0 : i32
        %dma_start3A_137 = tpu.memref_slice %arg10[%add3A_132, %dma_start3A_136] : memref<163840x128xf32, #tpu.memory_space<hbm>> -> memref<128x128xf32, #tpu.memory_space<hbm>>
        tpu.enqueue_dma source(%arg13 : memref<128x128xf32, #tpu.memory_space<vmem>>) target(%dma_start3A_137 : memref<128x128xf32, #tpu.memory_space<hbm>>) target_semaphore(%run_scoped3A_133 : memref<!tpu.dma_semaphore, #tpu.memory_space<semaphore_mem>>)
        %dma_wait3A_138 = arith.constant 0 : i32
        %dma_wait3A_139 = tpu.memref_slice %arg10[%add3A_132, %dma_wait3A_138] : memref<163840x128xf32, #tpu.memory_space<hbm>> -> memref<128x128xf32, #tpu.memory_space<hbm>>
        %dma_wait3A_140 = arith.constant 0 : i32
        %dma_wait3A_141 = tpu.memref_slice %arg10[%add3A_132, %dma_wait3A_140] : memref<163840x128xf32, #tpu.memory_space<hbm>> -> memref<128x128xf32, #tpu.memory_space<hbm>>
        tpu.wait_dma2 semaphore(%run_scoped3A_133 : memref<!tpu.dma_semaphore, #tpu.memory_space<semaphore_mem>>) src(%arg13 : memref<128x128xf32, #tpu.memory_space<vmem>>) dst(%dma_wait3A_141 : memref<128x128xf32, #tpu.memory_space<hbm>>)
        tpu.yield
      }) : () -> ()
    }
    %scan3A_13 = arith.constant 20 : i32
    return
  }
}

#map = affine_map<(d0, d1) -> (0, 0)>
#map1 = affine_map<(d0, d1) -> (0, 0, 0)>
module attributes {stable_mosaic.version = 14 : i64} {
  func.func @body(%arg0: i32, %arg1: i32, %arg2: memref<163840x128xf32, #tpu.memory_space<hbm>>, %arg3: memref<1280x128xi32, #tpu.memory_space<hbm>>, %arg4: memref<10240x128xf32, #tpu.memory_space<hbm>>, %arg5: memref<2x10240x128xf32, #tpu.memory_space<hbm>>, %arg6: memref<40x128xi32, #tpu.memory_space<vmem>>, %arg7: memref<128x128xf32, #tpu.memory_space<vmem>>, %arg8: memref<10240x128xf32, #tpu.memory_space<vmem_shared>>, %arg9: memref<!tpu.dma_semaphore, #tpu.memory_space<semaphore_mem>>) attributes {dimension_semantics = [#tpu.dimension_semantics<core_parallel>, #tpu.dimension_semantics<subcore_parallel>], iteration_bounds = array<i64: 2, 16>, scalar_prefetch = 0 : i64, scratch_operands = 4 : i64, tpu.core_type = #tpu.core_type<sc_vector_subcore>, window_params = [{transform_indices = #map}, {transform_indices = #map}, {transform_indices = #map}, {transform_indices = #map1}]} {
    %mul3A = arith.constant 2 : i32
    %mul3A_0 = arith.muli %arg1, %mul3A : i32
    %add3A = arith.addi %mul3A_0, %arg0 : i32
    %mul3A_1 = arith.constant 640 : i32
    %mul3A_2 = arith.muli %arg1, %mul3A_1 : i32
    %mul3A_3 = arith.constant 640 : i32
    %mul3A_4 = arith.muli %arg1, %mul3A_3 : i32
    "tpu.region"() ({
      %run_scoped3A = tpu.sem_alloc : memref<!tpu.dma_semaphore, #tpu.memory_space<semaphore_mem>>
      %dma_start3A = arith.constant 0 : i32
      %dma_start3A_17 = tpu.memref_slice %arg8[%mul3A_4, %dma_start3A] : memref<10240x128xf32, #tpu.memory_space<vmem_shared>> -> memref<640x128xf32, #tpu.memory_space<vmem_shared>>
      %dma_start3A_18 = arith.constant 0 : i32
      %dma_start3A_19 = tpu.memref_slice %arg4[%mul3A_2, %dma_start3A_18] : memref<10240x128xf32, #tpu.memory_space<hbm>> -> memref<640x128xf32, #tpu.memory_space<hbm>>
      tpu.enqueue_dma source(%dma_start3A_19 : memref<640x128xf32, #tpu.memory_space<hbm>>) target(%dma_start3A_17 : memref<640x128xf32, #tpu.memory_space<vmem_shared>>) target_semaphore(%run_scoped3A : memref<!tpu.dma_semaphore, #tpu.memory_space<semaphore_mem>>)
      %dma_wait3A = arith.constant 0 : i32
      %dma_wait3A_20 = tpu.memref_slice %arg8[%mul3A_4, %dma_wait3A] : memref<10240x128xf32, #tpu.memory_space<vmem_shared>> -> memref<640x128xf32, #tpu.memory_space<vmem_shared>>
      %dma_wait3A_21 = arith.constant 0 : i32
      %dma_wait3A_22 = tpu.memref_slice %arg4[%mul3A_2, %dma_wait3A_21] : memref<10240x128xf32, #tpu.memory_space<hbm>> -> memref<640x128xf32, #tpu.memory_space<hbm>>
      tpu.wait_dma2 semaphore(%run_scoped3A : memref<!tpu.dma_semaphore, #tpu.memory_space<semaphore_mem>>) src(%dma_wait3A_22 : memref<640x128xf32, #tpu.memory_space<hbm>>) dst(%dma_wait3A_20 : memref<640x128xf32, #tpu.memory_space<vmem_shared>>)
      tpu.yield
    }) : () -> ()
    %mul3A_5 = arith.constant 40 : i32
    %mul3A_6 = arith.muli %add3A, %mul3A_5 : i32
    "tpu.region"() ({
      %run_scoped3A = tpu.sem_alloc : memref<!tpu.dma_semaphore, #tpu.memory_space<semaphore_mem>>
      %dma_start3A = arith.constant 0 : i32
      %dma_start3A_17 = tpu.memref_slice %arg3[%mul3A_6, %dma_start3A] : memref<1280x128xi32, #tpu.memory_space<hbm>> -> memref<40x128xi32, #tpu.memory_space<hbm>>
      %dma_start3A_18 = arith.constant 0 : i32
      %dma_start3A_19 = tpu.memref_slice %arg3[%mul3A_6, %dma_start3A_18] : memref<1280x128xi32, #tpu.memory_space<hbm>> -> memref<40x128xi32, #tpu.memory_space<hbm>>
      tpu.enqueue_dma source(%dma_start3A_19 : memref<40x128xi32, #tpu.memory_space<hbm>>) target(%arg6 : memref<40x128xi32, #tpu.memory_space<vmem>>) target_semaphore(%run_scoped3A : memref<!tpu.dma_semaphore, #tpu.memory_space<semaphore_mem>>)
      %dma_wait3A = arith.constant 0 : i32
      %dma_wait3A_20 = tpu.memref_slice %arg3[%mul3A_6, %dma_wait3A] : memref<1280x128xi32, #tpu.memory_space<hbm>> -> memref<40x128xi32, #tpu.memory_space<hbm>>
      %dma_wait3A_21 = arith.constant 0 : i32
      %dma_wait3A_22 = tpu.memref_slice %arg3[%mul3A_6, %dma_wait3A_21] : memref<1280x128xi32, #tpu.memory_space<hbm>> -> memref<40x128xi32, #tpu.memory_space<hbm>>
      tpu.wait_dma2 semaphore(%run_scoped3A : memref<!tpu.dma_semaphore, #tpu.memory_space<semaphore_mem>>) src(%dma_wait3A_22 : memref<40x128xi32, #tpu.memory_space<hbm>>) dst(%arg6 : memref<40x128xi32, #tpu.memory_space<vmem>>)
      tpu.yield
    }) : () -> ()
    %barrier3A = arith.constant 0 : index
    tpu.barrier barrier_id(%barrier3A)
    %scan3A = arith.constant 0 : i32
    %scan3A_7 = arith.constant 0 : i32
    %scan3A_8 = arith.constant 40 : i32
    %scan3A_9 = arith.addi %scan3A_7, %scan3A_8 : i32
    %scan3A_10 = arith.constant 1 : i32
    scf.for %scan3A_17 = %scan3A_7 to %scan3A_9 step %scan3A_10  : i32 {
      %mul3A_18 = arith.constant 5120 : i32
      %mul3A_19 = arith.muli %add3A, %mul3A_18 : i32
      %mul3A_20 = arith.constant 128 : i32
      %mul3A_21 = arith.muli %scan3A_17, %mul3A_20 : i32
      %add3A_22 = arith.addi %mul3A_19, %mul3A_21 : i32
      "tpu.region"() ({
        %run_scoped3A = tpu.sem_alloc : memref<!tpu.dma_semaphore, #tpu.memory_space<semaphore_mem>>
        %dma_start3A = arith.constant 0 : i32
        %dma_start3A_23 = tpu.memref_slice %arg2[%add3A_22, %dma_start3A] : memref<163840x128xf32, #tpu.memory_space<hbm>> -> memref<128x128xf32, #tpu.memory_space<hbm>>
        %dma_start3A_24 = arith.constant 0 : i32
        %dma_start3A_25 = tpu.memref_slice %arg2[%add3A_22, %dma_start3A_24] : memref<163840x128xf32, #tpu.memory_space<hbm>> -> memref<128x128xf32, #tpu.memory_space<hbm>>
        tpu.enqueue_dma source(%dma_start3A_25 : memref<128x128xf32, #tpu.memory_space<hbm>>) target(%arg7 : memref<128x128xf32, #tpu.memory_space<vmem>>) target_semaphore(%run_scoped3A : memref<!tpu.dma_semaphore, #tpu.memory_space<semaphore_mem>>)
        %dma_wait3A = arith.constant 0 : i32
        %dma_wait3A_26 = tpu.memref_slice %arg2[%add3A_22, %dma_wait3A] : memref<163840x128xf32, #tpu.memory_space<hbm>> -> memref<128x128xf32, #tpu.memory_space<hbm>>
        %dma_wait3A_27 = arith.constant 0 : i32
        %dma_wait3A_28 = tpu.memref_slice %arg2[%add3A_22, %dma_wait3A_27] : memref<163840x128xf32, #tpu.memory_space<hbm>> -> memref<128x128xf32, #tpu.memory_space<hbm>>
        tpu.wait_dma2 semaphore(%run_scoped3A : memref<!tpu.dma_semaphore, #tpu.memory_space<semaphore_mem>>) src(%dma_wait3A_28 : memref<128x128xf32, #tpu.memory_space<hbm>>) dst(%arg7 : memref<128x128xf32, #tpu.memory_space<vmem>>)
        tpu.yield
      }) : () -> ()
      "tpu.region"() ({
        %run_scoped3A = tpu.sem_alloc : memref<!tpu.dma_semaphore, #tpu.memory_space<semaphore_mem>>
        %dma_start3A = arith.constant 0 : i32
        %dma_start3A_23 = tpu.memref_slice %arg6[%scan3A_17, %dma_start3A] : memref<40x128xi32, #tpu.memory_space<vmem>> -> memref<1x128xi32, #tpu.memory_space<vmem>>
        %dma_start3A_24 = tpu.memref_squeeze %dma_start3A_23 : memref<1x128xi32, #tpu.memory_space<vmem>> -> memref<128xi32, #tpu.memory_space<vmem>>
        %dma_start3A_25 = arith.constant 0 : i32
        %dma_start3A_26 = arith.constant 0 : i32
        %dma_start3A_27 = tpu.memref_slice %arg8[%dma_start3A_25, %dma_start3A_26] : memref<10240x128xf32, #tpu.memory_space<vmem_shared>> -> memref<10240x128xf32, #tpu.memory_space<vmem_shared>>
        tpu.enqueue_indirect_dma source(%arg7 : memref<128x128xf32, #tpu.memory_space<vmem>>) target(%dma_start3A_27 : memref<10240x128xf32, #tpu.memory_space<vmem_shared>>) offsets(%dma_start3A_24 : memref<128xi32, #tpu.memory_space<vmem>>) semaphore(%run_scoped3A : memref<!tpu.dma_semaphore, #tpu.memory_space<semaphore_mem>>) {add = true}
        %dma_wait3A = arith.constant 0 : i32
        %dma_wait3A_28 = tpu.memref_slice %arg6[%scan3A_17, %dma_wait3A] : memref<40x128xi32, #tpu.memory_space<vmem>> -> memref<1x128xi32, #tpu.memory_space<vmem>>
        %dma_wait3A_29 = tpu.memref_squeeze %dma_wait3A_28 : memref<1x128xi32, #tpu.memory_space<vmem>> -> memref<128xi32, #tpu.memory_space<vmem>>
        %dma_wait3A_30 = arith.constant 0 : i32
        %dma_wait3A_31 = arith.constant 0 : i32
        %dma_wait3A_32 = tpu.memref_slice %arg8[%dma_wait3A_30, %dma_wait3A_31] : memref<10240x128xf32, #tpu.memory_space<vmem_shared>> -> memref<10240x128xf32, #tpu.memory_space<vmem_shared>>
        tpu.wait_indirect_dma semaphore(%run_scoped3A : memref<!tpu.dma_semaphore, #tpu.memory_space<semaphore_mem>>) src(%arg7 : memref<128x128xf32, #tpu.memory_space<vmem>>) dst(%dma_wait3A_32 : memref<10240x128xf32, #tpu.memory_space<vmem_shared>>)
        tpu.yield
      }) : () -> ()
    }
    %scan3A_11 = arith.constant 40 : i32
    %barrier3A_12 = arith.constant 0 : index
    tpu.barrier barrier_id(%barrier3A_12)
    %mul3A_13 = arith.constant 640 : i32
    %mul3A_14 = arith.muli %arg1, %mul3A_13 : i32
    %mul3A_15 = arith.constant 640 : i32
    %mul3A_16 = arith.muli %arg1, %mul3A_15 : i32
    "tpu.region"() ({
      %run_scoped3A = tpu.sem_alloc : memref<!tpu.dma_semaphore, #tpu.memory_space<semaphore_mem>>
      %dma_start3A = arith.constant 0 : i32
      %dma_start3A_17 = tpu.memref_slice %arg5[%arg0, %mul3A_16, %dma_start3A] : memref<2x10240x128xf32, #tpu.memory_space<hbm>> -> memref<1x640x128xf32, #tpu.memory_space<hbm>>
      %dma_start3A_18 = tpu.memref_squeeze %dma_start3A_17 : memref<1x640x128xf32, #tpu.memory_space<hbm>> -> memref<640x128xf32, #tpu.memory_space<hbm>>
      %dma_start3A_19 = arith.constant 0 : i32
      %dma_start3A_20 = tpu.memref_slice %arg8[%mul3A_14, %dma_start3A_19] : memref<10240x128xf32, #tpu.memory_space<vmem_shared>> -> memref<640x128xf32, #tpu.memory_space<vmem_shared>>
      tpu.enqueue_dma source(%dma_start3A_20 : memref<640x128xf32, #tpu.memory_space<vmem_shared>>) target(%dma_start3A_18 : memref<640x128xf32, #tpu.memory_space<hbm>>) target_semaphore(%run_scoped3A : memref<!tpu.dma_semaphore, #tpu.memory_space<semaphore_mem>>)
      %dma_wait3A = arith.constant 0 : i32
      %dma_wait3A_21 = tpu.memref_slice %arg5[%arg0, %mul3A_16, %dma_wait3A] : memref<2x10240x128xf32, #tpu.memory_space<hbm>> -> memref<1x640x128xf32, #tpu.memory_space<hbm>>
      %dma_wait3A_22 = tpu.memref_squeeze %dma_wait3A_21 : memref<1x640x128xf32, #tpu.memory_space<hbm>> -> memref<640x128xf32, #tpu.memory_space<hbm>>
      %dma_wait3A_23 = arith.constant 0 : i32
      %dma_wait3A_24 = tpu.memref_slice %arg8[%mul3A_14, %dma_wait3A_23] : memref<10240x128xf32, #tpu.memory_space<vmem_shared>> -> memref<640x128xf32, #tpu.memory_space<vmem_shared>>
      tpu.wait_dma2 semaphore(%run_scoped3A : memref<!tpu.dma_semaphore, #tpu.memory_space<semaphore_mem>>) src(%dma_wait3A_24 : memref<640x128xf32, #tpu.memory_space<vmem_shared>>) dst(%dma_wait3A_22 : memref<640x128xf32, #tpu.memory_space<hbm>>)
      tpu.yield
    }) : () -> ()
    return
  }
}

#map = affine_map<(d0, d1) -> (0, 0)>
module attributes {stable_mosaic.version = 14 : i64} {
  func.func @body(%arg0: i32, %arg1: i32, %arg2: memref<10000x128xf32, #tpu.memory_space<hbm>>, %arg3: memref<10000x128xf32, #tpu.memory_space<hbm>>, %arg4: memref<10000x128xf32, #tpu.memory_space<hbm>>, %arg5: memref<1280x128xi32, #tpu.memory_space<hbm>>, %arg6: memref<1280x128xi32, #tpu.memory_space<hbm>>, %arg7: memref<1280x128xi32, #tpu.memory_space<hbm>>, %arg8: memref<163840x128xf32, #tpu.memory_space<hbm>>, %arg9: memref<163840x128xf32, #tpu.memory_space<hbm>>, %arg10: memref<163840x128xf32, #tpu.memory_space<hbm>>, %arg11: memref<3x40x128xi32, #tpu.memory_space<vmem>>, %arg12: memref<128x128xf32, #tpu.memory_space<vmem>>, %arg13: memref<128x128xf32, #tpu.memory_space<vmem>>, %arg14: memref<!tpu.dma_semaphore, #tpu.memory_space<semaphore_mem>>, %arg15: memref<!tpu.dma_semaphore, #tpu.memory_space<semaphore_mem>>) attributes {dimension_semantics = [#tpu.dimension_semantics<core_parallel>, #tpu.dimension_semantics<subcore_parallel>], iteration_bounds = array<i64: 2, 16>, scalar_prefetch = 0 : i64, scratch_operands = 5 : i64, tpu.core_type = #tpu.core_type<sc_vector_subcore>, window_params = [{transform_indices = #map}, {transform_indices = #map}, {transform_indices = #map}, {transform_indices = #map}, {transform_indices = #map}, {transform_indices = #map}, {transform_indices = #map}, {transform_indices = #map}, {transform_indices = #map}]} {
    %mul3A = arith.constant 2 : i32
    %mul3A_0 = arith.muli %arg1, %mul3A : i32
    %add3A = arith.addi %mul3A_0, %arg0 : i32
    %mul3A_1 = arith.constant 40 : i32
    %mul3A_2 = arith.muli %add3A, %mul3A_1 : i32
    %run_scoped3A = arith.constant 0 : i32
    "tpu.region"() ({
      %run_scoped3A_14 = tpu.sem_alloc : memref<!tpu.dma_semaphore, #tpu.memory_space<semaphore_mem>>
      %dma_start3A = arith.constant 0 : i32
      %dma_start3A_15 = arith.constant 0 : i32
      %dma_start3A_16 = tpu.memref_slice %arg11[%run_scoped3A, %dma_start3A, %dma_start3A_15] : memref<3x40x128xi32, #tpu.memory_space<vmem>> -> memref<1x40x128xi32, #tpu.memory_space<vmem>>
      %dma_start3A_17 = tpu.memref_squeeze %dma_start3A_16 : memref<1x40x128xi32, #tpu.memory_space<vmem>> -> memref<40x128xi32, #tpu.memory_space<vmem>>
      %dma_start3A_18 = arith.constant 0 : i32
      %dma_start3A_19 = tpu.memref_slice %arg5[%mul3A_2, %dma_start3A_18] : memref<1280x128xi32, #tpu.memory_space<hbm>> -> memref<40x128xi32, #tpu.memory_space<hbm>>
      %dma_start3A_20 = arith.constant 0 : i32
      %dma_start3A_21 = arith.constant 0 : i32
      %dma_start3A_22 = tpu.memref_slice %arg11[%run_scoped3A, %dma_start3A_20, %dma_start3A_21] : memref<3x40x128xi32, #tpu.memory_space<vmem>> -> memref<1x40x128xi32, #tpu.memory_space<vmem>>
      %dma_start3A_23 = tpu.memref_squeeze %dma_start3A_22 : memref<1x40x128xi32, #tpu.memory_space<vmem>> -> memref<40x128xi32, #tpu.memory_space<vmem>>
      %dma_start3A_24 = arith.constant 0 : i32
      %dma_start3A_25 = tpu.memref_slice %arg5[%mul3A_2, %dma_start3A_24] : memref<1280x128xi32, #tpu.memory_space<hbm>> -> memref<40x128xi32, #tpu.memory_space<hbm>>
      tpu.enqueue_dma source(%dma_start3A_25 : memref<40x128xi32, #tpu.memory_space<hbm>>) target(%dma_start3A_23 : memref<40x128xi32, #tpu.memory_space<vmem>>) target_semaphore(%run_scoped3A_14 : memref<!tpu.dma_semaphore, #tpu.memory_space<semaphore_mem>>)
      %dma_wait3A = arith.constant 0 : i32
      %dma_wait3A_26 = arith.constant 0 : i32
      %dma_wait3A_27 = tpu.memref_slice %arg11[%run_scoped3A, %dma_wait3A, %dma_wait3A_26] : memref<3x40x128xi32, #tpu.memory_space<vmem>> -> memref<1x40x128xi32, #tpu.memory_space<vmem>>
      %dma_wait3A_28 = tpu.memref_squeeze %dma_wait3A_27 : memref<1x40x128xi32, #tpu.memory_space<vmem>> -> memref<40x128xi32, #tpu.memory_space<vmem>>
      %dma_wait3A_29 = arith.constant 0 : i32
      %dma_wait3A_30 = tpu.memref_slice %arg5[%mul3A_2, %dma_wait3A_29] : memref<1280x128xi32, #tpu.memory_space<hbm>> -> memref<40x128xi32, #tpu.memory_space<hbm>>
      %dma_wait3A_31 = arith.constant 0 : i32
      %dma_wait3A_32 = arith.constant 0 : i32
      %dma_wait3A_33 = tpu.memref_slice %arg11[%run_scoped3A, %dma_wait3A_31, %dma_wait3A_32] : memref<3x40x128xi32, #tpu.memory_space<vmem>> -> memref<1x40x128xi32, #tpu.memory_space<vmem>>
      %dma_wait3A_34 = tpu.memref_squeeze %dma_wait3A_33 : memref<1x40x128xi32, #tpu.memory_space<vmem>> -> memref<40x128xi32, #tpu.memory_space<vmem>>
      %dma_wait3A_35 = arith.constant 0 : i32
      %dma_wait3A_36 = tpu.memref_slice %arg5[%mul3A_2, %dma_wait3A_35] : memref<1280x128xi32, #tpu.memory_space<hbm>> -> memref<40x128xi32, #tpu.memory_space<hbm>>
      tpu.wait_dma2 semaphore(%run_scoped3A_14 : memref<!tpu.dma_semaphore, #tpu.memory_space<semaphore_mem>>) src(%dma_wait3A_36 : memref<40x128xi32, #tpu.memory_space<hbm>>) dst(%dma_wait3A_34 : memref<40x128xi32, #tpu.memory_space<vmem>>)
      tpu.yield
    }) : () -> ()
    %mul3A_3 = arith.constant 40 : i32
    %mul3A_4 = arith.muli %add3A, %mul3A_3 : i32
    %run_scoped3A_5 = arith.constant 1 : i32
    "tpu.region"() ({
      %run_scoped3A_14 = tpu.sem_alloc : memref<!tpu.dma_semaphore, #tpu.memory_space<semaphore_mem>>
      %dma_start3A = arith.constant 0 : i32
      %dma_start3A_15 = arith.constant 0 : i32
      %dma_start3A_16 = tpu.memref_slice %arg11[%run_scoped3A_5, %dma_start3A, %dma_start3A_15] : memref<3x40x128xi32, #tpu.memory_space<vmem>> -> memref<1x40x128xi32, #tpu.memory_space<vmem>>
      %dma_start3A_17 = tpu.memref_squeeze %dma_start3A_16 : memref<1x40x128xi32, #tpu.memory_space<vmem>> -> memref<40x128xi32, #tpu.memory_space<vmem>>
      %dma_start3A_18 = arith.constant 0 : i32
      %dma_start3A_19 = tpu.memref_slice %arg6[%mul3A_4, %dma_start3A_18] : memref<1280x128xi32, #tpu.memory_space<hbm>> -> memref<40x128xi32, #tpu.memory_space<hbm>>
      %dma_start3A_20 = arith.constant 0 : i32
      %dma_start3A_21 = arith.constant 0 : i32
      %dma_start3A_22 = tpu.memref_slice %arg11[%run_scoped3A_5, %dma_start3A_20, %dma_start3A_21] : memref<3x40x128xi32, #tpu.memory_space<vmem>> -> memref<1x40x128xi32, #tpu.memory_space<vmem>>
      %dma_start3A_23 = tpu.memref_squeeze %dma_start3A_22 : memref<1x40x128xi32, #tpu.memory_space<vmem>> -> memref<40x128xi32, #tpu.memory_space<vmem>>
      %dma_start3A_24 = arith.constant 0 : i32
      %dma_start3A_25 = tpu.memref_slice %arg6[%mul3A_4, %dma_start3A_24] : memref<1280x128xi32, #tpu.memory_space<hbm>> -> memref<40x128xi32, #tpu.memory_space<hbm>>
      tpu.enqueue_dma source(%dma_start3A_25 : memref<40x128xi32, #tpu.memory_space<hbm>>) target(%dma_start3A_23 : memref<40x128xi32, #tpu.memory_space<vmem>>) target_semaphore(%run_scoped3A_14 : memref<!tpu.dma_semaphore, #tpu.memory_space<semaphore_mem>>)
      %dma_wait3A = arith.constant 0 : i32
      %dma_wait3A_26 = arith.constant 0 : i32
      %dma_wait3A_27 = tpu.memref_slice %arg11[%run_scoped3A_5, %dma_wait3A, %dma_wait3A_26] : memref<3x40x128xi32, #tpu.memory_space<vmem>> -> memref<1x40x128xi32, #tpu.memory_space<vmem>>
      %dma_wait3A_28 = tpu.memref_squeeze %dma_wait3A_27 : memref<1x40x128xi32, #tpu.memory_space<vmem>> -> memref<40x128xi32, #tpu.memory_space<vmem>>
      %dma_wait3A_29 = arith.constant 0 : i32
      %dma_wait3A_30 = tpu.memref_slice %arg6[%mul3A_4, %dma_wait3A_29] : memref<1280x128xi32, #tpu.memory_space<hbm>> -> memref<40x128xi32, #tpu.memory_space<hbm>>
      %dma_wait3A_31 = arith.constant 0 : i32
      %dma_wait3A_32 = arith.constant 0 : i32
      %dma_wait3A_33 = tpu.memref_slice %arg11[%run_scoped3A_5, %dma_wait3A_31, %dma_wait3A_32] : memref<3x40x128xi32, #tpu.memory_space<vmem>> -> memref<1x40x128xi32, #tpu.memory_space<vmem>>
      %dma_wait3A_34 = tpu.memref_squeeze %dma_wait3A_33 : memref<1x40x128xi32, #tpu.memory_space<vmem>> -> memref<40x128xi32, #tpu.memory_space<vmem>>
      %dma_wait3A_35 = arith.constant 0 : i32
      %dma_wait3A_36 = tpu.memref_slice %arg6[%mul3A_4, %dma_wait3A_35] : memref<1280x128xi32, #tpu.memory_space<hbm>> -> memref<40x128xi32, #tpu.memory_space<hbm>>
      tpu.wait_dma2 semaphore(%run_scoped3A_14 : memref<!tpu.dma_semaphore, #tpu.memory_space<semaphore_mem>>) src(%dma_wait3A_36 : memref<40x128xi32, #tpu.memory_space<hbm>>) dst(%dma_wait3A_34 : memref<40x128xi32, #tpu.memory_space<vmem>>)
      tpu.yield
    }) : () -> ()
    %mul3A_6 = arith.constant 40 : i32
    %mul3A_7 = arith.muli %add3A, %mul3A_6 : i32
    %run_scoped3A_8 = arith.constant 2 : i32
    "tpu.region"() ({
      %run_scoped3A_14 = tpu.sem_alloc : memref<!tpu.dma_semaphore, #tpu.memory_space<semaphore_mem>>
      %dma_start3A = arith.constant 0 : i32
      %dma_start3A_15 = arith.constant 0 : i32
      %dma_start3A_16 = tpu.memref_slice %arg11[%run_scoped3A_8, %dma_start3A, %dma_start3A_15] : memref<3x40x128xi32, #tpu.memory_space<vmem>> -> memref<1x40x128xi32, #tpu.memory_space<vmem>>
      %dma_start3A_17 = tpu.memref_squeeze %dma_start3A_16 : memref<1x40x128xi32, #tpu.memory_space<vmem>> -> memref<40x128xi32, #tpu.memory_space<vmem>>
      %dma_start3A_18 = arith.constant 0 : i32
      %dma_start3A_19 = tpu.memref_slice %arg7[%mul3A_7, %dma_start3A_18] : memref<1280x128xi32, #tpu.memory_space<hbm>> -> memref<40x128xi32, #tpu.memory_space<hbm>>
      %dma_start3A_20 = arith.constant 0 : i32
      %dma_start3A_21 = arith.constant 0 : i32
      %dma_start3A_22 = tpu.memref_slice %arg11[%run_scoped3A_8, %dma_start3A_20, %dma_start3A_21] : memref<3x40x128xi32, #tpu.memory_space<vmem>> -> memref<1x40x128xi32, #tpu.memory_space<vmem>>
      %dma_start3A_23 = tpu.memref_squeeze %dma_start3A_22 : memref<1x40x128xi32, #tpu.memory_space<vmem>> -> memref<40x128xi32, #tpu.memory_space<vmem>>
      %dma_start3A_24 = arith.constant 0 : i32
      %dma_start3A_25 = tpu.memref_slice %arg7[%mul3A_7, %dma_start3A_24] : memref<1280x128xi32, #tpu.memory_space<hbm>> -> memref<40x128xi32, #tpu.memory_space<hbm>>
      tpu.enqueue_dma source(%dma_start3A_25 : memref<40x128xi32, #tpu.memory_space<hbm>>) target(%dma_start3A_23 : memref<40x128xi32, #tpu.memory_space<vmem>>) target_semaphore(%run_scoped3A_14 : memref<!tpu.dma_semaphore, #tpu.memory_space<semaphore_mem>>)
      %dma_wait3A = arith.constant 0 : i32
      %dma_wait3A_26 = arith.constant 0 : i32
      %dma_wait3A_27 = tpu.memref_slice %arg11[%run_scoped3A_8, %dma_wait3A, %dma_wait3A_26] : memref<3x40x128xi32, #tpu.memory_space<vmem>> -> memref<1x40x128xi32, #tpu.memory_space<vmem>>
      %dma_wait3A_28 = tpu.memref_squeeze %dma_wait3A_27 : memref<1x40x128xi32, #tpu.memory_space<vmem>> -> memref<40x128xi32, #tpu.memory_space<vmem>>
      %dma_wait3A_29 = arith.constant 0 : i32
      %dma_wait3A_30 = tpu.memref_slice %arg7[%mul3A_7, %dma_wait3A_29] : memref<1280x128xi32, #tpu.memory_space<hbm>> -> memref<40x128xi32, #tpu.memory_space<hbm>>
      %dma_wait3A_31 = arith.constant 0 : i32
      %dma_wait3A_32 = arith.constant 0 : i32
      %dma_wait3A_33 = tpu.memref_slice %arg11[%run_scoped3A_8, %dma_wait3A_31, %dma_wait3A_32] : memref<3x40x128xi32, #tpu.memory_space<vmem>> -> memref<1x40x128xi32, #tpu.memory_space<vmem>>
      %dma_wait3A_34 = tpu.memref_squeeze %dma_wait3A_33 : memref<1x40x128xi32, #tpu.memory_space<vmem>> -> memref<40x128xi32, #tpu.memory_space<vmem>>
      %dma_wait3A_35 = arith.constant 0 : i32
      %dma_wait3A_36 = tpu.memref_slice %arg7[%mul3A_7, %dma_wait3A_35] : memref<1280x128xi32, #tpu.memory_space<hbm>> -> memref<40x128xi32, #tpu.memory_space<hbm>>
      tpu.wait_dma2 semaphore(%run_scoped3A_14 : memref<!tpu.dma_semaphore, #tpu.memory_space<semaphore_mem>>) src(%dma_wait3A_36 : memref<40x128xi32, #tpu.memory_space<hbm>>) dst(%dma_wait3A_34 : memref<40x128xi32, #tpu.memory_space<vmem>>)
      tpu.yield
    }) : () -> ()
    %scan3A = arith.constant 0 : i32
    %scan3A_9 = arith.constant 0 : i32
    %scan3A_10 = arith.constant 20 : i32
    %scan3A_11 = arith.addi %scan3A_9, %scan3A_10 : i32
    %scan3A_12 = arith.constant 1 : i32
    scf.for %scan3A_14 = %scan3A_9 to %scan3A_11 step %scan3A_12  : i32 {
      %mul3A_15 = arith.constant 2 : i32
      %mul3A_16 = arith.muli %mul3A_15, %scan3A_14 : i32
      %mul3A_17 = arith.constant 2 : i32
      %mul3A_18 = arith.muli %mul3A_17, %scan3A_14 : i32
      %add3A_19 = arith.constant 1 : i32
      %add3A_20 = arith.addi %mul3A_18, %add3A_19 : i32
      %dma_start3A = arith.constant 0 : i32
      %dma_start3A_21 = arith.constant 0 : i32
      %dma_start3A_22 = tpu.memref_slice %arg11[%dma_start3A, %mul3A_16, %dma_start3A_21] : memref<3x40x128xi32, #tpu.memory_space<vmem>> -> memref<1x1x128xi32, #tpu.memory_space<vmem>>
      %dma_start3A_23 = tpu.memref_squeeze %dma_start3A_22 : memref<1x1x128xi32, #tpu.memory_space<vmem>> -> memref<128xi32, #tpu.memory_space<vmem>>
      %dma_start3A_24 = arith.constant 0 : i32
      %dma_start3A_25 = arith.constant 0 : i32
      %dma_start3A_26 = tpu.memref_slice %arg2[%dma_start3A_24, %dma_start3A_25] : memref<10000x128xf32, #tpu.memory_space<hbm>> -> memref<10000x128xf32, #tpu.memory_space<hbm>>
      tpu.enqueue_indirect_dma source(%dma_start3A_26 : memref<10000x128xf32, #tpu.memory_space<hbm>>) target(%arg12 : memref<128x128xf32, #tpu.memory_space<vmem>>) offsets(%dma_start3A_23 : memref<128xi32, #tpu.memory_space<vmem>>) semaphore(%arg14 : memref<!tpu.dma_semaphore, #tpu.memory_space<semaphore_mem>>)
      %dma_start3A_27 = arith.constant 0 : i32
      %dma_start3A_28 = arith.constant 0 : i32
      %dma_start3A_29 = tpu.memref_slice %arg11[%dma_start3A_27, %add3A_20, %dma_start3A_28] : memref<3x40x128xi32, #tpu.memory_space<vmem>> -> memref<1x1x128xi32, #tpu.memory_space<vmem>>
      %dma_start3A_30 = tpu.memref_squeeze %dma_start3A_29 : memref<1x1x128xi32, #tpu.memory_space<vmem>> -> memref<128xi32, #tpu.memory_space<vmem>>
      %dma_start3A_31 = arith.constant 0 : i32
      %dma_start3A_32 = arith.constant 0 : i32
      %dma_start3A_33 = tpu.memref_slice %arg2[%dma_start3A_31, %dma_start3A_32] : memref<10000x128xf32, #tpu.memory_space<hbm>> -> memref<10000x128xf32, #tpu.memory_space<hbm>>
      tpu.enqueue_indirect_dma source(%dma_start3A_33 : memref<10000x128xf32, #tpu.memory_space<hbm>>) target(%arg13 : memref<128x128xf32, #tpu.memory_space<vmem>>) offsets(%dma_start3A_30 : memref<128xi32, #tpu.memory_space<vmem>>) semaphore(%arg15 : memref<!tpu.dma_semaphore, #tpu.memory_space<semaphore_mem>>)
      %dma_wait3A = arith.constant 0 : i32
      %dma_wait3A_34 = arith.constant 0 : i32
      %dma_wait3A_35 = tpu.memref_slice %arg11[%dma_wait3A, %mul3A_16, %dma_wait3A_34] : memref<3x40x128xi32, #tpu.memory_space<vmem>> -> memref<1x1x128xi32, #tpu.memory_space<vmem>>
      %dma_wait3A_36 = tpu.memref_squeeze %dma_wait3A_35 : memref<1x1x128xi32, #tpu.memory_space<vmem>> -> memref<128xi32, #tpu.memory_space<vmem>>
      %dma_wait3A_37 = arith.constant 0 : i32
      %dma_wait3A_38 = arith.constant 0 : i32
      %dma_wait3A_39 = tpu.memref_slice %arg2[%dma_wait3A_37, %dma_wait3A_38] : memref<10000x128xf32, #tpu.memory_space<hbm>> -> memref<10000x128xf32, #tpu.memory_space<hbm>>
      tpu.wait_indirect_dma semaphore(%arg14 : memref<!tpu.dma_semaphore, #tpu.memory_space<semaphore_mem>>) src(%dma_wait3A_39 : memref<10000x128xf32, #tpu.memory_space<hbm>>) dst(%arg12 : memref<128x128xf32, #tpu.memory_space<vmem>>)
      %mul3A_40 = arith.constant 5120 : i32
      %mul3A_41 = arith.muli %add3A, %mul3A_40 : i32
      %mul3A_42 = arith.constant 128 : i32
      %mul3A_43 = arith.muli %mul3A_16, %mul3A_42 : i32
      %add3A_44 = arith.addi %mul3A_41, %mul3A_43 : i32
      "tpu.region"() ({
        %run_scoped3A_133 = tpu.sem_alloc : memref<!tpu.dma_semaphore, #tpu.memory_space<semaphore_mem>>
        %dma_start3A_134 = arith.constant 0 : i32
        %dma_start3A_135 = tpu.memref_slice %arg8[%add3A_44, %dma_start3A_134] : memref<163840x128xf32, #tpu.memory_space<hbm>> -> memref<128x128xf32, #tpu.memory_space<hbm>>
        %dma_start3A_136 = arith.constant 0 : i32
        %dma_start3A_137 = tpu.memref_slice %arg8[%add3A_44, %dma_start3A_136] : memref<163840x128xf32, #tpu.memory_space<hbm>> -> memref<128x128xf32, #tpu.memory_space<hbm>>
        tpu.enqueue_dma source(%arg12 : memref<128x128xf32, #tpu.memory_space<vmem>>) target(%dma_start3A_137 : memref<128x128xf32, #tpu.memory_space<hbm>>) target_semaphore(%run_scoped3A_133 : memref<!tpu.dma_semaphore, #tpu.memory_space<semaphore_mem>>)
        %dma_wait3A_138 = arith.constant 0 : i32
        %dma_wait3A_139 = tpu.memref_slice %arg8[%add3A_44, %dma_wait3A_138] : memref<163840x128xf32, #tpu.memory_space<hbm>> -> memref<128x128xf32, #tpu.memory_space<hbm>>
        %dma_wait3A_140 = arith.constant 0 : i32
        %dma_wait3A_141 = tpu.memref_slice %arg8[%add3A_44, %dma_wait3A_140] : memref<163840x128xf32, #tpu.memory_space<hbm>> -> memref<128x128xf32, #tpu.memory_space<hbm>>
        tpu.wait_dma2 semaphore(%run_scoped3A_133 : memref<!tpu.dma_semaphore, #tpu.memory_space<semaphore_mem>>) src(%arg12 : memref<128x128xf32, #tpu.memory_space<vmem>>) dst(%dma_wait3A_141 : memref<128x128xf32, #tpu.memory_space<hbm>>)
        tpu.yield
      }) : () -> ()
      %dma_wait3A_45 = arith.constant 0 : i32
      %dma_wait3A_46 = arith.constant 0 : i32
      %dma_wait3A_47 = tpu.memref_slice %arg11[%dma_wait3A_45, %add3A_20, %dma_wait3A_46] : memref<3x40x128xi32, #tpu.memory_space<vmem>> -> memref<1x1x128xi32, #tpu.memory_space<vmem>>
      %dma_wait3A_48 = tpu.memref_squeeze %dma_wait3A_47 : memref<1x1x128xi32, #tpu.memory_space<vmem>> -> memref<128xi32, #tpu.memory_space<vmem>>
      %dma_wait3A_49 = arith.constant 0 : i32
      %dma_wait3A_50 = arith.constant 0 : i32
      %dma_wait3A_51 = tpu.memref_slice %arg2[%dma_wait3A_49, %dma_wait3A_50] : memref<10000x128xf32, #tpu.memory_space<hbm>> -> memref<10000x128xf32, #tpu.memory_space<hbm>>
      tpu.wait_indirect_dma semaphore(%arg15 : memref<!tpu.dma_semaphore, #tpu.memory_space<semaphore_mem>>) src(%dma_wait3A_51 : memref<10000x128xf32, #tpu.memory_space<hbm>>) dst(%arg13 : memref<128x128xf32, #tpu.memory_space<vmem>>)
      %mul3A_52 = arith.constant 5120 : i32
      %mul3A_53 = arith.muli %add3A, %mul3A_52 : i32
      %mul3A_54 = arith.constant 128 : i32
      %mul3A_55 = arith.muli %add3A_20, %mul3A_54 : i32
      %add3A_56 = arith.addi %mul3A_53, %mul3A_55 : i32
      "tpu.region"() ({
        %run_scoped3A_133 = tpu.sem_alloc : memref<!tpu.dma_semaphore, #tpu.memory_space<semaphore_mem>>
        %dma_start3A_134 = arith.constant 0 : i32
        %dma_start3A_135 = tpu.memref_slice %arg8[%add3A_56, %dma_start3A_134] : memref<163840x128xf32, #tpu.memory_space<hbm>> -> memref<128x128xf32, #tpu.memory_space<hbm>>
        %dma_start3A_136 = arith.constant 0 : i32
        %dma_start3A_137 = tpu.memref_slice %arg8[%add3A_56, %dma_start3A_136] : memref<163840x128xf32, #tpu.memory_space<hbm>> -> memref<128x128xf32, #tpu.memory_space<hbm>>
        tpu.enqueue_dma source(%arg13 : memref<128x128xf32, #tpu.memory_space<vmem>>) target(%dma_start3A_137 : memref<128x128xf32, #tpu.memory_space<hbm>>) target_semaphore(%run_scoped3A_133 : memref<!tpu.dma_semaphore, #tpu.memory_space<semaphore_mem>>)
        %dma_wait3A_138 = arith.constant 0 : i32
        %dma_wait3A_139 = tpu.memref_slice %arg8[%add3A_56, %dma_wait3A_138] : memref<163840x128xf32, #tpu.memory_space<hbm>> -> memref<128x128xf32, #tpu.memory_space<hbm>>
        %dma_wait3A_140 = arith.constant 0 : i32
        %dma_wait3A_141 = tpu.memref_slice %arg8[%add3A_56, %dma_wait3A_140] : memref<163840x128xf32, #tpu.memory_space<hbm>> -> memref<128x128xf32, #tpu.memory_space<hbm>>
        tpu.wait_dma2 semaphore(%run_scoped3A_133 : memref<!tpu.dma_semaphore, #tpu.memory_space<semaphore_mem>>) src(%arg13 : memref<128x128xf32, #tpu.memory_space<vmem>>) dst(%dma_wait3A_141 : memref<128x128xf32, #tpu.memory_space<hbm>>)
        tpu.yield
      }) : () -> ()
      %dma_start3A_57 = arith.constant 1 : i32
      %dma_start3A_58 = arith.constant 0 : i32
      %dma_start3A_59 = tpu.memref_slice %arg11[%dma_start3A_57, %mul3A_16, %dma_start3A_58] : memref<3x40x128xi32, #tpu.memory_space<vmem>> -> memref<1x1x128xi32, #tpu.memory_space<vmem>>
      %dma_start3A_60 = tpu.memref_squeeze %dma_start3A_59 : memref<1x1x128xi32, #tpu.memory_space<vmem>> -> memref<128xi32, #tpu.memory_space<vmem>>
      %dma_start3A_61 = arith.constant 0 : i32
      %dma_start3A_62 = arith.constant 0 : i32
      %dma_start3A_63 = tpu.memref_slice %arg3[%dma_start3A_61, %dma_start3A_62] : memref<10000x128xf32, #tpu.memory_space<hbm>> -> memref<10000x128xf32, #tpu.memory_space<hbm>>
      tpu.enqueue_indirect_dma source(%dma_start3A_63 : memref<10000x128xf32, #tpu.memory_space<hbm>>) target(%arg12 : memref<128x128xf32, #tpu.memory_space<vmem>>) offsets(%dma_start3A_60 : memref<128xi32, #tpu.memory_space<vmem>>) semaphore(%arg14 : memref<!tpu.dma_semaphore, #tpu.memory_space<semaphore_mem>>)
      %dma_start3A_64 = arith.constant 1 : i32
      %dma_start3A_65 = arith.constant 0 : i32
      %dma_start3A_66 = tpu.memref_slice %arg11[%dma_start3A_64, %add3A_20, %dma_start3A_65] : memref<3x40x128xi32, #tpu.memory_space<vmem>> -> memref<1x1x128xi32, #tpu.memory_space<vmem>>
      %dma_start3A_67 = tpu.memref_squeeze %dma_start3A_66 : memref<1x1x128xi32, #tpu.memory_space<vmem>> -> memref<128xi32, #tpu.memory_space<vmem>>
      %dma_start3A_68 = arith.constant 0 : i32
      %dma_start3A_69 = arith.constant 0 : i32
      %dma_start3A_70 = tpu.memref_slice %arg3[%dma_start3A_68, %dma_start3A_69] : memref<10000x128xf32, #tpu.memory_space<hbm>> -> memref<10000x128xf32, #tpu.memory_space<hbm>>
      tpu.enqueue_indirect_dma source(%dma_start3A_70 : memref<10000x128xf32, #tpu.memory_space<hbm>>) target(%arg13 : memref<128x128xf32, #tpu.memory_space<vmem>>) offsets(%dma_start3A_67 : memref<128xi32, #tpu.memory_space<vmem>>) semaphore(%arg15 : memref<!tpu.dma_semaphore, #tpu.memory_space<semaphore_mem>>)
      %dma_wait3A_71 = arith.constant 1 : i32
      %dma_wait3A_72 = arith.constant 0 : i32
      %dma_wait3A_73 = tpu.memref_slice %arg11[%dma_wait3A_71, %mul3A_16, %dma_wait3A_72] : memref<3x40x128xi32, #tpu.memory_space<vmem>> -> memref<1x1x128xi32, #tpu.memory_space<vmem>>
      %dma_wait3A_74 = tpu.memref_squeeze %dma_wait3A_73 : memref<1x1x128xi32, #tpu.memory_space<vmem>> -> memref<128xi32, #tpu.memory_space<vmem>>
      %dma_wait3A_75 = arith.constant 0 : i32
      %dma_wait3A_76 = arith.constant 0 : i32
      %dma_wait3A_77 = tpu.memref_slice %arg3[%dma_wait3A_75, %dma_wait3A_76] : memref<10000x128xf32, #tpu.memory_space<hbm>> -> memref<10000x128xf32, #tpu.memory_space<hbm>>
      tpu.wait_indirect_dma semaphore(%arg14 : memref<!tpu.dma_semaphore, #tpu.memory_space<semaphore_mem>>) src(%dma_wait3A_77 : memref<10000x128xf32, #tpu.memory_space<hbm>>) dst(%arg12 : memref<128x128xf32, #tpu.memory_space<vmem>>)
      %mul3A_78 = arith.constant 5120 : i32
      %mul3A_79 = arith.muli %add3A, %mul3A_78 : i32
      %mul3A_80 = arith.constant 128 : i32
      %mul3A_81 = arith.muli %mul3A_16, %mul3A_80 : i32
      %add3A_82 = arith.addi %mul3A_79, %mul3A_81 : i32
      "tpu.region"() ({
        %run_scoped3A_133 = tpu.sem_alloc : memref<!tpu.dma_semaphore, #tpu.memory_space<semaphore_mem>>
        %dma_start3A_134 = arith.constant 0 : i32
        %dma_start3A_135 = tpu.memref_slice %arg9[%add3A_82, %dma_start3A_134] : memref<163840x128xf32, #tpu.memory_space<hbm>> -> memref<128x128xf32, #tpu.memory_space<hbm>>
        %dma_start3A_136 = arith.constant 0 : i32
        %dma_start3A_137 = tpu.memref_slice %arg9[%add3A_82, %dma_start3A_136] : memref<163840x128xf32, #tpu.memory_space<hbm>> -> memref<128x128xf32, #tpu.memory_space<hbm>>
        tpu.enqueue_dma source(%arg12 : memref<128x128xf32, #tpu.memory_space<vmem>>) target(%dma_start3A_137 : memref<128x128xf32, #tpu.memory_space<hbm>>) target_semaphore(%run_scoped3A_133 : memref<!tpu.dma_semaphore, #tpu.memory_space<semaphore_mem>>)
        %dma_wait3A_138 = arith.constant 0 : i32
        %dma_wait3A_139 = tpu.memref_slice %arg9[%add3A_82, %dma_wait3A_138] : memref<163840x128xf32, #tpu.memory_space<hbm>> -> memref<128x128xf32, #tpu.memory_space<hbm>>
        %dma_wait3A_140 = arith.constant 0 : i32
        %dma_wait3A_141 = tpu.memref_slice %arg9[%add3A_82, %dma_wait3A_140] : memref<163840x128xf32, #tpu.memory_space<hbm>> -> memref<128x128xf32, #tpu.memory_space<hbm>>
        tpu.wait_dma2 semaphore(%run_scoped3A_133 : memref<!tpu.dma_semaphore, #tpu.memory_space<semaphore_mem>>) src(%arg12 : memref<128x128xf32, #tpu.memory_space<vmem>>) dst(%dma_wait3A_141 : memref<128x128xf32, #tpu.memory_space<hbm>>)
        tpu.yield
      }) : () -> ()
      %dma_wait3A_83 = arith.constant 1 : i32
      %dma_wait3A_84 = arith.constant 0 : i32
      %dma_wait3A_85 = tpu.memref_slice %arg11[%dma_wait3A_83, %add3A_20, %dma_wait3A_84] : memref<3x40x128xi32, #tpu.memory_space<vmem>> -> memref<1x1x128xi32, #tpu.memory_space<vmem>>
      %dma_wait3A_86 = tpu.memref_squeeze %dma_wait3A_85 : memref<1x1x128xi32, #tpu.memory_space<vmem>> -> memref<128xi32, #tpu.memory_space<vmem>>
      %dma_wait3A_87 = arith.constant 0 : i32
      %dma_wait3A_88 = arith.constant 0 : i32
      %dma_wait3A_89 = tpu.memref_slice %arg3[%dma_wait3A_87, %dma_wait3A_88] : memref<10000x128xf32, #tpu.memory_space<hbm>> -> memref<10000x128xf32, #tpu.memory_space<hbm>>
      tpu.wait_indirect_dma semaphore(%arg15 : memref<!tpu.dma_semaphore, #tpu.memory_space<semaphore_mem>>) src(%dma_wait3A_89 : memref<10000x128xf32, #tpu.memory_space<hbm>>) dst(%arg13 : memref<128x128xf32, #tpu.memory_space<vmem>>)
      %mul3A_90 = arith.constant 5120 : i32
      %mul3A_91 = arith.muli %add3A, %mul3A_90 : i32
      %mul3A_92 = arith.constant 128 : i32
      %mul3A_93 = arith.muli %add3A_20, %mul3A_92 : i32
      %add3A_94 = arith.addi %mul3A_91, %mul3A_93 : i32
      "tpu.region"() ({
        %run_scoped3A_133 = tpu.sem_alloc : memref<!tpu.dma_semaphore, #tpu.memory_space<semaphore_mem>>
        %dma_start3A_134 = arith.constant 0 : i32
        %dma_start3A_135 = tpu.memref_slice %arg9[%add3A_94, %dma_start3A_134] : memref<163840x128xf32, #tpu.memory_space<hbm>> -> memref<128x128xf32, #tpu.memory_space<hbm>>
        %dma_start3A_136 = arith.constant 0 : i32
        %dma_start3A_137 = tpu.memref_slice %arg9[%add3A_94, %dma_start3A_136] : memref<163840x128xf32, #tpu.memory_space<hbm>> -> memref<128x128xf32, #tpu.memory_space<hbm>>
        tpu.enqueue_dma source(%arg13 : memref<128x128xf32, #tpu.memory_space<vmem>>) target(%dma_start3A_137 : memref<128x128xf32, #tpu.memory_space<hbm>>) target_semaphore(%run_scoped3A_133 : memref<!tpu.dma_semaphore, #tpu.memory_space<semaphore_mem>>)
        %dma_wait3A_138 = arith.constant 0 : i32
        %dma_wait3A_139 = tpu.memref_slice %arg9[%add3A_94, %dma_wait3A_138] : memref<163840x128xf32, #tpu.memory_space<hbm>> -> memref<128x128xf32, #tpu.memory_space<hbm>>
        %dma_wait3A_140 = arith.constant 0 : i32
        %dma_wait3A_141 = tpu.memref_slice %arg9[%add3A_94, %dma_wait3A_140] : memref<163840x128xf32, #tpu.memory_space<hbm>> -> memref<128x128xf32, #tpu.memory_space<hbm>>
        tpu.wait_dma2 semaphore(%run_scoped3A_133 : memref<!tpu.dma_semaphore, #tpu.memory_space<semaphore_mem>>) src(%arg13 : memref<128x128xf32, #tpu.memory_space<vmem>>) dst(%dma_wait3A_141 : memref<128x128xf32, #tpu.memory_space<hbm>>)
        tpu.yield
      }) : () -> ()
      %dma_start3A_95 = arith.constant 2 : i32
      %dma_start3A_96 = arith.constant 0 : i32
      %dma_start3A_97 = tpu.memref_slice %arg11[%dma_start3A_95, %mul3A_16, %dma_start3A_96] : memref<3x40x128xi32, #tpu.memory_space<vmem>> -> memref<1x1x128xi32, #tpu.memory_space<vmem>>
      %dma_start3A_98 = tpu.memref_squeeze %dma_start3A_97 : memref<1x1x128xi32, #tpu.memory_space<vmem>> -> memref<128xi32, #tpu.memory_space<vmem>>
      %dma_start3A_99 = arith.constant 0 : i32
      %dma_start3A_100 = arith.constant 0 : i32
      %dma_start3A_101 = tpu.memref_slice %arg4[%dma_start3A_99, %dma_start3A_100] : memref<10000x128xf32, #tpu.memory_space<hbm>> -> memref<10000x128xf32, #tpu.memory_space<hbm>>
      tpu.enqueue_indirect_dma source(%dma_start3A_101 : memref<10000x128xf32, #tpu.memory_space<hbm>>) target(%arg12 : memref<128x128xf32, #tpu.memory_space<vmem>>) offsets(%dma_start3A_98 : memref<128xi32, #tpu.memory_space<vmem>>) semaphore(%arg14 : memref<!tpu.dma_semaphore, #tpu.memory_space<semaphore_mem>>)
      %dma_start3A_102 = arith.constant 2 : i32
      %dma_start3A_103 = arith.constant 0 : i32
      %dma_start3A_104 = tpu.memref_slice %arg11[%dma_start3A_102, %add3A_20, %dma_start3A_103] : memref<3x40x128xi32, #tpu.memory_space<vmem>> -> memref<1x1x128xi32, #tpu.memory_space<vmem>>
      %dma_start3A_105 = tpu.memref_squeeze %dma_start3A_104 : memref<1x1x128xi32, #tpu.memory_space<vmem>> -> memref<128xi32, #tpu.memory_space<vmem>>
      %dma_start3A_106 = arith.constant 0 : i32
      %dma_start3A_107 = arith.constant 0 : i32
      %dma_start3A_108 = tpu.memref_slice %arg4[%dma_start3A_106, %dma_start3A_107] : memref<10000x128xf32, #tpu.memory_space<hbm>> -> memref<10000x128xf32, #tpu.memory_space<hbm>>
      tpu.enqueue_indirect_dma source(%dma_start3A_108 : memref<10000x128xf32, #tpu.memory_space<hbm>>) target(%arg13 : memref<128x128xf32, #tpu.memory_space<vmem>>) offsets(%dma_start3A_105 : memref<128xi32, #tpu.memory_space<vmem>>) semaphore(%arg15 : memref<!tpu.dma_semaphore, #tpu.memory_space<semaphore_mem>>)
      %dma_wait3A_109 = arith.constant 2 : i32
      %dma_wait3A_110 = arith.constant 0 : i32
      %dma_wait3A_111 = tpu.memref_slice %arg11[%dma_wait3A_109, %mul3A_16, %dma_wait3A_110] : memref<3x40x128xi32, #tpu.memory_space<vmem>> -> memref<1x1x128xi32, #tpu.memory_space<vmem>>
      %dma_wait3A_112 = tpu.memref_squeeze %dma_wait3A_111 : memref<1x1x128xi32, #tpu.memory_space<vmem>> -> memref<128xi32, #tpu.memory_space<vmem>>
      %dma_wait3A_113 = arith.constant 0 : i32
      %dma_wait3A_114 = arith.constant 0 : i32
      %dma_wait3A_115 = tpu.memref_slice %arg4[%dma_wait3A_113, %dma_wait3A_114] : memref<10000x128xf32, #tpu.memory_space<hbm>> -> memref<10000x128xf32, #tpu.memory_space<hbm>>
      tpu.wait_indirect_dma semaphore(%arg14 : memref<!tpu.dma_semaphore, #tpu.memory_space<semaphore_mem>>) src(%dma_wait3A_115 : memref<10000x128xf32, #tpu.memory_space<hbm>>) dst(%arg12 : memref<128x128xf32, #tpu.memory_space<vmem>>)
      %mul3A_116 = arith.constant 5120 : i32
      %mul3A_117 = arith.muli %add3A, %mul3A_116 : i32
      %mul3A_118 = arith.constant 128 : i32
      %mul3A_119 = arith.muli %mul3A_16, %mul3A_118 : i32
      %add3A_120 = arith.addi %mul3A_117, %mul3A_119 : i32
      "tpu.region"() ({
        %run_scoped3A_133 = tpu.sem_alloc : memref<!tpu.dma_semaphore, #tpu.memory_space<semaphore_mem>>
        %dma_start3A_134 = arith.constant 0 : i32
        %dma_start3A_135 = tpu.memref_slice %arg10[%add3A_120, %dma_start3A_134] : memref<163840x128xf32, #tpu.memory_space<hbm>> -> memref<128x128xf32, #tpu.memory_space<hbm>>
        %dma_start3A_136 = arith.constant 0 : i32
        %dma_start3A_137 = tpu.memref_slice %arg10[%add3A_120, %dma_start3A_136] : memref<163840x128xf32, #tpu.memory_space<hbm>> -> memref<128x128xf32, #tpu.memory_space<hbm>>
        tpu.enqueue_dma source(%arg12 : memref<128x128xf32, #tpu.memory_space<vmem>>) target(%dma_start3A_137 : memref<128x128xf32, #tpu.memory_space<hbm>>) target_semaphore(%run_scoped3A_133 : memref<!tpu.dma_semaphore, #tpu.memory_space<semaphore_mem>>)
        %dma_wait3A_138 = arith.constant 0 : i32
        %dma_wait3A_139 = tpu.memref_slice %arg10[%add3A_120, %dma_wait3A_138] : memref<163840x128xf32, #tpu.memory_space<hbm>> -> memref<128x128xf32, #tpu.memory_space<hbm>>
        %dma_wait3A_140 = arith.constant 0 : i32
        %dma_wait3A_141 = tpu.memref_slice %arg10[%add3A_120, %dma_wait3A_140] : memref<163840x128xf32, #tpu.memory_space<hbm>> -> memref<128x128xf32, #tpu.memory_space<hbm>>
        tpu.wait_dma2 semaphore(%run_scoped3A_133 : memref<!tpu.dma_semaphore, #tpu.memory_space<semaphore_mem>>) src(%arg12 : memref<128x128xf32, #tpu.memory_space<vmem>>) dst(%dma_wait3A_141 : memref<128x128xf32, #tpu.memory_space<hbm>>)
        tpu.yield
      }) : () -> ()
      %dma_wait3A_121 = arith.constant 2 : i32
      %dma_wait3A_122 = arith.constant 0 : i32
      %dma_wait3A_123 = tpu.memref_slice %arg11[%dma_wait3A_121, %add3A_20, %dma_wait3A_122] : memref<3x40x128xi32, #tpu.memory_space<vmem>> -> memref<1x1x128xi32, #tpu.memory_space<vmem>>
      %dma_wait3A_124 = tpu.memref_squeeze %dma_wait3A_123 : memref<1x1x128xi32, #tpu.memory_space<vmem>> -> memref<128xi32, #tpu.memory_space<vmem>>
      %dma_wait3A_125 = arith.constant 0 : i32
      %dma_wait3A_126 = arith.constant 0 : i32
      %dma_wait3A_127 = tpu.memref_slice %arg4[%dma_wait3A_125, %dma_wait3A_126] : memref<10000x128xf32, #tpu.memory_space<hbm>> -> memref<10000x128xf32, #tpu.memory_space<hbm>>
      tpu.wait_indirect_dma semaphore(%arg15 : memref<!tpu.dma_semaphore, #tpu.memory_space<semaphore_mem>>) src(%dma_wait3A_127 : memref<10000x128xf32, #tpu.memory_space<hbm>>) dst(%arg13 : memref<128x128xf32, #tpu.memory_space<vmem>>)
      %mul3A_128 = arith.constant 5120 : i32
      %mul3A_129 = arith.muli %add3A, %mul3A_128 : i32
      %mul3A_130 = arith.constant 128 : i32
      %mul3A_131 = arith.muli %add3A_20, %mul3A_130 : i32
      %add3A_132 = arith.addi %mul3A_129, %mul3A_131 : i32
      "tpu.region"() ({
        %run_scoped3A_133 = tpu.sem_alloc : memref<!tpu.dma_semaphore, #tpu.memory_space<semaphore_mem>>
        %dma_start3A_134 = arith.constant 0 : i32
        %dma_start3A_135 = tpu.memref_slice %arg10[%add3A_132, %dma_start3A_134] : memref<163840x128xf32, #tpu.memory_space<hbm>> -> memref<128x128xf32, #tpu.memory_space<hbm>>
        %dma_start3A_136 = arith.constant 0 : i32
        %dma_start3A_137 = tpu.memref_slice %arg10[%add3A_132, %dma_start3A_136] : memref<163840x128xf32, #tpu.memory_space<hbm>> -> memref<128x128xf32, #tpu.memory_space<hbm>>
        tpu.enqueue_dma source(%arg13 : memref<128x128xf32, #tpu.memory_space<vmem>>) target(%dma_start3A_137 : memref<128x128xf32, #tpu.memory_space<hbm>>) target_semaphore(%run_scoped3A_133 : memref<!tpu.dma_semaphore, #tpu.memory_space<semaphore_mem>>)
        %dma_wait3A_138 = arith.constant 0 : i32
        %dma_wait3A_139 = tpu.memref_slice %arg10[%add3A_132, %dma_wait3A_138] : memref<163840x128xf32, #tpu.memory_space<hbm>> -> memref<128x128xf32, #tpu.memory_space<hbm>>
        %dma_wait3A_140 = arith.constant 0 : i32
        %dma_wait3A_141 = tpu.memref_slice %arg10[%add3A_132, %dma_wait3A_140] : memref<163840x128xf32, #tpu.memory_space<hbm>> -> memref<128x128xf32, #tpu.memory_space<hbm>>
        tpu.wait_dma2 semaphore(%run_scoped3A_133 : memref<!tpu.dma_semaphore, #tpu.memory_space<semaphore_mem>>) src(%arg13 : memref<128x128xf32, #tpu.memory_space<vmem>>) dst(%dma_wait3A_141 : memref<128x128xf32, #tpu.memory_space<hbm>>)
        tpu.yield
      }) : () -> ()
    }
    %scan3A_13 = arith.constant 20 : i32
    return
  }
}

#map = affine_map<(d0, d1) -> (0, 0)>
#map1 = affine_map<(d0, d1) -> (0, 0, 0)>
module attributes {stable_mosaic.version = 14 : i64} {
  func.func @body(%arg0: i32, %arg1: i32, %arg2: memref<163840x128xf32, #tpu.memory_space<hbm>>, %arg3: memref<1280x128xi32, #tpu.memory_space<hbm>>, %arg4: memref<10240x128xf32, #tpu.memory_space<hbm>>, %arg5: memref<2x10240x128xf32, #tpu.memory_space<hbm>>, %arg6: memref<40x128xi32, #tpu.memory_space<vmem>>, %arg7: memref<128x128xf32, #tpu.memory_space<vmem>>, %arg8: memref<10240x128xf32, #tpu.memory_space<vmem_shared>>, %arg9: memref<!tpu.dma_semaphore, #tpu.memory_space<semaphore_mem>>) attributes {dimension_semantics = [#tpu.dimension_semantics<core_parallel>, #tpu.dimension_semantics<subcore_parallel>], iteration_bounds = array<i64: 2, 16>, scalar_prefetch = 0 : i64, scratch_operands = 4 : i64, tpu.core_type = #tpu.core_type<sc_vector_subcore>, window_params = [{transform_indices = #map}, {transform_indices = #map}, {transform_indices = #map}, {transform_indices = #map1}]} {
    %mul3A = arith.constant 2 : i32
    %mul3A_0 = arith.muli %arg1, %mul3A : i32
    %add3A = arith.addi %mul3A_0, %arg0 : i32
    %mul3A_1 = arith.constant 640 : i32
    %mul3A_2 = arith.muli %arg1, %mul3A_1 : i32
    %mul3A_3 = arith.constant 640 : i32
    %mul3A_4 = arith.muli %arg1, %mul3A_3 : i32
    "tpu.region"() ({
      %run_scoped3A = tpu.sem_alloc : memref<!tpu.dma_semaphore, #tpu.memory_space<semaphore_mem>>
      %dma_start3A = arith.constant 0 : i32
      %dma_start3A_17 = tpu.memref_slice %arg8[%mul3A_4, %dma_start3A] : memref<10240x128xf32, #tpu.memory_space<vmem_shared>> -> memref<640x128xf32, #tpu.memory_space<vmem_shared>>
      %dma_start3A_18 = arith.constant 0 : i32
      %dma_start3A_19 = tpu.memref_slice %arg4[%mul3A_2, %dma_start3A_18] : memref<10240x128xf32, #tpu.memory_space<hbm>> -> memref<640x128xf32, #tpu.memory_space<hbm>>
      tpu.enqueue_dma source(%dma_start3A_19 : memref<640x128xf32, #tpu.memory_space<hbm>>) target(%dma_start3A_17 : memref<640x128xf32, #tpu.memory_space<vmem_shared>>) target_semaphore(%run_scoped3A : memref<!tpu.dma_semaphore, #tpu.memory_space<semaphore_mem>>)
      %dma_wait3A = arith.constant 0 : i32
      %dma_wait3A_20 = tpu.memref_slice %arg8[%mul3A_4, %dma_wait3A] : memref<10240x128xf32, #tpu.memory_space<vmem_shared>> -> memref<640x128xf32, #tpu.memory_space<vmem_shared>>
      %dma_wait3A_21 = arith.constant 0 : i32
      %dma_wait3A_22 = tpu.memref_slice %arg4[%mul3A_2, %dma_wait3A_21] : memref<10240x128xf32, #tpu.memory_space<hbm>> -> memref<640x128xf32, #tpu.memory_space<hbm>>
      tpu.wait_dma2 semaphore(%run_scoped3A : memref<!tpu.dma_semaphore, #tpu.memory_space<semaphore_mem>>) src(%dma_wait3A_22 : memref<640x128xf32, #tpu.memory_space<hbm>>) dst(%dma_wait3A_20 : memref<640x128xf32, #tpu.memory_space<vmem_shared>>)
      tpu.yield
    }) : () -> ()
    %mul3A_5 = arith.constant 40 : i32
    %mul3A_6 = arith.muli %add3A, %mul3A_5 : i32
    "tpu.region"() ({
      %run_scoped3A = tpu.sem_alloc : memref<!tpu.dma_semaphore, #tpu.memory_space<semaphore_mem>>
      %dma_start3A = arith.constant 0 : i32
      %dma_start3A_17 = tpu.memref_slice %arg3[%mul3A_6, %dma_start3A] : memref<1280x128xi32, #tpu.memory_space<hbm>> -> memref<40x128xi32, #tpu.memory_space<hbm>>
      %dma_start3A_18 = arith.constant 0 : i32
      %dma_start3A_19 = tpu.memref_slice %arg3[%mul3A_6, %dma_start3A_18] : memref<1280x128xi32, #tpu.memory_space<hbm>> -> memref<40x128xi32, #tpu.memory_space<hbm>>
      tpu.enqueue_dma source(%dma_start3A_19 : memref<40x128xi32, #tpu.memory_space<hbm>>) target(%arg6 : memref<40x128xi32, #tpu.memory_space<vmem>>) target_semaphore(%run_scoped3A : memref<!tpu.dma_semaphore, #tpu.memory_space<semaphore_mem>>)
      %dma_wait3A = arith.constant 0 : i32
      %dma_wait3A_20 = tpu.memref_slice %arg3[%mul3A_6, %dma_wait3A] : memref<1280x128xi32, #tpu.memory_space<hbm>> -> memref<40x128xi32, #tpu.memory_space<hbm>>
      %dma_wait3A_21 = arith.constant 0 : i32
      %dma_wait3A_22 = tpu.memref_slice %arg3[%mul3A_6, %dma_wait3A_21] : memref<1280x128xi32, #tpu.memory_space<hbm>> -> memref<40x128xi32, #tpu.memory_space<hbm>>
      tpu.wait_dma2 semaphore(%run_scoped3A : memref<!tpu.dma_semaphore, #tpu.memory_space<semaphore_mem>>) src(%dma_wait3A_22 : memref<40x128xi32, #tpu.memory_space<hbm>>) dst(%arg6 : memref<40x128xi32, #tpu.memory_space<vmem>>)
      tpu.yield
    }) : () -> ()
    %barrier3A = arith.constant 0 : index
    tpu.barrier barrier_id(%barrier3A)
    %scan3A = arith.constant 0 : i32
    %scan3A_7 = arith.constant 0 : i32
    %scan3A_8 = arith.constant 40 : i32
    %scan3A_9 = arith.addi %scan3A_7, %scan3A_8 : i32
    %scan3A_10 = arith.constant 1 : i32
    scf.for %scan3A_17 = %scan3A_7 to %scan3A_9 step %scan3A_10  : i32 {
      %mul3A_18 = arith.constant 5120 : i32
      %mul3A_19 = arith.muli %add3A, %mul3A_18 : i32
      %mul3A_20 = arith.constant 128 : i32
      %mul3A_21 = arith.muli %scan3A_17, %mul3A_20 : i32
      %add3A_22 = arith.addi %mul3A_19, %mul3A_21 : i32
      "tpu.region"() ({
        %run_scoped3A = tpu.sem_alloc : memref<!tpu.dma_semaphore, #tpu.memory_space<semaphore_mem>>
        %dma_start3A = arith.constant 0 : i32
        %dma_start3A_23 = tpu.memref_slice %arg2[%add3A_22, %dma_start3A] : memref<163840x128xf32, #tpu.memory_space<hbm>> -> memref<128x128xf32, #tpu.memory_space<hbm>>
        %dma_start3A_24 = arith.constant 0 : i32
        %dma_start3A_25 = tpu.memref_slice %arg2[%add3A_22, %dma_start3A_24] : memref<163840x128xf32, #tpu.memory_space<hbm>> -> memref<128x128xf32, #tpu.memory_space<hbm>>
        tpu.enqueue_dma source(%dma_start3A_25 : memref<128x128xf32, #tpu.memory_space<hbm>>) target(%arg7 : memref<128x128xf32, #tpu.memory_space<vmem>>) target_semaphore(%run_scoped3A : memref<!tpu.dma_semaphore, #tpu.memory_space<semaphore_mem>>)
        %dma_wait3A = arith.constant 0 : i32
        %dma_wait3A_26 = tpu.memref_slice %arg2[%add3A_22, %dma_wait3A] : memref<163840x128xf32, #tpu.memory_space<hbm>> -> memref<128x128xf32, #tpu.memory_space<hbm>>
        %dma_wait3A_27 = arith.constant 0 : i32
        %dma_wait3A_28 = tpu.memref_slice %arg2[%add3A_22, %dma_wait3A_27] : memref<163840x128xf32, #tpu.memory_space<hbm>> -> memref<128x128xf32, #tpu.memory_space<hbm>>
        tpu.wait_dma2 semaphore(%run_scoped3A : memref<!tpu.dma_semaphore, #tpu.memory_space<semaphore_mem>>) src(%dma_wait3A_28 : memref<128x128xf32, #tpu.memory_space<hbm>>) dst(%arg7 : memref<128x128xf32, #tpu.memory_space<vmem>>)
        tpu.yield
      }) : () -> ()
      "tpu.region"() ({
        %run_scoped3A = tpu.sem_alloc : memref<!tpu.dma_semaphore, #tpu.memory_space<semaphore_mem>>
        %dma_start3A = arith.constant 0 : i32
        %dma_start3A_23 = tpu.memref_slice %arg6[%scan3A_17, %dma_start3A] : memref<40x128xi32, #tpu.memory_space<vmem>> -> memref<1x128xi32, #tpu.memory_space<vmem>>
        %dma_start3A_24 = tpu.memref_squeeze %dma_start3A_23 : memref<1x128xi32, #tpu.memory_space<vmem>> -> memref<128xi32, #tpu.memory_space<vmem>>
        %dma_start3A_25 = arith.constant 0 : i32
        %dma_start3A_26 = arith.constant 0 : i32
        %dma_start3A_27 = tpu.memref_slice %arg8[%dma_start3A_25, %dma_start3A_26] : memref<10240x128xf32, #tpu.memory_space<vmem_shared>> -> memref<10240x128xf32, #tpu.memory_space<vmem_shared>>
        tpu.enqueue_indirect_dma source(%arg7 : memref<128x128xf32, #tpu.memory_space<vmem>>) target(%dma_start3A_27 : memref<10240x128xf32, #tpu.memory_space<vmem_shared>>) offsets(%dma_start3A_24 : memref<128xi32, #tpu.memory_space<vmem>>) semaphore(%run_scoped3A : memref<!tpu.dma_semaphore, #tpu.memory_space<semaphore_mem>>) {add = true}
        %dma_wait3A = arith.constant 0 : i32
        %dma_wait3A_28 = tpu.memref_slice %arg6[%scan3A_17, %dma_wait3A] : memref<40x128xi32, #tpu.memory_space<vmem>> -> memref<1x128xi32, #tpu.memory_space<vmem>>
        %dma_wait3A_29 = tpu.memref_squeeze %dma_wait3A_28 : memref<1x128xi32, #tpu.memory_space<vmem>> -> memref<128xi32, #tpu.memory_space<vmem>>
        %dma_wait3A_30 = arith.constant 0 : i32
        %dma_wait3A_31 = arith.constant 0 : i32
        %dma_wait3A_32 = tpu.memref_slice %arg8[%dma_wait3A_30, %dma_wait3A_31] : memref<10240x128xf32, #tpu.memory_space<vmem_shared>> -> memref<10240x128xf32, #tpu.memory_space<vmem_shared>>
        tpu.wait_indirect_dma semaphore(%run_scoped3A : memref<!tpu.dma_semaphore, #tpu.memory_space<semaphore_mem>>) src(%arg7 : memref<128x128xf32, #tpu.memory_space<vmem>>) dst(%dma_wait3A_32 : memref<10240x128xf32, #tpu.memory_space<vmem_shared>>)
        tpu.yield
      }) : () -> ()
    }
    %scan3A_11 = arith.constant 40 : i32
    %barrier3A_12 = arith.constant 0 : index
    tpu.barrier barrier_id(%barrier3A_12)
    %mul3A_13 = arith.constant 640 : i32
    %mul3A_14 = arith.muli %arg1, %mul3A_13 : i32
    %mul3A_15 = arith.constant 640 : i32
    %mul3A_16 = arith.muli %arg1, %mul3A_15 : i32
    "tpu.region"() ({
      %run_scoped3A = tpu.sem_alloc : memref<!tpu.dma_semaphore, #tpu.memory_space<semaphore_mem>>
      %dma_start3A = arith.constant 0 : i32
      %dma_start3A_17 = tpu.memref_slice %arg5[%arg0, %mul3A_16, %dma_start3A] : memref<2x10240x128xf32, #tpu.memory_space<hbm>> -> memref<1x640x128xf32, #tpu.memory_space<hbm>>
      %dma_start3A_18 = tpu.memref_squeeze %dma_start3A_17 : memref<1x640x128xf32, #tpu.memory_space<hbm>> -> memref<640x128xf32, #tpu.memory_space<hbm>>
      %dma_start3A_19 = arith.constant 0 : i32
      %dma_start3A_20 = tpu.memref_slice %arg8[%mul3A_14, %dma_start3A_19] : memref<10240x128xf32, #tpu.memory_space<vmem_shared>> -> memref<640x128xf32, #tpu.memory_space<vmem_shared>>
      tpu.enqueue_dma source(%dma_start3A_20 : memref<640x128xf32, #tpu.memory_space<vmem_shared>>) target(%dma_start3A_18 : memref<640x128xf32, #tpu.memory_space<hbm>>) target_semaphore(%run_scoped3A : memref<!tpu.dma_semaphore, #tpu.memory_space<semaphore_mem>>)
      %dma_wait3A = arith.constant 0 : i32
      %dma_wait3A_21 = tpu.memref_slice %arg5[%arg0, %mul3A_16, %dma_wait3A] : memref<2x10240x128xf32, #tpu.memory_space<hbm>> -> memref<1x640x128xf32, #tpu.memory_space<hbm>>
      %dma_wait3A_22 = tpu.memref_squeeze %dma_wait3A_21 : memref<1x640x128xf32, #tpu.memory_space<hbm>> -> memref<640x128xf32, #tpu.memory_space<hbm>>
      %dma_wait3A_23 = arith.constant 0 : i32
      %dma_wait3A_24 = tpu.memref_slice %arg8[%mul3A_14, %dma_wait3A_23] : memref<10240x128xf32, #tpu.memory_space<vmem_shared>> -> memref<640x128xf32, #tpu.memory_space<vmem_shared>>
      tpu.wait_dma2 semaphore(%run_scoped3A : memref<!tpu.dma_semaphore, #tpu.memory_space<semaphore_mem>>) src(%dma_wait3A_24 : memref<640x128xf32, #tpu.memory_space<vmem_shared>>) dst(%dma_wait3A_22 : memref<640x128xf32, #tpu.memory_space<hbm>>)
      tpu.yield
    }) : () -> ()
    return
  }
}

#map = affine_map<(d0, d1) -> (0, 0)>
module attributes {stable_mosaic.version = 14 : i64} {
  func.func @body(%arg0: i32, %arg1: i32, %arg2: memref<10000x128xf32, #tpu.memory_space<hbm>>, %arg3: memref<10000x128xf32, #tpu.memory_space<hbm>>, %arg4: memref<10000x128xf32, #tpu.memory_space<hbm>>, %arg5: memref<1280x128xi32, #tpu.memory_space<hbm>>, %arg6: memref<1280x128xi32, #tpu.memory_space<hbm>>, %arg7: memref<1280x128xi32, #tpu.memory_space<hbm>>, %arg8: memref<163840x128xf32, #tpu.memory_space<hbm>>, %arg9: memref<163840x128xf32, #tpu.memory_space<hbm>>, %arg10: memref<163840x128xf32, #tpu.memory_space<hbm>>, %arg11: memref<3x40x128xi32, #tpu.memory_space<vmem>>, %arg12: memref<128x128xf32, #tpu.memory_space<vmem>>, %arg13: memref<128x128xf32, #tpu.memory_space<vmem>>, %arg14: memref<!tpu.dma_semaphore, #tpu.memory_space<semaphore_mem>>, %arg15: memref<!tpu.dma_semaphore, #tpu.memory_space<semaphore_mem>>) attributes {dimension_semantics = [#tpu.dimension_semantics<core_parallel>, #tpu.dimension_semantics<subcore_parallel>], iteration_bounds = array<i64: 2, 16>, scalar_prefetch = 0 : i64, scratch_operands = 5 : i64, tpu.core_type = #tpu.core_type<sc_vector_subcore>, window_params = [{transform_indices = #map}, {transform_indices = #map}, {transform_indices = #map}, {transform_indices = #map}, {transform_indices = #map}, {transform_indices = #map}, {transform_indices = #map}, {transform_indices = #map}, {transform_indices = #map}]} {
    %mul3A = arith.constant 2 : i32
    %mul3A_0 = arith.muli %arg1, %mul3A : i32
    %add3A = arith.addi %mul3A_0, %arg0 : i32
    %mul3A_1 = arith.constant 40 : i32
    %mul3A_2 = arith.muli %add3A, %mul3A_1 : i32
    %run_scoped3A = arith.constant 0 : i32
    "tpu.region"() ({
      %run_scoped3A_14 = tpu.sem_alloc : memref<!tpu.dma_semaphore, #tpu.memory_space<semaphore_mem>>
      %dma_start3A = arith.constant 0 : i32
      %dma_start3A_15 = arith.constant 0 : i32
      %dma_start3A_16 = tpu.memref_slice %arg11[%run_scoped3A, %dma_start3A, %dma_start3A_15] : memref<3x40x128xi32, #tpu.memory_space<vmem>> -> memref<1x40x128xi32, #tpu.memory_space<vmem>>
      %dma_start3A_17 = tpu.memref_squeeze %dma_start3A_16 : memref<1x40x128xi32, #tpu.memory_space<vmem>> -> memref<40x128xi32, #tpu.memory_space<vmem>>
      %dma_start3A_18 = arith.constant 0 : i32
      %dma_start3A_19 = tpu.memref_slice %arg5[%mul3A_2, %dma_start3A_18] : memref<1280x128xi32, #tpu.memory_space<hbm>> -> memref<40x128xi32, #tpu.memory_space<hbm>>
      %dma_start3A_20 = arith.constant 0 : i32
      %dma_start3A_21 = arith.constant 0 : i32
      %dma_start3A_22 = tpu.memref_slice %arg11[%run_scoped3A, %dma_start3A_20, %dma_start3A_21] : memref<3x40x128xi32, #tpu.memory_space<vmem>> -> memref<1x40x128xi32, #tpu.memory_space<vmem>>
      %dma_start3A_23 = tpu.memref_squeeze %dma_start3A_22 : memref<1x40x128xi32, #tpu.memory_space<vmem>> -> memref<40x128xi32, #tpu.memory_space<vmem>>
      %dma_start3A_24 = arith.constant 0 : i32
      %dma_start3A_25 = tpu.memref_slice %arg5[%mul3A_2, %dma_start3A_24] : memref<1280x128xi32, #tpu.memory_space<hbm>> -> memref<40x128xi32, #tpu.memory_space<hbm>>
      tpu.enqueue_dma source(%dma_start3A_25 : memref<40x128xi32, #tpu.memory_space<hbm>>) target(%dma_start3A_23 : memref<40x128xi32, #tpu.memory_space<vmem>>) target_semaphore(%run_scoped3A_14 : memref<!tpu.dma_semaphore, #tpu.memory_space<semaphore_mem>>)
      %dma_wait3A = arith.constant 0 : i32
      %dma_wait3A_26 = arith.constant 0 : i32
      %dma_wait3A_27 = tpu.memref_slice %arg11[%run_scoped3A, %dma_wait3A, %dma_wait3A_26] : memref<3x40x128xi32, #tpu.memory_space<vmem>> -> memref<1x40x128xi32, #tpu.memory_space<vmem>>
      %dma_wait3A_28 = tpu.memref_squeeze %dma_wait3A_27 : memref<1x40x128xi32, #tpu.memory_space<vmem>> -> memref<40x128xi32, #tpu.memory_space<vmem>>
      %dma_wait3A_29 = arith.constant 0 : i32
      %dma_wait3A_30 = tpu.memref_slice %arg5[%mul3A_2, %dma_wait3A_29] : memref<1280x128xi32, #tpu.memory_space<hbm>> -> memref<40x128xi32, #tpu.memory_space<hbm>>
      %dma_wait3A_31 = arith.constant 0 : i32
      %dma_wait3A_32 = arith.constant 0 : i32
      %dma_wait3A_33 = tpu.memref_slice %arg11[%run_scoped3A, %dma_wait3A_31, %dma_wait3A_32] : memref<3x40x128xi32, #tpu.memory_space<vmem>> -> memref<1x40x128xi32, #tpu.memory_space<vmem>>
      %dma_wait3A_34 = tpu.memref_squeeze %dma_wait3A_33 : memref<1x40x128xi32, #tpu.memory_space<vmem>> -> memref<40x128xi32, #tpu.memory_space<vmem>>
      %dma_wait3A_35 = arith.constant 0 : i32
      %dma_wait3A_36 = tpu.memref_slice %arg5[%mul3A_2, %dma_wait3A_35] : memref<1280x128xi32, #tpu.memory_space<hbm>> -> memref<40x128xi32, #tpu.memory_space<hbm>>
      tpu.wait_dma2 semaphore(%run_scoped3A_14 : memref<!tpu.dma_semaphore, #tpu.memory_space<semaphore_mem>>) src(%dma_wait3A_36 : memref<40x128xi32, #tpu.memory_space<hbm>>) dst(%dma_wait3A_34 : memref<40x128xi32, #tpu.memory_space<vmem>>)
      tpu.yield
    }) : () -> ()
    %mul3A_3 = arith.constant 40 : i32
    %mul3A_4 = arith.muli %add3A, %mul3A_3 : i32
    %run_scoped3A_5 = arith.constant 1 : i32
    "tpu.region"() ({
      %run_scoped3A_14 = tpu.sem_alloc : memref<!tpu.dma_semaphore, #tpu.memory_space<semaphore_mem>>
      %dma_start3A = arith.constant 0 : i32
      %dma_start3A_15 = arith.constant 0 : i32
      %dma_start3A_16 = tpu.memref_slice %arg11[%run_scoped3A_5, %dma_start3A, %dma_start3A_15] : memref<3x40x128xi32, #tpu.memory_space<vmem>> -> memref<1x40x128xi32, #tpu.memory_space<vmem>>
      %dma_start3A_17 = tpu.memref_squeeze %dma_start3A_16 : memref<1x40x128xi32, #tpu.memory_space<vmem>> -> memref<40x128xi32, #tpu.memory_space<vmem>>
      %dma_start3A_18 = arith.constant 0 : i32
      %dma_start3A_19 = tpu.memref_slice %arg6[%mul3A_4, %dma_start3A_18] : memref<1280x128xi32, #tpu.memory_space<hbm>> -> memref<40x128xi32, #tpu.memory_space<hbm>>
      %dma_start3A_20 = arith.constant 0 : i32
      %dma_start3A_21 = arith.constant 0 : i32
      %dma_start3A_22 = tpu.memref_slice %arg11[%run_scoped3A_5, %dma_start3A_20, %dma_start3A_21] : memref<3x40x128xi32, #tpu.memory_space<vmem>> -> memref<1x40x128xi32, #tpu.memory_space<vmem>>
      %dma_start3A_23 = tpu.memref_squeeze %dma_start3A_22 : memref<1x40x128xi32, #tpu.memory_space<vmem>> -> memref<40x128xi32, #tpu.memory_space<vmem>>
      %dma_start3A_24 = arith.constant 0 : i32
      %dma_start3A_25 = tpu.memref_slice %arg6[%mul3A_4, %dma_start3A_24] : memref<1280x128xi32, #tpu.memory_space<hbm>> -> memref<40x128xi32, #tpu.memory_space<hbm>>
      tpu.enqueue_dma source(%dma_start3A_25 : memref<40x128xi32, #tpu.memory_space<hbm>>) target(%dma_start3A_23 : memref<40x128xi32, #tpu.memory_space<vmem>>) target_semaphore(%run_scoped3A_14 : memref<!tpu.dma_semaphore, #tpu.memory_space<semaphore_mem>>)
      %dma_wait3A = arith.constant 0 : i32
      %dma_wait3A_26 = arith.constant 0 : i32
      %dma_wait3A_27 = tpu.memref_slice %arg11[%run_scoped3A_5, %dma_wait3A, %dma_wait3A_26] : memref<3x40x128xi32, #tpu.memory_space<vmem>> -> memref<1x40x128xi32, #tpu.memory_space<vmem>>
      %dma_wait3A_28 = tpu.memref_squeeze %dma_wait3A_27 : memref<1x40x128xi32, #tpu.memory_space<vmem>> -> memref<40x128xi32, #tpu.memory_space<vmem>>
      %dma_wait3A_29 = arith.constant 0 : i32
      %dma_wait3A_30 = tpu.memref_slice %arg6[%mul3A_4, %dma_wait3A_29] : memref<1280x128xi32, #tpu.memory_space<hbm>> -> memref<40x128xi32, #tpu.memory_space<hbm>>
      %dma_wait3A_31 = arith.constant 0 : i32
      %dma_wait3A_32 = arith.constant 0 : i32
      %dma_wait3A_33 = tpu.memref_slice %arg11[%run_scoped3A_5, %dma_wait3A_31, %dma_wait3A_32] : memref<3x40x128xi32, #tpu.memory_space<vmem>> -> memref<1x40x128xi32, #tpu.memory_space<vmem>>
      %dma_wait3A_34 = tpu.memref_squeeze %dma_wait3A_33 : memref<1x40x128xi32, #tpu.memory_space<vmem>> -> memref<40x128xi32, #tpu.memory_space<vmem>>
      %dma_wait3A_35 = arith.constant 0 : i32
      %dma_wait3A_36 = tpu.memref_slice %arg6[%mul3A_4, %dma_wait3A_35] : memref<1280x128xi32, #tpu.memory_space<hbm>> -> memref<40x128xi32, #tpu.memory_space<hbm>>
      tpu.wait_dma2 semaphore(%run_scoped3A_14 : memref<!tpu.dma_semaphore, #tpu.memory_space<semaphore_mem>>) src(%dma_wait3A_36 : memref<40x128xi32, #tpu.memory_space<hbm>>) dst(%dma_wait3A_34 : memref<40x128xi32, #tpu.memory_space<vmem>>)
      tpu.yield
    }) : () -> ()
    %mul3A_6 = arith.constant 40 : i32
    %mul3A_7 = arith.muli %add3A, %mul3A_6 : i32
    %run_scoped3A_8 = arith.constant 2 : i32
    "tpu.region"() ({
      %run_scoped3A_14 = tpu.sem_alloc : memref<!tpu.dma_semaphore, #tpu.memory_space<semaphore_mem>>
      %dma_start3A = arith.constant 0 : i32
      %dma_start3A_15 = arith.constant 0 : i32
      %dma_start3A_16 = tpu.memref_slice %arg11[%run_scoped3A_8, %dma_start3A, %dma_start3A_15] : memref<3x40x128xi32, #tpu.memory_space<vmem>> -> memref<1x40x128xi32, #tpu.memory_space<vmem>>
      %dma_start3A_17 = tpu.memref_squeeze %dma_start3A_16 : memref<1x40x128xi32, #tpu.memory_space<vmem>> -> memref<40x128xi32, #tpu.memory_space<vmem>>
      %dma_start3A_18 = arith.constant 0 : i32
      %dma_start3A_19 = tpu.memref_slice %arg7[%mul3A_7, %dma_start3A_18] : memref<1280x128xi32, #tpu.memory_space<hbm>> -> memref<40x128xi32, #tpu.memory_space<hbm>>
      %dma_start3A_20 = arith.constant 0 : i32
      %dma_start3A_21 = arith.constant 0 : i32
      %dma_start3A_22 = tpu.memref_slice %arg11[%run_scoped3A_8, %dma_start3A_20, %dma_start3A_21] : memref<3x40x128xi32, #tpu.memory_space<vmem>> -> memref<1x40x128xi32, #tpu.memory_space<vmem>>
      %dma_start3A_23 = tpu.memref_squeeze %dma_start3A_22 : memref<1x40x128xi32, #tpu.memory_space<vmem>> -> memref<40x128xi32, #tpu.memory_space<vmem>>
      %dma_start3A_24 = arith.constant 0 : i32
      %dma_start3A_25 = tpu.memref_slice %arg7[%mul3A_7, %dma_start3A_24] : memref<1280x128xi32, #tpu.memory_space<hbm>> -> memref<40x128xi32, #tpu.memory_space<hbm>>
      tpu.enqueue_dma source(%dma_start3A_25 : memref<40x128xi32, #tpu.memory_space<hbm>>) target(%dma_start3A_23 : memref<40x128xi32, #tpu.memory_space<vmem>>) target_semaphore(%run_scoped3A_14 : memref<!tpu.dma_semaphore, #tpu.memory_space<semaphore_mem>>)
      %dma_wait3A = arith.constant 0 : i32
      %dma_wait3A_26 = arith.constant 0 : i32
      %dma_wait3A_27 = tpu.memref_slice %arg11[%run_scoped3A_8, %dma_wait3A, %dma_wait3A_26] : memref<3x40x128xi32, #tpu.memory_space<vmem>> -> memref<1x40x128xi32, #tpu.memory_space<vmem>>
      %dma_wait3A_28 = tpu.memref_squeeze %dma_wait3A_27 : memref<1x40x128xi32, #tpu.memory_space<vmem>> -> memref<40x128xi32, #tpu.memory_space<vmem>>
      %dma_wait3A_29 = arith.constant 0 : i32
      %dma_wait3A_30 = tpu.memref_slice %arg7[%mul3A_7, %dma_wait3A_29] : memref<1280x128xi32, #tpu.memory_space<hbm>> -> memref<40x128xi32, #tpu.memory_space<hbm>>
      %dma_wait3A_31 = arith.constant 0 : i32
      %dma_wait3A_32 = arith.constant 0 : i32
      %dma_wait3A_33 = tpu.memref_slice %arg11[%run_scoped3A_8, %dma_wait3A_31, %dma_wait3A_32] : memref<3x40x128xi32, #tpu.memory_space<vmem>> -> memref<1x40x128xi32, #tpu.memory_space<vmem>>
      %dma_wait3A_34 = tpu.memref_squeeze %dma_wait3A_33 : memref<1x40x128xi32, #tpu.memory_space<vmem>> -> memref<40x128xi32, #tpu.memory_space<vmem>>
      %dma_wait3A_35 = arith.constant 0 : i32
      %dma_wait3A_36 = tpu.memref_slice %arg7[%mul3A_7, %dma_wait3A_35] : memref<1280x128xi32, #tpu.memory_space<hbm>> -> memref<40x128xi32, #tpu.memory_space<hbm>>
      tpu.wait_dma2 semaphore(%run_scoped3A_14 : memref<!tpu.dma_semaphore, #tpu.memory_space<semaphore_mem>>) src(%dma_wait3A_36 : memref<40x128xi32, #tpu.memory_space<hbm>>) dst(%dma_wait3A_34 : memref<40x128xi32, #tpu.memory_space<vmem>>)
      tpu.yield
    }) : () -> ()
    %scan3A = arith.constant 0 : i32
    %scan3A_9 = arith.constant 0 : i32
    %scan3A_10 = arith.constant 20 : i32
    %scan3A_11 = arith.addi %scan3A_9, %scan3A_10 : i32
    %scan3A_12 = arith.constant 1 : i32
    scf.for %scan3A_14 = %scan3A_9 to %scan3A_11 step %scan3A_12  : i32 {
      %mul3A_15 = arith.constant 2 : i32
      %mul3A_16 = arith.muli %mul3A_15, %scan3A_14 : i32
      %mul3A_17 = arith.constant 2 : i32
      %mul3A_18 = arith.muli %mul3A_17, %scan3A_14 : i32
      %add3A_19 = arith.constant 1 : i32
      %add3A_20 = arith.addi %mul3A_18, %add3A_19 : i32
      %dma_start3A = arith.constant 0 : i32
      %dma_start3A_21 = arith.constant 0 : i32
      %dma_start3A_22 = tpu.memref_slice %arg11[%dma_start3A, %mul3A_16, %dma_start3A_21] : memref<3x40x128xi32, #tpu.memory_space<vmem>> -> memref<1x1x128xi32, #tpu.memory_space<vmem>>
      %dma_start3A_23 = tpu.memref_squeeze %dma_start3A_22 : memref<1x1x128xi32, #tpu.memory_space<vmem>> -> memref<128xi32, #tpu.memory_space<vmem>>
      %dma_start3A_24 = arith.constant 0 : i32
      %dma_start3A_25 = arith.constant 0 : i32
      %dma_start3A_26 = tpu.memref_slice %arg2[%dma_start3A_24, %dma_start3A_25] : memref<10000x128xf32, #tpu.memory_space<hbm>> -> memref<10000x128xf32, #tpu.memory_space<hbm>>
      tpu.enqueue_indirect_dma source(%dma_start3A_26 : memref<10000x128xf32, #tpu.memory_space<hbm>>) target(%arg12 : memref<128x128xf32, #tpu.memory_space<vmem>>) offsets(%dma_start3A_23 : memref<128xi32, #tpu.memory_space<vmem>>) semaphore(%arg14 : memref<!tpu.dma_semaphore, #tpu.memory_space<semaphore_mem>>)
      %dma_start3A_27 = arith.constant 0 : i32
      %dma_start3A_28 = arith.constant 0 : i32
      %dma_start3A_29 = tpu.memref_slice %arg11[%dma_start3A_27, %add3A_20, %dma_start3A_28] : memref<3x40x128xi32, #tpu.memory_space<vmem>> -> memref<1x1x128xi32, #tpu.memory_space<vmem>>
      %dma_start3A_30 = tpu.memref_squeeze %dma_start3A_29 : memref<1x1x128xi32, #tpu.memory_space<vmem>> -> memref<128xi32, #tpu.memory_space<vmem>>
      %dma_start3A_31 = arith.constant 0 : i32
      %dma_start3A_32 = arith.constant 0 : i32
      %dma_start3A_33 = tpu.memref_slice %arg2[%dma_start3A_31, %dma_start3A_32] : memref<10000x128xf32, #tpu.memory_space<hbm>> -> memref<10000x128xf32, #tpu.memory_space<hbm>>
      tpu.enqueue_indirect_dma source(%dma_start3A_33 : memref<10000x128xf32, #tpu.memory_space<hbm>>) target(%arg13 : memref<128x128xf32, #tpu.memory_space<vmem>>) offsets(%dma_start3A_30 : memref<128xi32, #tpu.memory_space<vmem>>) semaphore(%arg15 : memref<!tpu.dma_semaphore, #tpu.memory_space<semaphore_mem>>)
      %dma_wait3A = arith.constant 0 : i32
      %dma_wait3A_34 = arith.constant 0 : i32
      %dma_wait3A_35 = tpu.memref_slice %arg11[%dma_wait3A, %mul3A_16, %dma_wait3A_34] : memref<3x40x128xi32, #tpu.memory_space<vmem>> -> memref<1x1x128xi32, #tpu.memory_space<vmem>>
      %dma_wait3A_36 = tpu.memref_squeeze %dma_wait3A_35 : memref<1x1x128xi32, #tpu.memory_space<vmem>> -> memref<128xi32, #tpu.memory_space<vmem>>
      %dma_wait3A_37 = arith.constant 0 : i32
      %dma_wait3A_38 = arith.constant 0 : i32
      %dma_wait3A_39 = tpu.memref_slice %arg2[%dma_wait3A_37, %dma_wait3A_38] : memref<10000x128xf32, #tpu.memory_space<hbm>> -> memref<10000x128xf32, #tpu.memory_space<hbm>>
      tpu.wait_indirect_dma semaphore(%arg14 : memref<!tpu.dma_semaphore, #tpu.memory_space<semaphore_mem>>) src(%dma_wait3A_39 : memref<10000x128xf32, #tpu.memory_space<hbm>>) dst(%arg12 : memref<128x128xf32, #tpu.memory_space<vmem>>)
      %mul3A_40 = arith.constant 5120 : i32
      %mul3A_41 = arith.muli %add3A, %mul3A_40 : i32
      %mul3A_42 = arith.constant 128 : i32
      %mul3A_43 = arith.muli %mul3A_16, %mul3A_42 : i32
      %add3A_44 = arith.addi %mul3A_41, %mul3A_43 : i32
      "tpu.region"() ({
        %run_scoped3A_133 = tpu.sem_alloc : memref<!tpu.dma_semaphore, #tpu.memory_space<semaphore_mem>>
        %dma_start3A_134 = arith.constant 0 : i32
        %dma_start3A_135 = tpu.memref_slice %arg8[%add3A_44, %dma_start3A_134] : memref<163840x128xf32, #tpu.memory_space<hbm>> -> memref<128x128xf32, #tpu.memory_space<hbm>>
        %dma_start3A_136 = arith.constant 0 : i32
        %dma_start3A_137 = tpu.memref_slice %arg8[%add3A_44, %dma_start3A_136] : memref<163840x128xf32, #tpu.memory_space<hbm>> -> memref<128x128xf32, #tpu.memory_space<hbm>>
        tpu.enqueue_dma source(%arg12 : memref<128x128xf32, #tpu.memory_space<vmem>>) target(%dma_start3A_137 : memref<128x128xf32, #tpu.memory_space<hbm>>) target_semaphore(%run_scoped3A_133 : memref<!tpu.dma_semaphore, #tpu.memory_space<semaphore_mem>>)
        %dma_wait3A_138 = arith.constant 0 : i32
        %dma_wait3A_139 = tpu.memref_slice %arg8[%add3A_44, %dma_wait3A_138] : memref<163840x128xf32, #tpu.memory_space<hbm>> -> memref<128x128xf32, #tpu.memory_space<hbm>>
        %dma_wait3A_140 = arith.constant 0 : i32
        %dma_wait3A_141 = tpu.memref_slice %arg8[%add3A_44, %dma_wait3A_140] : memref<163840x128xf32, #tpu.memory_space<hbm>> -> memref<128x128xf32, #tpu.memory_space<hbm>>
        tpu.wait_dma2 semaphore(%run_scoped3A_133 : memref<!tpu.dma_semaphore, #tpu.memory_space<semaphore_mem>>) src(%arg12 : memref<128x128xf32, #tpu.memory_space<vmem>>) dst(%dma_wait3A_141 : memref<128x128xf32, #tpu.memory_space<hbm>>)
        tpu.yield
      }) : () -> ()
      %dma_wait3A_45 = arith.constant 0 : i32
      %dma_wait3A_46 = arith.constant 0 : i32
      %dma_wait3A_47 = tpu.memref_slice %arg11[%dma_wait3A_45, %add3A_20, %dma_wait3A_46] : memref<3x40x128xi32, #tpu.memory_space<vmem>> -> memref<1x1x128xi32, #tpu.memory_space<vmem>>
      %dma_wait3A_48 = tpu.memref_squeeze %dma_wait3A_47 : memref<1x1x128xi32, #tpu.memory_space<vmem>> -> memref<128xi32, #tpu.memory_space<vmem>>
      %dma_wait3A_49 = arith.constant 0 : i32
      %dma_wait3A_50 = arith.constant 0 : i32
      %dma_wait3A_51 = tpu.memref_slice %arg2[%dma_wait3A_49, %dma_wait3A_50] : memref<10000x128xf32, #tpu.memory_space<hbm>> -> memref<10000x128xf32, #tpu.memory_space<hbm>>
      tpu.wait_indirect_dma semaphore(%arg15 : memref<!tpu.dma_semaphore, #tpu.memory_space<semaphore_mem>>) src(%dma_wait3A_51 : memref<10000x128xf32, #tpu.memory_space<hbm>>) dst(%arg13 : memref<128x128xf32, #tpu.memory_space<vmem>>)
      %mul3A_52 = arith.constant 5120 : i32
      %mul3A_53 = arith.muli %add3A, %mul3A_52 : i32
      %mul3A_54 = arith.constant 128 : i32
      %mul3A_55 = arith.muli %add3A_20, %mul3A_54 : i32
      %add3A_56 = arith.addi %mul3A_53, %mul3A_55 : i32
      "tpu.region"() ({
        %run_scoped3A_133 = tpu.sem_alloc : memref<!tpu.dma_semaphore, #tpu.memory_space<semaphore_mem>>
        %dma_start3A_134 = arith.constant 0 : i32
        %dma_start3A_135 = tpu.memref_slice %arg8[%add3A_56, %dma_start3A_134] : memref<163840x128xf32, #tpu.memory_space<hbm>> -> memref<128x128xf32, #tpu.memory_space<hbm>>
        %dma_start3A_136 = arith.constant 0 : i32
        %dma_start3A_137 = tpu.memref_slice %arg8[%add3A_56, %dma_start3A_136] : memref<163840x128xf32, #tpu.memory_space<hbm>> -> memref<128x128xf32, #tpu.memory_space<hbm>>
        tpu.enqueue_dma source(%arg13 : memref<128x128xf32, #tpu.memory_space<vmem>>) target(%dma_start3A_137 : memref<128x128xf32, #tpu.memory_space<hbm>>) target_semaphore(%run_scoped3A_133 : memref<!tpu.dma_semaphore, #tpu.memory_space<semaphore_mem>>)
        %dma_wait3A_138 = arith.constant 0 : i32
        %dma_wait3A_139 = tpu.memref_slice %arg8[%add3A_56, %dma_wait3A_138] : memref<163840x128xf32, #tpu.memory_space<hbm>> -> memref<128x128xf32, #tpu.memory_space<hbm>>
        %dma_wait3A_140 = arith.constant 0 : i32
        %dma_wait3A_141 = tpu.memref_slice %arg8[%add3A_56, %dma_wait3A_140] : memref<163840x128xf32, #tpu.memory_space<hbm>> -> memref<128x128xf32, #tpu.memory_space<hbm>>
        tpu.wait_dma2 semaphore(%run_scoped3A_133 : memref<!tpu.dma_semaphore, #tpu.memory_space<semaphore_mem>>) src(%arg13 : memref<128x128xf32, #tpu.memory_space<vmem>>) dst(%dma_wait3A_141 : memref<128x128xf32, #tpu.memory_space<hbm>>)
        tpu.yield
      }) : () -> ()
      %dma_start3A_57 = arith.constant 1 : i32
      %dma_start3A_58 = arith.constant 0 : i32
      %dma_start3A_59 = tpu.memref_slice %arg11[%dma_start3A_57, %mul3A_16, %dma_start3A_58] : memref<3x40x128xi32, #tpu.memory_space<vmem>> -> memref<1x1x128xi32, #tpu.memory_space<vmem>>
      %dma_start3A_60 = tpu.memref_squeeze %dma_start3A_59 : memref<1x1x128xi32, #tpu.memory_space<vmem>> -> memref<128xi32, #tpu.memory_space<vmem>>
      %dma_start3A_61 = arith.constant 0 : i32
      %dma_start3A_62 = arith.constant 0 : i32
      %dma_start3A_63 = tpu.memref_slice %arg3[%dma_start3A_61, %dma_start3A_62] : memref<10000x128xf32, #tpu.memory_space<hbm>> -> memref<10000x128xf32, #tpu.memory_space<hbm>>
      tpu.enqueue_indirect_dma source(%dma_start3A_63 : memref<10000x128xf32, #tpu.memory_space<hbm>>) target(%arg12 : memref<128x128xf32, #tpu.memory_space<vmem>>) offsets(%dma_start3A_60 : memref<128xi32, #tpu.memory_space<vmem>>) semaphore(%arg14 : memref<!tpu.dma_semaphore, #tpu.memory_space<semaphore_mem>>)
      %dma_start3A_64 = arith.constant 1 : i32
      %dma_start3A_65 = arith.constant 0 : i32
      %dma_start3A_66 = tpu.memref_slice %arg11[%dma_start3A_64, %add3A_20, %dma_start3A_65] : memref<3x40x128xi32, #tpu.memory_space<vmem>> -> memref<1x1x128xi32, #tpu.memory_space<vmem>>
      %dma_start3A_67 = tpu.memref_squeeze %dma_start3A_66 : memref<1x1x128xi32, #tpu.memory_space<vmem>> -> memref<128xi32, #tpu.memory_space<vmem>>
      %dma_start3A_68 = arith.constant 0 : i32
      %dma_start3A_69 = arith.constant 0 : i32
      %dma_start3A_70 = tpu.memref_slice %arg3[%dma_start3A_68, %dma_start3A_69] : memref<10000x128xf32, #tpu.memory_space<hbm>> -> memref<10000x128xf32, #tpu.memory_space<hbm>>
      tpu.enqueue_indirect_dma source(%dma_start3A_70 : memref<10000x128xf32, #tpu.memory_space<hbm>>) target(%arg13 : memref<128x128xf32, #tpu.memory_space<vmem>>) offsets(%dma_start3A_67 : memref<128xi32, #tpu.memory_space<vmem>>) semaphore(%arg15 : memref<!tpu.dma_semaphore, #tpu.memory_space<semaphore_mem>>)
      %dma_wait3A_71 = arith.constant 1 : i32
      %dma_wait3A_72 = arith.constant 0 : i32
      %dma_wait3A_73 = tpu.memref_slice %arg11[%dma_wait3A_71, %mul3A_16, %dma_wait3A_72] : memref<3x40x128xi32, #tpu.memory_space<vmem>> -> memref<1x1x128xi32, #tpu.memory_space<vmem>>
      %dma_wait3A_74 = tpu.memref_squeeze %dma_wait3A_73 : memref<1x1x128xi32, #tpu.memory_space<vmem>> -> memref<128xi32, #tpu.memory_space<vmem>>
      %dma_wait3A_75 = arith.constant 0 : i32
      %dma_wait3A_76 = arith.constant 0 : i32
      %dma_wait3A_77 = tpu.memref_slice %arg3[%dma_wait3A_75, %dma_wait3A_76] : memref<10000x128xf32, #tpu.memory_space<hbm>> -> memref<10000x128xf32, #tpu.memory_space<hbm>>
      tpu.wait_indirect_dma semaphore(%arg14 : memref<!tpu.dma_semaphore, #tpu.memory_space<semaphore_mem>>) src(%dma_wait3A_77 : memref<10000x128xf32, #tpu.memory_space<hbm>>) dst(%arg12 : memref<128x128xf32, #tpu.memory_space<vmem>>)
      %mul3A_78 = arith.constant 5120 : i32
      %mul3A_79 = arith.muli %add3A, %mul3A_78 : i32
      %mul3A_80 = arith.constant 128 : i32
      %mul3A_81 = arith.muli %mul3A_16, %mul3A_80 : i32
      %add3A_82 = arith.addi %mul3A_79, %mul3A_81 : i32
      "tpu.region"() ({
        %run_scoped3A_133 = tpu.sem_alloc : memref<!tpu.dma_semaphore, #tpu.memory_space<semaphore_mem>>
        %dma_start3A_134 = arith.constant 0 : i32
        %dma_start3A_135 = tpu.memref_slice %arg9[%add3A_82, %dma_start3A_134] : memref<163840x128xf32, #tpu.memory_space<hbm>> -> memref<128x128xf32, #tpu.memory_space<hbm>>
        %dma_start3A_136 = arith.constant 0 : i32
        %dma_start3A_137 = tpu.memref_slice %arg9[%add3A_82, %dma_start3A_136] : memref<163840x128xf32, #tpu.memory_space<hbm>> -> memref<128x128xf32, #tpu.memory_space<hbm>>
        tpu.enqueue_dma source(%arg12 : memref<128x128xf32, #tpu.memory_space<vmem>>) target(%dma_start3A_137 : memref<128x128xf32, #tpu.memory_space<hbm>>) target_semaphore(%run_scoped3A_133 : memref<!tpu.dma_semaphore, #tpu.memory_space<semaphore_mem>>)
        %dma_wait3A_138 = arith.constant 0 : i32
        %dma_wait3A_139 = tpu.memref_slice %arg9[%add3A_82, %dma_wait3A_138] : memref<163840x128xf32, #tpu.memory_space<hbm>> -> memref<128x128xf32, #tpu.memory_space<hbm>>
        %dma_wait3A_140 = arith.constant 0 : i32
        %dma_wait3A_141 = tpu.memref_slice %arg9[%add3A_82, %dma_wait3A_140] : memref<163840x128xf32, #tpu.memory_space<hbm>> -> memref<128x128xf32, #tpu.memory_space<hbm>>
        tpu.wait_dma2 semaphore(%run_scoped3A_133 : memref<!tpu.dma_semaphore, #tpu.memory_space<semaphore_mem>>) src(%arg12 : memref<128x128xf32, #tpu.memory_space<vmem>>) dst(%dma_wait3A_141 : memref<128x128xf32, #tpu.memory_space<hbm>>)
        tpu.yield
      }) : () -> ()
      %dma_wait3A_83 = arith.constant 1 : i32
      %dma_wait3A_84 = arith.constant 0 : i32
      %dma_wait3A_85 = tpu.memref_slice %arg11[%dma_wait3A_83, %add3A_20, %dma_wait3A_84] : memref<3x40x128xi32, #tpu.memory_space<vmem>> -> memref<1x1x128xi32, #tpu.memory_space<vmem>>
      %dma_wait3A_86 = tpu.memref_squeeze %dma_wait3A_85 : memref<1x1x128xi32, #tpu.memory_space<vmem>> -> memref<128xi32, #tpu.memory_space<vmem>>
      %dma_wait3A_87 = arith.constant 0 : i32
      %dma_wait3A_88 = arith.constant 0 : i32
      %dma_wait3A_89 = tpu.memref_slice %arg3[%dma_wait3A_87, %dma_wait3A_88] : memref<10000x128xf32, #tpu.memory_space<hbm>> -> memref<10000x128xf32, #tpu.memory_space<hbm>>
      tpu.wait_indirect_dma semaphore(%arg15 : memref<!tpu.dma_semaphore, #tpu.memory_space<semaphore_mem>>) src(%dma_wait3A_89 : memref<10000x128xf32, #tpu.memory_space<hbm>>) dst(%arg13 : memref<128x128xf32, #tpu.memory_space<vmem>>)
      %mul3A_90 = arith.constant 5120 : i32
      %mul3A_91 = arith.muli %add3A, %mul3A_90 : i32
      %mul3A_92 = arith.constant 128 : i32
      %mul3A_93 = arith.muli %add3A_20, %mul3A_92 : i32
      %add3A_94 = arith.addi %mul3A_91, %mul3A_93 : i32
      "tpu.region"() ({
        %run_scoped3A_133 = tpu.sem_alloc : memref<!tpu.dma_semaphore, #tpu.memory_space<semaphore_mem>>
        %dma_start3A_134 = arith.constant 0 : i32
        %dma_start3A_135 = tpu.memref_slice %arg9[%add3A_94, %dma_start3A_134] : memref<163840x128xf32, #tpu.memory_space<hbm>> -> memref<128x128xf32, #tpu.memory_space<hbm>>
        %dma_start3A_136 = arith.constant 0 : i32
        %dma_start3A_137 = tpu.memref_slice %arg9[%add3A_94, %dma_start3A_136] : memref<163840x128xf32, #tpu.memory_space<hbm>> -> memref<128x128xf32, #tpu.memory_space<hbm>>
        tpu.enqueue_dma source(%arg13 : memref<128x128xf32, #tpu.memory_space<vmem>>) target(%dma_start3A_137 : memref<128x128xf32, #tpu.memory_space<hbm>>) target_semaphore(%run_scoped3A_133 : memref<!tpu.dma_semaphore, #tpu.memory_space<semaphore_mem>>)
        %dma_wait3A_138 = arith.constant 0 : i32
        %dma_wait3A_139 = tpu.memref_slice %arg9[%add3A_94, %dma_wait3A_138] : memref<163840x128xf32, #tpu.memory_space<hbm>> -> memref<128x128xf32, #tpu.memory_space<hbm>>
        %dma_wait3A_140 = arith.constant 0 : i32
        %dma_wait3A_141 = tpu.memref_slice %arg9[%add3A_94, %dma_wait3A_140] : memref<163840x128xf32, #tpu.memory_space<hbm>> -> memref<128x128xf32, #tpu.memory_space<hbm>>
        tpu.wait_dma2 semaphore(%run_scoped3A_133 : memref<!tpu.dma_semaphore, #tpu.memory_space<semaphore_mem>>) src(%arg13 : memref<128x128xf32, #tpu.memory_space<vmem>>) dst(%dma_wait3A_141 : memref<128x128xf32, #tpu.memory_space<hbm>>)
        tpu.yield
      }) : () -> ()
      %dma_start3A_95 = arith.constant 2 : i32
      %dma_start3A_96 = arith.constant 0 : i32
      %dma_start3A_97 = tpu.memref_slice %arg11[%dma_start3A_95, %mul3A_16, %dma_start3A_96] : memref<3x40x128xi32, #tpu.memory_space<vmem>> -> memref<1x1x128xi32, #tpu.memory_space<vmem>>
      %dma_start3A_98 = tpu.memref_squeeze %dma_start3A_97 : memref<1x1x128xi32, #tpu.memory_space<vmem>> -> memref<128xi32, #tpu.memory_space<vmem>>
      %dma_start3A_99 = arith.constant 0 : i32
      %dma_start3A_100 = arith.constant 0 : i32
      %dma_start3A_101 = tpu.memref_slice %arg4[%dma_start3A_99, %dma_start3A_100] : memref<10000x128xf32, #tpu.memory_space<hbm>> -> memref<10000x128xf32, #tpu.memory_space<hbm>>
      tpu.enqueue_indirect_dma source(%dma_start3A_101 : memref<10000x128xf32, #tpu.memory_space<hbm>>) target(%arg12 : memref<128x128xf32, #tpu.memory_space<vmem>>) offsets(%dma_start3A_98 : memref<128xi32, #tpu.memory_space<vmem>>) semaphore(%arg14 : memref<!tpu.dma_semaphore, #tpu.memory_space<semaphore_mem>>)
      %dma_start3A_102 = arith.constant 2 : i32
      %dma_start3A_103 = arith.constant 0 : i32
      %dma_start3A_104 = tpu.memref_slice %arg11[%dma_start3A_102, %add3A_20, %dma_start3A_103] : memref<3x40x128xi32, #tpu.memory_space<vmem>> -> memref<1x1x128xi32, #tpu.memory_space<vmem>>
      %dma_start3A_105 = tpu.memref_squeeze %dma_start3A_104 : memref<1x1x128xi32, #tpu.memory_space<vmem>> -> memref<128xi32, #tpu.memory_space<vmem>>
      %dma_start3A_106 = arith.constant 0 : i32
      %dma_start3A_107 = arith.constant 0 : i32
      %dma_start3A_108 = tpu.memref_slice %arg4[%dma_start3A_106, %dma_start3A_107] : memref<10000x128xf32, #tpu.memory_space<hbm>> -> memref<10000x128xf32, #tpu.memory_space<hbm>>
      tpu.enqueue_indirect_dma source(%dma_start3A_108 : memref<10000x128xf32, #tpu.memory_space<hbm>>) target(%arg13 : memref<128x128xf32, #tpu.memory_space<vmem>>) offsets(%dma_start3A_105 : memref<128xi32, #tpu.memory_space<vmem>>) semaphore(%arg15 : memref<!tpu.dma_semaphore, #tpu.memory_space<semaphore_mem>>)
      %dma_wait3A_109 = arith.constant 2 : i32
      %dma_wait3A_110 = arith.constant 0 : i32
      %dma_wait3A_111 = tpu.memref_slice %arg11[%dma_wait3A_109, %mul3A_16, %dma_wait3A_110] : memref<3x40x128xi32, #tpu.memory_space<vmem>> -> memref<1x1x128xi32, #tpu.memory_space<vmem>>
      %dma_wait3A_112 = tpu.memref_squeeze %dma_wait3A_111 : memref<1x1x128xi32, #tpu.memory_space<vmem>> -> memref<128xi32, #tpu.memory_space<vmem>>
      %dma_wait3A_113 = arith.constant 0 : i32
      %dma_wait3A_114 = arith.constant 0 : i32
      %dma_wait3A_115 = tpu.memref_slice %arg4[%dma_wait3A_113, %dma_wait3A_114] : memref<10000x128xf32, #tpu.memory_space<hbm>> -> memref<10000x128xf32, #tpu.memory_space<hbm>>
      tpu.wait_indirect_dma semaphore(%arg14 : memref<!tpu.dma_semaphore, #tpu.memory_space<semaphore_mem>>) src(%dma_wait3A_115 : memref<10000x128xf32, #tpu.memory_space<hbm>>) dst(%arg12 : memref<128x128xf32, #tpu.memory_space<vmem>>)
      %mul3A_116 = arith.constant 5120 : i32
      %mul3A_117 = arith.muli %add3A, %mul3A_116 : i32
      %mul3A_118 = arith.constant 128 : i32
      %mul3A_119 = arith.muli %mul3A_16, %mul3A_118 : i32
      %add3A_120 = arith.addi %mul3A_117, %mul3A_119 : i32
      "tpu.region"() ({
        %run_scoped3A_133 = tpu.sem_alloc : memref<!tpu.dma_semaphore, #tpu.memory_space<semaphore_mem>>
        %dma_start3A_134 = arith.constant 0 : i32
        %dma_start3A_135 = tpu.memref_slice %arg10[%add3A_120, %dma_start3A_134] : memref<163840x128xf32, #tpu.memory_space<hbm>> -> memref<128x128xf32, #tpu.memory_space<hbm>>
        %dma_start3A_136 = arith.constant 0 : i32
        %dma_start3A_137 = tpu.memref_slice %arg10[%add3A_120, %dma_start3A_136] : memref<163840x128xf32, #tpu.memory_space<hbm>> -> memref<128x128xf32, #tpu.memory_space<hbm>>
        tpu.enqueue_dma source(%arg12 : memref<128x128xf32, #tpu.memory_space<vmem>>) target(%dma_start3A_137 : memref<128x128xf32, #tpu.memory_space<hbm>>) target_semaphore(%run_scoped3A_133 : memref<!tpu.dma_semaphore, #tpu.memory_space<semaphore_mem>>)
        %dma_wait3A_138 = arith.constant 0 : i32
        %dma_wait3A_139 = tpu.memref_slice %arg10[%add3A_120, %dma_wait3A_138] : memref<163840x128xf32, #tpu.memory_space<hbm>> -> memref<128x128xf32, #tpu.memory_space<hbm>>
        %dma_wait3A_140 = arith.constant 0 : i32
        %dma_wait3A_141 = tpu.memref_slice %arg10[%add3A_120, %dma_wait3A_140] : memref<163840x128xf32, #tpu.memory_space<hbm>> -> memref<128x128xf32, #tpu.memory_space<hbm>>
        tpu.wait_dma2 semaphore(%run_scoped3A_133 : memref<!tpu.dma_semaphore, #tpu.memory_space<semaphore_mem>>) src(%arg12 : memref<128x128xf32, #tpu.memory_space<vmem>>) dst(%dma_wait3A_141 : memref<128x128xf32, #tpu.memory_space<hbm>>)
        tpu.yield
      }) : () -> ()
      %dma_wait3A_121 = arith.constant 2 : i32
      %dma_wait3A_122 = arith.constant 0 : i32
      %dma_wait3A_123 = tpu.memref_slice %arg11[%dma_wait3A_121, %add3A_20, %dma_wait3A_122] : memref<3x40x128xi32, #tpu.memory_space<vmem>> -> memref<1x1x128xi32, #tpu.memory_space<vmem>>
      %dma_wait3A_124 = tpu.memref_squeeze %dma_wait3A_123 : memref<1x1x128xi32, #tpu.memory_space<vmem>> -> memref<128xi32, #tpu.memory_space<vmem>>
      %dma_wait3A_125 = arith.constant 0 : i32
      %dma_wait3A_126 = arith.constant 0 : i32
      %dma_wait3A_127 = tpu.memref_slice %arg4[%dma_wait3A_125, %dma_wait3A_126] : memref<10000x128xf32, #tpu.memory_space<hbm>> -> memref<10000x128xf32, #tpu.memory_space<hbm>>
      tpu.wait_indirect_dma semaphore(%arg15 : memref<!tpu.dma_semaphore, #tpu.memory_space<semaphore_mem>>) src(%dma_wait3A_127 : memref<10000x128xf32, #tpu.memory_space<hbm>>) dst(%arg13 : memref<128x128xf32, #tpu.memory_space<vmem>>)
      %mul3A_128 = arith.constant 5120 : i32
      %mul3A_129 = arith.muli %add3A, %mul3A_128 : i32
      %mul3A_130 = arith.constant 128 : i32
      %mul3A_131 = arith.muli %add3A_20, %mul3A_130 : i32
      %add3A_132 = arith.addi %mul3A_129, %mul3A_131 : i32
      "tpu.region"() ({
        %run_scoped3A_133 = tpu.sem_alloc : memref<!tpu.dma_semaphore, #tpu.memory_space<semaphore_mem>>
        %dma_start3A_134 = arith.constant 0 : i32
        %dma_start3A_135 = tpu.memref_slice %arg10[%add3A_132, %dma_start3A_134] : memref<163840x128xf32, #tpu.memory_space<hbm>> -> memref<128x128xf32, #tpu.memory_space<hbm>>
        %dma_start3A_136 = arith.constant 0 : i32
        %dma_start3A_137 = tpu.memref_slice %arg10[%add3A_132, %dma_start3A_136] : memref<163840x128xf32, #tpu.memory_space<hbm>> -> memref<128x128xf32, #tpu.memory_space<hbm>>
        tpu.enqueue_dma source(%arg13 : memref<128x128xf32, #tpu.memory_space<vmem>>) target(%dma_start3A_137 : memref<128x128xf32, #tpu.memory_space<hbm>>) target_semaphore(%run_scoped3A_133 : memref<!tpu.dma_semaphore, #tpu.memory_space<semaphore_mem>>)
        %dma_wait3A_138 = arith.constant 0 : i32
        %dma_wait3A_139 = tpu.memref_slice %arg10[%add3A_132, %dma_wait3A_138] : memref<163840x128xf32, #tpu.memory_space<hbm>> -> memref<128x128xf32, #tpu.memory_space<hbm>>
        %dma_wait3A_140 = arith.constant 0 : i32
        %dma_wait3A_141 = tpu.memref_slice %arg10[%add3A_132, %dma_wait3A_140] : memref<163840x128xf32, #tpu.memory_space<hbm>> -> memref<128x128xf32, #tpu.memory_space<hbm>>
        tpu.wait_dma2 semaphore(%run_scoped3A_133 : memref<!tpu.dma_semaphore, #tpu.memory_space<semaphore_mem>>) src(%arg13 : memref<128x128xf32, #tpu.memory_space<vmem>>) dst(%dma_wait3A_141 : memref<128x128xf32, #tpu.memory_space<hbm>>)
        tpu.yield
      }) : () -> ()
    }
    %scan3A_13 = arith.constant 20 : i32
    return
  }
}

#map = affine_map<(d0, d1) -> (0, 0)>
#map1 = affine_map<(d0, d1) -> (0, 0, 0)>
module attributes {stable_mosaic.version = 14 : i64} {
  func.func @body(%arg0: i32, %arg1: i32, %arg2: memref<163840x128xf32, #tpu.memory_space<hbm>>, %arg3: memref<1280x128xi32, #tpu.memory_space<hbm>>, %arg4: memref<10240x128xf32, #tpu.memory_space<hbm>>, %arg5: memref<2x10240x128xf32, #tpu.memory_space<hbm>>, %arg6: memref<40x128xi32, #tpu.memory_space<vmem>>, %arg7: memref<128x128xf32, #tpu.memory_space<vmem>>, %arg8: memref<10240x128xf32, #tpu.memory_space<vmem_shared>>, %arg9: memref<!tpu.dma_semaphore, #tpu.memory_space<semaphore_mem>>) attributes {dimension_semantics = [#tpu.dimension_semantics<core_parallel>, #tpu.dimension_semantics<subcore_parallel>], iteration_bounds = array<i64: 2, 16>, scalar_prefetch = 0 : i64, scratch_operands = 4 : i64, tpu.core_type = #tpu.core_type<sc_vector_subcore>, window_params = [{transform_indices = #map}, {transform_indices = #map}, {transform_indices = #map}, {transform_indices = #map1}]} {
    %mul3A = arith.constant 2 : i32
    %mul3A_0 = arith.muli %arg1, %mul3A : i32
    %add3A = arith.addi %mul3A_0, %arg0 : i32
    %mul3A_1 = arith.constant 640 : i32
    %mul3A_2 = arith.muli %arg1, %mul3A_1 : i32
    %mul3A_3 = arith.constant 640 : i32
    %mul3A_4 = arith.muli %arg1, %mul3A_3 : i32
    "tpu.region"() ({
      %run_scoped3A = tpu.sem_alloc : memref<!tpu.dma_semaphore, #tpu.memory_space<semaphore_mem>>
      %dma_start3A = arith.constant 0 : i32
      %dma_start3A_17 = tpu.memref_slice %arg8[%mul3A_4, %dma_start3A] : memref<10240x128xf32, #tpu.memory_space<vmem_shared>> -> memref<640x128xf32, #tpu.memory_space<vmem_shared>>
      %dma_start3A_18 = arith.constant 0 : i32
      %dma_start3A_19 = tpu.memref_slice %arg4[%mul3A_2, %dma_start3A_18] : memref<10240x128xf32, #tpu.memory_space<hbm>> -> memref<640x128xf32, #tpu.memory_space<hbm>>
      tpu.enqueue_dma source(%dma_start3A_19 : memref<640x128xf32, #tpu.memory_space<hbm>>) target(%dma_start3A_17 : memref<640x128xf32, #tpu.memory_space<vmem_shared>>) target_semaphore(%run_scoped3A : memref<!tpu.dma_semaphore, #tpu.memory_space<semaphore_mem>>)
      %dma_wait3A = arith.constant 0 : i32
      %dma_wait3A_20 = tpu.memref_slice %arg8[%mul3A_4, %dma_wait3A] : memref<10240x128xf32, #tpu.memory_space<vmem_shared>> -> memref<640x128xf32, #tpu.memory_space<vmem_shared>>
      %dma_wait3A_21 = arith.constant 0 : i32
      %dma_wait3A_22 = tpu.memref_slice %arg4[%mul3A_2, %dma_wait3A_21] : memref<10240x128xf32, #tpu.memory_space<hbm>> -> memref<640x128xf32, #tpu.memory_space<hbm>>
      tpu.wait_dma2 semaphore(%run_scoped3A : memref<!tpu.dma_semaphore, #tpu.memory_space<semaphore_mem>>) src(%dma_wait3A_22 : memref<640x128xf32, #tpu.memory_space<hbm>>) dst(%dma_wait3A_20 : memref<640x128xf32, #tpu.memory_space<vmem_shared>>)
      tpu.yield
    }) : () -> ()
    %mul3A_5 = arith.constant 40 : i32
    %mul3A_6 = arith.muli %add3A, %mul3A_5 : i32
    "tpu.region"() ({
      %run_scoped3A = tpu.sem_alloc : memref<!tpu.dma_semaphore, #tpu.memory_space<semaphore_mem>>
      %dma_start3A = arith.constant 0 : i32
      %dma_start3A_17 = tpu.memref_slice %arg3[%mul3A_6, %dma_start3A] : memref<1280x128xi32, #tpu.memory_space<hbm>> -> memref<40x128xi32, #tpu.memory_space<hbm>>
      %dma_start3A_18 = arith.constant 0 : i32
      %dma_start3A_19 = tpu.memref_slice %arg3[%mul3A_6, %dma_start3A_18] : memref<1280x128xi32, #tpu.memory_space<hbm>> -> memref<40x128xi32, #tpu.memory_space<hbm>>
      tpu.enqueue_dma source(%dma_start3A_19 : memref<40x128xi32, #tpu.memory_space<hbm>>) target(%arg6 : memref<40x128xi32, #tpu.memory_space<vmem>>) target_semaphore(%run_scoped3A : memref<!tpu.dma_semaphore, #tpu.memory_space<semaphore_mem>>)
      %dma_wait3A = arith.constant 0 : i32
      %dma_wait3A_20 = tpu.memref_slice %arg3[%mul3A_6, %dma_wait3A] : memref<1280x128xi32, #tpu.memory_space<hbm>> -> memref<40x128xi32, #tpu.memory_space<hbm>>
      %dma_wait3A_21 = arith.constant 0 : i32
      %dma_wait3A_22 = tpu.memref_slice %arg3[%mul3A_6, %dma_wait3A_21] : memref<1280x128xi32, #tpu.memory_space<hbm>> -> memref<40x128xi32, #tpu.memory_space<hbm>>
      tpu.wait_dma2 semaphore(%run_scoped3A : memref<!tpu.dma_semaphore, #tpu.memory_space<semaphore_mem>>) src(%dma_wait3A_22 : memref<40x128xi32, #tpu.memory_space<hbm>>) dst(%arg6 : memref<40x128xi32, #tpu.memory_space<vmem>>)
      tpu.yield
    }) : () -> ()
    %barrier3A = arith.constant 0 : index
    tpu.barrier barrier_id(%barrier3A)
    %scan3A = arith.constant 0 : i32
    %scan3A_7 = arith.constant 0 : i32
    %scan3A_8 = arith.constant 40 : i32
    %scan3A_9 = arith.addi %scan3A_7, %scan3A_8 : i32
    %scan3A_10 = arith.constant 1 : i32
    scf.for %scan3A_17 = %scan3A_7 to %scan3A_9 step %scan3A_10  : i32 {
      %mul3A_18 = arith.constant 5120 : i32
      %mul3A_19 = arith.muli %add3A, %mul3A_18 : i32
      %mul3A_20 = arith.constant 128 : i32
      %mul3A_21 = arith.muli %scan3A_17, %mul3A_20 : i32
      %add3A_22 = arith.addi %mul3A_19, %mul3A_21 : i32
      "tpu.region"() ({
        %run_scoped3A = tpu.sem_alloc : memref<!tpu.dma_semaphore, #tpu.memory_space<semaphore_mem>>
        %dma_start3A = arith.constant 0 : i32
        %dma_start3A_23 = tpu.memref_slice %arg2[%add3A_22, %dma_start3A] : memref<163840x128xf32, #tpu.memory_space<hbm>> -> memref<128x128xf32, #tpu.memory_space<hbm>>
        %dma_start3A_24 = arith.constant 0 : i32
        %dma_start3A_25 = tpu.memref_slice %arg2[%add3A_22, %dma_start3A_24] : memref<163840x128xf32, #tpu.memory_space<hbm>> -> memref<128x128xf32, #tpu.memory_space<hbm>>
        tpu.enqueue_dma source(%dma_start3A_25 : memref<128x128xf32, #tpu.memory_space<hbm>>) target(%arg7 : memref<128x128xf32, #tpu.memory_space<vmem>>) target_semaphore(%run_scoped3A : memref<!tpu.dma_semaphore, #tpu.memory_space<semaphore_mem>>)
        %dma_wait3A = arith.constant 0 : i32
        %dma_wait3A_26 = tpu.memref_slice %arg2[%add3A_22, %dma_wait3A] : memref<163840x128xf32, #tpu.memory_space<hbm>> -> memref<128x128xf32, #tpu.memory_space<hbm>>
        %dma_wait3A_27 = arith.constant 0 : i32
        %dma_wait3A_28 = tpu.memref_slice %arg2[%add3A_22, %dma_wait3A_27] : memref<163840x128xf32, #tpu.memory_space<hbm>> -> memref<128x128xf32, #tpu.memory_space<hbm>>
        tpu.wait_dma2 semaphore(%run_scoped3A : memref<!tpu.dma_semaphore, #tpu.memory_space<semaphore_mem>>) src(%dma_wait3A_28 : memref<128x128xf32, #tpu.memory_space<hbm>>) dst(%arg7 : memref<128x128xf32, #tpu.memory_space<vmem>>)
        tpu.yield
      }) : () -> ()
      "tpu.region"() ({
        %run_scoped3A = tpu.sem_alloc : memref<!tpu.dma_semaphore, #tpu.memory_space<semaphore_mem>>
        %dma_start3A = arith.constant 0 : i32
        %dma_start3A_23 = tpu.memref_slice %arg6[%scan3A_17, %dma_start3A] : memref<40x128xi32, #tpu.memory_space<vmem>> -> memref<1x128xi32, #tpu.memory_space<vmem>>
        %dma_start3A_24 = tpu.memref_squeeze %dma_start3A_23 : memref<1x128xi32, #tpu.memory_space<vmem>> -> memref<128xi32, #tpu.memory_space<vmem>>
        %dma_start3A_25 = arith.constant 0 : i32
        %dma_start3A_26 = arith.constant 0 : i32
        %dma_start3A_27 = tpu.memref_slice %arg8[%dma_start3A_25, %dma_start3A_26] : memref<10240x128xf32, #tpu.memory_space<vmem_shared>> -> memref<10240x128xf32, #tpu.memory_space<vmem_shared>>
        tpu.enqueue_indirect_dma source(%arg7 : memref<128x128xf32, #tpu.memory_space<vmem>>) target(%dma_start3A_27 : memref<10240x128xf32, #tpu.memory_space<vmem_shared>>) offsets(%dma_start3A_24 : memref<128xi32, #tpu.memory_space<vmem>>) semaphore(%run_scoped3A : memref<!tpu.dma_semaphore, #tpu.memory_space<semaphore_mem>>) {add = true}
        %dma_wait3A = arith.constant 0 : i32
        %dma_wait3A_28 = tpu.memref_slice %arg6[%scan3A_17, %dma_wait3A] : memref<40x128xi32, #tpu.memory_space<vmem>> -> memref<1x128xi32, #tpu.memory_space<vmem>>
        %dma_wait3A_29 = tpu.memref_squeeze %dma_wait3A_28 : memref<1x128xi32, #tpu.memory_space<vmem>> -> memref<128xi32, #tpu.memory_space<vmem>>
        %dma_wait3A_30 = arith.constant 0 : i32
        %dma_wait3A_31 = arith.constant 0 : i32
        %dma_wait3A_32 = tpu.memref_slice %arg8[%dma_wait3A_30, %dma_wait3A_31] : memref<10240x128xf32, #tpu.memory_space<vmem_shared>> -> memref<10240x128xf32, #tpu.memory_space<vmem_shared>>
        tpu.wait_indirect_dma semaphore(%run_scoped3A : memref<!tpu.dma_semaphore, #tpu.memory_space<semaphore_mem>>) src(%arg7 : memref<128x128xf32, #tpu.memory_space<vmem>>) dst(%dma_wait3A_32 : memref<10240x128xf32, #tpu.memory_space<vmem_shared>>)
        tpu.yield
      }) : () -> ()
    }
    %scan3A_11 = arith.constant 40 : i32
    %barrier3A_12 = arith.constant 0 : index
    tpu.barrier barrier_id(%barrier3A_12)
    %mul3A_13 = arith.constant 640 : i32
    %mul3A_14 = arith.muli %arg1, %mul3A_13 : i32
    %mul3A_15 = arith.constant 640 : i32
    %mul3A_16 = arith.muli %arg1, %mul3A_15 : i32
    "tpu.region"() ({
      %run_scoped3A = tpu.sem_alloc : memref<!tpu.dma_semaphore, #tpu.memory_space<semaphore_mem>>
      %dma_start3A = arith.constant 0 : i32
      %dma_start3A_17 = tpu.memref_slice %arg5[%arg0, %mul3A_16, %dma_start3A] : memref<2x10240x128xf32, #tpu.memory_space<hbm>> -> memref<1x640x128xf32, #tpu.memory_space<hbm>>
      %dma_start3A_18 = tpu.memref_squeeze %dma_start3A_17 : memref<1x640x128xf32, #tpu.memory_space<hbm>> -> memref<640x128xf32, #tpu.memory_space<hbm>>
      %dma_start3A_19 = arith.constant 0 : i32
      %dma_start3A_20 = tpu.memref_slice %arg8[%mul3A_14, %dma_start3A_19] : memref<10240x128xf32, #tpu.memory_space<vmem_shared>> -> memref<640x128xf32, #tpu.memory_space<vmem_shared>>
      tpu.enqueue_dma source(%dma_start3A_20 : memref<640x128xf32, #tpu.memory_space<vmem_shared>>) target(%dma_start3A_18 : memref<640x128xf32, #tpu.memory_space<hbm>>) target_semaphore(%run_scoped3A : memref<!tpu.dma_semaphore, #tpu.memory_space<semaphore_mem>>)
      %dma_wait3A = arith.constant 0 : i32
      %dma_wait3A_21 = tpu.memref_slice %arg5[%arg0, %mul3A_16, %dma_wait3A] : memref<2x10240x128xf32, #tpu.memory_space<hbm>> -> memref<1x640x128xf32, #tpu.memory_space<hbm>>
      %dma_wait3A_22 = tpu.memref_squeeze %dma_wait3A_21 : memref<1x640x128xf32, #tpu.memory_space<hbm>> -> memref<640x128xf32, #tpu.memory_space<hbm>>
      %dma_wait3A_23 = arith.constant 0 : i32
      %dma_wait3A_24 = tpu.memref_slice %arg8[%mul3A_14, %dma_wait3A_23] : memref<10240x128xf32, #tpu.memory_space<vmem_shared>> -> memref<640x128xf32, #tpu.memory_space<vmem_shared>>
      tpu.wait_dma2 semaphore(%run_scoped3A : memref<!tpu.dma_semaphore, #tpu.memory_space<semaphore_mem>>) src(%dma_wait3A_24 : memref<640x128xf32, #tpu.memory_space<vmem_shared>>) dst(%dma_wait3A_22 : memref<640x128xf32, #tpu.memory_space<hbm>>)
      tpu.yield
    }) : () -> ()
    return
  }
}

#map = affine_map<(d0, d1) -> (0, 0)>
module attributes {stable_mosaic.version = 14 : i64} {
  func.func @body(%arg0: i32, %arg1: i32, %arg2: memref<10000x128xf32, #tpu.memory_space<hbm>>, %arg3: memref<10000x128xf32, #tpu.memory_space<hbm>>, %arg4: memref<1280x128xi32, #tpu.memory_space<hbm>>, %arg5: memref<1280x128xi32, #tpu.memory_space<hbm>>, %arg6: memref<163840x128xf32, #tpu.memory_space<hbm>>, %arg7: memref<163840x128xf32, #tpu.memory_space<hbm>>, %arg8: memref<2x40x128xi32, #tpu.memory_space<vmem>>, %arg9: memref<128x128xf32, #tpu.memory_space<vmem>>, %arg10: memref<128x128xf32, #tpu.memory_space<vmem>>, %arg11: memref<!tpu.dma_semaphore, #tpu.memory_space<semaphore_mem>>, %arg12: memref<!tpu.dma_semaphore, #tpu.memory_space<semaphore_mem>>) attributes {dimension_semantics = [#tpu.dimension_semantics<core_parallel>, #tpu.dimension_semantics<subcore_parallel>], iteration_bounds = array<i64: 2, 16>, scalar_prefetch = 0 : i64, scratch_operands = 5 : i64, tpu.core_type = #tpu.core_type<sc_vector_subcore>, window_params = [{transform_indices = #map}, {transform_indices = #map}, {transform_indices = #map}, {transform_indices = #map}, {transform_indices = #map}, {transform_indices = #map}]} {
    %mul3A = arith.constant 2 : i32
    %mul3A_0 = arith.muli %arg1, %mul3A : i32
    %add3A = arith.addi %mul3A_0, %arg0 : i32
    %mul3A_1 = arith.constant 40 : i32
    %mul3A_2 = arith.muli %add3A, %mul3A_1 : i32
    %run_scoped3A = arith.constant 0 : i32
    "tpu.region"() ({
      %run_scoped3A_11 = tpu.sem_alloc : memref<!tpu.dma_semaphore, #tpu.memory_space<semaphore_mem>>
      %dma_start3A = arith.constant 0 : i32
      %dma_start3A_12 = arith.constant 0 : i32
      %dma_start3A_13 = tpu.memref_slice %arg8[%run_scoped3A, %dma_start3A, %dma_start3A_12] : memref<2x40x128xi32, #tpu.memory_space<vmem>> -> memref<1x40x128xi32, #tpu.memory_space<vmem>>
      %dma_start3A_14 = tpu.memref_squeeze %dma_start3A_13 : memref<1x40x128xi32, #tpu.memory_space<vmem>> -> memref<40x128xi32, #tpu.memory_space<vmem>>
      %dma_start3A_15 = arith.constant 0 : i32
      %dma_start3A_16 = tpu.memref_slice %arg4[%mul3A_2, %dma_start3A_15] : memref<1280x128xi32, #tpu.memory_space<hbm>> -> memref<40x128xi32, #tpu.memory_space<hbm>>
      %dma_start3A_17 = arith.constant 0 : i32
      %dma_start3A_18 = arith.constant 0 : i32
      %dma_start3A_19 = tpu.memref_slice %arg8[%run_scoped3A, %dma_start3A_17, %dma_start3A_18] : memref<2x40x128xi32, #tpu.memory_space<vmem>> -> memref<1x40x128xi32, #tpu.memory_space<vmem>>
      %dma_start3A_20 = tpu.memref_squeeze %dma_start3A_19 : memref<1x40x128xi32, #tpu.memory_space<vmem>> -> memref<40x128xi32, #tpu.memory_space<vmem>>
      %dma_start3A_21 = arith.constant 0 : i32
      %dma_start3A_22 = tpu.memref_slice %arg4[%mul3A_2, %dma_start3A_21] : memref<1280x128xi32, #tpu.memory_space<hbm>> -> memref<40x128xi32, #tpu.memory_space<hbm>>
      tpu.enqueue_dma source(%dma_start3A_22 : memref<40x128xi32, #tpu.memory_space<hbm>>) target(%dma_start3A_20 : memref<40x128xi32, #tpu.memory_space<vmem>>) target_semaphore(%run_scoped3A_11 : memref<!tpu.dma_semaphore, #tpu.memory_space<semaphore_mem>>)
      %dma_wait3A = arith.constant 0 : i32
      %dma_wait3A_23 = arith.constant 0 : i32
      %dma_wait3A_24 = tpu.memref_slice %arg8[%run_scoped3A, %dma_wait3A, %dma_wait3A_23] : memref<2x40x128xi32, #tpu.memory_space<vmem>> -> memref<1x40x128xi32, #tpu.memory_space<vmem>>
      %dma_wait3A_25 = tpu.memref_squeeze %dma_wait3A_24 : memref<1x40x128xi32, #tpu.memory_space<vmem>> -> memref<40x128xi32, #tpu.memory_space<vmem>>
      %dma_wait3A_26 = arith.constant 0 : i32
      %dma_wait3A_27 = tpu.memref_slice %arg4[%mul3A_2, %dma_wait3A_26] : memref<1280x128xi32, #tpu.memory_space<hbm>> -> memref<40x128xi32, #tpu.memory_space<hbm>>
      %dma_wait3A_28 = arith.constant 0 : i32
      %dma_wait3A_29 = arith.constant 0 : i32
      %dma_wait3A_30 = tpu.memref_slice %arg8[%run_scoped3A, %dma_wait3A_28, %dma_wait3A_29] : memref<2x40x128xi32, #tpu.memory_space<vmem>> -> memref<1x40x128xi32, #tpu.memory_space<vmem>>
      %dma_wait3A_31 = tpu.memref_squeeze %dma_wait3A_30 : memref<1x40x128xi32, #tpu.memory_space<vmem>> -> memref<40x128xi32, #tpu.memory_space<vmem>>
      %dma_wait3A_32 = arith.constant 0 : i32
      %dma_wait3A_33 = tpu.memref_slice %arg4[%mul3A_2, %dma_wait3A_32] : memref<1280x128xi32, #tpu.memory_space<hbm>> -> memref<40x128xi32, #tpu.memory_space<hbm>>
      tpu.wait_dma2 semaphore(%run_scoped3A_11 : memref<!tpu.dma_semaphore, #tpu.memory_space<semaphore_mem>>) src(%dma_wait3A_33 : memref<40x128xi32, #tpu.memory_space<hbm>>) dst(%dma_wait3A_31 : memref<40x128xi32, #tpu.memory_space<vmem>>)
      tpu.yield
    }) : () -> ()
    %mul3A_3 = arith.constant 40 : i32
    %mul3A_4 = arith.muli %add3A, %mul3A_3 : i32
    %run_scoped3A_5 = arith.constant 1 : i32
    "tpu.region"() ({
      %run_scoped3A_11 = tpu.sem_alloc : memref<!tpu.dma_semaphore, #tpu.memory_space<semaphore_mem>>
      %dma_start3A = arith.constant 0 : i32
      %dma_start3A_12 = arith.constant 0 : i32
      %dma_start3A_13 = tpu.memref_slice %arg8[%run_scoped3A_5, %dma_start3A, %dma_start3A_12] : memref<2x40x128xi32, #tpu.memory_space<vmem>> -> memref<1x40x128xi32, #tpu.memory_space<vmem>>
      %dma_start3A_14 = tpu.memref_squeeze %dma_start3A_13 : memref<1x40x128xi32, #tpu.memory_space<vmem>> -> memref<40x128xi32, #tpu.memory_space<vmem>>
      %dma_start3A_15 = arith.constant 0 : i32
      %dma_start3A_16 = tpu.memref_slice %arg5[%mul3A_4, %dma_start3A_15] : memref<1280x128xi32, #tpu.memory_space<hbm>> -> memref<40x128xi32, #tpu.memory_space<hbm>>
      %dma_start3A_17 = arith.constant 0 : i32
      %dma_start3A_18 = arith.constant 0 : i32
      %dma_start3A_19 = tpu.memref_slice %arg8[%run_scoped3A_5, %dma_start3A_17, %dma_start3A_18] : memref<2x40x128xi32, #tpu.memory_space<vmem>> -> memref<1x40x128xi32, #tpu.memory_space<vmem>>
      %dma_start3A_20 = tpu.memref_squeeze %dma_start3A_19 : memref<1x40x128xi32, #tpu.memory_space<vmem>> -> memref<40x128xi32, #tpu.memory_space<vmem>>
      %dma_start3A_21 = arith.constant 0 : i32
      %dma_start3A_22 = tpu.memref_slice %arg5[%mul3A_4, %dma_start3A_21] : memref<1280x128xi32, #tpu.memory_space<hbm>> -> memref<40x128xi32, #tpu.memory_space<hbm>>
      tpu.enqueue_dma source(%dma_start3A_22 : memref<40x128xi32, #tpu.memory_space<hbm>>) target(%dma_start3A_20 : memref<40x128xi32, #tpu.memory_space<vmem>>) target_semaphore(%run_scoped3A_11 : memref<!tpu.dma_semaphore, #tpu.memory_space<semaphore_mem>>)
      %dma_wait3A = arith.constant 0 : i32
      %dma_wait3A_23 = arith.constant 0 : i32
      %dma_wait3A_24 = tpu.memref_slice %arg8[%run_scoped3A_5, %dma_wait3A, %dma_wait3A_23] : memref<2x40x128xi32, #tpu.memory_space<vmem>> -> memref<1x40x128xi32, #tpu.memory_space<vmem>>
      %dma_wait3A_25 = tpu.memref_squeeze %dma_wait3A_24 : memref<1x40x128xi32, #tpu.memory_space<vmem>> -> memref<40x128xi32, #tpu.memory_space<vmem>>
      %dma_wait3A_26 = arith.constant 0 : i32
      %dma_wait3A_27 = tpu.memref_slice %arg5[%mul3A_4, %dma_wait3A_26] : memref<1280x128xi32, #tpu.memory_space<hbm>> -> memref<40x128xi32, #tpu.memory_space<hbm>>
      %dma_wait3A_28 = arith.constant 0 : i32
      %dma_wait3A_29 = arith.constant 0 : i32
      %dma_wait3A_30 = tpu.memref_slice %arg8[%run_scoped3A_5, %dma_wait3A_28, %dma_wait3A_29] : memref<2x40x128xi32, #tpu.memory_space<vmem>> -> memref<1x40x128xi32, #tpu.memory_space<vmem>>
      %dma_wait3A_31 = tpu.memref_squeeze %dma_wait3A_30 : memref<1x40x128xi32, #tpu.memory_space<vmem>> -> memref<40x128xi32, #tpu.memory_space<vmem>>
      %dma_wait3A_32 = arith.constant 0 : i32
      %dma_wait3A_33 = tpu.memref_slice %arg5[%mul3A_4, %dma_wait3A_32] : memref<1280x128xi32, #tpu.memory_space<hbm>> -> memref<40x128xi32, #tpu.memory_space<hbm>>
      tpu.wait_dma2 semaphore(%run_scoped3A_11 : memref<!tpu.dma_semaphore, #tpu.memory_space<semaphore_mem>>) src(%dma_wait3A_33 : memref<40x128xi32, #tpu.memory_space<hbm>>) dst(%dma_wait3A_31 : memref<40x128xi32, #tpu.memory_space<vmem>>)
      tpu.yield
    }) : () -> ()
    %scan3A = arith.constant 0 : i32
    %scan3A_6 = arith.constant 0 : i32
    %scan3A_7 = arith.constant 20 : i32
    %scan3A_8 = arith.addi %scan3A_6, %scan3A_7 : i32
    %scan3A_9 = arith.constant 1 : i32
    scf.for %scan3A_11 = %scan3A_6 to %scan3A_8 step %scan3A_9  : i32 {
      %mul3A_12 = arith.constant 2 : i32
      %mul3A_13 = arith.muli %mul3A_12, %scan3A_11 : i32
      %mul3A_14 = arith.constant 2 : i32
      %mul3A_15 = arith.muli %mul3A_14, %scan3A_11 : i32
      %add3A_16 = arith.constant 1 : i32
      %add3A_17 = arith.addi %mul3A_15, %add3A_16 : i32
      %dma_start3A = arith.constant 0 : i32
      %dma_start3A_18 = arith.constant 0 : i32
      %dma_start3A_19 = tpu.memref_slice %arg8[%dma_start3A, %mul3A_13, %dma_start3A_18] : memref<2x40x128xi32, #tpu.memory_space<vmem>> -> memref<1x1x128xi32, #tpu.memory_space<vmem>>
      %dma_start3A_20 = tpu.memref_squeeze %dma_start3A_19 : memref<1x1x128xi32, #tpu.memory_space<vmem>> -> memref<128xi32, #tpu.memory_space<vmem>>
      %dma_start3A_21 = arith.constant 0 : i32
      %dma_start3A_22 = arith.constant 0 : i32
      %dma_start3A_23 = tpu.memref_slice %arg2[%dma_start3A_21, %dma_start3A_22] : memref<10000x128xf32, #tpu.memory_space<hbm>> -> memref<10000x128xf32, #tpu.memory_space<hbm>>
      tpu.enqueue_indirect_dma source(%dma_start3A_23 : memref<10000x128xf32, #tpu.memory_space<hbm>>) target(%arg9 : memref<128x128xf32, #tpu.memory_space<vmem>>) offsets(%dma_start3A_20 : memref<128xi32, #tpu.memory_space<vmem>>) semaphore(%arg11 : memref<!tpu.dma_semaphore, #tpu.memory_space<semaphore_mem>>)
      %dma_start3A_24 = arith.constant 0 : i32
      %dma_start3A_25 = arith.constant 0 : i32
      %dma_start3A_26 = tpu.memref_slice %arg8[%dma_start3A_24, %add3A_17, %dma_start3A_25] : memref<2x40x128xi32, #tpu.memory_space<vmem>> -> memref<1x1x128xi32, #tpu.memory_space<vmem>>
      %dma_start3A_27 = tpu.memref_squeeze %dma_start3A_26 : memref<1x1x128xi32, #tpu.memory_space<vmem>> -> memref<128xi32, #tpu.memory_space<vmem>>
      %dma_start3A_28 = arith.constant 0 : i32
      %dma_start3A_29 = arith.constant 0 : i32
      %dma_start3A_30 = tpu.memref_slice %arg2[%dma_start3A_28, %dma_start3A_29] : memref<10000x128xf32, #tpu.memory_space<hbm>> -> memref<10000x128xf32, #tpu.memory_space<hbm>>
      tpu.enqueue_indirect_dma source(%dma_start3A_30 : memref<10000x128xf32, #tpu.memory_space<hbm>>) target(%arg10 : memref<128x128xf32, #tpu.memory_space<vmem>>) offsets(%dma_start3A_27 : memref<128xi32, #tpu.memory_space<vmem>>) semaphore(%arg12 : memref<!tpu.dma_semaphore, #tpu.memory_space<semaphore_mem>>)
      %dma_wait3A = arith.constant 0 : i32
      %dma_wait3A_31 = arith.constant 0 : i32
      %dma_wait3A_32 = tpu.memref_slice %arg8[%dma_wait3A, %mul3A_13, %dma_wait3A_31] : memref<2x40x128xi32, #tpu.memory_space<vmem>> -> memref<1x1x128xi32, #tpu.memory_space<vmem>>
      %dma_wait3A_33 = tpu.memref_squeeze %dma_wait3A_32 : memref<1x1x128xi32, #tpu.memory_space<vmem>> -> memref<128xi32, #tpu.memory_space<vmem>>
      %dma_wait3A_34 = arith.constant 0 : i32
      %dma_wait3A_35 = arith.constant 0 : i32
      %dma_wait3A_36 = tpu.memref_slice %arg2[%dma_wait3A_34, %dma_wait3A_35] : memref<10000x128xf32, #tpu.memory_space<hbm>> -> memref<10000x128xf32, #tpu.memory_space<hbm>>
      tpu.wait_indirect_dma semaphore(%arg11 : memref<!tpu.dma_semaphore, #tpu.memory_space<semaphore_mem>>) src(%dma_wait3A_36 : memref<10000x128xf32, #tpu.memory_space<hbm>>) dst(%arg9 : memref<128x128xf32, #tpu.memory_space<vmem>>)
      %mul3A_37 = arith.constant 5120 : i32
      %mul3A_38 = arith.muli %add3A, %mul3A_37 : i32
      %mul3A_39 = arith.constant 128 : i32
      %mul3A_40 = arith.muli %mul3A_13, %mul3A_39 : i32
      %add3A_41 = arith.addi %mul3A_38, %mul3A_40 : i32
      "tpu.region"() ({
        %run_scoped3A_92 = tpu.sem_alloc : memref<!tpu.dma_semaphore, #tpu.memory_space<semaphore_mem>>
        %dma_start3A_93 = arith.constant 0 : i32
        %dma_start3A_94 = tpu.memref_slice %arg6[%add3A_41, %dma_start3A_93] : memref<163840x128xf32, #tpu.memory_space<hbm>> -> memref<128x128xf32, #tpu.memory_space<hbm>>
        %dma_start3A_95 = arith.constant 0 : i32
        %dma_start3A_96 = tpu.memref_slice %arg6[%add3A_41, %dma_start3A_95] : memref<163840x128xf32, #tpu.memory_space<hbm>> -> memref<128x128xf32, #tpu.memory_space<hbm>>
        tpu.enqueue_dma source(%arg9 : memref<128x128xf32, #tpu.memory_space<vmem>>) target(%dma_start3A_96 : memref<128x128xf32, #tpu.memory_space<hbm>>) target_semaphore(%run_scoped3A_92 : memref<!tpu.dma_semaphore, #tpu.memory_space<semaphore_mem>>)
        %dma_wait3A_97 = arith.constant 0 : i32
        %dma_wait3A_98 = tpu.memref_slice %arg6[%add3A_41, %dma_wait3A_97] : memref<163840x128xf32, #tpu.memory_space<hbm>> -> memref<128x128xf32, #tpu.memory_space<hbm>>
        %dma_wait3A_99 = arith.constant 0 : i32
        %dma_wait3A_100 = tpu.memref_slice %arg6[%add3A_41, %dma_wait3A_99] : memref<163840x128xf32, #tpu.memory_space<hbm>> -> memref<128x128xf32, #tpu.memory_space<hbm>>
        tpu.wait_dma2 semaphore(%run_scoped3A_92 : memref<!tpu.dma_semaphore, #tpu.memory_space<semaphore_mem>>) src(%arg9 : memref<128x128xf32, #tpu.memory_space<vmem>>) dst(%dma_wait3A_100 : memref<128x128xf32, #tpu.memory_space<hbm>>)
        tpu.yield
      }) : () -> ()
      %dma_wait3A_42 = arith.constant 0 : i32
      %dma_wait3A_43 = arith.constant 0 : i32
      %dma_wait3A_44 = tpu.memref_slice %arg8[%dma_wait3A_42, %add3A_17, %dma_wait3A_43] : memref<2x40x128xi32, #tpu.memory_space<vmem>> -> memref<1x1x128xi32, #tpu.memory_space<vmem>>
      %dma_wait3A_45 = tpu.memref_squeeze %dma_wait3A_44 : memref<1x1x128xi32, #tpu.memory_space<vmem>> -> memref<128xi32, #tpu.memory_space<vmem>>
      %dma_wait3A_46 = arith.constant 0 : i32
      %dma_wait3A_47 = arith.constant 0 : i32
      %dma_wait3A_48 = tpu.memref_slice %arg2[%dma_wait3A_46, %dma_wait3A_47] : memref<10000x128xf32, #tpu.memory_space<hbm>> -> memref<10000x128xf32, #tpu.memory_space<hbm>>
      tpu.wait_indirect_dma semaphore(%arg12 : memref<!tpu.dma_semaphore, #tpu.memory_space<semaphore_mem>>) src(%dma_wait3A_48 : memref<10000x128xf32, #tpu.memory_space<hbm>>) dst(%arg10 : memref<128x128xf32, #tpu.memory_space<vmem>>)
      %mul3A_49 = arith.constant 5120 : i32
      %mul3A_50 = arith.muli %add3A, %mul3A_49 : i32
      %mul3A_51 = arith.constant 128 : i32
      %mul3A_52 = arith.muli %add3A_17, %mul3A_51 : i32
      %add3A_53 = arith.addi %mul3A_50, %mul3A_52 : i32
      "tpu.region"() ({
        %run_scoped3A_92 = tpu.sem_alloc : memref<!tpu.dma_semaphore, #tpu.memory_space<semaphore_mem>>
        %dma_start3A_93 = arith.constant 0 : i32
        %dma_start3A_94 = tpu.memref_slice %arg6[%add3A_53, %dma_start3A_93] : memref<163840x128xf32, #tpu.memory_space<hbm>> -> memref<128x128xf32, #tpu.memory_space<hbm>>
        %dma_start3A_95 = arith.constant 0 : i32
        %dma_start3A_96 = tpu.memref_slice %arg6[%add3A_53, %dma_start3A_95] : memref<163840x128xf32, #tpu.memory_space<hbm>> -> memref<128x128xf32, #tpu.memory_space<hbm>>
        tpu.enqueue_dma source(%arg10 : memref<128x128xf32, #tpu.memory_space<vmem>>) target(%dma_start3A_96 : memref<128x128xf32, #tpu.memory_space<hbm>>) target_semaphore(%run_scoped3A_92 : memref<!tpu.dma_semaphore, #tpu.memory_space<semaphore_mem>>)
        %dma_wait3A_97 = arith.constant 0 : i32
        %dma_wait3A_98 = tpu.memref_slice %arg6[%add3A_53, %dma_wait3A_97] : memref<163840x128xf32, #tpu.memory_space<hbm>> -> memref<128x128xf32, #tpu.memory_space<hbm>>
        %dma_wait3A_99 = arith.constant 0 : i32
        %dma_wait3A_100 = tpu.memref_slice %arg6[%add3A_53, %dma_wait3A_99] : memref<163840x128xf32, #tpu.memory_space<hbm>> -> memref<128x128xf32, #tpu.memory_space<hbm>>
        tpu.wait_dma2 semaphore(%run_scoped3A_92 : memref<!tpu.dma_semaphore, #tpu.memory_space<semaphore_mem>>) src(%arg10 : memref<128x128xf32, #tpu.memory_space<vmem>>) dst(%dma_wait3A_100 : memref<128x128xf32, #tpu.memory_space<hbm>>)
        tpu.yield
      }) : () -> ()
      %dma_start3A_54 = arith.constant 1 : i32
      %dma_start3A_55 = arith.constant 0 : i32
      %dma_start3A_56 = tpu.memref_slice %arg8[%dma_start3A_54, %mul3A_13, %dma_start3A_55] : memref<2x40x128xi32, #tpu.memory_space<vmem>> -> memref<1x1x128xi32, #tpu.memory_space<vmem>>
      %dma_start3A_57 = tpu.memref_squeeze %dma_start3A_56 : memref<1x1x128xi32, #tpu.memory_space<vmem>> -> memref<128xi32, #tpu.memory_space<vmem>>
      %dma_start3A_58 = arith.constant 0 : i32
      %dma_start3A_59 = arith.constant 0 : i32
      %dma_start3A_60 = tpu.memref_slice %arg3[%dma_start3A_58, %dma_start3A_59] : memref<10000x128xf32, #tpu.memory_space<hbm>> -> memref<10000x128xf32, #tpu.memory_space<hbm>>
      tpu.enqueue_indirect_dma source(%dma_start3A_60 : memref<10000x128xf32, #tpu.memory_space<hbm>>) target(%arg9 : memref<128x128xf32, #tpu.memory_space<vmem>>) offsets(%dma_start3A_57 : memref<128xi32, #tpu.memory_space<vmem>>) semaphore(%arg11 : memref<!tpu.dma_semaphore, #tpu.memory_space<semaphore_mem>>)
      %dma_start3A_61 = arith.constant 1 : i32
      %dma_start3A_62 = arith.constant 0 : i32
      %dma_start3A_63 = tpu.memref_slice %arg8[%dma_start3A_61, %add3A_17, %dma_start3A_62] : memref<2x40x128xi32, #tpu.memory_space<vmem>> -> memref<1x1x128xi32, #tpu.memory_space<vmem>>
      %dma_start3A_64 = tpu.memref_squeeze %dma_start3A_63 : memref<1x1x128xi32, #tpu.memory_space<vmem>> -> memref<128xi32, #tpu.memory_space<vmem>>
      %dma_start3A_65 = arith.constant 0 : i32
      %dma_start3A_66 = arith.constant 0 : i32
      %dma_start3A_67 = tpu.memref_slice %arg3[%dma_start3A_65, %dma_start3A_66] : memref<10000x128xf32, #tpu.memory_space<hbm>> -> memref<10000x128xf32, #tpu.memory_space<hbm>>
      tpu.enqueue_indirect_dma source(%dma_start3A_67 : memref<10000x128xf32, #tpu.memory_space<hbm>>) target(%arg10 : memref<128x128xf32, #tpu.memory_space<vmem>>) offsets(%dma_start3A_64 : memref<128xi32, #tpu.memory_space<vmem>>) semaphore(%arg12 : memref<!tpu.dma_semaphore, #tpu.memory_space<semaphore_mem>>)
      %dma_wait3A_68 = arith.constant 1 : i32
      %dma_wait3A_69 = arith.constant 0 : i32
      %dma_wait3A_70 = tpu.memref_slice %arg8[%dma_wait3A_68, %mul3A_13, %dma_wait3A_69] : memref<2x40x128xi32, #tpu.memory_space<vmem>> -> memref<1x1x128xi32, #tpu.memory_space<vmem>>
      %dma_wait3A_71 = tpu.memref_squeeze %dma_wait3A_70 : memref<1x1x128xi32, #tpu.memory_space<vmem>> -> memref<128xi32, #tpu.memory_space<vmem>>
      %dma_wait3A_72 = arith.constant 0 : i32
      %dma_wait3A_73 = arith.constant 0 : i32
      %dma_wait3A_74 = tpu.memref_slice %arg3[%dma_wait3A_72, %dma_wait3A_73] : memref<10000x128xf32, #tpu.memory_space<hbm>> -> memref<10000x128xf32, #tpu.memory_space<hbm>>
      tpu.wait_indirect_dma semaphore(%arg11 : memref<!tpu.dma_semaphore, #tpu.memory_space<semaphore_mem>>) src(%dma_wait3A_74 : memref<10000x128xf32, #tpu.memory_space<hbm>>) dst(%arg9 : memref<128x128xf32, #tpu.memory_space<vmem>>)
      %mul3A_75 = arith.constant 5120 : i32
      %mul3A_76 = arith.muli %add3A, %mul3A_75 : i32
      %mul3A_77 = arith.constant 128 : i32
      %mul3A_78 = arith.muli %mul3A_13, %mul3A_77 : i32
      %add3A_79 = arith.addi %mul3A_76, %mul3A_78 : i32
      "tpu.region"() ({
        %run_scoped3A_92 = tpu.sem_alloc : memref<!tpu.dma_semaphore, #tpu.memory_space<semaphore_mem>>
        %dma_start3A_93 = arith.constant 0 : i32
        %dma_start3A_94 = tpu.memref_slice %arg7[%add3A_79, %dma_start3A_93] : memref<163840x128xf32, #tpu.memory_space<hbm>> -> memref<128x128xf32, #tpu.memory_space<hbm>>
        %dma_start3A_95 = arith.constant 0 : i32
        %dma_start3A_96 = tpu.memref_slice %arg7[%add3A_79, %dma_start3A_95] : memref<163840x128xf32, #tpu.memory_space<hbm>> -> memref<128x128xf32, #tpu.memory_space<hbm>>
        tpu.enqueue_dma source(%arg9 : memref<128x128xf32, #tpu.memory_space<vmem>>) target(%dma_start3A_96 : memref<128x128xf32, #tpu.memory_space<hbm>>) target_semaphore(%run_scoped3A_92 : memref<!tpu.dma_semaphore, #tpu.memory_space<semaphore_mem>>)
        %dma_wait3A_97 = arith.constant 0 : i32
        %dma_wait3A_98 = tpu.memref_slice %arg7[%add3A_79, %dma_wait3A_97] : memref<163840x128xf32, #tpu.memory_space<hbm>> -> memref<128x128xf32, #tpu.memory_space<hbm>>
        %dma_wait3A_99 = arith.constant 0 : i32
        %dma_wait3A_100 = tpu.memref_slice %arg7[%add3A_79, %dma_wait3A_99] : memref<163840x128xf32, #tpu.memory_space<hbm>> -> memref<128x128xf32, #tpu.memory_space<hbm>>
        tpu.wait_dma2 semaphore(%run_scoped3A_92 : memref<!tpu.dma_semaphore, #tpu.memory_space<semaphore_mem>>) src(%arg9 : memref<128x128xf32, #tpu.memory_space<vmem>>) dst(%dma_wait3A_100 : memref<128x128xf32, #tpu.memory_space<hbm>>)
        tpu.yield
      }) : () -> ()
      %dma_wait3A_80 = arith.constant 1 : i32
      %dma_wait3A_81 = arith.constant 0 : i32
      %dma_wait3A_82 = tpu.memref_slice %arg8[%dma_wait3A_80, %add3A_17, %dma_wait3A_81] : memref<2x40x128xi32, #tpu.memory_space<vmem>> -> memref<1x1x128xi32, #tpu.memory_space<vmem>>
      %dma_wait3A_83 = tpu.memref_squeeze %dma_wait3A_82 : memref<1x1x128xi32, #tpu.memory_space<vmem>> -> memref<128xi32, #tpu.memory_space<vmem>>
      %dma_wait3A_84 = arith.constant 0 : i32
      %dma_wait3A_85 = arith.constant 0 : i32
      %dma_wait3A_86 = tpu.memref_slice %arg3[%dma_wait3A_84, %dma_wait3A_85] : memref<10000x128xf32, #tpu.memory_space<hbm>> -> memref<10000x128xf32, #tpu.memory_space<hbm>>
      tpu.wait_indirect_dma semaphore(%arg12 : memref<!tpu.dma_semaphore, #tpu.memory_space<semaphore_mem>>) src(%dma_wait3A_86 : memref<10000x128xf32, #tpu.memory_space<hbm>>) dst(%arg10 : memref<128x128xf32, #tpu.memory_space<vmem>>)
      %mul3A_87 = arith.constant 5120 : i32
      %mul3A_88 = arith.muli %add3A, %mul3A_87 : i32
      %mul3A_89 = arith.constant 128 : i32
      %mul3A_90 = arith.muli %add3A_17, %mul3A_89 : i32
      %add3A_91 = arith.addi %mul3A_88, %mul3A_90 : i32
      "tpu.region"() ({
        %run_scoped3A_92 = tpu.sem_alloc : memref<!tpu.dma_semaphore, #tpu.memory_space<semaphore_mem>>
        %dma_start3A_93 = arith.constant 0 : i32
        %dma_start3A_94 = tpu.memref_slice %arg7[%add3A_91, %dma_start3A_93] : memref<163840x128xf32, #tpu.memory_space<hbm>> -> memref<128x128xf32, #tpu.memory_space<hbm>>
        %dma_start3A_95 = arith.constant 0 : i32
        %dma_start3A_96 = tpu.memref_slice %arg7[%add3A_91, %dma_start3A_95] : memref<163840x128xf32, #tpu.memory_space<hbm>> -> memref<128x128xf32, #tpu.memory_space<hbm>>
        tpu.enqueue_dma source(%arg10 : memref<128x128xf32, #tpu.memory_space<vmem>>) target(%dma_start3A_96 : memref<128x128xf32, #tpu.memory_space<hbm>>) target_semaphore(%run_scoped3A_92 : memref<!tpu.dma_semaphore, #tpu.memory_space<semaphore_mem>>)
        %dma_wait3A_97 = arith.constant 0 : i32
        %dma_wait3A_98 = tpu.memref_slice %arg7[%add3A_91, %dma_wait3A_97] : memref<163840x128xf32, #tpu.memory_space<hbm>> -> memref<128x128xf32, #tpu.memory_space<hbm>>
        %dma_wait3A_99 = arith.constant 0 : i32
        %dma_wait3A_100 = tpu.memref_slice %arg7[%add3A_91, %dma_wait3A_99] : memref<163840x128xf32, #tpu.memory_space<hbm>> -> memref<128x128xf32, #tpu.memory_space<hbm>>
        tpu.wait_dma2 semaphore(%run_scoped3A_92 : memref<!tpu.dma_semaphore, #tpu.memory_space<semaphore_mem>>) src(%arg10 : memref<128x128xf32, #tpu.memory_space<vmem>>) dst(%dma_wait3A_100 : memref<128x128xf32, #tpu.memory_space<hbm>>)
        tpu.yield
      }) : () -> ()
    }
    %scan3A_10 = arith.constant 20 : i32
    return
  }
}

module attributes {stable_mosaic.version = 14 : i64} {
  func.func @body(%arg0: i32, %arg1: memref<1000x128xf32, #tpu.memory_space<vmem>>, %arg2: memref<128x128xf32, #tpu.memory_space<vmem>>, %arg3: memref<1x128xf32, #tpu.memory_space<vmem>>, %arg4: memref<128x128xf32, #tpu.memory_space<vmem>>, %arg5: memref<1x128xf32, #tpu.memory_space<vmem>>, %arg6: memref<128x128xf32, #tpu.memory_space<vmem>>, %arg7: memref<1x128xf32, #tpu.memory_space<vmem>>, %arg8: memref<128x128xf32, #tpu.memory_space<vmem>>, %arg9: memref<1x128xf32, #tpu.memory_space<vmem>>, %arg10: memref<128x128xf32, #tpu.memory_space<vmem>>, %arg11: memref<1x128xf32, #tpu.memory_space<vmem>>, %arg12: memref<1000x128xf32, #tpu.memory_space<vmem>>, %arg13: memref<1000x128xf32, #tpu.memory_space<vmem>>, %arg14: memref<1000x128xf32, #tpu.memory_space<vmem>>, %arg15: memref<1000x128xf32, #tpu.memory_space<vmem>>, %arg16: memref<1000x128xf32, #tpu.memory_space<vmem>>) attributes {dimension_semantics = [#tpu.dimension_semantics<arbitrary>], iteration_bounds = array<i64: 10>, scalar_prefetch = 0 : i64, scratch_operands = 0 : i64, tpu.core_type = #tpu.core_type<tc>, window_params = [{transform_indices = @transform_0, window_bounds = array<i64: 1000, 128>}, {pipeline_mode = #tpu.pipeline_mode<synchronous>, transform_indices = @transform_1, window_bounds = array<i64: 128, 128>}, {pipeline_mode = #tpu.pipeline_mode<synchronous>, transform_indices = @transform_2, window_bounds = array<i64: 1, 128>}, {pipeline_mode = #tpu.pipeline_mode<synchronous>, transform_indices = @transform_3, window_bounds = array<i64: 128, 128>}, {pipeline_mode = #tpu.pipeline_mode<synchronous>, transform_indices = @transform_4, window_bounds = array<i64: 1, 128>}, {pipeline_mode = #tpu.pipeline_mode<synchronous>, transform_indices = @transform_5, window_bounds = array<i64: 128, 128>}, {pipeline_mode = #tpu.pipeline_mode<synchronous>, transform_indices = @transform_6, window_bounds = array<i64: 1, 128>}, {pipeline_mode = #tpu.pipeline_mode<synchronous>, transform_indices = @transform_7, window_bounds = array<i64: 128, 128>}, {pipeline_mode = #tpu.pipeline_mode<synchronous>, transform_indices = @transform_8, window_bounds = array<i64: 1, 128>}, {pipeline_mode = #tpu.pipeline_mode<synchronous>, transform_indices = @transform_9, window_bounds = array<i64: 128, 128>}, {pipeline_mode = #tpu.pipeline_mode<synchronous>, transform_indices = @transform_10, window_bounds = array<i64: 1, 128>}, {transform_indices = @transform_11, window_bounds = array<i64: 1000, 128>}, {transform_indices = @transform_12, window_bounds = array<i64: 1000, 128>}, {transform_indices = @transform_13, window_bounds = array<i64: 1000, 128>}, {transform_indices = @transform_14, window_bounds = array<i64: 1000, 128>}, {transform_indices = @transform_15, window_bounds = array<i64: 1000, 128>}]} {
    %get3A = arith.constant 0 : index
    %get3A_0 = arith.constant 0 : index
    %get3A_1 = vector.load %arg1[%get3A, %get3A_0] : memref<1000x128xf32, #tpu.memory_space<vmem>>, vector<1000x128xf32>
    %get3A_2 = arith.constant 0 : index
    %get3A_3 = arith.constant 0 : index
    %get3A_4 = vector.load %arg2[%get3A_2, %get3A_3] : memref<128x128xf32, #tpu.memory_space<vmem>>, vector<128x128xf32>
    %dot_general3A = arith.constant dense<0.000000e+00> : vector<1000x128xf32>
    %dot_general3A_5 = tpu.matmul %get3A_1, %get3A_4, %dot_general3A {dimension_numbers = #tpu.dot_dimension_numbers<[1], [0], [0], [1], [0, 0, 1, 1], [], []>, transpose_lhs_hint = false} : vector<1000x128xf32>, vector<128x128xf32>, vector<1000x128xf32> -> vector<1000x128xf32>
    %get3A_6 = arith.constant 0 : index
    %get3A_7 = arith.constant 0 : index
    %get3A_8 = vector.load %arg3[%get3A_6, %get3A_7] : memref<1x128xf32, #tpu.memory_space<vmem>>, vector<1x128xf32>
    %add3A = vector.broadcast %get3A_8 : vector<1x128xf32> to vector<1000x128xf32>
    %add3A_9 = arith.addf %dot_general3A_5, %add3A : vector<1000x128xf32>
    %swap3A = arith.constant 0 : index
    %swap3A_10 = arith.constant 0 : index
    %swap3A_11 = vector.load %arg12[%swap3A, %swap3A_10] : memref<1000x128xf32, #tpu.memory_space<vmem>>, vector<1000x128xf32>
    tpu.vector_store %arg12[%swap3A, %swap3A_10], %add3A_9 {strides = array<i32>} : memref<1000x128xf32, #tpu.memory_space<vmem>>, vector<1000x128xf32>,
    %get3A_12 = arith.constant 0 : index
    %get3A_13 = arith.constant 0 : index
    %get3A_14 = vector.load %arg4[%get3A_12, %get3A_13] : memref<128x128xf32, #tpu.memory_space<vmem>>, vector<128x128xf32>
    %dot_general3A_15 = arith.constant dense<0.000000e+00> : vector<1000x128xf32>
    %dot_general3A_16 = tpu.matmul %add3A_9, %get3A_14, %dot_general3A_15 {dimension_numbers = #tpu.dot_dimension_numbers<[1], [0], [0], [1], [0, 0, 1, 1], [], []>, transpose_lhs_hint = false} : vector<1000x128xf32>, vector<128x128xf32>, vector<1000x128xf32> -> vector<1000x128xf32>
    %get3A_17 = arith.constant 0 : index
    %get3A_18 = arith.constant 0 : index
    %get3A_19 = vector.load %arg5[%get3A_17, %get3A_18] : memref<1x128xf32, #tpu.memory_space<vmem>>, vector<1x128xf32>
    %add3A_20 = vector.broadcast %get3A_19 : vector<1x128xf32> to vector<1000x128xf32>
    %add3A_21 = arith.addf %dot_general3A_16, %add3A_20 : vector<1000x128xf32>
    %swap3A_22 = arith.constant 0 : index
    %swap3A_23 = arith.constant 0 : index
    %swap3A_24 = vector.load %arg13[%swap3A_22, %swap3A_23] : memref<1000x128xf32, #tpu.memory_space<vmem>>, vector<1000x128xf32>
    tpu.vector_store %arg13[%swap3A_22, %swap3A_23], %add3A_21 {strides = array<i32>} : memref<1000x128xf32, #tpu.memory_space<vmem>>, vector<1000x128xf32>,
    %get3A_25 = arith.constant 0 : index
    %get3A_26 = arith.constant 0 : index
    %get3A_27 = vector.load %arg6[%get3A_25, %get3A_26] : memref<128x128xf32, #tpu.memory_space<vmem>>, vector<128x128xf32>
    %dot_general3A_28 = arith.constant dense<0.000000e+00> : vector<1000x128xf32>
    %dot_general3A_29 = tpu.matmul %add3A_9, %get3A_27, %dot_general3A_28 {dimension_numbers = #tpu.dot_dimension_numbers<[1], [0], [0], [1], [0, 0, 1, 1], [], []>, transpose_lhs_hint = false} : vector<1000x128xf32>, vector<128x128xf32>, vector<1000x128xf32> -> vector<1000x128xf32>
    %get3A_30 = arith.constant 0 : index
    %get3A_31 = arith.constant 0 : index
    %get3A_32 = vector.load %arg7[%get3A_30, %get3A_31] : memref<1x128xf32, #tpu.memory_space<vmem>>, vector<1x128xf32>
    %add3A_33 = vector.broadcast %get3A_32 : vector<1x128xf32> to vector<1000x128xf32>
    %add3A_34 = arith.addf %dot_general3A_29, %add3A_33 : vector<1000x128xf32>
    %swap3A_35 = arith.constant 0 : index
    %swap3A_36 = arith.constant 0 : index
    %swap3A_37 = vector.load %arg14[%swap3A_35, %swap3A_36] : memref<1000x128xf32, #tpu.memory_space<vmem>>, vector<1000x128xf32>
    tpu.vector_store %arg14[%swap3A_35, %swap3A_36], %add3A_34 {strides = array<i32>} : memref<1000x128xf32, #tpu.memory_space<vmem>>, vector<1000x128xf32>,
    %get3A_38 = arith.constant 0 : index
    %get3A_39 = arith.constant 0 : index
    %get3A_40 = vector.load %arg8[%get3A_38, %get3A_39] : memref<128x128xf32, #tpu.memory_space<vmem>>, vector<128x128xf32>
    %dot_general3A_41 = arith.constant dense<0.000000e+00> : vector<1000x128xf32>
    %dot_general3A_42 = tpu.matmul %add3A_9, %get3A_40, %dot_general3A_41 {dimension_numbers = #tpu.dot_dimension_numbers<[1], [0], [0], [1], [0, 0, 1, 1], [], []>, transpose_lhs_hint = false} : vector<1000x128xf32>, vector<128x128xf32>, vector<1000x128xf32> -> vector<1000x128xf32>
    %get3A_43 = arith.constant 0 : index
    %get3A_44 = arith.constant 0 : index
    %get3A_45 = vector.load %arg9[%get3A_43, %get3A_44] : memref<1x128xf32, #tpu.memory_space<vmem>>, vector<1x128xf32>
    %add3A_46 = vector.broadcast %get3A_45 : vector<1x128xf32> to vector<1000x128xf32>
    %add3A_47 = arith.addf %dot_general3A_42, %add3A_46 : vector<1000x128xf32>
    %swap3A_48 = arith.constant 0 : index
    %swap3A_49 = arith.constant 0 : index
    %swap3A_50 = vector.load %arg15[%swap3A_48, %swap3A_49] : memref<1000x128xf32, #tpu.memory_space<vmem>>, vector<1000x128xf32>
    tpu.vector_store %arg15[%swap3A_48, %swap3A_49], %add3A_47 {strides = array<i32>} : memref<1000x128xf32, #tpu.memory_space<vmem>>, vector<1000x128xf32>,
    %get3A_51 = arith.constant 0 : index
    %get3A_52 = arith.constant 0 : index
    %get3A_53 = vector.load %arg10[%get3A_51, %get3A_52] : memref<128x128xf32, #tpu.memory_space<vmem>>, vector<128x128xf32>
    %dot_general3A_54 = arith.constant dense<0.000000e+00> : vector<1000x128xf32>
    %dot_general3A_55 = tpu.matmul %add3A_9, %get3A_53, %dot_general3A_54 {dimension_numbers = #tpu.dot_dimension_numbers<[1], [0], [0], [1], [0, 0, 1, 1], [], []>, transpose_lhs_hint = false} : vector<1000x128xf32>, vector<128x128xf32>, vector<1000x128xf32> -> vector<1000x128xf32>
    %get3A_56 = arith.constant 0 : index
    %get3A_57 = arith.constant 0 : index
    %get3A_58 = vector.load %arg11[%get3A_56, %get3A_57] : memref<1x128xf32, #tpu.memory_space<vmem>>, vector<1x128xf32>
    %add3A_59 = vector.broadcast %get3A_58 : vector<1x128xf32> to vector<1000x128xf32>
    %add3A_60 = arith.addf %dot_general3A_55, %add3A_59 : vector<1000x128xf32>
    %swap3A_61 = arith.constant 0 : index
    %swap3A_62 = arith.constant 0 : index
    %swap3A_63 = vector.load %arg16[%swap3A_61, %swap3A_62] : memref<1000x128xf32, #tpu.memory_space<vmem>>, vector<1000x128xf32>
    tpu.vector_store %arg16[%swap3A_61, %swap3A_62], %add3A_60 {strides = array<i32>} : memref<1000x128xf32, #tpu.memory_space<vmem>>, vector<1000x128xf32>,
    return
  }
  func.func @transform_0(%arg0: i32) -> (i32, i32) {
    %c0_i32 = arith.constant 0 : i32
    %c0_i32_0 = arith.constant 0 : i32
    return %arg0, %c0_i32 : i32, i32
  }
  func.func @transform_1(%arg0: i32) -> (i32, i32) {
    %c0_i32 = arith.constant 0 : i32
    %c0_i32_0 = arith.constant 0 : i32
    %c0_i32_1 = arith.constant 0 : i32
    return %c0_i32, %c0_i32_0 : i32, i32
  }
  func.func @transform_2(%arg0: i32) -> (i32, i32) {
    %c0_i32 = arith.constant 0 : i32
    %c0_i32_0 = arith.constant 0 : i32
    %c0_i32_1 = arith.constant 0 : i32
    return %c0_i32, %c0_i32_0 : i32, i32
  }
  func.func @transform_3(%arg0: i32) -> (i32, i32) {
    %c0_i32 = arith.constant 0 : i32
    %c0_i32_0 = arith.constant 0 : i32
    %c0_i32_1 = arith.constant 0 : i32
    return %c0_i32, %c0_i32_0 : i32, i32
  }
  func.func @transform_4(%arg0: i32) -> (i32, i32) {
    %c0_i32 = arith.constant 0 : i32
    %c0_i32_0 = arith.constant 0 : i32
    %c0_i32_1 = arith.constant 0 : i32
    return %c0_i32, %c0_i32_0 : i32, i32
  }
  func.func @transform_5(%arg0: i32) -> (i32, i32) {
    %c0_i32 = arith.constant 0 : i32
    %c0_i32_0 = arith.constant 0 : i32
    %c0_i32_1 = arith.constant 0 : i32
    return %c0_i32, %c0_i32_0 : i32, i32
  }
  func.func @transform_6(%arg0: i32) -> (i32, i32) {
    %c0_i32 = arith.constant 0 : i32
    %c0_i32_0 = arith.constant 0 : i32
    %c0_i32_1 = arith.constant 0 : i32
    return %c0_i32, %c0_i32_0 : i32, i32
  }
  func.func @transform_7(%arg0: i32) -> (i32, i32) {
    %c0_i32 = arith.constant 0 : i32
    %c0_i32_0 = arith.constant 0 : i32
    %c0_i32_1 = arith.constant 0 : i32
    return %c0_i32, %c0_i32_0 : i32, i32
  }
  func.func @transform_8(%arg0: i32) -> (i32, i32) {
    %c0_i32 = arith.constant 0 : i32
    %c0_i32_0 = arith.constant 0 : i32
    %c0_i32_1 = arith.constant 0 : i32
    return %c0_i32, %c0_i32_0 : i32, i32
  }
  func.func @transform_9(%arg0: i32) -> (i32, i32) {
    %c0_i32 = arith.constant 0 : i32
    %c0_i32_0 = arith.constant 0 : i32
    %c0_i32_1 = arith.constant 0 : i32
    return %c0_i32, %c0_i32_0 : i32, i32
  }
  func.func @transform_10(%arg0: i32) -> (i32, i32) {
    %c0_i32 = arith.constant 0 : i32
    %c0_i32_0 = arith.constant 0 : i32
    %c0_i32_1 = arith.constant 0 : i32
    return %c0_i32, %c0_i32_0 : i32, i32
  }
  func.func @transform_11(%arg0: i32) -> (i32, i32) {
    %c0_i32 = arith.constant 0 : i32
    %c0_i32_0 = arith.constant 0 : i32
    return %arg0, %c0_i32 : i32, i32
  }
  func.func @transform_12(%arg0: i32) -> (i32, i32) {
    %c0_i32 = arith.constant 0 : i32
    %c0_i32_0 = arith.constant 0 : i32
    return %arg0, %c0_i32 : i32, i32
  }
  func.func @transform_13(%arg0: i32) -> (i32, i32) {
    %c0_i32 = arith.constant 0 : i32
    %c0_i32_0 = arith.constant 0 : i32
    return %arg0, %c0_i32 : i32, i32
  }
  func.func @transform_14(%arg0: i32) -> (i32, i32) {
    %c0_i32 = arith.constant 0 : i32
    %c0_i32_0 = arith.constant 0 : i32
    return %arg0, %c0_i32 : i32, i32
  }
  func.func @transform_15(%arg0: i32) -> (i32, i32) {
    %c0_i32 = arith.constant 0 : i32
    %c0_i32_0 = arith.constant 0 : i32
    return %arg0, %c0_i32 : i32, i32
  }
}

module attributes {stable_mosaic.version = 14 : i64} {
  func.func @body(%arg0: i32, %arg1: memref<2048x128xf32, #tpu.memory_space<vmem>>, %arg2: memref<2048x128xf32, #tpu.memory_space<vmem>>, %arg3: memref<2048x128xf32, #tpu.memory_space<vmem>>, %arg4: memref<2048x128xf32, #tpu.memory_space<vmem>>, %arg5: memref<2048x128xf32, #tpu.memory_space<vmem>>) attributes {dimension_semantics = [#tpu.dimension_semantics<arbitrary>], iteration_bounds = array<i64: 80>, scalar_prefetch = 0 : i64, scratch_operands = 0 : i64, tpu.core_type = #tpu.core_type<tc>, window_params = [{transform_indices = @transform_0, window_bounds = array<i64: 2048, 128>}, {transform_indices = @transform_1, window_bounds = array<i64: 2048, 128>}, {transform_indices = @transform_2, window_bounds = array<i64: 2048, 128>}, {transform_indices = @transform_3, window_bounds = array<i64: 2048, 128>}, {transform_indices = @transform_4, window_bounds = array<i64: 2048, 128>}]} {
    %get3A = arith.constant 0 : index
    %get3A_0 = arith.constant 0 : index
    %get3A_1 = vector.load %arg1[%get3A, %get3A_0] : memref<2048x128xf32, #tpu.memory_space<vmem>>, vector<2048x128xf32>
    %get3A_2 = arith.constant 0 : index
    %get3A_3 = arith.constant 0 : index
    %get3A_4 = vector.load %arg2[%get3A_2, %get3A_3] : memref<2048x128xf32, #tpu.memory_space<vmem>>, vector<2048x128xf32>
    %mul3A = arith.mulf %get3A_1, %get3A_4 : vector<2048x128xf32>
    %reduce_sum3A = arith.constant dense<0.000000e+00> : vector<2048xf32>
    %reduce_sum3A_5 = vector.multi_reduction <add>, %mul3A, %reduce_sum3A [1] : vector<2048x128xf32> to vector<2048xf32>
    %broadcast_in_dim3A = vector.shape_cast %reduce_sum3A_5 : vector<2048xf32> to vector<2048x1xf32>
    %mul3A_6 = arith.constant 0.0883883461 : f32
    %mul3A_7 = vector.broadcast %mul3A_6 : f32 to vector<2048x1xf32>
    %mul3A_8 = arith.mulf %broadcast_in_dim3A, %mul3A_7 : vector<2048x1xf32>
    %mul3A_9 = arith.constant 2048 : i32
    %mul3A_10 = arith.muli %arg0, %mul3A_9 : i32
    %iota3A = tpu.iota {dimensions = array<i32: 0>} : vector<2048x1xi32>
    %add3A = vector.broadcast %mul3A_10 : i32 to vector<2048x1xi32>
    %add3A_11 = arith.addi %add3A, %iota3A : vector<2048x1xi32>
    %lt3A = arith.constant 160000 : i32
    %lt3A_12 = vector.broadcast %lt3A : i32 to vector<2048x1xi32>
    %lt3A_13 = arith.cmpi slt, %add3A_11, %lt3A_12 : vector<2048x1xi32>
    %exp3A = math.exp %mul3A_8 : vector<2048x1xf32>
    %jit3A = arith.constant 0.000000e+00 : f32
    %broadcast_in_dim3A_14 = vector.broadcast %jit3A : f32 to vector<2048x1xf32>
    %select_n3A = arith.select %lt3A_13, %exp3A, %broadcast_in_dim3A_14 : vector<2048x1xi1>, vector<2048x1xf32>
    %get3A_15 = arith.constant 0 : index
    %get3A_16 = arith.constant 0 : index
    %get3A_17 = vector.load %arg3[%get3A_15, %get3A_16] : memref<2048x128xf32, #tpu.memory_space<vmem>>, vector<2048x128xf32>
    %mul3A_18 = vector.broadcast %select_n3A : vector<2048x1xf32> to vector<2048x128xf32>
    %mul3A_19 = arith.mulf %mul3A_18, %get3A_17 : vector<2048x128xf32>
    %swap3A = arith.constant 0 : index
    %swap3A_20 = arith.constant 0 : index
    %swap3A_21 = vector.load %arg4[%swap3A, %swap3A_20] : memref<2048x128xf32, #tpu.memory_space<vmem>>, vector<2048x128xf32>
    tpu.vector_store %arg4[%swap3A, %swap3A_20], %mul3A_19 {strides = array<i32>} : memref<2048x128xf32, #tpu.memory_space<vmem>>, vector<2048x128xf32>,
    %broadcast_in_dim3A_22 = vector.shape_cast %select_n3A : vector<2048x1xf32> to vector<2048x1xf32>
    %broadcast_in_dim3A_23 = vector.broadcast %broadcast_in_dim3A_22 : vector<2048x1xf32> to vector<2048x128xf32>
    %swap3A_24 = arith.constant 0 : index
    %swap3A_25 = arith.constant 0 : index
    %swap3A_26 = vector.load %arg5[%swap3A_24, %swap3A_25] : memref<2048x128xf32, #tpu.memory_space<vmem>>, vector<2048x128xf32>
    tpu.vector_store %arg5[%swap3A_24, %swap3A_25], %broadcast_in_dim3A_23 {strides = array<i32>} : memref<2048x128xf32, #tpu.memory_space<vmem>>, vector<2048x128xf32>,
    return
  }
  func.func @transform_0(%arg0: i32) -> (i32, i32) {
    %c0_i32 = arith.constant 0 : i32
    %c0_i32_0 = arith.constant 0 : i32
    return %arg0, %c0_i32 : i32, i32
  }
  func.func @transform_1(%arg0: i32) -> (i32, i32) {
    %c0_i32 = arith.constant 0 : i32
    %c0_i32_0 = arith.constant 0 : i32
    return %arg0, %c0_i32 : i32, i32
  }
  func.func @transform_2(%arg0: i32) -> (i32, i32) {
    %c0_i32 = arith.constant 0 : i32
    %c0_i32_0 = arith.constant 0 : i32
    return %arg0, %c0_i32 : i32, i32
  }
  func.func @transform_3(%arg0: i32) -> (i32, i32) {
    %c0_i32 = arith.constant 0 : i32
    %c0_i32_0 = arith.constant 0 : i32
    return %arg0, %c0_i32 : i32, i32
  }
  func.func @transform_4(%arg0: i32) -> (i32, i32) {
    %c0_i32 = arith.constant 0 : i32
    %c0_i32_0 = arith.constant 0 : i32
    return %arg0, %c0_i32 : i32, i32
  }
}

module attributes {stable_mosaic.version = 14 : i64} {
  func.func @body(%arg0: i32, %arg1: memref<2x1000x128xf32, #tpu.memory_space<vmem>>, %arg2: memref<2x1000x128xf32, #tpu.memory_space<vmem>>, %arg3: memref<1000x128xf32, #tpu.memory_space<vmem>>, %arg4: memref<128x128xf32, #tpu.memory_space<vmem>>, %arg5: memref<1x128xf32, #tpu.memory_space<vmem>>, %arg6: memref<128x128xf32, #tpu.memory_space<vmem>>, %arg7: memref<1x128xf32, #tpu.memory_space<vmem>>, %arg8: memref<128x128xf32, #tpu.memory_space<vmem>>, %arg9: memref<1x128xf32, #tpu.memory_space<vmem>>, %arg10: memref<128x128xf32, #tpu.memory_space<vmem>>, %arg11: memref<1x128xf32, #tpu.memory_space<vmem>>, %arg12: memref<1000x128xf32, #tpu.memory_space<vmem>>, %arg13: memref<1000x128xf32, #tpu.memory_space<vmem>>, %arg14: memref<1000x128xf32, #tpu.memory_space<vmem>>, %arg15: memref<1000x128xf32, #tpu.memory_space<vmem>>) attributes {dimension_semantics = [#tpu.dimension_semantics<arbitrary>], iteration_bounds = array<i64: 10>, scalar_prefetch = 0 : i64, scratch_operands = 0 : i64, tpu.core_type = #tpu.core_type<tc>, window_params = [{transform_indices = @transform_0, window_bounds = array<i64: 2, 1000, 128>}, {transform_indices = @transform_1, window_bounds = array<i64: 2, 1000, 128>}, {transform_indices = @transform_2, window_bounds = array<i64: 1000, 128>}, {pipeline_mode = #tpu.pipeline_mode<synchronous>, transform_indices = @transform_3, window_bounds = array<i64: 128, 128>}, {pipeline_mode = #tpu.pipeline_mode<synchronous>, transform_indices = @transform_4, window_bounds = array<i64: 1, 128>}, {pipeline_mode = #tpu.pipeline_mode<synchronous>, transform_indices = @transform_5, window_bounds = array<i64: 128, 128>}, {pipeline_mode = #tpu.pipeline_mode<synchronous>, transform_indices = @transform_6, window_bounds = array<i64: 1, 128>}, {pipeline_mode = #tpu.pipeline_mode<synchronous>, transform_indices = @transform_7, window_bounds = array<i64: 128, 128>}, {pipeline_mode = #tpu.pipeline_mode<synchronous>, transform_indices = @transform_8, window_bounds = array<i64: 1, 128>}, {pipeline_mode = #tpu.pipeline_mode<synchronous>, transform_indices = @transform_9, window_bounds = array<i64: 128, 128>}, {pipeline_mode = #tpu.pipeline_mode<synchronous>, transform_indices = @transform_10, window_bounds = array<i64: 1, 128>}, {transform_indices = @transform_11, window_bounds = array<i64: 1000, 128>}, {transform_indices = @transform_12, window_bounds = array<i64: 1000, 128>}, {transform_indices = @transform_13, window_bounds = array<i64: 1000, 128>}, {transform_indices = @transform_14, window_bounds = array<i64: 1000, 128>}]} {
    %get3A = arith.constant 0 : index
    %get3A_0 = arith.constant 0 : index
    %get3A_1 = arith.constant 0 : index
    %get3A_2 = vector.load %arg1[%get3A, %get3A_0, %get3A_1] : memref<2x1000x128xf32, #tpu.memory_space<vmem>>, vector<1x1000x128xf32>
    %get3A_3 = vector.shape_cast %get3A_2 : vector<1x1000x128xf32> to vector<1000x128xf32>
    %get3A_4 = arith.constant 1 : index
    %get3A_5 = arith.constant 0 : index
    %get3A_6 = arith.constant 0 : index
    %get3A_7 = vector.load %arg1[%get3A_4, %get3A_5, %get3A_6] : memref<2x1000x128xf32, #tpu.memory_space<vmem>>, vector<1x1000x128xf32>
    %get3A_8 = vector.shape_cast %get3A_7 : vector<1x1000x128xf32> to vector<1000x128xf32>
    %add3A = arith.addf %get3A_3, %get3A_8 : vector<1000x128xf32>
    %get3A_9 = arith.constant 0 : index
    %get3A_10 = arith.constant 0 : index
    %get3A_11 = arith.constant 0 : index
    %get3A_12 = vector.load %arg2[%get3A_9, %get3A_10, %get3A_11] : memref<2x1000x128xf32, #tpu.memory_space<vmem>>, vector<1x1000x1xf32>
    %get3A_13 = vector.shape_cast %get3A_12 : vector<1x1000x1xf32> to vector<1000x1xf32>
    %get3A_14 = arith.constant 1 : index
    %get3A_15 = arith.constant 0 : index
    %get3A_16 = arith.constant 0 : index
    %get3A_17 = vector.load %arg2[%get3A_14, %get3A_15, %get3A_16] : memref<2x1000x128xf32, #tpu.memory_space<vmem>>, vector<1x1000x1xf32>
    %get3A_18 = vector.shape_cast %get3A_17 : vector<1x1000x1xf32> to vector<1000x1xf32>
    %add3A_19 = arith.addf %get3A_13, %get3A_18 : vector<1000x1xf32>
    %add3A_20 = arith.constant 1.000000e-16 : f32
    %add3A_21 = vector.broadcast %add3A_20 : f32 to vector<1000x1xf32>
    %add3A_22 = arith.addf %add3A_19, %add3A_21 : vector<1000x1xf32>
    %div3A = vector.broadcast %add3A_22 : vector<1000x1xf32> to vector<1000x128xf32>
    %div3A_23 = arith.divf %add3A, %div3A : vector<1000x128xf32>
    %get3A_24 = arith.constant 0 : index
    %get3A_25 = arith.constant 0 : index
    %get3A_26 = vector.load %arg3[%get3A_24, %get3A_25] : memref<1000x128xf32, #tpu.memory_space<vmem>>, vector<1000x128xf32>
    %add3A_27 = arith.addf %div3A_23, %get3A_26 : vector<1000x128xf32>
    %get3A_28 = arith.constant 0 : index
    %get3A_29 = arith.constant 0 : index
    %get3A_30 = vector.load %arg4[%get3A_28, %get3A_29] : memref<128x128xf32, #tpu.memory_space<vmem>>, vector<128x128xf32>
    %dot_general3A = arith.constant dense<0.000000e+00> : vector<1000x128xf32>
    %dot_general3A_31 = tpu.matmul %add3A_27, %get3A_30, %dot_general3A {dimension_numbers = #tpu.dot_dimension_numbers<[1], [0], [0], [1], [0, 0, 1, 1], [], []>, transpose_lhs_hint = false} : vector<1000x128xf32>, vector<128x128xf32>, vector<1000x128xf32> -> vector<1000x128xf32>
    %get3A_32 = arith.constant 0 : index
    %get3A_33 = arith.constant 0 : index
    %get3A_34 = vector.load %arg5[%get3A_32, %get3A_33] : memref<1x128xf32, #tpu.memory_space<vmem>>, vector<1x128xf32>
    %add3A_35 = vector.broadcast %get3A_34 : vector<1x128xf32> to vector<1000x128xf32>
    %add3A_36 = arith.addf %dot_general3A_31, %add3A_35 : vector<1000x128xf32>
    %swap3A = arith.constant 0 : index
    %swap3A_37 = arith.constant 0 : index
    %swap3A_38 = vector.load %arg12[%swap3A, %swap3A_37] : memref<1000x128xf32, #tpu.memory_space<vmem>>, vector<1000x128xf32>
    tpu.vector_store %arg12[%swap3A, %swap3A_37], %add3A_36 {strides = array<i32>} : memref<1000x128xf32, #tpu.memory_space<vmem>>, vector<1000x128xf32>,
    %get3A_39 = arith.constant 0 : index
    %get3A_40 = arith.constant 0 : index
    %get3A_41 = vector.load %arg6[%get3A_39, %get3A_40] : memref<128x128xf32, #tpu.memory_space<vmem>>, vector<128x128xf32>
    %dot_general3A_42 = arith.constant dense<0.000000e+00> : vector<1000x128xf32>
    %dot_general3A_43 = tpu.matmul %add3A_27, %get3A_41, %dot_general3A_42 {dimension_numbers = #tpu.dot_dimension_numbers<[1], [0], [0], [1], [0, 0, 1, 1], [], []>, transpose_lhs_hint = false} : vector<1000x128xf32>, vector<128x128xf32>, vector<1000x128xf32> -> vector<1000x128xf32>
    %get3A_44 = arith.constant 0 : index
    %get3A_45 = arith.constant 0 : index
    %get3A_46 = vector.load %arg7[%get3A_44, %get3A_45] : memref<1x128xf32, #tpu.memory_space<vmem>>, vector<1x128xf32>
    %add3A_47 = vector.broadcast %get3A_46 : vector<1x128xf32> to vector<1000x128xf32>
    %add3A_48 = arith.addf %dot_general3A_43, %add3A_47 : vector<1000x128xf32>
    %swap3A_49 = arith.constant 0 : index
    %swap3A_50 = arith.constant 0 : index
    %swap3A_51 = vector.load %arg13[%swap3A_49, %swap3A_50] : memref<1000x128xf32, #tpu.memory_space<vmem>>, vector<1000x128xf32>
    tpu.vector_store %arg13[%swap3A_49, %swap3A_50], %add3A_48 {strides = array<i32>} : memref<1000x128xf32, #tpu.memory_space<vmem>>, vector<1000x128xf32>,
    %get3A_52 = arith.constant 0 : index
    %get3A_53 = arith.constant 0 : index
    %get3A_54 = vector.load %arg8[%get3A_52, %get3A_53] : memref<128x128xf32, #tpu.memory_space<vmem>>, vector<128x128xf32>
    %dot_general3A_55 = arith.constant dense<0.000000e+00> : vector<1000x128xf32>
    %dot_general3A_56 = tpu.matmul %add3A_27, %get3A_54, %dot_general3A_55 {dimension_numbers = #tpu.dot_dimension_numbers<[1], [0], [0], [1], [0, 0, 1, 1], [], []>, transpose_lhs_hint = false} : vector<1000x128xf32>, vector<128x128xf32>, vector<1000x128xf32> -> vector<1000x128xf32>
    %get3A_57 = arith.constant 0 : index
    %get3A_58 = arith.constant 0 : index
    %get3A_59 = vector.load %arg9[%get3A_57, %get3A_58] : memref<1x128xf32, #tpu.memory_space<vmem>>, vector<1x128xf32>
    %add3A_60 = vector.broadcast %get3A_59 : vector<1x128xf32> to vector<1000x128xf32>
    %add3A_61 = arith.addf %dot_general3A_56, %add3A_60 : vector<1000x128xf32>
    %swap3A_62 = arith.constant 0 : index
    %swap3A_63 = arith.constant 0 : index
    %swap3A_64 = vector.load %arg14[%swap3A_62, %swap3A_63] : memref<1000x128xf32, #tpu.memory_space<vmem>>, vector<1000x128xf32>
    tpu.vector_store %arg14[%swap3A_62, %swap3A_63], %add3A_61 {strides = array<i32>} : memref<1000x128xf32, #tpu.memory_space<vmem>>, vector<1000x128xf32>,
    %get3A_65 = arith.constant 0 : index
    %get3A_66 = arith.constant 0 : index
    %get3A_67 = vector.load %arg10[%get3A_65, %get3A_66] : memref<128x128xf32, #tpu.memory_space<vmem>>, vector<128x128xf32>
    %dot_general3A_68 = arith.constant dense<0.000000e+00> : vector<1000x128xf32>
    %dot_general3A_69 = tpu.matmul %add3A_27, %get3A_67, %dot_general3A_68 {dimension_numbers = #tpu.dot_dimension_numbers<[1], [0], [0], [1], [0, 0, 1, 1], [], []>, transpose_lhs_hint = false} : vector<1000x128xf32>, vector<128x128xf32>, vector<1000x128xf32> -> vector<1000x128xf32>
    %get3A_70 = arith.constant 0 : index
    %get3A_71 = arith.constant 0 : index
    %get3A_72 = vector.load %arg11[%get3A_70, %get3A_71] : memref<1x128xf32, #tpu.memory_space<vmem>>, vector<1x128xf32>
    %add3A_73 = vector.broadcast %get3A_72 : vector<1x128xf32> to vector<1000x128xf32>
    %add3A_74 = arith.addf %dot_general3A_69, %add3A_73 : vector<1000x128xf32>
    %swap3A_75 = arith.constant 0 : index
    %swap3A_76 = arith.constant 0 : index
    %swap3A_77 = vector.load %arg15[%swap3A_75, %swap3A_76] : memref<1000x128xf32, #tpu.memory_space<vmem>>, vector<1000x128xf32>
    tpu.vector_store %arg15[%swap3A_75, %swap3A_76], %add3A_74 {strides = array<i32>} : memref<1000x128xf32, #tpu.memory_space<vmem>>, vector<1000x128xf32>,
    return
  }
  func.func @transform_0(%arg0: i32) -> (i32, i32, i32) {
    %c0_i32 = arith.constant 0 : i32
    %c0_i32_0 = arith.constant 0 : i32
    %c0_i32_1 = arith.constant 0 : i32
    return %c0_i32, %arg0, %c0_i32_0 : i32, i32, i32
  }
  func.func @transform_1(%arg0: i32) -> (i32, i32, i32) {
    %c0_i32 = arith.constant 0 : i32
    %c0_i32_0 = arith.constant 0 : i32
    %c0_i32_1 = arith.constant 0 : i32
    return %c0_i32, %arg0, %c0_i32_0 : i32, i32, i32
  }
  func.func @transform_2(%arg0: i32) -> (i32, i32) {
    %c0_i32 = arith.constant 0 : i32
    %c0_i32_0 = arith.constant 0 : i32
    return %arg0, %c0_i32 : i32, i32
  }
  func.func @transform_3(%arg0: i32) -> (i32, i32) {
    %c0_i32 = arith.constant 0 : i32
    %c0_i32_0 = arith.constant 0 : i32
    %c0_i32_1 = arith.constant 0 : i32
    return %c0_i32, %c0_i32_0 : i32, i32
  }
  func.func @transform_4(%arg0: i32) -> (i32, i32) {
    %c0_i32 = arith.constant 0 : i32
    %c0_i32_0 = arith.constant 0 : i32
    %c0_i32_1 = arith.constant 0 : i32
    return %c0_i32, %c0_i32_0 : i32, i32
  }
  func.func @transform_5(%arg0: i32) -> (i32, i32) {
    %c0_i32 = arith.constant 0 : i32
    %c0_i32_0 = arith.constant 0 : i32
    %c0_i32_1 = arith.constant 0 : i32
    return %c0_i32, %c0_i32_0 : i32, i32
  }
  func.func @transform_6(%arg0: i32) -> (i32, i32) {
    %c0_i32 = arith.constant 0 : i32
    %c0_i32_0 = arith.constant 0 : i32
    %c0_i32_1 = arith.constant 0 : i32
    return %c0_i32, %c0_i32_0 : i32, i32
  }
  func.func @transform_7(%arg0: i32) -> (i32, i32) {
    %c0_i32 = arith.constant 0 : i32
    %c0_i32_0 = arith.constant 0 : i32
    %c0_i32_1 = arith.constant 0 : i32
    return %c0_i32, %c0_i32_0 : i32, i32
  }
  func.func @transform_8(%arg0: i32) -> (i32, i32) {
    %c0_i32 = arith.constant 0 : i32
    %c0_i32_0 = arith.constant 0 : i32
    %c0_i32_1 = arith.constant 0 : i32
    return %c0_i32, %c0_i32_0 : i32, i32
  }
  func.func @transform_9(%arg0: i32) -> (i32, i32) {
    %c0_i32 = arith.constant 0 : i32
    %c0_i32_0 = arith.constant 0 : i32
    %c0_i32_1 = arith.constant 0 : i32
    return %c0_i32, %c0_i32_0 : i32, i32
  }
  func.func @transform_10(%arg0: i32) -> (i32, i32) {
    %c0_i32 = arith.constant 0 : i32
    %c0_i32_0 = arith.constant 0 : i32
    %c0_i32_1 = arith.constant 0 : i32
    return %c0_i32, %c0_i32_0 : i32, i32
  }
  func.func @transform_11(%arg0: i32) -> (i32, i32) {
    %c0_i32 = arith.constant 0 : i32
    %c0_i32_0 = arith.constant 0 : i32
    return %arg0, %c0_i32 : i32, i32
  }
  func.func @transform_12(%arg0: i32) -> (i32, i32) {
    %c0_i32 = arith.constant 0 : i32
    %c0_i32_0 = arith.constant 0 : i32
    return %arg0, %c0_i32 : i32, i32
  }
  func.func @transform_13(%arg0: i32) -> (i32, i32) {
    %c0_i32 = arith.constant 0 : i32
    %c0_i32_0 = arith.constant 0 : i32
    return %arg0, %c0_i32 : i32, i32
  }
  func.func @transform_14(%arg0: i32) -> (i32, i32) {
    %c0_i32 = arith.constant 0 : i32
    %c0_i32_0 = arith.constant 0 : i32
    return %arg0, %c0_i32 : i32, i32
  }
}

module attributes {stable_mosaic.version = 14 : i64} {
  func.func @body(%arg0: i32, %arg1: memref<2048x128xf32, #tpu.memory_space<vmem>>, %arg2: memref<2048x128xf32, #tpu.memory_space<vmem>>, %arg3: memref<2048x128xf32, #tpu.memory_space<vmem>>, %arg4: memref<2048x1xf32, #tpu.memory_space<vmem>>, %arg5: memref<1x128xf32, #tpu.memory_space<vmem>>, %arg6: memref<1x128xf32, #tpu.memory_space<vmem>>, %arg7: memref<2048x128xf32, #tpu.memory_space<vmem>>) attributes {dimension_semantics = [#tpu.dimension_semantics<arbitrary>], iteration_bounds = array<i64: 80>, scalar_prefetch = 0 : i64, scratch_operands = 0 : i64, tpu.core_type = #tpu.core_type<tc>, window_params = [{transform_indices = @transform_0, window_bounds = array<i64: 2048, 128>}, {transform_indices = @transform_1, window_bounds = array<i64: 2048, 128>}, {transform_indices = @transform_2, window_bounds = array<i64: 2048, 128>}, {transform_indices = @transform_3, window_bounds = array<i64: 2048, 1>}, {pipeline_mode = #tpu.pipeline_mode<synchronous>, transform_indices = @transform_4, window_bounds = array<i64: 1, 128>}, {pipeline_mode = #tpu.pipeline_mode<synchronous>, transform_indices = @transform_5, window_bounds = array<i64: 1, 128>}, {transform_indices = @transform_6, window_bounds = array<i64: 2048, 128>}]} {
    %get3A = arith.constant 0 : index
    %get3A_0 = arith.constant 0 : index
    %get3A_1 = vector.load %arg4[%get3A, %get3A_0] : memref<2048x1xf32, #tpu.memory_space<vmem>>, vector<2048x1xf32>
    %get3A_2 = arith.constant 0 : index
    %get3A_3 = arith.constant 0 : index
    %get3A_4 = vector.load %arg5[%get3A_2, %get3A_3] : memref<1x128xf32, #tpu.memory_space<vmem>>, vector<1x128xf32>
    %mul3A = vector.broadcast %get3A_1 : vector<2048x1xf32> to vector<2048x128xf32>
    %mul3A_5 = vector.broadcast %get3A_4 : vector<1x128xf32> to vector<2048x128xf32>
    %mul3A_6 = arith.mulf %mul3A, %mul3A_5 : vector<2048x128xf32>
    %get3A_7 = arith.constant 0 : index
    %get3A_8 = arith.constant 0 : index
    %get3A_9 = vector.load %arg6[%get3A_7, %get3A_8] : memref<1x128xf32, #tpu.memory_space<vmem>>, vector<1x128xf32>
    %add3A = vector.broadcast %get3A_9 : vector<1x128xf32> to vector<2048x128xf32>
    %add3A_10 = arith.addf %mul3A_6, %add3A : vector<2048x128xf32>
    %get3A_11 = arith.constant 0 : index
    %get3A_12 = arith.constant 0 : index
    %get3A_13 = vector.load %arg1[%get3A_11, %get3A_12] : memref<2048x128xf32, #tpu.memory_space<vmem>>, vector<2048x128xf32>
    %get3A_14 = arith.constant 0 : index
    %get3A_15 = arith.constant 0 : index
    %get3A_16 = vector.load %arg2[%get3A_14, %get3A_15] : memref<2048x128xf32, #tpu.memory_space<vmem>>, vector<2048x128xf32>
    %add3A_17 = arith.addf %get3A_13, %get3A_16 : vector<2048x128xf32>
    %add3A_18 = arith.addf %add3A_17, %add3A_10 : vector<2048x128xf32>
    %logistic3A = arith.negf %add3A_18 : vector<2048x128xf32>
    %logistic3A_19 = math.exp %logistic3A : vector<2048x128xf32>
    %logistic3A_20 = arith.constant 1.000000e+00 : f32
    %logistic3A_21 = vector.broadcast %logistic3A_20 : f32 to vector<2048x128xf32>
    %logistic3A_22 = arith.addf %logistic3A_21, %logistic3A_19 : vector<2048x128xf32>
    %logistic3A_23 = arith.divf %logistic3A_21, %logistic3A_22 : vector<2048x128xf32>
    %mul3A_24 = arith.constant 2048 : i32
    %mul3A_25 = arith.muli %arg0, %mul3A_24 : i32
    %iota3A = tpu.iota {dimensions = array<i32: 0>} : vector<2048x1xi32>
    %add3A_26 = vector.broadcast %mul3A_25 : i32 to vector<2048x1xi32>
    %add3A_27 = arith.addi %add3A_26, %iota3A : vector<2048x1xi32>
    %lt3A = arith.constant 160000 : i32
    %lt3A_28 = vector.broadcast %lt3A : i32 to vector<2048x1xi32>
    %lt3A_29 = arith.cmpi slt, %add3A_27, %lt3A_28 : vector<2048x1xi32>
    %get3A_30 = arith.constant 0 : index
    %get3A_31 = arith.constant 0 : index
    %get3A_32 = vector.load %arg3[%get3A_30, %get3A_31] : memref<2048x128xf32, #tpu.memory_space<vmem>>, vector<2048x128xf32>
    %mul3A_33 = arith.mulf %logistic3A_23, %get3A_32 : vector<2048x128xf32>
    %jit3A = arith.constant 0.000000e+00 : f32
    %broadcast_in_dim3A = vector.shape_cast %lt3A_29 : vector<2048x1xi1> to vector<2048x1xi1>
    %broadcast_in_dim3A_34 = vector.broadcast %broadcast_in_dim3A : vector<2048x1xi1> to vector<2048x128xi1>
    %broadcast_in_dim3A_35 = vector.broadcast %jit3A : f32 to vector<2048x128xf32>
    %select_n3A = arith.select %broadcast_in_dim3A_34, %mul3A_33, %broadcast_in_dim3A_35 : vector<2048x128xi1>, vector<2048x128xf32>
    %swap3A = arith.constant 0 : index
    %swap3A_36 = arith.constant 0 : index
    %swap3A_37 = vector.load %arg7[%swap3A, %swap3A_36] : memref<2048x128xf32, #tpu.memory_space<vmem>>, vector<2048x128xf32>
    tpu.vector_store %arg7[%swap3A, %swap3A_36], %select_n3A {strides = array<i32>} : memref<2048x128xf32, #tpu.memory_space<vmem>>, vector<2048x128xf32>,
    return
  }
  func.func @transform_0(%arg0: i32) -> (i32, i32) {
    %c0_i32 = arith.constant 0 : i32
    %c0_i32_0 = arith.constant 0 : i32
    return %arg0, %c0_i32 : i32, i32
  }
  func.func @transform_1(%arg0: i32) -> (i32, i32) {
    %c0_i32 = arith.constant 0 : i32
    %c0_i32_0 = arith.constant 0 : i32
    return %arg0, %c0_i32 : i32, i32
  }
  func.func @transform_2(%arg0: i32) -> (i32, i32) {
    %c0_i32 = arith.constant 0 : i32
    %c0_i32_0 = arith.constant 0 : i32
    return %arg0, %c0_i32 : i32, i32
  }
  func.func @transform_3(%arg0: i32) -> (i32, i32) {
    %c0_i32 = arith.constant 0 : i32
    %c0_i32_0 = arith.constant 0 : i32
    return %arg0, %c0_i32 : i32, i32
  }
  func.func @transform_4(%arg0: i32) -> (i32, i32) {
    %c0_i32 = arith.constant 0 : i32
    %c0_i32_0 = arith.constant 0 : i32
    %c0_i32_1 = arith.constant 0 : i32
    return %c0_i32, %c0_i32_0 : i32, i32
  }
  func.func @transform_5(%arg0: i32) -> (i32, i32) {
    %c0_i32 = arith.constant 0 : i32
    %c0_i32_0 = arith.constant 0 : i32
    %c0_i32_1 = arith.constant 0 : i32
    return %c0_i32, %c0_i32_0 : i32, i32
  }
  func.func @transform_6(%arg0: i32) -> (i32, i32) {
    %c0_i32 = arith.constant 0 : i32
    %c0_i32_0 = arith.constant 0 : i32
    return %arg0, %c0_i32 : i32, i32
  }
}

module attributes {stable_mosaic.version = 14 : i64} {
  func.func @body(%arg0: i32, %arg1: memref<2x1000x128xf32, #tpu.memory_space<vmem>>, %arg2: memref<1000x128xf32, #tpu.memory_space<vmem>>, %arg3: memref<128x128xf32, #tpu.memory_space<vmem>>, %arg4: memref<1x128xf32, #tpu.memory_space<vmem>>, %arg5: memref<128x128xf32, #tpu.memory_space<vmem>>, %arg6: memref<1x128xf32, #tpu.memory_space<vmem>>, %arg7: memref<128x128xf32, #tpu.memory_space<vmem>>, %arg8: memref<1x128xf32, #tpu.memory_space<vmem>>, %arg9: memref<128x128xf32, #tpu.memory_space<vmem>>, %arg10: memref<1x128xf32, #tpu.memory_space<vmem>>, %arg11: memref<1000x128xf32, #tpu.memory_space<vmem>>, %arg12: memref<1000x128xf32, #tpu.memory_space<vmem>>, %arg13: memref<1000x128xf32, #tpu.memory_space<vmem>>, %arg14: memref<1000x128xf32, #tpu.memory_space<vmem>>) attributes {dimension_semantics = [#tpu.dimension_semantics<arbitrary>], iteration_bounds = array<i64: 10>, scalar_prefetch = 0 : i64, scratch_operands = 0 : i64, tpu.core_type = #tpu.core_type<tc>, window_params = [{transform_indices = @transform_0, window_bounds = array<i64: 2, 1000, 128>}, {transform_indices = @transform_1, window_bounds = array<i64: 1000, 128>}, {pipeline_mode = #tpu.pipeline_mode<synchronous>, transform_indices = @transform_2, window_bounds = array<i64: 128, 128>}, {pipeline_mode = #tpu.pipeline_mode<synchronous>, transform_indices = @transform_3, window_bounds = array<i64: 1, 128>}, {pipeline_mode = #tpu.pipeline_mode<synchronous>, transform_indices = @transform_4, window_bounds = array<i64: 128, 128>}, {pipeline_mode = #tpu.pipeline_mode<synchronous>, transform_indices = @transform_5, window_bounds = array<i64: 1, 128>}, {pipeline_mode = #tpu.pipeline_mode<synchronous>, transform_indices = @transform_6, window_bounds = array<i64: 128, 128>}, {pipeline_mode = #tpu.pipeline_mode<synchronous>, transform_indices = @transform_7, window_bounds = array<i64: 1, 128>}, {pipeline_mode = #tpu.pipeline_mode<synchronous>, transform_indices = @transform_8, window_bounds = array<i64: 128, 128>}, {pipeline_mode = #tpu.pipeline_mode<synchronous>, transform_indices = @transform_9, window_bounds = array<i64: 1, 128>}, {transform_indices = @transform_10, window_bounds = array<i64: 1000, 128>}, {transform_indices = @transform_11, window_bounds = array<i64: 1000, 128>}, {transform_indices = @transform_12, window_bounds = array<i64: 1000, 128>}, {transform_indices = @transform_13, window_bounds = array<i64: 1000, 128>}]} {
    %get3A = arith.constant 0 : index
    %get3A_0 = arith.constant 0 : index
    %get3A_1 = arith.constant 0 : index
    %get3A_2 = vector.load %arg1[%get3A, %get3A_0, %get3A_1] : memref<2x1000x128xf32, #tpu.memory_space<vmem>>, vector<1x1000x128xf32>
    %get3A_3 = vector.shape_cast %get3A_2 : vector<1x1000x128xf32> to vector<1000x128xf32>
    %get3A_4 = arith.constant 1 : index
    %get3A_5 = arith.constant 0 : index
    %get3A_6 = arith.constant 0 : index
    %get3A_7 = vector.load %arg1[%get3A_4, %get3A_5, %get3A_6] : memref<2x1000x128xf32, #tpu.memory_space<vmem>>, vector<1x1000x128xf32>
    %get3A_8 = vector.shape_cast %get3A_7 : vector<1x1000x128xf32> to vector<1000x128xf32>
    %add3A = arith.addf %get3A_3, %get3A_8 : vector<1000x128xf32>
    %get3A_9 = arith.constant 0 : index
    %get3A_10 = arith.constant 0 : index
    %get3A_11 = vector.load %arg2[%get3A_9, %get3A_10] : memref<1000x128xf32, #tpu.memory_space<vmem>>, vector<1000x128xf32>
    %add3A_12 = arith.addf %add3A, %get3A_11 : vector<1000x128xf32>
    %max3A = arith.constant 0.000000e+00 : f32
    %max3A_13 = vector.broadcast %max3A : f32 to vector<1000x128xf32>
    %max3A_14 = arith.maximumf %add3A_12, %max3A_13 : vector<1000x128xf32>
    %get3A_15 = arith.constant 0 : index
    %get3A_16 = arith.constant 0 : index
    %get3A_17 = vector.load %arg3[%get3A_15, %get3A_16] : memref<128x128xf32, #tpu.memory_space<vmem>>, vector<128x128xf32>
    %dot_general3A = arith.constant dense<0.000000e+00> : vector<1000x128xf32>
    %dot_general3A_18 = tpu.matmul %max3A_14, %get3A_17, %dot_general3A {dimension_numbers = #tpu.dot_dimension_numbers<[1], [0], [0], [1], [0, 0, 1, 1], [], []>, transpose_lhs_hint = false} : vector<1000x128xf32>, vector<128x128xf32>, vector<1000x128xf32> -> vector<1000x128xf32>
    %get3A_19 = arith.constant 0 : index
    %get3A_20 = arith.constant 0 : index
    %get3A_21 = vector.load %arg4[%get3A_19, %get3A_20] : memref<1x128xf32, #tpu.memory_space<vmem>>, vector<1x128xf32>
    %add3A_22 = vector.broadcast %get3A_21 : vector<1x128xf32> to vector<1000x128xf32>
    %add3A_23 = arith.addf %dot_general3A_18, %add3A_22 : vector<1000x128xf32>
    %swap3A = arith.constant 0 : index
    %swap3A_24 = arith.constant 0 : index
    %swap3A_25 = vector.load %arg11[%swap3A, %swap3A_24] : memref<1000x128xf32, #tpu.memory_space<vmem>>, vector<1000x128xf32>
    tpu.vector_store %arg11[%swap3A, %swap3A_24], %add3A_23 {strides = array<i32>} : memref<1000x128xf32, #tpu.memory_space<vmem>>, vector<1000x128xf32>,
    %get3A_26 = arith.constant 0 : index
    %get3A_27 = arith.constant 0 : index
    %get3A_28 = vector.load %arg5[%get3A_26, %get3A_27] : memref<128x128xf32, #tpu.memory_space<vmem>>, vector<128x128xf32>
    %dot_general3A_29 = arith.constant dense<0.000000e+00> : vector<1000x128xf32>
    %dot_general3A_30 = tpu.matmul %max3A_14, %get3A_28, %dot_general3A_29 {dimension_numbers = #tpu.dot_dimension_numbers<[1], [0], [0], [1], [0, 0, 1, 1], [], []>, transpose_lhs_hint = false} : vector<1000x128xf32>, vector<128x128xf32>, vector<1000x128xf32> -> vector<1000x128xf32>
    %get3A_31 = arith.constant 0 : index
    %get3A_32 = arith.constant 0 : index
    %get3A_33 = vector.load %arg6[%get3A_31, %get3A_32] : memref<1x128xf32, #tpu.memory_space<vmem>>, vector<1x128xf32>
    %add3A_34 = vector.broadcast %get3A_33 : vector<1x128xf32> to vector<1000x128xf32>
    %add3A_35 = arith.addf %dot_general3A_30, %add3A_34 : vector<1000x128xf32>
    %swap3A_36 = arith.constant 0 : index
    %swap3A_37 = arith.constant 0 : index
    %swap3A_38 = vector.load %arg12[%swap3A_36, %swap3A_37] : memref<1000x128xf32, #tpu.memory_space<vmem>>, vector<1000x128xf32>
    tpu.vector_store %arg12[%swap3A_36, %swap3A_37], %add3A_35 {strides = array<i32>} : memref<1000x128xf32, #tpu.memory_space<vmem>>, vector<1000x128xf32>,
    %get3A_39 = arith.constant 0 : index
    %get3A_40 = arith.constant 0 : index
    %get3A_41 = vector.load %arg7[%get3A_39, %get3A_40] : memref<128x128xf32, #tpu.memory_space<vmem>>, vector<128x128xf32>
    %dot_general3A_42 = arith.constant dense<0.000000e+00> : vector<1000x128xf32>
    %dot_general3A_43 = tpu.matmul %max3A_14, %get3A_41, %dot_general3A_42 {dimension_numbers = #tpu.dot_dimension_numbers<[1], [0], [0], [1], [0, 0, 1, 1], [], []>, transpose_lhs_hint = false} : vector<1000x128xf32>, vector<128x128xf32>, vector<1000x128xf32> -> vector<1000x128xf32>
    %get3A_44 = arith.constant 0 : index
    %get3A_45 = arith.constant 0 : index
    %get3A_46 = vector.load %arg8[%get3A_44, %get3A_45] : memref<1x128xf32, #tpu.memory_space<vmem>>, vector<1x128xf32>
    %add3A_47 = vector.broadcast %get3A_46 : vector<1x128xf32> to vector<1000x128xf32>
    %add3A_48 = arith.addf %dot_general3A_43, %add3A_47 : vector<1000x128xf32>
    %swap3A_49 = arith.constant 0 : index
    %swap3A_50 = arith.constant 0 : index
    %swap3A_51 = vector.load %arg13[%swap3A_49, %swap3A_50] : memref<1000x128xf32, #tpu.memory_space<vmem>>, vector<1000x128xf32>
    tpu.vector_store %arg13[%swap3A_49, %swap3A_50], %add3A_48 {strides = array<i32>} : memref<1000x128xf32, #tpu.memory_space<vmem>>, vector<1000x128xf32>,
    %get3A_52 = arith.constant 0 : index
    %get3A_53 = arith.constant 0 : index
    %get3A_54 = vector.load %arg9[%get3A_52, %get3A_53] : memref<128x128xf32, #tpu.memory_space<vmem>>, vector<128x128xf32>
    %dot_general3A_55 = arith.constant dense<0.000000e+00> : vector<1000x128xf32>
    %dot_general3A_56 = tpu.matmul %max3A_14, %get3A_54, %dot_general3A_55 {dimension_numbers = #tpu.dot_dimension_numbers<[1], [0], [0], [1], [0, 0, 1, 1], [], []>, transpose_lhs_hint = false} : vector<1000x128xf32>, vector<128x128xf32>, vector<1000x128xf32> -> vector<1000x128xf32>
    %get3A_57 = arith.constant 0 : index
    %get3A_58 = arith.constant 0 : index
    %get3A_59 = vector.load %arg10[%get3A_57, %get3A_58] : memref<1x128xf32, #tpu.memory_space<vmem>>, vector<1x128xf32>
    %add3A_60 = vector.broadcast %get3A_59 : vector<1x128xf32> to vector<1000x128xf32>
    %add3A_61 = arith.addf %dot_general3A_56, %add3A_60 : vector<1000x128xf32>
    %swap3A_62 = arith.constant 0 : index
    %swap3A_63 = arith.constant 0 : index
    %swap3A_64 = vector.load %arg14[%swap3A_62, %swap3A_63] : memref<1000x128xf32, #tpu.memory_space<vmem>>, vector<1000x128xf32>
    tpu.vector_store %arg14[%swap3A_62, %swap3A_63], %add3A_61 {strides = array<i32>} : memref<1000x128xf32, #tpu.memory_space<vmem>>, vector<1000x128xf32>,
    return
  }
  func.func @transform_0(%arg0: i32) -> (i32, i32, i32) {
    %c0_i32 = arith.constant 0 : i32
    %c0_i32_0 = arith.constant 0 : i32
    %c0_i32_1 = arith.constant 0 : i32
    return %c0_i32, %arg0, %c0_i32_0 : i32, i32, i32
  }
  func.func @transform_1(%arg0: i32) -> (i32, i32) {
    %c0_i32 = arith.constant 0 : i32
    %c0_i32_0 = arith.constant 0 : i32
    return %arg0, %c0_i32 : i32, i32
  }
  func.func @transform_2(%arg0: i32) -> (i32, i32) {
    %c0_i32 = arith.constant 0 : i32
    %c0_i32_0 = arith.constant 0 : i32
    %c0_i32_1 = arith.constant 0 : i32
    return %c0_i32, %c0_i32_0 : i32, i32
  }
  func.func @transform_3(%arg0: i32) -> (i32, i32) {
    %c0_i32 = arith.constant 0 : i32
    %c0_i32_0 = arith.constant 0 : i32
    %c0_i32_1 = arith.constant 0 : i32
    return %c0_i32, %c0_i32_0 : i32, i32
  }
  func.func @transform_4(%arg0: i32) -> (i32, i32) {
    %c0_i32 = arith.constant 0 : i32
    %c0_i32_0 = arith.constant 0 : i32
    %c0_i32_1 = arith.constant 0 : i32
    return %c0_i32, %c0_i32_0 : i32, i32
  }
  func.func @transform_5(%arg0: i32) -> (i32, i32) {
    %c0_i32 = arith.constant 0 : i32
    %c0_i32_0 = arith.constant 0 : i32
    %c0_i32_1 = arith.constant 0 : i32
    return %c0_i32, %c0_i32_0 : i32, i32
  }
  func.func @transform_6(%arg0: i32) -> (i32, i32) {
    %c0_i32 = arith.constant 0 : i32
    %c0_i32_0 = arith.constant 0 : i32
    %c0_i32_1 = arith.constant 0 : i32
    return %c0_i32, %c0_i32_0 : i32, i32
  }
  func.func @transform_7(%arg0: i32) -> (i32, i32) {
    %c0_i32 = arith.constant 0 : i32
    %c0_i32_0 = arith.constant 0 : i32
    %c0_i32_1 = arith.constant 0 : i32
    return %c0_i32, %c0_i32_0 : i32, i32
  }
  func.func @transform_8(%arg0: i32) -> (i32, i32) {
    %c0_i32 = arith.constant 0 : i32
    %c0_i32_0 = arith.constant 0 : i32
    %c0_i32_1 = arith.constant 0 : i32
    return %c0_i32, %c0_i32_0 : i32, i32
  }
  func.func @transform_9(%arg0: i32) -> (i32, i32) {
    %c0_i32 = arith.constant 0 : i32
    %c0_i32_0 = arith.constant 0 : i32
    %c0_i32_1 = arith.constant 0 : i32
    return %c0_i32, %c0_i32_0 : i32, i32
  }
  func.func @transform_10(%arg0: i32) -> (i32, i32) {
    %c0_i32 = arith.constant 0 : i32
    %c0_i32_0 = arith.constant 0 : i32
    return %arg0, %c0_i32 : i32, i32
  }
  func.func @transform_11(%arg0: i32) -> (i32, i32) {
    %c0_i32 = arith.constant 0 : i32
    %c0_i32_0 = arith.constant 0 : i32
    return %arg0, %c0_i32 : i32, i32
  }
  func.func @transform_12(%arg0: i32) -> (i32, i32) {
    %c0_i32 = arith.constant 0 : i32
    %c0_i32_0 = arith.constant 0 : i32
    return %arg0, %c0_i32 : i32, i32
  }
  func.func @transform_13(%arg0: i32) -> (i32, i32) {
    %c0_i32 = arith.constant 0 : i32
    %c0_i32_0 = arith.constant 0 : i32
    return %arg0, %c0_i32 : i32, i32
  }
}

module attributes {stable_mosaic.version = 14 : i64} {
  func.func @body(%arg0: i32, %arg1: memref<2x1000x128xf32, #tpu.memory_space<vmem>>, %arg2: memref<1000x128xf32, #tpu.memory_space<vmem>>, %arg3: memref<1000x128xf32, #tpu.memory_space<vmem>>) attributes {dimension_semantics = [#tpu.dimension_semantics<arbitrary>], iteration_bounds = array<i64: 10>, scalar_prefetch = 0 : i64, scratch_operands = 0 : i64, tpu.core_type = #tpu.core_type<tc>, window_params = [{transform_indices = @transform_0, window_bounds = array<i64: 2, 1000, 128>}, {transform_indices = @transform_1, window_bounds = array<i64: 1000, 128>}, {transform_indices = @transform_2, window_bounds = array<i64: 1000, 128>}]} {
    %get3A = arith.constant 0 : index
    %get3A_0 = arith.constant 0 : index
    %get3A_1 = arith.constant 0 : index
    %get3A_2 = vector.load %arg1[%get3A, %get3A_0, %get3A_1] : memref<2x1000x128xf32, #tpu.memory_space<vmem>>, vector<1x1000x128xf32>
    %get3A_3 = vector.shape_cast %get3A_2 : vector<1x1000x128xf32> to vector<1000x128xf32>
    %get3A_4 = arith.constant 1 : index
    %get3A_5 = arith.constant 0 : index
    %get3A_6 = arith.constant 0 : index
    %get3A_7 = vector.load %arg1[%get3A_4, %get3A_5, %get3A_6] : memref<2x1000x128xf32, #tpu.memory_space<vmem>>, vector<1x1000x128xf32>
    %get3A_8 = vector.shape_cast %get3A_7 : vector<1x1000x128xf32> to vector<1000x128xf32>
    %add3A = arith.addf %get3A_3, %get3A_8 : vector<1000x128xf32>
    %get3A_9 = arith.constant 0 : index
    %get3A_10 = arith.constant 0 : index
    %get3A_11 = vector.load %arg2[%get3A_9, %get3A_10] : memref<1000x128xf32, #tpu.memory_space<vmem>>, vector<1000x128xf32>
    %add3A_12 = arith.addf %add3A, %get3A_11 : vector<1000x128xf32>
    %max3A = arith.constant 0.000000e+00 : f32
    %max3A_13 = vector.broadcast %max3A : f32 to vector<1000x128xf32>
    %max3A_14 = arith.maximumf %add3A_12, %max3A_13 : vector<1000x128xf32>
    %swap3A = arith.constant 0 : index
    %swap3A_15 = arith.constant 0 : index
    %swap3A_16 = vector.load %arg3[%swap3A, %swap3A_15] : memref<1000x128xf32, #tpu.memory_space<vmem>>, vector<1000x128xf32>
    tpu.vector_store %arg3[%swap3A, %swap3A_15], %max3A_14 {strides = array<i32>} : memref<1000x128xf32, #tpu.memory_space<vmem>>, vector<1000x128xf32>,
    return
  }
  func.func @transform_0(%arg0: i32) -> (i32, i32, i32) {
    %c0_i32 = arith.constant 0 : i32
    %c0_i32_0 = arith.constant 0 : i32
    %c0_i32_1 = arith.constant 0 : i32
    return %c0_i32, %arg0, %c0_i32_0 : i32, i32, i32
  }
  func.func @transform_1(%arg0: i32) -> (i32, i32) {
    %c0_i32 = arith.constant 0 : i32
    %c0_i32_0 = arith.constant 0 : i32
    return %arg0, %c0_i32 : i32, i32
  }
  func.func @transform_2(%arg0: i32) -> (i32, i32) {
    %c0_i32 = arith.constant 0 : i32
    %c0_i32_0 = arith.constant 0 : i32
    return %arg0, %c0_i32 : i32, i32
  }
}

module attributes {stable_mosaic.version = 14 : i64} {
  func.func @body(%arg0: i32, %arg1: memref<2048x128xf32, #tpu.memory_space<vmem>>, %arg2: memref<2048x128xf32, #tpu.memory_space<vmem>>, %arg3: memref<128x128xf32, #tpu.memory_space<vmem>>, %arg4: memref<1x128xf32, #tpu.memory_space<vmem>>, %arg5: memref<128x1xf32, #tpu.memory_space<vmem>>, %arg6: memref<1x1xf32, #tpu.memory_space<vmem>>, %arg7: memref<2048x1xf32, #tpu.memory_space<vmem>>) attributes {dimension_semantics = [#tpu.dimension_semantics<arbitrary>], iteration_bounds = array<i64: 80>, scalar_prefetch = 0 : i64, scratch_operands = 0 : i64, tpu.core_type = #tpu.core_type<tc>, window_params = [{transform_indices = @transform_0, window_bounds = array<i64: 2048, 128>}, {transform_indices = @transform_1, window_bounds = array<i64: 2048, 128>}, {pipeline_mode = #tpu.pipeline_mode<synchronous>, transform_indices = @transform_2, window_bounds = array<i64: 128, 128>}, {pipeline_mode = #tpu.pipeline_mode<synchronous>, transform_indices = @transform_3, window_bounds = array<i64: 1, 128>}, {pipeline_mode = #tpu.pipeline_mode<synchronous>, transform_indices = @transform_4, window_bounds = array<i64: 128, 1>}, {pipeline_mode = #tpu.pipeline_mode<synchronous>, transform_indices = @transform_5, window_bounds = array<i64: 1, 1>}, {transform_indices = @transform_6, window_bounds = array<i64: 2048, 1>}]} {
    %get3A = arith.constant 0 : index
    %get3A_0 = arith.constant 0 : index
    %get3A_1 = vector.load %arg1[%get3A, %get3A_0] : memref<2048x128xf32, #tpu.memory_space<vmem>>, vector<2048x128xf32>
    %get3A_2 = arith.constant 0 : index
    %get3A_3 = arith.constant 0 : index
    %get3A_4 = vector.load %arg2[%get3A_2, %get3A_3] : memref<2048x128xf32, #tpu.memory_space<vmem>>, vector<2048x128xf32>
    %sub3A = arith.subf %get3A_1, %get3A_4 : vector<2048x128xf32>
    %abs3A = math.absf %sub3A : vector<2048x128xf32>
    %get3A_5 = arith.constant 0 : index
    %get3A_6 = arith.constant 0 : index
    %get3A_7 = vector.load %arg3[%get3A_5, %get3A_6] : memref<128x128xf32, #tpu.memory_space<vmem>>, vector<128x128xf32>
    %dot_general3A = arith.constant dense<0.000000e+00> : vector<2048x128xf32>
    %dot_general3A_8 = tpu.matmul %abs3A, %get3A_7, %dot_general3A {dimension_numbers = #tpu.dot_dimension_numbers<[1], [0], [0], [1], [0, 0, 1, 1], [], []>, transpose_lhs_hint = false} : vector<2048x128xf32>, vector<128x128xf32>, vector<2048x128xf32> -> vector<2048x128xf32>
    %get3A_9 = arith.constant 0 : index
    %get3A_10 = arith.constant 0 : index
    %get3A_11 = vector.load %arg4[%get3A_9, %get3A_10] : memref<1x128xf32, #tpu.memory_space<vmem>>, vector<1x128xf32>
    %add3A = vector.broadcast %get3A_11 : vector<1x128xf32> to vector<2048x128xf32>
    %add3A_12 = arith.addf %dot_general3A_8, %add3A : vector<2048x128xf32>
    %max3A = arith.constant 0.000000e+00 : f32
    %max3A_13 = vector.broadcast %max3A : f32 to vector<2048x128xf32>
    %max3A_14 = arith.maximumf %add3A_12, %max3A_13 : vector<2048x128xf32>
    %get3A_15 = arith.constant 0 : index
    %get3A_16 = arith.constant 0 : index
    %get3A_17 = vector.load %arg5[%get3A_15, %get3A_16] : memref<128x1xf32, #tpu.memory_space<vmem>>, vector<128x1xf32>
    %dot_general3A_18 = arith.constant dense<0.000000e+00> : vector<2048x1xf32>
    %dot_general3A_19 = tpu.matmul %max3A_14, %get3A_17, %dot_general3A_18 {dimension_numbers = #tpu.dot_dimension_numbers<[1], [0], [0], [1], [0, 0, 1, 1], [], []>, transpose_lhs_hint = false} : vector<2048x128xf32>, vector<128x1xf32>, vector<2048x1xf32> -> vector<2048x1xf32>
    %get3A_20 = arith.constant 0 : index
    %get3A_21 = arith.constant 0 : index
    %get3A_22 = vector.load %arg6[%get3A_20, %get3A_21] : memref<1x1xf32, #tpu.memory_space<vmem>>, vector<1x1xf32>
    %add3A_23 = vector.broadcast %get3A_22 : vector<1x1xf32> to vector<2048x1xf32>
    %add3A_24 = arith.addf %dot_general3A_19, %add3A_23 : vector<2048x1xf32>
    %swap3A = arith.constant 0 : index
    %swap3A_25 = arith.constant 0 : index
    %swap3A_26 = vector.load %arg7[%swap3A, %swap3A_25] : memref<2048x1xf32, #tpu.memory_space<vmem>>, vector<2048x1xf32>
    tpu.vector_store %arg7[%swap3A, %swap3A_25], %add3A_24 {strides = array<i32>} : memref<2048x1xf32, #tpu.memory_space<vmem>>, vector<2048x1xf32>,
    return
  }
  func.func @transform_0(%arg0: i32) -> (i32, i32) {
    %c0_i32 = arith.constant 0 : i32
    %c0_i32_0 = arith.constant 0 : i32
    return %arg0, %c0_i32 : i32, i32
  }
  func.func @transform_1(%arg0: i32) -> (i32, i32) {
    %c0_i32 = arith.constant 0 : i32
    %c0_i32_0 = arith.constant 0 : i32
    return %arg0, %c0_i32 : i32, i32
  }
  func.func @transform_2(%arg0: i32) -> (i32, i32) {
    %c0_i32 = arith.constant 0 : i32
    %c0_i32_0 = arith.constant 0 : i32
    %c0_i32_1 = arith.constant 0 : i32
    return %c0_i32, %c0_i32_0 : i32, i32
  }
  func.func @transform_3(%arg0: i32) -> (i32, i32) {
    %c0_i32 = arith.constant 0 : i32
    %c0_i32_0 = arith.constant 0 : i32
    %c0_i32_1 = arith.constant 0 : i32
    return %c0_i32, %c0_i32_0 : i32, i32
  }
  func.func @transform_4(%arg0: i32) -> (i32, i32) {
    %c0_i32 = arith.constant 0 : i32
    %c0_i32_0 = arith.constant 0 : i32
    %c0_i32_1 = arith.constant 0 : i32
    return %c0_i32, %c0_i32_0 : i32, i32
  }
  func.func @transform_5(%arg0: i32) -> (i32, i32) {
    %c0_i32 = arith.constant 0 : i32
    %c0_i32_0 = arith.constant 0 : i32
    %c0_i32_1 = arith.constant 0 : i32
    return %c0_i32, %c0_i32_0 : i32, i32
  }
  func.func @transform_6(%arg0: i32) -> (i32, i32) {
    %c0_i32 = arith.constant 0 : i32
    %c0_i32_0 = arith.constant 0 : i32
    return %arg0, %c0_i32 : i32, i32
  }
}

</mosaic_0001>

<sc_bundles>
// kernel: kernel.22.cloned.1.call-start
scs
__scs_entry_jumppad:
0x0: {  	(pc) =	sbr.rel $0x88, $3  }
0x1: {  	(tag) =	ssettag $0x0;
	lr =	simm.s32 $0x1  }
0x2: {  	[smem:$0x3F76] =	sst lr;
	_ =	strace $0xD0000000  }
0x3: {  	_ = 	snop  }
0x4: {  	_ = 	snop  }
0x5: {  	_ = 	snop  }
0x6: {  	_ = 	snop  }
0x7: {  	_ = 	snop  }
__scs_overlays_trampoline_lowered:
0x8: {  	[smem:$0x3F85] =	sst s0  }
0x9: {  	[smem:$0x3F86] =	sst s1  }
0xa: {  	[smem:$0x3F87] =	sst s2  }
0xb: {  	[smem:$0x3F88] =	sst s3  }
0xc: {  	[smem:$0x3F89] =	sst s4  }
0xd: {  	[smem:$0x3F8A] =	sst s5  }
0xe: {  	[smem:$0x3F8B] =	sst s6  }
0xf: {  	[smem:$0x3F8C] =	sst s7  }
0x10: {  	[smem:$0x3F8D] =	sst s8  }
0x11: {  	[smem:$0x3F8E] =	sst s9;
	s0 =	simm.s32 @!p0 $0x0  }
0x12: {  	s1 =	sld [smem:$0x3F74];
	s0 =	simm.s32 @p0 $0x1  }
0x13: {  	[smem:$0x3F8F] =	sst s0;
	s0 =	simm.s32 @!p1 $0x0  }
0x14: {  	s2 =	sld [smem:$0x3F73];
	s0 =	simm.s32 @p1 $0x1  }
0x15: {  	[smem:$0x3F90] =	sst s0;
	s0 =	simm.s32 @!p2 $0x0  }
0x16: {  	s3 =	sld [smem:$0x3FDB];
	s0 =	simm.s32 @p2 $0x1  }
0x17: {  	s4 =	simm.s32 $0x1BF5;
	[smem:$0x3F92] =	sst s0  }
0x18: {  	s0 =	sld [smem:$0x3F75];
	_ =	swait.ge [sflag:s4], $0x0  }
0x19: {  	s7 =	sld [smem:$0x3F76]  }
0x1a: {  	s8 =	sadd.s32 $0xFFFFE003, lr  }
0x1b: {  	s9 =	sadd.s32 $0xFFFFFEF7, lr;
	s5 =	simm.s32 $0xFFFFFFFF;
	p2 =	slt.u32 s8, $0xFFFFF086  }
0x1c: {  	p1 =	slt.u32 s9, $0xF7A;
	s5 =	simm.s32 @!p2 $0x0  }
0x1d: {  	s5 =	simm.s32 @p1 $0x1;
	p0 =	seq.s32 s7, s2  }
0x1e: {  	s7 =	smul.u32 @!p0 $0xF7A, s2;
	p2 =	seq.s32 @!p0 s5, $0x0  }
0x1f: {  	s9 =	smul.u32 $0xF7A, s1;
	s8 =	simm.s32 @!p0 $0x1BF5;
	p2 =	por !p2, p0  }
0x20: {  	[sflag:s8] =	ssyncset.s32 @!p0 $0xFFFFF086;
	s6 =	sadd.s32 @!p0 s3, s7;
	s7 =	simm.s32 @!p0 $0x108  }
0x21: {  	s3 =	sadd.s32 s3, s9;
	s6 =	sadd.s32 @!p0 $0x88, s6;
	s7 =	simm.s32 @p2 $0x1082  }
0x22: {  	[simem:s7], [sflag:s8] =	dma.local @!p0 [hbm:s6], $0xF7A  }
0x23: {  	s9 =	sor.u32 $0xD0000000, s2;
	s6 =	simm.s32 $0x108;
	_ =	swait.ge @!p0 [sflag:s8], $0x0  }
0x24: {  	s3 =	sadd.s32 $0x88, s3;
	s6 =	simm.s32 @!p1 $0x1082;
	[sflag:s4] =	ssyncset.s32 $0xFFFFF086  }
0x25: {  	[simem:s6], [sflag:s4] =	dma.local [hbm:s3], $0xF7A  }
0x26: {  	[smem:$0x3F76] =	sst s1;
	(tag) =	ssettag s2;
	_ =	strace s9  }
0x27: {  	s1 =	sld [smem:$0x3F86]  }
0x28: {  	s2 =	sld [smem:$0x3F87]  }
0x29: {  	s4 =	sld [smem:$0x3F89]  }
0x2a: {  	p0 =	seq.s32 s5, $0x0;
	s5 =	sld [smem:$0x3F8A]  }
0x2b: {  	s6 =	sld [smem:$0x3F8B]  }
0x2c: {  	s7 =	sld [smem:$0x3F8C]  }
0x2d: {  	s3 =	simm.s32 $0x108;
	s8 =	sld [smem:$0x3F8D]  }
0x2e: {  	s3 =	simm.s32 @!p0 $0x1082;
	s9 =	sld [smem:$0x3F8E]  }
0x2f: {  	lr =	sadd.s32 s0, s3;
	s0 =	sld [smem:$0x3F85]  }
0x30: {  	s3 =	sld [smem:$0x3F88]  }
0x31: {  	[smem:$0x3F91] =	sst s10  }
0x32: {  	s10 =	sld [smem:$0x3F8F];
	_ =	sdelay $0x3  }
0x33: {  	p0 =	seq.s32 s10, $0x1;
	s10 =	sld [smem:$0x3F91];
	_ =	sdelay $0x3  }
0x34: {  	[smem:$0x3F91] =	sst s10  }
0x35: {  	s10 =	sld [smem:$0x3F90];
	_ =	sdelay $0x3  }
0x36: {  	p1 =	seq.s32 s10, $0x1;
	s10 =	sld [smem:$0x3F91];
	_ =	sdelay $0x3  }
0x37: {  	[smem:$0x3F91] =	sst s10  }
0x38: {  	s10 =	sld [smem:$0x3F92]  }
0x39: {  	_ = 	snop;
	(pc) =	sbr.ind lr, $3  }
0x3a: {  	_ = 	snop  }
0x3b: {  	_ = 	snop  }
0x3c: {  	p2 =	seq.s32 s10, $0x1;
	s10 =	sld [smem:$0x3F91]  }
0x3d: {  	_ =	shalt  }
0x3e: {  	_ =	shalt  }
0x3f: {  	_ =	shalt  }
0x40: {  	_ =	shalt  }
0x41: {  	_ =	shalt  }
0x42: {  	_ =	shalt  }
0x43: {  	_ =	shalt  }
0x44: {  	_ =	shalt  }
0x45: {  	_ =	shalt  }
0x46: {  	_ =	shalt  }
0x47: {  	_ =	shalt  }
0x48: {  	_ =	shalt  }
0x49: {  	_ =	shalt  }
0x4a: {  	_ =	shalt  }
0x4b: {  	_ =	shalt  }
0x4c: {  	_ =	shalt  }
0x4d: {  	_ =	shalt  }
0x4e: {  	_ =	shalt  }
0x4f: {  	_ =	shalt  }
0x50: {  	_ =	shalt  }
0x51: {  	_ =	shalt  }
0x52: {  	_ =	shalt  }
0x53: {  	_ =	shalt  }
0x54: {  	_ =	shalt  }
0x55: {  	_ =	shalt  }
0x56: {  	_ =	shalt  }
0x57: {  	_ =	shalt  }
0x58: {  	_ =	shalt  }
0x59: {  	_ =	shalt  }
0x5a: {  	_ =	shalt  }
0x5b: {  	_ =	shalt  }
0x5c: {  	_ =	shalt  }
0x5d: {  	_ =	shalt  }
0x5e: {  	_ =	shalt  }
0x5f: {  	_ =	shalt  }
0x60: {  	_ =	shalt  }
0x61: {  	_ =	shalt  }
0x62: {  	_ =	shalt  }
0x63: {  	_ =	shalt  }
0x64: {  	_ =	shalt  }
0x65: {  	_ =	shalt  }
0x66: {  	_ =	shalt  }
0x67: {  	_ =	shalt  }
0x68: {  	_ =	shalt  }
0x69: {  	_ =	shalt  }
0x6a: {  	_ =	shalt  }
0x6b: {  	_ =	shalt  }
0x6c: {  	_ =	shalt  }
0x6d: {  	_ =	shalt  }
0x6e: {  	_ =	shalt  }
0x6f: {  	_ =	shalt  }
0x70: {  	_ =	shalt  }
0x71: {  	_ =	shalt  }
0x72: {  	_ =	shalt  }
0x73: {  	_ =	shalt  }
0x74: {  	_ =	shalt  }
0x75: {  	_ =	shalt  }
0x76: {  	_ =	shalt  }
0x77: {  	_ =	shalt  }
0x78: {  	_ =	shalt  }
0x79: {  	_ =	shalt  }
0x7a: {  	_ =	shalt  }
0x7b: {  	_ =	shalt  }
0x7c: {  	_ =	shalt  }
0x7d: {  	_ =	shalt  }
0x7e: {  	_ =	shalt  }
0x7f: {  	_ =	shalt  }
0x80: {  	_ =	shalt  }
0x81: {  	_ =	shalt  }
0x82: {  	_ =	shalt  }
0x83: {  	_ =	shalt  }
0x84: {  	_ =	shalt  }
0x85: {  	_ =	shalt  }
0x86: {  	_ =	shalt  }
0x87: {  	_ =	shalt  }
.Lfunc_end0:
.L_simem_size_0:
called_computation_lowered:
.L_overlay_start_0:
0x88: {  	s2 =	sld [smem:$0x3FD9]  }
0x89: {  	s3 =	sld [smem:$0x3FFE];
	_ =	sdelay $0x1  }
0x8a: {  	s1 =	srdreg.scid  }
0x8b: {  	s0 =	sand.u32 $0x1, s1  }
0x8c: {  	s16 =	sshll.u32 s0, $0xA;
	s2 =	sadd.s32 s3, s2  }
0x8d: {  	s2 =	sadd.s32 s2, s16  }
0x8e: {  	[smem:$0x3F9D] =	sst s2  }
0x8f: {  	_ = 	snop  }
0x90: {  	(tm) =	ssettm $0x1  }
0x91: {  	s17 =	sld [smem:$0x3FFB];
	_ =	sdelay $0x3  }
0x92: {  	_ =	strace s17  }
0x93: {  	s2 =	sld [smem:$0x3FFC];
	_ =	sdelay $0x3  }
0x94: {  	_ =	strace s2  }
0x95: {  	s2 =	sld [smem:$0x3FFD];
	_ =	sdelay $0x3  }
0x96: {  	_ =	strace s2  }
0x97: {  	_ =	strace $0x8FFFFFFF  }
0x98: {  	s18 =	sld [smem:$0x3FDB];
	_ =	sdelay $0x1  }
0x99: {  	s19 =	simm.s32 $_scs_section_size  }
0x9a: {  	s4 =	simm.s32 $_size__tile_overlayer_lowered;
	s5 =	simm.s32 $_tile_overlayer_lowered  }
0x9b: {  	s22 =	simm.s32 $0x1BFF;
	s21 =	sshll.u32 s5, $0x1;
	s2 =	sadd.s32 s19, s18  }
0x9c: {  	s6 =	simm.s32 $0x0;
	s20 =	sshll.u32 s4, $0x1;
	s4 =	sadd.s32 s21, s2  }
0x9d: {  	[timem:s6], [sflag:s22] =	dma.local [hbm:s4], s20  }
0x9e: {  	_ =	swait.ge [sflag:s22], s20  }
0x9f: {  	s3 =	ssub.s32 $0x0, s20;
	[sflag:s22] =	ssyncset.done $0x0  }
0xa0: {  	[sflag:s22] =	ssyncadd.s32 s3;
	_ =	sdelay $0x1  }
0xa1: {  	s23 =	simm.s32 $0x1B8B  }
0xa2: {  	_ =	swait.ge [sflag:s23], $0x1  }
0xa3: {  	[sflag:s23] =	ssyncset.done $0x0  }
0xa4: {  	s25 =	simm.s32 $0x1B8E;
	s24 =	sld [smem:$0x3FFE];
	[sflag:s23] =	ssyncadd.s32 $0xFFFFFFFF  }
0xa5: {  	s26 =	simm.s32 $execute0_lowered;
	[smem:$0x3FD2] =	sst s25  }
0xa6: {  	s4 =	sshll.u32 s26, $0x1;
	_ =	strace $0x80000046;
	[dreg:$0x1] =	wrdreg $0xFFFFFFFF  }
0xa7: {  	s28 =	simm.s32 $_size_execute0_lowered;
	s2 =	sadd.s32 s2, s4;
	[dreg:$0x0] =	wrdreg $0x0  }
0xa8: {  	s4 =	sshll.u32 s28, $0x1;
	[dreg:$0x2] =	wrdreg s2  }
0xa9: {  	[dreg:$0x3] =	wrdreg s4  }
0xaa: {  	[dreg:$0x4] =	wrdreg $0xC0  }
0xab: {  	_ =	task [dreg:s6], $0x5FFFF  }
0xac: {  	[dreg:$0x1] =	wrdreg $0xFFFFFFFF  }
0xad: {  	[dreg:$0x0] =	wrdreg $0x60  }
0xae: {  	[dreg:$0x2] =	wrdreg s24  }
0xaf: {  	[dreg:$0x3] =	wrdreg $0x9  }
0xb0: {  	_ =	task.clear_ibuf [dreg:s6], $0x4FFFF;
	_ =	strace $0x90000046  }
0xb1: {  	s29 =	simm.s32 $0x9;
	_ =	strace $0x80000048  }
0xb2: {  	_ =	swait.ge [sflag:s29], $0x1  }
0xb3: {  	[sflag:s29] =	ssyncadd.s32 $0xFFFFFFFF  }
0xb4: {  	_ =	strace $0x90000048  }
0xb5: {  	_ =	sfence  }
0xb6: {  	s30 =	sld [smem:$0x0];
	_ =	sdelay $0x2  }
0xb7: {  	s31 =	sshll.u32 s1, $0xD;
	s1 =	sshrl.u32 s1, $0x2  }
0xb8: {  	s3 =	sand.u32 $0x4000, s31;
	s1 =	sadd.s32 s1, s30  }
0xb9: {  	s0 =	sor.u32 s3, s0;
	s1 =	sshll.u32 s1, $0x11  }
0xba: {  	s0 =	sor.u32 s1, s0  }
0xbb: {  	s0 =	sadd.s32 $0x8F2B, s0  }
0xbc: {  	[sflag:s0] =	ssyncadd.remote.s32 $0x1  }
0xbd: {  	_ =	sfence.sel $0xFFFF  }
0xbe: {  	[dreg:$0x0] =	wrdreg $0xFFFFFFFF;
	(pc) =	sbr.abs _section_cstart, $3  }
0xbf: {  	[dreg:$0x1] =	wrdreg $0xFFFFFFFF  }
0xc0: {  	_ =	task.clear_ibuf [dreg:s6], $0x2FFFF;
	_ =	strace $0x9FFFFFFF  }
0xc1: {  	(tm) =	ssettm $0x7FFFFFFF  }
tec
execute0_lowered:
.L_overlay_start_1:
0x0: {  	(tag) =	ssettag $0x1  }
0x1: {  	s6 =	rddreg [dreg:$0x0]  }
0x2: {  	s0 =	rddreg [dreg:$0x1];
	s3 =	srdreg.scid  }
0x3: {  	s1 =	stileid.u32;
	s2 =	simm.s32 $0x0;
	s17 =	simm.s32 $0x2800  }
0x4: {  	s18 =	simm.s32 $0x80;
	s19 =	simm.s32 $0x3C00;
	s20 =	simm.s32 $0x7C00  }
0x5: {  	s21 =	simm.s32 $0x1;
	s22 =	simm.s32 $0x2;
	s23 =	simm.s32 $0x0  }
0x6: {  	s12 =	sand.u32 $0x1, s3;
	s30 =	sshll.u32 s1, $0x1;
	[smem:$0x7FF] =	sst s2  }
0x7: {  	s3 =	sadd.s32 $0xAE00, s6;
	s5 =	sadd.s32 $0x8A400, s6;
	s8 =	smul.u32 $0x140000, s1  }
0x8: {  	s13 =	sadd.s32 $0xB1600, s6;
	s14 =	sadd.s32 $0x331600, s6;
	s16 =	smul.u32 $0x28000, s1  }
0x9: {  	s15 =	sadd.s32 $0x5B1600, s6;
	s4 =	sor.u32 s12, s30;
	s10 =	smul.u32 $0xA0000, s12  }
0xa: {  	_ =	strace $0x80000047;
	s9 =	ssub.s32 $0x2, s12;
	s7 =	smul.u32 $0x280, s4  }
0xb: {  	s12 =	smul.u32 $0x14000, s12;
	s4 =	sadd.s32 $0x3C000, s6;
	s11 =	sshrl.u32 s9, $0x1  }
0xc: {  	s9 =	ssub.s32 s9, s11;
	s8 =	sadd.s32 s10, s8;
	s7 =	sadd.s32 s7, s6  }
0xd: {  	s31 =	sshrl.u32 s8, $0x3;
	s8 =	smax.u32 s9, $0x1;
	s6 =	sadd.s32 $0x37000, s7  }
0xe: {  	s7 =	sadd.s32 $0x32000, s7;
	s9 =	sadd.s32 s31, s15;
	s10 =	sadd.s32 s31, s14  }
0xf: {  	s11 =	sadd.s32 s31, s13;
	s13 =	sadd.s32 s16, s13;
	s14 =	sadd.s32 s16, s14  }
0x10: {  	s15 =	sadd.s32 s16, s15;
	s16 =	simm.s32 $0x1400;
	s13 =	sadd.s32 s12, s13  }
0x11: {  	s14 =	sadd.s32 s12, s14;
	s15 =	sadd.s32 s12, s15;
	s12 =	sadd.s32 $0x800, s13  }
0x12: {  	s13 =	sadd.s32 $0x800, s14;
	s14 =	sadd.s32 $0x800, s15;
	s15 =	simm.s32 $0x3  }
.LBB2_1:
0x13: {  	[tilespmem:s2], [sflag:$0x3] =	stream.linear.gather [hbm4b:s6+s2], $0x1400, $0x38;
	[tilespmem:$0xBC00] =	vst v63  }
0x14: {  	_ =	swait.ge [sflag:s15], $0x1400  }
0x15: {  	[sflag:s15] =	ssyncset.done $0x0  }
0x16: {  	[sflag:s15] =	ssyncadd.s32 $0xFFFFEC00  }
0x17: {  	[tilespmem:s16], [sflag:$0x3] =	stream.linear.gather [hbm4b:s7+s2], $0x1400, $0x38;
	[tilespmem:$0xBC00] =	vst v63  }
0x18: {  	_ =	swait.ge [sflag:s15], $0x1400  }
0x19: {  	[sflag:s15] =	ssyncset.done $0x0  }
0x1a: {  	[sflag:s15] =	ssyncadd.s32 $0xFFFFEC00  }
0x1b: {  	[tilespmem:s17], [sflag:$0x3] =	stream.linear.gather [hbm4b:s7+s2], $0x1400, $0x38;
	[tilespmem:$0xBC00] =	vst v63  }
0x1c: {  	_ =	swait.ge [sflag:s15], $0x1400  }
0x1d: {  	[sflag:s15] =	ssyncset.done $0x0  }
0x1e: {  	s24 =	simm.s32 $0x0;
	[sflag:s15] =	ssyncadd.s32 $0xFFFFEC00  }
0x1f: {  	[tilespmem:s19], [sflag:$0x1] =	stream.indirect.gather [hbm4b:s3+s18], $0x80, s24, s18, $0xb8;
	[tilespmem:$0xBC00] =	vst v63  }
0x20: {  	s26 =	simm.s32 $0x80  }
0x21: {  	[tilespmem:s20], [sflag:$0x2] =	stream.indirect.gather [hbm4b:s3+s18], $0x80, s26, s18, $0xb8;
	[tilespmem:$0xBC00] =	vst v63  }
0x22: {  	_ =	swait.ge [sflag:s21], $0x4000  }
0x23: {  	[sflag:s21] =	ssyncset.done $0x0  }
0x24: {  	s28 =	sadd.s32 $0x0, s11;
	[sflag:s21] =	ssyncadd.s32 $0xFFFFC000  }
0x25: {  	[hbm4b:s28+s2] =	stream.linear.scatter [tilespmem:s19], [sflag:$0x3], $0x4000, $0x38;
	[tilespmem:$0xBC00] =	vst v63  }
0x26: {  	_ =	swait.ge [sflag:s15], $0x4000  }
0x27: {  	[sflag:s15] =	ssyncset.done $0x0  }
0x28: {  	[sflag:s15] =	ssyncadd.s32 $0xFFFFC000  }
0x29: {  	_ =	swait.ge [sflag:s22], $0x4000  }
0x2a: {  	[sflag:s22] =	ssyncset.done $0x0  }
0x2b: {  	s29 =	sadd.s32 $0x0, s12;
	[sflag:s22] =	ssyncadd.s32 $0xFFFFC000  }
0x2c: {  	[hbm4b:s29+s2] =	stream.linear.scatter [tilespmem:s20], [sflag:$0x3], $0x4000, $0x38;
	[tilespmem:$0xBC00] =	vst v63  }
0x2d: {  	_ =	swait.ge [sflag:s15], $0x4000  }
0x2e: {  	[sflag:s15] =	ssyncset.done $0x0  }
0x2f: {  	s30 =	simm.s32 $0x1400;
	[sflag:s15] =	ssyncadd.s32 $0xFFFFC000  }
0x30: {  	[tilespmem:s19], [sflag:$0x1] =	stream.indirect.gather [hbm4b:s4+s18], $0x80, s30, s18, $0xb8;
	[tilespmem:$0xBC00] =	vst v63  }
0x31: {  	s31 =	simm.s32 $0x1480  }
0x32: {  	[tilespmem:s20], [sflag:$0x2] =	stream.indirect.gather [hbm4b:s4+s18], $0x80, s31, s18, $0xb8;
	[tilespmem:$0xBC00] =	vst v63  }
0x33: {  	_ =	swait.ge [sflag:s21], $0x4000  }
0x34: {  	[sflag:s21] =	ssyncset.done $0x0  }
0x35: {  	s25 =	sadd.s32 $0x0, s10;
	[sflag:s21] =	ssyncadd.s32 $0xFFFFC000  }
0x36: {  	[hbm4b:s25+s2] =	stream.linear.scatter [tilespmem:s19], [sflag:$0x3], $0x4000, $0x38;
	[tilespmem:$0xBC00] =	vst v63  }
0x37: {  	_ =	swait.ge [sflag:s15], $0x4000  }
0x38: {  	[sflag:s15] =	ssyncset.done $0x0  }
0x39: {  	[sflag:s15] =	ssyncadd.s32 $0xFFFFC000  }
0x3a: {  	_ =	swait.ge [sflag:s22], $0x4000  }
0x3b: {  	[sflag:s22] =	ssyncset.done $0x0  }
0x3c: {  	s26 =	sadd.s32 $0x0, s13;
	[sflag:s22] =	ssyncadd.s32 $0xFFFFC000  }
0x3d: {  	[hbm4b:s26+s2] =	stream.linear.scatter [tilespmem:s20], [sflag:$0x3], $0x4000, $0x38;
	[tilespmem:$0xBC00] =	vst v63  }
0x3e: {  	_ =	swait.ge [sflag:s15], $0x4000  }
0x3f: {  	[sflag:s15] =	ssyncset.done $0x0  }
0x40: {  	s28 =	simm.s32 $0x2800;
	[sflag:s15] =	ssyncadd.s32 $0xFFFFC000  }
0x41: {  	[tilespmem:s19], [sflag:$0x1] =	stream.indirect.gather [hbm4b:s5+s18], $0x80, s28, s18, $0xb8;
	[tilespmem:$0xBC00] =	vst v63  }
0x42: {  	s29 =	simm.s32 $0x2880  }
0x43: {  	[tilespmem:s20], [sflag:$0x2] =	stream.indirect.gather [hbm4b:s5+s18], $0x80, s29, s18, $0xb8;
	[tilespmem:$0xBC00] =	vst v63  }
0x44: {  	_ =	swait.ge [sflag:s21], $0x4000  }
0x45: {  	[sflag:s21] =	ssyncset.done $0x0  }
0x46: {  	s30 =	sadd.s32 $0x0, s9;
	[sflag:s21] =	ssyncadd.s32 $0xFFFFC000  }
0x47: {  	[hbm4b:s30+s2] =	stream.linear.scatter [tilespmem:s19], [sflag:$0x3], $0x4000, $0x38;
	[tilespmem:$0xBC00] =	vst v63  }
0x48: {  	_ =	swait.ge [sflag:s15], $0x4000  }
0x49: {  	[sflag:s15] =	ssyncset.done $0x0  }
0x4a: {  	[sflag:s15] =	ssyncadd.s32 $0xFFFFC000  }
0x4b: {  	_ =	swait.ge [sflag:s22], $0x4000  }
0x4c: {  	[sflag:s22] =	ssyncset.done $0x0  }
0x4d: {  	s31 =	sadd.s32 $0x0, s14;
	[sflag:s22] =	ssyncadd.s32 $0xFFFFC000  }
0x4e: {  	[hbm4b:s31+s2] =	stream.linear.scatter [tilespmem:s20], [sflag:$0x3], $0x4000, $0x38;
	[tilespmem:$0xBC00] =	vst v63  }
0x4f: {  	s24 =	simm.s32 $0x1000;
	_ =	swait.ge [sflag:s15], $0x4000  }
0x50: {  	s25 =	simm.s32 $0x2980;
	s26 =	simm.s32 $0x2000;
	[sflag:s15] =	ssyncset.done $0x0  }
.LBB2_2:
0x51: {  	p0 =	sne.s32 s26, $0x13000;
	s28 =	sadd.s32 $0xFFFFD780, s25;
	[sflag:s15] =	ssyncadd.s32 $0xFFFFC000  }
0x52: {  	[tilespmem:s19], [sflag:$0x1] =	stream.indirect.gather [hbm4b:s3+s18], $0x80, s28, s18, $0xb8;
	[tilespmem:$0xBC00] =	vst v63  }
0x53: {  	s29 =	sadd.s32 $0xFFFFD800, s25;
	s28 =	smov.u32 s26;
	s26 =	sadd.s32 $0x1000, s26  }
0x54: {  	[tilespmem:s20], [sflag:$0x2] =	stream.indirect.gather [hbm4b:s3+s18], $0x80, s29, s18, $0xb8;
	[tilespmem:$0xBC00] =	vst v63  }
0x55: {  	_ =	swait.ge [sflag:s21], $0x4000  }
0x56: {  	[sflag:s21] =	ssyncset.done $0x0  }
0x57: {  	s29 =	sadd.s32 s24, s11;
	[sflag:s21] =	ssyncadd.s32 $0xFFFFC000  }
0x58: {  	[hbm4b:s29+s2] =	stream.linear.scatter [tilespmem:s19], [sflag:$0x3], $0x4000, $0x38;
	[tilespmem:$0xBC00] =	vst v63  }
0x59: {  	_ =	swait.ge [sflag:s15], $0x4000  }
0x5a: {  	[sflag:s15] =	ssyncset.done $0x0  }
0x5b: {  	[sflag:s15] =	ssyncadd.s32 $0xFFFFC000  }
0x5c: {  	_ =	swait.ge [sflag:s22], $0x4000  }
0x5d: {  	[sflag:s22] =	ssyncset.done $0x0  }
0x5e: {  	s29 =	sadd.s32 s24, s12;
	[sflag:s22] =	ssyncadd.s32 $0xFFFFC000  }
0x5f: {  	[hbm4b:s29+s2] =	stream.linear.scatter [tilespmem:s20], [sflag:$0x3], $0x4000, $0x38;
	[tilespmem:$0xBC00] =	vst v63  }
0x60: {  	_ =	swait.ge [sflag:s15], $0x4000  }
0x61: {  	[sflag:s15] =	ssyncset.done $0x0  }
0x62: {  	s29 =	sadd.s32 $0xFFFFEB80, s25;
	[sflag:s15] =	ssyncadd.s32 $0xFFFFC000  }
0x63: {  	[tilespmem:s19], [sflag:$0x1] =	stream.indirect.gather [hbm4b:s4+s18], $0x80, s29, s18, $0xb8;
	[tilespmem:$0xBC00] =	vst v63  }
0x64: {  	s29 =	sadd.s32 $0xFFFFEC00, s25  }
0x65: {  	[tilespmem:s20], [sflag:$0x2] =	stream.indirect.gather [hbm4b:s4+s18], $0x80, s29, s18, $0xb8;
	[tilespmem:$0xBC00] =	vst v63  }
0x66: {  	_ =	swait.ge [sflag:s21], $0x4000  }
0x67: {  	[sflag:s21] =	ssyncset.done $0x0  }
0x68: {  	s29 =	sadd.s32 s24, s10;
	[sflag:s21] =	ssyncadd.s32 $0xFFFFC000  }
0x69: {  	[hbm4b:s29+s2] =	stream.linear.scatter [tilespmem:s19], [sflag:$0x3], $0x4000, $0x38;
	[tilespmem:$0xBC00] =	vst v63  }
0x6a: {  	_ =	swait.ge [sflag:s15], $0x4000  }
0x6b: {  	[sflag:s15] =	ssyncset.done $0x0  }
0x6c: {  	[sflag:s15] =	ssyncadd.s32 $0xFFFFC000  }
0x6d: {  	_ =	swait.ge [sflag:s22], $0x4000  }
0x6e: {  	[sflag:s22] =	ssyncset.done $0x0  }
0x6f: {  	s29 =	sadd.s32 s24, s13;
	[sflag:s22] =	ssyncadd.s32 $0xFFFFC000  }
0x70: {  	[hbm4b:s29+s2] =	stream.linear.scatter [tilespmem:s20], [sflag:$0x3], $0x4000, $0x38;
	[tilespmem:$0xBC00] =	vst v63  }
0x71: {  	_ =	swait.ge [sflag:s15], $0x4000  }
0x72: {  	[sflag:s15] =	ssyncset.done $0x0  }
0x73: {  	s29 =	sadd.s32 $0xFFFFFF80, s25;
	[sflag:s15] =	ssyncadd.s32 $0xFFFFC000  }
0x74: {  	[tilespmem:s19], [sflag:$0x1] =	stream.indirect.gather [hbm4b:s5+s18], $0x80, s29, s18, $0xb8;
	[tilespmem:$0xBC00] =	vst v63  }
0x75: {  	_ = 	snop  }
0x76: {  	[tilespmem:s20], [sflag:$0x2] =	stream.indirect.gather [hbm4b:s5+s18], $0x80, s25, s18, $0xb8;
	[tilespmem:$0xBC00] =	vst v63  }
0x77: {  	_ =	swait.ge [sflag:s21], $0x4000  }
0x78: {  	[sflag:s21] =	ssyncset.done $0x0  }
0x79: {  	s29 =	sadd.s32 s24, s9;
	[sflag:s21] =	ssyncadd.s32 $0xFFFFC000  }
0x7a: {  	[hbm4b:s29+s2] =	stream.linear.scatter [tilespmem:s19], [sflag:$0x3], $0x4000, $0x38;
	[tilespmem:$0xBC00] =	vst v63  }
0x7b: {  	_ =	swait.ge [sflag:s15], $0x4000  }
0x7c: {  	[sflag:s15] =	ssyncset.done $0x0  }
0x7d: {  	[sflag:s15] =	ssyncadd.s32 $0xFFFFC000  }
0x7e: {  	_ =	swait.ge [sflag:s22], $0x4000  }
.Ltmp0:
0x7f: {  	[sflag:s22] =	ssyncset.done $0x0;
	(pc) =	sbr.rel @p0 .LBB2_2-.Ltmp0, $4  }
0x80: {  	s29 =	sadd.s32 s24, s14;
	s24 =	smov.u32 s28;
	[sflag:s22] =	ssyncadd.s32 $0xFFFFC000  }
0x81: {  	[hbm4b:s29+s2] =	stream.linear.scatter [tilespmem:s20], [sflag:$0x3], $0x4000, $0x38;
	[tilespmem:$0xBC00] =	vst v63  }
0x82: {  	_ =	swait.ge [sflag:s15], $0x4000  }
0x83: {  	s25 =	sadd.s32 $0x100, s25;
	[sflag:s15] =	ssyncset.done $0x0  }
0x84: {  	s26 =	sadd.s32 $0xFFFFD780, s25;
	[sflag:s15] =	ssyncadd.s32 $0xFFFFC000  }
0x85: {  	[tilespmem:s19], [sflag:$0x1] =	stream.indirect.gather [hbm4b:s3+s18], $0x80, s26, s18, $0xb8;
	[tilespmem:$0xBC00] =	vst v63  }
0x86: {  	s30 =	sadd.s32 $0xFFFFD800, s25  }
0x87: {  	[tilespmem:s20], [sflag:$0x2] =	stream.indirect.gather [hbm4b:s3+s18], $0x80, s30, s18, $0xb8;
	[tilespmem:$0xBC00] =	vst v63  }
0x88: {  	_ =	swait.ge [sflag:s21], $0x4000  }
0x89: {  	[sflag:s21] =	ssyncset.done $0x0  }
0x8a: {  	s31 =	sadd.s32 s24, s11;
	[sflag:s21] =	ssyncadd.s32 $0xFFFFC000  }
0x8b: {  	[hbm4b:s31+s2] =	stream.linear.scatter [tilespmem:s19], [sflag:$0x3], $0x4000, $0x38;
	[tilespmem:$0xBC00] =	vst v63  }
0x8c: {  	_ =	swait.ge [sflag:s15], $0x4000  }
0x8d: {  	[sflag:s15] =	ssyncset.done $0x0  }
0x8e: {  	[sflag:s15] =	ssyncadd.s32 $0xFFFFC000  }
0x8f: {  	_ =	swait.ge [sflag:s22], $0x4000  }
0x90: {  	[sflag:s22] =	ssyncset.done $0x0  }
0x91: {  	s28 =	sadd.s32 s24, s12;
	[sflag:s22] =	ssyncadd.s32 $0xFFFFC000  }
0x92: {  	[hbm4b:s28+s2] =	stream.linear.scatter [tilespmem:s20], [sflag:$0x3], $0x4000, $0x38;
	[tilespmem:$0xBC00] =	vst v63  }
0x93: {  	_ =	swait.ge [sflag:s15], $0x4000  }
0x94: {  	[sflag:s15] =	ssyncset.done $0x0  }
0x95: {  	s29 =	sadd.s32 $0xFFFFEB80, s25;
	[sflag:s15] =	ssyncadd.s32 $0xFFFFC000  }
0x96: {  	[tilespmem:s19], [sflag:$0x1] =	stream.indirect.gather [hbm4b:s4+s18], $0x80, s29, s18, $0xb8;
	[tilespmem:$0xBC00] =	vst v63  }
0x97: {  	s30 =	sadd.s32 $0xFFFFEC00, s25  }
0x98: {  	[tilespmem:s20], [sflag:$0x2] =	stream.indirect.gather [hbm4b:s4+s18], $0x80, s30, s18, $0xb8;
	[tilespmem:$0xBC00] =	vst v63  }
0x99: {  	_ =	swait.ge [sflag:s21], $0x4000  }
0x9a: {  	[sflag:s21] =	ssyncset.done $0x0  }
0x9b: {  	s31 =	sadd.s32 s24, s10;
	[sflag:s21] =	ssyncadd.s32 $0xFFFFC000  }
0x9c: {  	[hbm4b:s31+s2] =	stream.linear.scatter [tilespmem:s19], [sflag:$0x3], $0x4000, $0x38;
	[tilespmem:$0xBC00] =	vst v63  }
0x9d: {  	_ =	swait.ge [sflag:s15], $0x4000  }
0x9e: {  	[sflag:s15] =	ssyncset.done $0x0  }
0x9f: {  	[sflag:s15] =	ssyncadd.s32 $0xFFFFC000  }
0xa0: {  	_ =	swait.ge [sflag:s22], $0x4000  }
0xa1: {  	[sflag:s22] =	ssyncset.done $0x0  }
0xa2: {  	s28 =	sadd.s32 s24, s13;
	[sflag:s22] =	ssyncadd.s32 $0xFFFFC000  }
0xa3: {  	[hbm4b:s28+s2] =	stream.linear.scatter [tilespmem:s20], [sflag:$0x3], $0x4000, $0x38;
	[tilespmem:$0xBC00] =	vst v63  }
0xa4: {  	_ =	swait.ge [sflag:s15], $0x4000  }
0xa5: {  	[sflag:s15] =	ssyncset.done $0x0  }
0xa6: {  	s29 =	sadd.s32 $0xFFFFFF80, s25;
	[sflag:s15] =	ssyncadd.s32 $0xFFFFC000  }
0xa7: {  	[tilespmem:s19], [sflag:$0x1] =	stream.indirect.gather [hbm4b:s5+s18], $0x80, s29, s18, $0xb8;
	[tilespmem:$0xBC00] =	vst v63  }
0xa8: {  	_ = 	snop  }
0xa9: {  	[tilespmem:s20], [sflag:$0x2] =	stream.indirect.gather [hbm4b:s5+s18], $0x80, s25, s18, $0xb8;
	[tilespmem:$0xBC00] =	vst v63  }
0xaa: {  	_ =	swait.ge [sflag:s21], $0x4000  }
0xab: {  	[sflag:s21] =	ssyncset.done $0x0  }
0xac: {  	s30 =	sadd.s32 s24, s9;
	[sflag:s21] =	ssyncadd.s32 $0xFFFFC000  }
0xad: {  	[hbm4b:s30+s2] =	stream.linear.scatter [tilespmem:s19], [sflag:$0x3], $0x4000, $0x38;
	[tilespmem:$0xBC00] =	vst v63  }
0xae: {  	_ =	swait.ge [sflag:s15], $0x4000  }
0xaf: {  	[sflag:s15] =	ssyncset.done $0x0  }
0xb0: {  	[sflag:s15] =	ssyncadd.s32 $0xFFFFC000  }
0xb1: {  	s23 =	sadd.s32 $0x1, s23;
	_ =	swait.ge [sflag:s22], $0x4000  }
0xb2: {  	p0 =	sne.s32 s23, s8;
	[sflag:s22] =	ssyncset.done $0x0  }
.Ltmp1:
0xb3: {  	s31 =	sadd.s32 s24, s14;
	[sflag:s22] =	ssyncadd.s32 $0xFFFFC000;
	(pc) =	sbr.rel @p0 .LBB2_1-.Ltmp1, $4  }
0xb4: {  	[hbm4b:s31+s2] =	stream.linear.scatter [tilespmem:s20], [sflag:$0x3], $0x4000, $0x38;
	[tilespmem:$0xBC00] =	vst v63  }
0xb5: {  	_ =	swait.ge [sflag:s15], $0x4000  }
0xb6: {  	[sflag:s15] =	ssyncset.done $0x0  }
0xb7: {  	[sflag:s15] =	ssyncadd.s32 $0xFFFFC000  }
0xb8: {  	_ =	sfence.sel $0x180000  }
0xb9: {  	[bflag:$0x0] =	sbarrier.arrive $0xFFFF  }
0xba: {  	p0 =	sne.s32 s1, $0x0;
	_ =	strace $0x90000047  }
0xbb: {  	s0 =	sadd.s32 @!p0 $0x100000, s0;
	[bflag:$0x2] =	sbarrier.arrive $0xFFFF  }
0xbc: {  	[sflag:s0] =	ssyncadd.tile.s32 @!p0 $0x1;
	_ =	shalt  }
.Lfunc_end2:
_tile_overlayer_lowered:
.L_overlay_start_2:
0xbd: {  	(tag) =	ssettag $0x2  }
0xbe: {  	s0 =	rddreg [dreg:$0x0];
	s2 =	stileid.u32  }
0xbf: {  	s1 =	rddreg [dreg:$0x1];
	p0 =	sne.s32 s2, $0x0  }
0xc0: {  	s3 =	rddreg [dreg:$0x2];
	[bflag:$0x3] =	sbarrier.arrive $0xFFFF;
	s2 =	simm.s32 @!p0 $0x1C03  }
0xc1: {  	[timem:s3], [sflag:s2] =	dma.local @!p0 [hbm:s0], s1  }
0xc2: {  	s0 =	simm.s32 @!p0 $0x3  }
0xc3: {  	_ =	swait.ge @!p0 [sflag:s0], s1  }
0xc4: {  	s1 =	ssub.s32 @!p0 $0x0, s1;
	[sflag:s0] =	ssyncset.done @!p0 $0x0  }
0xc5: {  	[sflag:s0] =	ssyncadd.s32 @!p0 s1  }
0xc6: {  	[bflag:$0x3] =	sbarrier.arrive $0xFFFF  }
0xc7: {  	_ =	shalt  }

// kernel: kernel.25.cloned.1.call-start
scs
__scs_entry_jumppad:
0x0: {  	(pc) =	sbr.rel $0x88, $3  }
0x1: {  	(tag) =	ssettag $0x0;
	lr =	simm.s32 $0x1  }
0x2: {  	[smem:$0x3F76] =	sst lr;
	_ =	strace $0xD0000000  }
0x3: {  	_ = 	snop  }
0x4: {  	_ = 	snop  }
0x5: {  	_ = 	snop  }
0x6: {  	_ = 	snop  }
0x7: {  	_ = 	snop  }
__scs_overlays_trampoline_lowered:
0x8: {  	[smem:$0x3F85] =	sst s0  }
0x9: {  	[smem:$0x3F86] =	sst s1  }
0xa: {  	[smem:$0x3F87] =	sst s2  }
0xb: {  	[smem:$0x3F88] =	sst s3  }
0xc: {  	[smem:$0x3F89] =	sst s4  }
0xd: {  	[smem:$0x3F8A] =	sst s5  }
0xe: {  	[smem:$0x3F8B] =	sst s6  }
0xf: {  	[smem:$0x3F8C] =	sst s7  }
0x10: {  	[smem:$0x3F8D] =	sst s8  }
0x11: {  	[smem:$0x3F8E] =	sst s9;
	s0 =	simm.s32 @!p0 $0x0  }
0x12: {  	s1 =	sld [smem:$0x3F74];
	s0 =	simm.s32 @p0 $0x1  }
0x13: {  	[smem:$0x3F8F] =	sst s0;
	s0 =	simm.s32 @!p1 $0x0  }
0x14: {  	s2 =	sld [smem:$0x3F73];
	s0 =	simm.s32 @p1 $0x1  }
0x15: {  	[smem:$0x3F90] =	sst s0;
	s0 =	simm.s32 @!p2 $0x0  }
0x16: {  	s3 =	sld [smem:$0x3FDB];
	s0 =	simm.s32 @p2 $0x1  }
0x17: {  	s4 =	simm.s32 $0x1BF5;
	[smem:$0x3F92] =	sst s0  }
0x18: {  	s0 =	sld [smem:$0x3F75];
	_ =	swait.ge [sflag:s4], $0x0  }
0x19: {  	s7 =	sld [smem:$0x3F76]  }
0x1a: {  	s8 =	sadd.s32 $0xFFFFE003, lr  }
0x1b: {  	s9 =	sadd.s32 $0xFFFFFEF7, lr;
	s5 =	simm.s32 $0xFFFFFFFF;
	p2 =	slt.u32 s8, $0xFFFFF086  }
0x1c: {  	p1 =	slt.u32 s9, $0xF7A;
	s5 =	simm.s32 @!p2 $0x0  }
0x1d: {  	s5 =	simm.s32 @p1 $0x1;
	p0 =	seq.s32 s7, s2  }
0x1e: {  	s7 =	smul.u32 @!p0 $0xF7A, s2;
	p2 =	seq.s32 @!p0 s5, $0x0  }
0x1f: {  	s9 =	smul.u32 $0xF7A, s1;
	s8 =	simm.s32 @!p0 $0x1BF5;
	p2 =	por !p2, p0  }
0x20: {  	[sflag:s8] =	ssyncset.s32 @!p0 $0xFFFFF086;
	s6 =	sadd.s32 @!p0 s3, s7;
	s7 =	simm.s32 @!p0 $0x108  }
0x21: {  	s3 =	sadd.s32 s3, s9;
	s6 =	sadd.s32 @!p0 $0x88, s6;
	s7 =	simm.s32 @p2 $0x1082  }
0x22: {  	[simem:s7], [sflag:s8] =	dma.local @!p0 [hbm:s6], $0xF7A  }
0x23: {  	s9 =	sor.u32 $0xD0000000, s2;
	s6 =	simm.s32 $0x108;
	_ =	swait.ge @!p0 [sflag:s8], $0x0  }
0x24: {  	s3 =	sadd.s32 $0x88, s3;
	s6 =	simm.s32 @!p1 $0x1082;
	[sflag:s4] =	ssyncset.s32 $0xFFFFF086  }
0x25: {  	[simem:s6], [sflag:s4] =	dma.local [hbm:s3], $0xF7A  }
0x26: {  	[smem:$0x3F76] =	sst s1;
	(tag) =	ssettag s2;
	_ =	strace s9  }
0x27: {  	s1 =	sld [smem:$0x3F86]  }
0x28: {  	s2 =	sld [smem:$0x3F87]  }
0x29: {  	s4 =	sld [smem:$0x3F89]  }
0x2a: {  	p0 =	seq.s32 s5, $0x0;
	s5 =	sld [smem:$0x3F8A]  }
0x2b: {  	s6 =	sld [smem:$0x3F8B]  }
0x2c: {  	s7 =	sld [smem:$0x3F8C]  }
0x2d: {  	s3 =	simm.s32 $0x108;
	s8 =	sld [smem:$0x3F8D]  }
0x2e: {  	s3 =	simm.s32 @!p0 $0x1082;
	s9 =	sld [smem:$0x3F8E]  }
0x2f: {  	lr =	sadd.s32 s0, s3;
	s0 =	sld [smem:$0x3F85]  }
0x30: {  	s3 =	sld [smem:$0x3F88]  }
0x31: {  	[smem:$0x3F91] =	sst s10  }
0x32: {  	s10 =	sld [smem:$0x3F8F];
	_ =	sdelay $0x3  }
0x33: {  	p0 =	seq.s32 s10, $0x1;
	s10 =	sld [smem:$0x3F91];
	_ =	sdelay $0x3  }
0x34: {  	[smem:$0x3F91] =	sst s10  }
0x35: {  	s10 =	sld [smem:$0x3F90];
	_ =	sdelay $0x3  }
0x36: {  	p1 =	seq.s32 s10, $0x1;
	s10 =	sld [smem:$0x3F91];
	_ =	sdelay $0x3  }
0x37: {  	[smem:$0x3F91] =	sst s10  }
0x38: {  	s10 =	sld [smem:$0x3F92]  }
0x39: {  	_ = 	snop;
	(pc) =	sbr.ind lr, $3  }
0x3a: {  	_ = 	snop  }
0x3b: {  	_ = 	snop  }
0x3c: {  	p2 =	seq.s32 s10, $0x1;
	s10 =	sld [smem:$0x3F91]  }
0x3d: {  	_ =	shalt  }
0x3e: {  	_ =	shalt  }
0x3f: {  	_ =	shalt  }
0x40: {  	_ =	shalt  }
0x41: {  	_ =	shalt  }
0x42: {  	_ =	shalt  }
0x43: {  	_ =	shalt  }
0x44: {  	_ =	shalt  }
0x45: {  	_ =	shalt  }
0x46: {  	_ =	shalt  }
0x47: {  	_ =	shalt  }
0x48: {  	_ =	shalt  }
0x49: {  	_ =	shalt  }
0x4a: {  	_ =	shalt  }
0x4b: {  	_ =	shalt  }
0x4c: {  	_ =	shalt  }
0x4d: {  	_ =	shalt  }
0x4e: {  	_ =	shalt  }
0x4f: {  	_ =	shalt  }
0x50: {  	_ =	shalt  }
0x51: {  	_ =	shalt  }
0x52: {  	_ =	shalt  }
0x53: {  	_ =	shalt  }
0x54: {  	_ =	shalt  }
0x55: {  	_ =	shalt  }
0x56: {  	_ =	shalt  }
0x57: {  	_ =	shalt  }
0x58: {  	_ =	shalt  }
0x59: {  	_ =	shalt  }
0x5a: {  	_ =	shalt  }
0x5b: {  	_ =	shalt  }
0x5c: {  	_ =	shalt  }
0x5d: {  	_ =	shalt  }
0x5e: {  	_ =	shalt  }
0x5f: {  	_ =	shalt  }
0x60: {  	_ =	shalt  }
0x61: {  	_ =	shalt  }
0x62: {  	_ =	shalt  }
0x63: {  	_ =	shalt  }
0x64: {  	_ =	shalt  }
0x65: {  	_ =	shalt  }
0x66: {  	_ =	shalt  }
0x67: {  	_ =	shalt  }
0x68: {  	_ =	shalt  }
0x69: {  	_ =	shalt  }
0x6a: {  	_ =	shalt  }
0x6b: {  	_ =	shalt  }
0x6c: {  	_ =	shalt  }
0x6d: {  	_ =	shalt  }
0x6e: {  	_ =	shalt  }
0x6f: {  	_ =	shalt  }
0x70: {  	_ =	shalt  }
0x71: {  	_ =	shalt  }
0x72: {  	_ =	shalt  }
0x73: {  	_ =	shalt  }
0x74: {  	_ =	shalt  }
0x75: {  	_ =	shalt  }
0x76: {  	_ =	shalt  }
0x77: {  	_ =	shalt  }
0x78: {  	_ =	shalt  }
0x79: {  	_ =	shalt  }
0x7a: {  	_ =	shalt  }
0x7b: {  	_ =	shalt  }
0x7c: {  	_ =	shalt  }
0x7d: {  	_ =	shalt  }
0x7e: {  	_ =	shalt  }
0x7f: {  	_ =	shalt  }
0x80: {  	_ =	shalt  }
0x81: {  	_ =	shalt  }
0x82: {  	_ =	shalt  }
0x83: {  	_ =	shalt  }
0x84: {  	_ =	shalt  }
0x85: {  	_ =	shalt  }
0x86: {  	_ =	shalt  }
0x87: {  	_ =	shalt  }
.Lfunc_end0:
.L_simem_size_0:
called_computation.1_lowered:
.L_overlay_start_0:
0x88: {  	s2 =	sld [smem:$0x3FD9]  }
0x89: {  	s3 =	sld [smem:$0x3FFE];
	_ =	sdelay $0x1  }
0x8a: {  	s1 =	srdreg.scid  }
0x8b: {  	s0 =	sand.u32 $0x1, s1  }
0x8c: {  	s17 =	sshll.u32 s0, $0xA;
	s2 =	sadd.s32 s3, s2  }
0x8d: {  	s2 =	sadd.s32 s2, s17  }
0x8e: {  	[smem:$0x3F9D] =	sst s2  }
0x8f: {  	_ = 	snop  }
0x90: {  	(tm) =	ssettm $0x1  }
0x91: {  	s18 =	sld [smem:$0x3FFB];
	_ =	sdelay $0x3  }
0x92: {  	_ =	strace s18  }
0x93: {  	s2 =	sld [smem:$0x3FFC];
	_ =	sdelay $0x3  }
0x94: {  	_ =	strace s2  }
0x95: {  	s2 =	sld [smem:$0x3FFD];
	_ =	sdelay $0x3  }
0x96: {  	_ =	strace s2  }
0x97: {  	_ =	strace $0x8FFFFFFF  }
0x98: {  	s19 =	sld [smem:$0x3FDB];
	_ =	sdelay $0x1  }
0x99: {  	s20 =	simm.s32 $_scs_section_size  }
0x9a: {  	s4 =	simm.s32 $_size__tile_overlayer_lowered;
	s5 =	simm.s32 $_tile_overlayer_lowered  }
0x9b: {  	s6 =	simm.s32 $0x1BFF;
	s21 =	sshll.u32 s5, $0x1;
	s3 =	sadd.s32 s20, s19  }
0x9c: {  	s22 =	simm.s32 $0x0;
	s4 =	sshll.u32 s4, $0x1;
	s5 =	sadd.s32 s21, s3  }
0x9d: {  	[timem:s22], [sflag:s6] =	dma.local [hbm:s5], s4  }
0x9e: {  	_ =	swait.ge [sflag:s6], s4  }
0x9f: {  	s4 =	ssub.s32 $0x0, s4;
	[sflag:s6] =	ssyncset.done $0x0  }
0xa0: {  	[sflag:s6] =	ssyncadd.s32 s4;
	_ =	sdelay $0x1  }
0xa1: {  	s23 =	simm.s32 $0x1B8B  }
0xa2: {  	_ =	swait.ge [sflag:s23], $0x1  }
0xa3: {  	[sflag:s23] =	ssyncset.done $0x0  }
0xa4: {  	[sflag:s23] =	ssyncadd.s32 $0xFFFFFFFF  }
0xa5: {  	s4 =	sld [smem:$0x0]  }
0xa6: {  	s5 =	sand.u32 $0xFFFFFFFE, s1  }
0xa7: {  	p0 =	sne.s32 s1, s5  }
0xa8: {  	s5 =	sshll.u32 @p0 s5, $0xE  }
0xa9: {  	s5 =	sadd.s32 @p0 $0x11B8D, s5;
	s6 =	sshll.u32 @p0 s4, $0x11  }
0xaa: {  	s5 =	sor.u32 @p0 s6, s5  }
0xab: {  	[sflag:s5] =	ssyncadd.remote.s32 @p0 $0x1;
	_ =	sdelay $0x1  }
0xac: {  	s5 =	simm.s32 @p0 $0x1B8D  }
0xad: {  	_ =	swait.eq @p0 [sflag:s5], $0x1  }
0xae: {  	[sflag:s5] =	ssyncadd.s32 @p0 $0xFFFFFFFF  }
0xaf: {  	s6 =	sshll.u32 @!p0 s1, $0xE  }
0xb0: {  	s6 =	sor.u32 @!p0 $0x4000, s6;
	s5 =	simm.s32 @!p0 $0x1B8D  }
0xb1: {  	s4 =	sshll.u32 @!p0 s4, $0x11;
	s6 =	sadd.s32 @!p0 $0x11B8D, s6;
	_ =	swait.eq @!p0 [sflag:s5], $0x1  }
0xb2: {  	s4 =	sor.u32 @!p0 s4, s6;
	[sflag:s5] =	ssyncadd.s32 @!p0 $0xFFFFFFFF  }
0xb3: {  	s25 =	simm.s32 $0x1B8E;
	s24 =	sld [smem:$0x3FFE];
	[sflag:s4] =	ssyncadd.remote.s32 @!p0 $0x1  }
0xb4: {  	s26 =	simm.s32 $execute0_lowered;
	[smem:$0x3FD2] =	sst s25  }
0xb5: {  	s5 =	sshll.u32 s26, $0x1;
	_ =	strace $0x8000004C;
	[dreg:$0x1] =	wrdreg $0xFFFFFFFF  }
0xb6: {  	s28 =	simm.s32 $_size_execute0_lowered;
	s3 =	sadd.s32 s3, s5;
	[dreg:$0x0] =	wrdreg $0x0  }
0xb7: {  	s5 =	sshll.u32 s28, $0x1;
	[dreg:$0x2] =	wrdreg s3  }
0xb8: {  	[dreg:$0x3] =	wrdreg s5  }
0xb9: {  	[dreg:$0x4] =	wrdreg $0xC0  }
0xba: {  	_ =	task [dreg:s22], $0x5FFFF  }
0xbb: {  	[dreg:$0x1] =	wrdreg $0xFFFFFFFF  }
0xbc: {  	[dreg:$0x0] =	wrdreg $0x60  }
0xbd: {  	[dreg:$0x2] =	wrdreg s24  }
0xbe: {  	[dreg:$0x3] =	wrdreg $0x54000  }
0xbf: {  	[dreg:$0x4] =	wrdreg $0x9  }
0xc0: {  	_ =	task.clear_ibuf [dreg:s22], $0x5FFFF;
	_ =	strace $0x9000004C  }
0xc1: {  	s29 =	simm.s32 $0x9;
	_ =	strace $0x8000004E  }
0xc2: {  	_ =	swait.ge [sflag:s29], $0x1  }
0xc3: {  	[sflag:s29] =	ssyncadd.s32 $0xFFFFFFFF  }
0xc4: {  	_ =	strace $0x9000004E  }
0xc5: {  	_ =	sfence  }
0xc6: {  	s30 =	sld [smem:$0x0];
	_ =	sdelay $0x2  }
0xc7: {  	s31 =	sshll.u32 s1, $0xD;
	s1 =	sshrl.u32 s1, $0x2  }
0xc8: {  	s4 =	sand.u32 $0x4000, s31;
	s1 =	sadd.s32 s1, s30  }
0xc9: {  	s0 =	sor.u32 s4, s0;
	s1 =	sshll.u32 s1, $0x11  }
0xca: {  	s0 =	sor.u32 s1, s0  }
0xcb: {  	s0 =	sadd.s32 $0x8F2B, s0  }
0xcc: {  	[sflag:s0] =	ssyncadd.remote.s32 $0x1  }
0xcd: {  	_ =	sfence.sel $0xFFFF  }
0xce: {  	[dreg:$0x0] =	wrdreg $0xFFFFFFFF;
	(pc) =	sbr.abs _section_cstart, $3  }
0xcf: {  	[dreg:$0x1] =	wrdreg $0xFFFFFFFF  }
0xd0: {  	_ =	task.clear_ibuf [dreg:s22], $0x2FFFF;
	_ =	strace $0x9FFFFFFF  }
0xd1: {  	(tm) =	ssettm $0x7FFFFFFF  }
tec
execute0_lowered:
.L_overlay_start_1:
0x0: {  	(tag) =	ssettag $0x1  }
0x1: {  	s0 =	stileid.u32  }
0x2: {  	s1 =	srdreg.scid;
	s4 =	rddreg [dreg:$0x0]  }
0x3: {  	s2 =	rddreg [dreg:$0x1];
	s3 =	simm.s32 $0x0;
	s6 =	smul.u32 $0x28000, s0  }
0x4: {  	s14 =	simm.s32 $0x0;
	s5 =	sand.u32 $0x1, s1;
	s8 =	smul.u32 $0x14000, s0  }
0x5: {  	s24 =	sshll.u32 s0, $0x1;
	s1 =	rddreg [dreg:$0x2];
	s11 =	smul.u32 $0x50000, s0  }
0x6: {  	[smem:$0x7FF] =	sst s3;
	s30 =	sshll.u32 s0, $0x6;
	s9 =	smul.u32 $0x140000, s5  }
0x7: {  	s7 =	sor.u32 s5, s24;
	_ =	strace $0x8000004D;
	s13 =	smul.u32 $0x14000, s5  }
0x8: {  	s28 =	ssub.s32 $0x2, s5;
	s5 =	sor.u32 $0x1C01, s30;
	s7 =	smul.u32 $0x280, s7  }
0x9: {  	s10 =	sadd.s32 s6, s4;
	s26 =	sshrl.u32 s8, $0x3;
	s12 =	sshrl.u32 s28, $0x1  }
0xa: {  	s29 =	sshrl.u32 s11, $0x2;
	s8 =	sadd.s32 s8, s9;
	s9 =	ssub.s32 s28, s12  }
0xb: {  	s11 =	sadd.s32 s29, s2;
	s31 =	sadd.s32 s13, s10;
	s12 =	simm.s32 $0x1400  }
0xc: {  	s13 =	simm.s32 $0x80;
	s25 =	sadd.s32 s7, s4;
	s7 =	sadd.s32 s26, s4  }
0xd: {  	s8 =	sshrl.u32 s8, $0x3;
	s10 =	sshrl.u32 s11, $0x3;
	s11 =	simm.s32 $0x1  }
0xe: {  	s8 =	sadd.s32 s8, s4;
	s4 =	sadd.s32 $0x8A400, s7;
	s6 =	sadd.s32 $0x37000, s25  }
0xf: {  	s7 =	sadd.s32 $0x102400, s8;
	s8 =	smax.u32 s9, $0x1;
	s9 =	sadd.s32 $0xAB1600, s31  }
.LBB2_1:
0x10: {  	[spmem:s10], [sflag:s5] =	dma.local [hbm:s4], $0x2800  }
0x11: {  	_ =	swait.ge [sflag:s11], $0x2800  }
0x12: {  	[sflag:s11] =	ssyncset.done $0x0  }
0x13: {  	[sflag:s11] =	ssyncadd.s32 $0xFFFFD800  }
0x14: {  	[tilespmem:s3], [sflag:$0x1] =	stream.linear.gather [hbm4b:s6+s3], $0x1400, $0x38;
	[tilespmem:$0x19400] =	vst v63  }
0x15: {  	_ =	swait.ge [sflag:s11], $0x1400  }
0x16: {  	[sflag:s11] =	ssyncset.done $0x0  }
0x17: {  	[sflag:s11] =	ssyncadd.s32 $0xFFFFEC00  }
0x18: {  	[bflag:$0x0] =	sbarrier.arrive $0xFFFF  }
0x19: {  	[tilespmem:s12], [sflag:$0x1] =	stream.linear.gather [hbm4b:s9+s3], $0x4000, $0x38;
	[tilespmem:$0x19400] =	vst v63  }
0x1a: {  	_ =	swait.ge [sflag:s11], $0x4000  }
0x1b: {  	[sflag:s11] =	ssyncset.done $0x0  }
0x1c: {  	s15 =	simm.s32 $0x0;
	[sflag:s11] =	ssyncadd.s32 $0xFFFFC000  }
0x1d: {  	[spmem:s2] =	stream.indirect.scatter.add.f32 [tilespmem:s12], [sflag:$0x1], $0x80, s15, s13, $0xb8;
	[tilespmem:$0x19400] =	vst v63  }
0x1e: {  	_ =	swait.ge [sflag:s11], $0x4000  }
0x1f: {  	s16 =	smov.u32 s9;
	s15 =	simm.s32 $0x200;
	[sflag:s11] =	ssyncset.done $0x0  }
.LBB2_2:
0x20: {  	p0 =	sne.s32 s15, $0x4E00;
	[sflag:s11] =	ssyncadd.s32 $0xFFFFC000;
	s16 =	sadd.s32 $0x800, s16  }
0x21: {  	[tilespmem:s12], [sflag:$0x1] =	stream.linear.gather [hbm4b:s16+s3], $0x4000, $0x38;
	[tilespmem:$0x19400] =	vst v63  }
0x22: {  	s17 =	smov.u32 s15;
	s15 =	sadd.s32 $0x200, s15;
	_ =	swait.ge [sflag:s11], $0x4000  }
.Ltmp0:
0x23: {  	[sflag:s11] =	ssyncset.done $0x0;
	(pc) =	sbr.rel @p0 .LBB2_2-.Ltmp0, $4  }
0x24: {  	s17 =	sshra.s32 s17, $0x2;
	[sflag:s11] =	ssyncadd.s32 $0xFFFFC000  }
0x25: {  	[spmem:s2] =	stream.indirect.scatter.add.f32 [tilespmem:s12], [sflag:$0x1], $0x80, s17, s13, $0xb8;
	[tilespmem:$0x19400] =	vst v63  }
0x26: {  	_ =	swait.ge [sflag:s11], $0x4000  }
0x27: {  	[sflag:s11] =	ssyncset.done $0x0  }
0x28: {  	s14 =	sadd.s32 $0x1, s14  }
0x29: {  	[sflag:s11] =	ssyncadd.s32 $0xFFFFC000;
	p0 =	sne.s32 s14, s8  }
.Ltmp1:
0x2a: {  	[bflag:$0x0] =	sbarrier.arrive $0xFFFF;
	(pc) =	sbr.rel @p0 .LBB2_1-.Ltmp1, $4  }
0x2b: {  	[hbm:s7], [sflag:s5] =	dma.local [spmem:s10], $0x2800  }
0x2c: {  	_ =	swait.ge [sflag:s11], $0x2800  }
0x2d: {  	[sflag:s11] =	ssyncset.done $0x0  }
0x2e: {  	[sflag:s11] =	ssyncadd.s32 $0xFFFFD800  }
0x2f: {  	_ =	sfence.sel $0x180000  }
0x30: {  	[bflag:$0x0] =	sbarrier.arrive $0xFFFF  }
0x31: {  	p0 =	sne.s32 s0, $0x0;
	_ =	strace $0x9000004D  }
0x32: {  	s0 =	sadd.s32 @!p0 $0x100000, s1;
	[bflag:$0x2] =	sbarrier.arrive $0xFFFF  }
0x33: {  	[sflag:s0] =	ssyncadd.tile.s32 @!p0 $0x1;
	_ =	shalt  }
.Lfunc_end2:
_tile_overlayer_lowered:
.L_overlay_start_2:
0x34: {  	(tag) =	ssettag $0x2  }
0x35: {  	s0 =	rddreg [dreg:$0x0];
	s2 =	stileid.u32  }
0x36: {  	s1 =	rddreg [dreg:$0x1];
	p0 =	sne.s32 s2, $0x0  }
0x37: {  	s3 =	rddreg [dreg:$0x2];
	[bflag:$0x3] =	sbarrier.arrive $0xFFFF;
	s2 =	simm.s32 @!p0 $0x1C01  }
0x38: {  	[timem:s3], [sflag:s2] =	dma.local @!p0 [hbm:s0], s1  }
0x39: {  	s0 =	simm.s32 @!p0 $0x1  }
0x3a: {  	_ =	swait.ge @!p0 [sflag:s0], s1  }
0x3b: {  	s1 =	ssub.s32 @!p0 $0x0, s1;
	[sflag:s0] =	ssyncset.done @!p0 $0x0  }
0x3c: {  	[sflag:s0] =	ssyncadd.s32 @!p0 s1  }
0x3d: {  	[bflag:$0x3] =	sbarrier.arrive $0xFFFF  }
0x3e: {  	_ =	shalt  }

// kernel: kernel.28.cloned.1.call-start
scs
__scs_entry_jumppad:
0x0: {  	(pc) =	sbr.rel $0x88, $3  }
0x1: {  	(tag) =	ssettag $0x0;
	lr =	simm.s32 $0x1  }
0x2: {  	[smem:$0x3F76] =	sst lr;
	_ =	strace $0xD0000000  }
0x3: {  	_ = 	snop  }
0x4: {  	_ = 	snop  }
0x5: {  	_ = 	snop  }
0x6: {  	_ = 	snop  }
0x7: {  	_ = 	snop  }
__scs_overlays_trampoline_lowered:
0x8: {  	[smem:$0x3F85] =	sst s0  }
0x9: {  	[smem:$0x3F86] =	sst s1  }
0xa: {  	[smem:$0x3F87] =	sst s2  }
0xb: {  	[smem:$0x3F88] =	sst s3  }
0xc: {  	[smem:$0x3F89] =	sst s4  }
0xd: {  	[smem:$0x3F8A] =	sst s5  }
0xe: {  	[smem:$0x3F8B] =	sst s6  }
0xf: {  	[smem:$0x3F8C] =	sst s7  }
0x10: {  	[smem:$0x3F8D] =	sst s8  }
0x11: {  	[smem:$0x3F8E] =	sst s9;
	s0 =	simm.s32 @!p0 $0x0  }
0x12: {  	s1 =	sld [smem:$0x3F74];
	s0 =	simm.s32 @p0 $0x1  }
0x13: {  	[smem:$0x3F8F] =	sst s0;
	s0 =	simm.s32 @!p1 $0x0  }
0x14: {  	s2 =	sld [smem:$0x3F73];
	s0 =	simm.s32 @p1 $0x1  }
0x15: {  	[smem:$0x3F90] =	sst s0;
	s0 =	simm.s32 @!p2 $0x0  }
0x16: {  	s3 =	sld [smem:$0x3FDB];
	s0 =	simm.s32 @p2 $0x1  }
0x17: {  	s4 =	simm.s32 $0x1BF5;
	[smem:$0x3F92] =	sst s0  }
0x18: {  	s0 =	sld [smem:$0x3F75];
	_ =	swait.ge [sflag:s4], $0x0  }
0x19: {  	s7 =	sld [smem:$0x3F76]  }
0x1a: {  	s8 =	sadd.s32 $0xFFFFE003, lr  }
0x1b: {  	s9 =	sadd.s32 $0xFFFFFEF7, lr;
	s5 =	simm.s32 $0xFFFFFFFF;
	p2 =	slt.u32 s8, $0xFFFFF086  }
0x1c: {  	p1 =	slt.u32 s9, $0xF7A;
	s5 =	simm.s32 @!p2 $0x0  }
0x1d: {  	s5 =	simm.s32 @p1 $0x1;
	p0 =	seq.s32 s7, s2  }
0x1e: {  	s7 =	smul.u32 @!p0 $0xF7A, s2;
	p2 =	seq.s32 @!p0 s5, $0x0  }
0x1f: {  	s9 =	smul.u32 $0xF7A, s1;
	s8 =	simm.s32 @!p0 $0x1BF5;
	p2 =	por !p2, p0  }
0x20: {  	[sflag:s8] =	ssyncset.s32 @!p0 $0xFFFFF086;
	s6 =	sadd.s32 @!p0 s3, s7;
	s7 =	simm.s32 @!p0 $0x108  }
0x21: {  	s3 =	sadd.s32 s3, s9;
	s6 =	sadd.s32 @!p0 $0x88, s6;
	s7 =	simm.s32 @p2 $0x1082  }
0x22: {  	[simem:s7], [sflag:s8] =	dma.local @!p0 [hbm:s6], $0xF7A  }
0x23: {  	s9 =	sor.u32 $0xD0000000, s2;
	s6 =	simm.s32 $0x108;
	_ =	swait.ge @!p0 [sflag:s8], $0x0  }
0x24: {  	s3 =	sadd.s32 $0x88, s3;
	s6 =	simm.s32 @!p1 $0x1082;
	[sflag:s4] =	ssyncset.s32 $0xFFFFF086  }
0x25: {  	[simem:s6], [sflag:s4] =	dma.local [hbm:s3], $0xF7A  }
0x26: {  	[smem:$0x3F76] =	sst s1;
	(tag) =	ssettag s2;
	_ =	strace s9  }
0x27: {  	s1 =	sld [smem:$0x3F86]  }
0x28: {  	s2 =	sld [smem:$0x3F87]  }
0x29: {  	s4 =	sld [smem:$0x3F89]  }
0x2a: {  	p0 =	seq.s32 s5, $0x0;
	s5 =	sld [smem:$0x3F8A]  }
0x2b: {  	s6 =	sld [smem:$0x3F8B]  }
0x2c: {  	s7 =	sld [smem:$0x3F8C]  }
0x2d: {  	s3 =	simm.s32 $0x108;
	s8 =	sld [smem:$0x3F8D]  }
0x2e: {  	s3 =	simm.s32 @!p0 $0x1082;
	s9 =	sld [smem:$0x3F8E]  }
0x2f: {  	lr =	sadd.s32 s0, s3;
	s0 =	sld [smem:$0x3F85]  }
0x30: {  	s3 =	sld [smem:$0x3F88]  }
0x31: {  	[smem:$0x3F91] =	sst s10  }
0x32: {  	s10 =	sld [smem:$0x3F8F];
	_ =	sdelay $0x3  }
0x33: {  	p0 =	seq.s32 s10, $0x1;
	s10 =	sld [smem:$0x3F91];
	_ =	sdelay $0x3  }
0x34: {  	[smem:$0x3F91] =	sst s10  }
0x35: {  	s10 =	sld [smem:$0x3F90];
	_ =	sdelay $0x3  }
0x36: {  	p1 =	seq.s32 s10, $0x1;
	s10 =	sld [smem:$0x3F91];
	_ =	sdelay $0x3  }
0x37: {  	[smem:$0x3F91] =	sst s10  }
0x38: {  	s10 =	sld [smem:$0x3F92]  }
0x39: {  	_ = 	snop;
	(pc) =	sbr.ind lr, $3  }
0x3a: {  	_ = 	snop  }
0x3b: {  	_ = 	snop  }
0x3c: {  	p2 =	seq.s32 s10, $0x1;
	s10 =	sld [smem:$0x3F91]  }
0x3d: {  	_ =	shalt  }
0x3e: {  	_ =	shalt  }
0x3f: {  	_ =	shalt  }
0x40: {  	_ =	shalt  }
0x41: {  	_ =	shalt  }
0x42: {  	_ =	shalt  }
0x43: {  	_ =	shalt  }
0x44: {  	_ =	shalt  }
0x45: {  	_ =	shalt  }
0x46: {  	_ =	shalt  }
0x47: {  	_ =	shalt  }
0x48: {  	_ =	shalt  }
0x49: {  	_ =	shalt  }
0x4a: {  	_ =	shalt  }
0x4b: {  	_ =	shalt  }
0x4c: {  	_ =	shalt  }
0x4d: {  	_ =	shalt  }
0x4e: {  	_ =	shalt  }
0x4f: {  	_ =	shalt  }
0x50: {  	_ =	shalt  }
0x51: {  	_ =	shalt  }
0x52: {  	_ =	shalt  }
0x53: {  	_ =	shalt  }
0x54: {  	_ =	shalt  }
0x55: {  	_ =	shalt  }
0x56: {  	_ =	shalt  }
0x57: {  	_ =	shalt  }
0x58: {  	_ =	shalt  }
0x59: {  	_ =	shalt  }
0x5a: {  	_ =	shalt  }
0x5b: {  	_ =	shalt  }
0x5c: {  	_ =	shalt  }
0x5d: {  	_ =	shalt  }
0x5e: {  	_ =	shalt  }
0x5f: {  	_ =	shalt  }
0x60: {  	_ =	shalt  }
0x61: {  	_ =	shalt  }
0x62: {  	_ =	shalt  }
0x63: {  	_ =	shalt  }
0x64: {  	_ =	shalt  }
0x65: {  	_ =	shalt  }
0x66: {  	_ =	shalt  }
0x67: {  	_ =	shalt  }
0x68: {  	_ =	shalt  }
0x69: {  	_ =	shalt  }
0x6a: {  	_ =	shalt  }
0x6b: {  	_ =	shalt  }
0x6c: {  	_ =	shalt  }
0x6d: {  	_ =	shalt  }
0x6e: {  	_ =	shalt  }
0x6f: {  	_ =	shalt  }
0x70: {  	_ =	shalt  }
0x71: {  	_ =	shalt  }
0x72: {  	_ =	shalt  }
0x73: {  	_ =	shalt  }
0x74: {  	_ =	shalt  }
0x75: {  	_ =	shalt  }
0x76: {  	_ =	shalt  }
0x77: {  	_ =	shalt  }
0x78: {  	_ =	shalt  }
0x79: {  	_ =	shalt  }
0x7a: {  	_ =	shalt  }
0x7b: {  	_ =	shalt  }
0x7c: {  	_ =	shalt  }
0x7d: {  	_ =	shalt  }
0x7e: {  	_ =	shalt  }
0x7f: {  	_ =	shalt  }
0x80: {  	_ =	shalt  }
0x81: {  	_ =	shalt  }
0x82: {  	_ =	shalt  }
0x83: {  	_ =	shalt  }
0x84: {  	_ =	shalt  }
0x85: {  	_ =	shalt  }
0x86: {  	_ =	shalt  }
0x87: {  	_ =	shalt  }
.Lfunc_end0:
.L_simem_size_0:
called_computation.2_lowered:
.L_overlay_start_0:
0x88: {  	s2 =	sld [smem:$0x3FD9]  }
0x89: {  	s3 =	sld [smem:$0x3FFE];
	_ =	sdelay $0x1  }
0x8a: {  	s1 =	srdreg.scid  }
0x8b: {  	s0 =	sand.u32 $0x1, s1  }
0x8c: {  	s16 =	sshll.u32 s0, $0xA;
	s2 =	sadd.s32 s3, s2  }
0x8d: {  	s2 =	sadd.s32 s2, s16  }
0x8e: {  	[smem:$0x3F9D] =	sst s2  }
0x8f: {  	_ = 	snop  }
0x90: {  	(tm) =	ssettm $0x1  }
0x91: {  	s17 =	sld [smem:$0x3FFB];
	_ =	sdelay $0x3  }
0x92: {  	_ =	strace s17  }
0x93: {  	s2 =	sld [smem:$0x3FFC];
	_ =	sdelay $0x3  }
0x94: {  	_ =	strace s2  }
0x95: {  	s2 =	sld [smem:$0x3FFD];
	_ =	sdelay $0x3  }
0x96: {  	_ =	strace s2  }
0x97: {  	_ =	strace $0x8FFFFFFF  }
0x98: {  	s18 =	sld [smem:$0x3FDB];
	_ =	sdelay $0x1  }
0x99: {  	s19 =	simm.s32 $_scs_section_size  }
0x9a: {  	s4 =	simm.s32 $_size__tile_overlayer_lowered;
	s5 =	simm.s32 $_tile_overlayer_lowered  }
0x9b: {  	s22 =	simm.s32 $0x1BFF;
	s21 =	sshll.u32 s5, $0x1;
	s2 =	sadd.s32 s19, s18  }
0x9c: {  	s6 =	simm.s32 $0x0;
	s20 =	sshll.u32 s4, $0x1;
	s4 =	sadd.s32 s21, s2  }
0x9d: {  	[timem:s6], [sflag:s22] =	dma.local [hbm:s4], s20  }
0x9e: {  	_ =	swait.ge [sflag:s22], s20  }
0x9f: {  	s3 =	ssub.s32 $0x0, s20;
	[sflag:s22] =	ssyncset.done $0x0  }
0xa0: {  	[sflag:s22] =	ssyncadd.s32 s3;
	_ =	sdelay $0x1  }
0xa1: {  	s23 =	simm.s32 $0x1B8B  }
0xa2: {  	_ =	swait.ge [sflag:s23], $0x1  }
0xa3: {  	[sflag:s23] =	ssyncset.done $0x0  }
0xa4: {  	s25 =	simm.s32 $0x1B8E;
	s24 =	sld [smem:$0x3FFE];
	[sflag:s23] =	ssyncadd.s32 $0xFFFFFFFF  }
0xa5: {  	s26 =	simm.s32 $execute0_lowered;
	[smem:$0x3FD2] =	sst s25  }
0xa6: {  	s4 =	sshll.u32 s26, $0x1;
	_ =	strace $0x80000049;
	[dreg:$0x1] =	wrdreg $0xFFFFFFFF  }
0xa7: {  	s28 =	simm.s32 $_size_execute0_lowered;
	s2 =	sadd.s32 s2, s4;
	[dreg:$0x0] =	wrdreg $0x0  }
0xa8: {  	s4 =	sshll.u32 s28, $0x1;
	[dreg:$0x2] =	wrdreg s2  }
0xa9: {  	[dreg:$0x3] =	wrdreg s4  }
0xaa: {  	[dreg:$0x4] =	wrdreg $0xC0  }
0xab: {  	_ =	task [dreg:s6], $0x5FFFF  }
0xac: {  	[dreg:$0x1] =	wrdreg $0xFFFFFFFF  }
0xad: {  	[dreg:$0x0] =	wrdreg $0x60  }
0xae: {  	[dreg:$0x2] =	wrdreg s24  }
0xaf: {  	[dreg:$0x3] =	wrdreg $0x54000  }
0xb0: {  	[dreg:$0x4] =	wrdreg $0xA  }
0xb1: {  	_ =	task.clear_ibuf [dreg:s6], $0x5FFFF;
	_ =	strace $0x90000049  }
0xb2: {  	s29 =	simm.s32 $0xA;
	_ =	strace $0x8000004B  }
0xb3: {  	_ =	swait.ge [sflag:s29], $0x1  }
0xb4: {  	[sflag:s29] =	ssyncadd.s32 $0xFFFFFFFF  }
0xb5: {  	_ =	strace $0x9000004B  }
0xb6: {  	_ =	sfence  }
0xb7: {  	s30 =	sld [smem:$0x0];
	_ =	sdelay $0x2  }
0xb8: {  	s31 =	sshll.u32 s1, $0xD;
	s1 =	sshrl.u32 s1, $0x2  }
0xb9: {  	s3 =	sand.u32 $0x4000, s31;
	s1 =	sadd.s32 s1, s30  }
0xba: {  	s0 =	sor.u32 s3, s0;
	s1 =	sshll.u32 s1, $0x11  }
0xbb: {  	s0 =	sor.u32 s1, s0  }
0xbc: {  	s0 =	sadd.s32 $0x8F2B, s0  }
0xbd: {  	[sflag:s0] =	ssyncadd.remote.s32 $0x1  }
0xbe: {  	_ =	sfence.sel $0xFFFF  }
0xbf: {  	[dreg:$0x0] =	wrdreg $0xFFFFFFFF;
	(pc) =	sbr.abs _section_cstart, $3  }
0xc0: {  	[dreg:$0x1] =	wrdreg $0xFFFFFFFF  }
0xc1: {  	_ =	task.clear_ibuf [dreg:s6], $0x2FFFF;
	_ =	strace $0x9FFFFFFF  }
0xc2: {  	(tm) =	ssettm $0x7FFFFFFF  }
0xc3: {  	_ =	shalt  }
tec
execute0_lowered:
.L_overlay_start_1:
0x0: {  	(tag) =	ssettag $0x1  }
0x1: {  	s0 =	stileid.u32  }
0x2: {  	s1 =	srdreg.scid;
	s4 =	rddreg [dreg:$0x0]  }
0x3: {  	s2 =	rddreg [dreg:$0x1];
	s3 =	simm.s32 $0x0;
	s6 =	smul.u32 $0x28000, s0  }
0x4: {  	s14 =	simm.s32 $0x0;
	s5 =	sand.u32 $0x1, s1;
	s8 =	smul.u32 $0x14000, s0  }
0x5: {  	s24 =	sshll.u32 s0, $0x1;
	s1 =	rddreg [dreg:$0x2];
	s11 =	smul.u32 $0x50000, s0  }
0x6: {  	[smem:$0x7FF] =	sst s3;
	s30 =	sshll.u32 s0, $0x6;
	s9 =	smul.u32 $0x140000, s5  }
0x7: {  	s7 =	sor.u32 s5, s24;
	_ =	strace $0x8000004A;
	s13 =	smul.u32 $0x14000, s5  }
0x8: {  	s28 =	ssub.s32 $0x2, s5;
	s5 =	sor.u32 $0x1C01, s30;
	s7 =	smul.u32 $0x280, s7  }
0x9: {  	s10 =	sadd.s32 s6, s4;
	s26 =	sshrl.u32 s8, $0x3;
	s12 =	sshrl.u32 s28, $0x1  }
0xa: {  	s29 =	sshrl.u32 s11, $0x2;
	s8 =	sadd.s32 s8, s9;
	s9 =	ssub.s32 s28, s12  }
0xb: {  	s11 =	sadd.s32 s29, s2;
	s31 =	sadd.s32 s13, s10;
	s12 =	simm.s32 $0x1400  }
0xc: {  	s13 =	simm.s32 $0x80;
	s25 =	sadd.s32 s7, s4;
	s7 =	sadd.s32 s26, s4  }
0xd: {  	s8 =	sshrl.u32 s8, $0x3;
	s10 =	sshrl.u32 s11, $0x3;
	s11 =	simm.s32 $0x1  }
0xe: {  	s8 =	sadd.s32 s8, s4;
	s4 =	sadd.s32 $0x8A400, s7;
	s6 =	sadd.s32 $0x37000, s25  }
0xf: {  	s7 =	sadd.s32 $0xB2400, s8;
	s8 =	smax.u32 s9, $0x1;
	s9 =	sadd.s32 $0x831600, s31  }
.LBB2_1:
0x10: {  	[spmem:s10], [sflag:s5] =	dma.local [hbm:s4], $0x2800  }
0x11: {  	_ =	swait.ge [sflag:s11], $0x2800  }
0x12: {  	[sflag:s11] =	ssyncset.done $0x0  }
0x13: {  	[sflag:s11] =	ssyncadd.s32 $0xFFFFD800  }
0x14: {  	[tilespmem:s3], [sflag:$0x1] =	stream.linear.gather [hbm4b:s6+s3], $0x1400, $0x38;
	[tilespmem:$0x19400] =	vst v63  }
0x15: {  	_ =	swait.ge [sflag:s11], $0x1400  }
0x16: {  	[sflag:s11] =	ssyncset.done $0x0  }
0x17: {  	[sflag:s11] =	ssyncadd.s32 $0xFFFFEC00  }
0x18: {  	[bflag:$0x0] =	sbarrier.arrive $0xFFFF  }
0x19: {  	[tilespmem:s12], [sflag:$0x1] =	stream.linear.gather [hbm4b:s9+s3], $0x4000, $0x38;
	[tilespmem:$0x19400] =	vst v63  }
0x1a: {  	_ =	swait.ge [sflag:s11], $0x4000  }
0x1b: {  	[sflag:s11] =	ssyncset.done $0x0  }
0x1c: {  	s15 =	simm.s32 $0x0;
	[sflag:s11] =	ssyncadd.s32 $0xFFFFC000  }
0x1d: {  	[spmem:s2] =	stream.indirect.scatter.add.f32 [tilespmem:s12], [sflag:$0x1], $0x80, s15, s13, $0xb8;
	[tilespmem:$0x19400] =	vst v63  }
0x1e: {  	_ =	swait.ge [sflag:s11], $0x4000  }
0x1f: {  	s16 =	smov.u32 s9;
	s15 =	simm.s32 $0x200;
	[sflag:s11] =	ssyncset.done $0x0  }
.LBB2_2:
0x20: {  	p0 =	sne.s32 s15, $0x4E00;
	[sflag:s11] =	ssyncadd.s32 $0xFFFFC000;
	s16 =	sadd.s32 $0x800, s16  }
0x21: {  	[tilespmem:s12], [sflag:$0x1] =	stream.linear.gather [hbm4b:s16+s3], $0x4000, $0x38;
	[tilespmem:$0x19400] =	vst v63  }
0x22: {  	s17 =	smov.u32 s15;
	s15 =	sadd.s32 $0x200, s15;
	_ =	swait.ge [sflag:s11], $0x4000  }
.Ltmp0:
0x23: {  	[sflag:s11] =	ssyncset.done $0x0;
	(pc) =	sbr.rel @p0 .LBB2_2-.Ltmp0, $4  }
0x24: {  	s17 =	sshra.s32 s17, $0x2;
	[sflag:s11] =	ssyncadd.s32 $0xFFFFC000  }
0x25: {  	[spmem:s2] =	stream.indirect.scatter.add.f32 [tilespmem:s12], [sflag:$0x1], $0x80, s17, s13, $0xb8;
	[tilespmem:$0x19400] =	vst v63  }
0x26: {  	_ =	swait.ge [sflag:s11], $0x4000  }
0x27: {  	[sflag:s11] =	ssyncset.done $0x0  }
0x28: {  	s14 =	sadd.s32 $0x1, s14  }
0x29: {  	[sflag:s11] =	ssyncadd.s32 $0xFFFFC000;
	p0 =	sne.s32 s14, s8  }
.Ltmp1:
0x2a: {  	[bflag:$0x0] =	sbarrier.arrive $0xFFFF;
	(pc) =	sbr.rel @p0 .LBB2_1-.Ltmp1, $4  }
0x2b: {  	[hbm:s7], [sflag:s5] =	dma.local [spmem:s10], $0x2800  }
0x2c: {  	_ =	swait.ge [sflag:s11], $0x2800  }
0x2d: {  	[sflag:s11] =	ssyncset.done $0x0  }
0x2e: {  	[sflag:s11] =	ssyncadd.s32 $0xFFFFD800  }
0x2f: {  	_ =	sfence.sel $0x180000  }
0x30: {  	[bflag:$0x0] =	sbarrier.arrive $0xFFFF  }
0x31: {  	p0 =	sne.s32 s0, $0x0;
	_ =	strace $0x9000004A  }
0x32: {  	s0 =	sadd.s32 @!p0 $0x100000, s1;
	[bflag:$0x2] =	sbarrier.arrive $0xFFFF  }
0x33: {  	[sflag:s0] =	ssyncadd.tile.s32 @!p0 $0x1;
	_ =	shalt  }
.Lfunc_end2:
_tile_overlayer_lowered:
.L_overlay_start_2:
0x34: {  	(tag) =	ssettag $0x2  }
0x35: {  	s0 =	rddreg [dreg:$0x0];
	s2 =	stileid.u32  }
0x36: {  	s1 =	rddreg [dreg:$0x1];
	p0 =	sne.s32 s2, $0x0  }
0x37: {  	s3 =	rddreg [dreg:$0x2];
	[bflag:$0x3] =	sbarrier.arrive $0xFFFF;
	s2 =	simm.s32 @!p0 $0x1C01  }
0x38: {  	[timem:s3], [sflag:s2] =	dma.local @!p0 [hbm:s0], s1  }
0x39: {  	s0 =	simm.s32 @!p0 $0x1  }
0x3a: {  	_ =	swait.ge @!p0 [sflag:s0], s1  }
0x3b: {  	s1 =	ssub.s32 @!p0 $0x0, s1;
	[sflag:s0] =	ssyncset.done @!p0 $0x0  }
0x3c: {  	[sflag:s0] =	ssyncadd.s32 @!p0 s1  }
0x3d: {  	[bflag:$0x3] =	sbarrier.arrive $0xFFFF  }
0x3e: {  	_ =	shalt  }

// kernel: kernel.31.cloned.1.call-start
scs
__scs_entry_jumppad:
0x0: {  	(pc) =	sbr.rel $0x88, $3  }
0x1: {  	(tag) =	ssettag $0x0;
	lr =	simm.s32 $0x1  }
0x2: {  	[smem:$0x3F76] =	sst lr;
	_ =	strace $0xD0000000  }
0x3: {  	_ = 	snop  }
0x4: {  	_ = 	snop  }
0x5: {  	_ = 	snop  }
0x6: {  	_ = 	snop  }
0x7: {  	_ = 	snop  }
__scs_overlays_trampoline_lowered:
0x8: {  	[smem:$0x3F85] =	sst s0  }
0x9: {  	[smem:$0x3F86] =	sst s1  }
0xa: {  	[smem:$0x3F87] =	sst s2  }
0xb: {  	[smem:$0x3F88] =	sst s3  }
0xc: {  	[smem:$0x3F89] =	sst s4  }
0xd: {  	[smem:$0x3F8A] =	sst s5  }
0xe: {  	[smem:$0x3F8B] =	sst s6  }
0xf: {  	[smem:$0x3F8C] =	sst s7  }
0x10: {  	[smem:$0x3F8D] =	sst s8  }
0x11: {  	[smem:$0x3F8E] =	sst s9;
	s0 =	simm.s32 @!p0 $0x0  }
0x12: {  	s1 =	sld [smem:$0x3F74];
	s0 =	simm.s32 @p0 $0x1  }
0x13: {  	[smem:$0x3F8F] =	sst s0;
	s0 =	simm.s32 @!p1 $0x0  }
0x14: {  	s2 =	sld [smem:$0x3F73];
	s0 =	simm.s32 @p1 $0x1  }
0x15: {  	[smem:$0x3F90] =	sst s0;
	s0 =	simm.s32 @!p2 $0x0  }
0x16: {  	s3 =	sld [smem:$0x3FDB];
	s0 =	simm.s32 @p2 $0x1  }
0x17: {  	s4 =	simm.s32 $0x1BF5;
	[smem:$0x3F92] =	sst s0  }
0x18: {  	s0 =	sld [smem:$0x3F75];
	_ =	swait.ge [sflag:s4], $0x0  }
0x19: {  	s7 =	sld [smem:$0x3F76]  }
0x1a: {  	s8 =	sadd.s32 $0xFFFFE003, lr  }
0x1b: {  	s9 =	sadd.s32 $0xFFFFFEF7, lr;
	s5 =	simm.s32 $0xFFFFFFFF;
	p2 =	slt.u32 s8, $0xFFFFF086  }
0x1c: {  	p1 =	slt.u32 s9, $0xF7A;
	s5 =	simm.s32 @!p2 $0x0  }
0x1d: {  	s5 =	simm.s32 @p1 $0x1;
	p0 =	seq.s32 s7, s2  }
0x1e: {  	s7 =	smul.u32 @!p0 $0xF7A, s2;
	p2 =	seq.s32 @!p0 s5, $0x0  }
0x1f: {  	s9 =	smul.u32 $0xF7A, s1;
	s8 =	simm.s32 @!p0 $0x1BF5;
	p2 =	por !p2, p0  }
0x20: {  	[sflag:s8] =	ssyncset.s32 @!p0 $0xFFFFF086;
	s6 =	sadd.s32 @!p0 s3, s7;
	s7 =	simm.s32 @!p0 $0x108  }
0x21: {  	s3 =	sadd.s32 s3, s9;
	s6 =	sadd.s32 @!p0 $0x88, s6;
	s7 =	simm.s32 @p2 $0x1082  }
0x22: {  	[simem:s7], [sflag:s8] =	dma.local @!p0 [hbm:s6], $0xF7A  }
0x23: {  	s9 =	sor.u32 $0xD0000000, s2;
	s6 =	simm.s32 $0x108;
	_ =	swait.ge @!p0 [sflag:s8], $0x0  }
0x24: {  	s3 =	sadd.s32 $0x88, s3;
	s6 =	simm.s32 @!p1 $0x1082;
	[sflag:s4] =	ssyncset.s32 $0xFFFFF086  }
0x25: {  	[simem:s6], [sflag:s4] =	dma.local [hbm:s3], $0xF7A  }
0x26: {  	[smem:$0x3F76] =	sst s1;
	(tag) =	ssettag s2;
	_ =	strace s9  }
0x27: {  	s1 =	sld [smem:$0x3F86]  }
0x28: {  	s2 =	sld [smem:$0x3F87]  }
0x29: {  	s4 =	sld [smem:$0x3F89]  }
0x2a: {  	p0 =	seq.s32 s5, $0x0;
	s5 =	sld [smem:$0x3F8A]  }
0x2b: {  	s6 =	sld [smem:$0x3F8B]  }
0x2c: {  	s7 =	sld [smem:$0x3F8C]  }
0x2d: {  	s3 =	simm.s32 $0x108;
	s8 =	sld [smem:$0x3F8D]  }
0x2e: {  	s3 =	simm.s32 @!p0 $0x1082;
	s9 =	sld [smem:$0x3F8E]  }
0x2f: {  	lr =	sadd.s32 s0, s3;
	s0 =	sld [smem:$0x3F85]  }
0x30: {  	s3 =	sld [smem:$0x3F88]  }
0x31: {  	[smem:$0x3F91] =	sst s10  }
0x32: {  	s10 =	sld [smem:$0x3F8F];
	_ =	sdelay $0x3  }
0x33: {  	p0 =	seq.s32 s10, $0x1;
	s10 =	sld [smem:$0x3F91];
	_ =	sdelay $0x3  }
0x34: {  	[smem:$0x3F91] =	sst s10  }
0x35: {  	s10 =	sld [smem:$0x3F90];
	_ =	sdelay $0x3  }
0x36: {  	p1 =	seq.s32 s10, $0x1;
	s10 =	sld [smem:$0x3F91];
	_ =	sdelay $0x3  }
0x37: {  	[smem:$0x3F91] =	sst s10  }
0x38: {  	s10 =	sld [smem:$0x3F92]  }
0x39: {  	_ = 	snop;
	(pc) =	sbr.ind lr, $3  }
0x3a: {  	_ = 	snop  }
0x3b: {  	_ = 	snop  }
0x3c: {  	p2 =	seq.s32 s10, $0x1;
	s10 =	sld [smem:$0x3F91]  }
0x3d: {  	_ =	shalt  }
0x3e: {  	_ =	shalt  }
0x3f: {  	_ =	shalt  }
0x40: {  	_ =	shalt  }
0x41: {  	_ =	shalt  }
0x42: {  	_ =	shalt  }
0x43: {  	_ =	shalt  }
0x44: {  	_ =	shalt  }
0x45: {  	_ =	shalt  }
0x46: {  	_ =	shalt  }
0x47: {  	_ =	shalt  }
0x48: {  	_ =	shalt  }
0x49: {  	_ =	shalt  }
0x4a: {  	_ =	shalt  }
0x4b: {  	_ =	shalt  }
0x4c: {  	_ =	shalt  }
0x4d: {  	_ =	shalt  }
0x4e: {  	_ =	shalt  }
0x4f: {  	_ =	shalt  }
0x50: {  	_ =	shalt  }
0x51: {  	_ =	shalt  }
0x52: {  	_ =	shalt  }
0x53: {  	_ =	shalt  }
0x54: {  	_ =	shalt  }
0x55: {  	_ =	shalt  }
0x56: {  	_ =	shalt  }
0x57: {  	_ =	shalt  }
0x58: {  	_ =	shalt  }
0x59: {  	_ =	shalt  }
0x5a: {  	_ =	shalt  }
0x5b: {  	_ =	shalt  }
0x5c: {  	_ =	shalt  }
0x5d: {  	_ =	shalt  }
0x5e: {  	_ =	shalt  }
0x5f: {  	_ =	shalt  }
0x60: {  	_ =	shalt  }
0x61: {  	_ =	shalt  }
0x62: {  	_ =	shalt  }
0x63: {  	_ =	shalt  }
0x64: {  	_ =	shalt  }
0x65: {  	_ =	shalt  }
0x66: {  	_ =	shalt  }
0x67: {  	_ =	shalt  }
0x68: {  	_ =	shalt  }
0x69: {  	_ =	shalt  }
0x6a: {  	_ =	shalt  }
0x6b: {  	_ =	shalt  }
0x6c: {  	_ =	shalt  }
0x6d: {  	_ =	shalt  }
0x6e: {  	_ =	shalt  }
0x6f: {  	_ =	shalt  }
0x70: {  	_ =	shalt  }
0x71: {  	_ =	shalt  }
0x72: {  	_ =	shalt  }
0x73: {  	_ =	shalt  }
0x74: {  	_ =	shalt  }
0x75: {  	_ =	shalt  }
0x76: {  	_ =	shalt  }
0x77: {  	_ =	shalt  }
0x78: {  	_ =	shalt  }
0x79: {  	_ =	shalt  }
0x7a: {  	_ =	shalt  }
0x7b: {  	_ =	shalt  }
0x7c: {  	_ =	shalt  }
0x7d: {  	_ =	shalt  }
0x7e: {  	_ =	shalt  }
0x7f: {  	_ =	shalt  }
0x80: {  	_ =	shalt  }
0x81: {  	_ =	shalt  }
0x82: {  	_ =	shalt  }
0x83: {  	_ =	shalt  }
0x84: {  	_ =	shalt  }
0x85: {  	_ =	shalt  }
0x86: {  	_ =	shalt  }
0x87: {  	_ =	shalt  }
.Lfunc_end0:
.L_simem_size_0:
called_computation.3_lowered:
.L_overlay_start_0:
0x88: {  	s2 =	sld [smem:$0x3FD9]  }
0x89: {  	s3 =	sld [smem:$0x3FFE];
	_ =	sdelay $0x1  }
0x8a: {  	s1 =	srdreg.scid  }
0x8b: {  	s0 =	sand.u32 $0x1, s1  }
0x8c: {  	s16 =	sshll.u32 s0, $0xA;
	s2 =	sadd.s32 s3, s2  }
0x8d: {  	s2 =	sadd.s32 s2, s16  }
0x8e: {  	[smem:$0x3F9D] =	sst s2  }
0x8f: {  	_ = 	snop  }
0x90: {  	(tm) =	ssettm $0x1  }
0x91: {  	s17 =	sld [smem:$0x3FFB];
	_ =	sdelay $0x3  }
0x92: {  	_ =	strace s17  }
0x93: {  	s2 =	sld [smem:$0x3FFC];
	_ =	sdelay $0x3  }
0x94: {  	_ =	strace s2  }
0x95: {  	s2 =	sld [smem:$0x3FFD];
	_ =	sdelay $0x3  }
0x96: {  	_ =	strace s2  }
0x97: {  	_ =	strace $0x8FFFFFFF  }
0x98: {  	s18 =	sld [smem:$0x3FDB];
	_ =	sdelay $0x1  }
0x99: {  	s19 =	simm.s32 $_scs_section_size  }
0x9a: {  	s4 =	simm.s32 $_size__tile_overlayer_lowered;
	s5 =	simm.s32 $_tile_overlayer_lowered  }
0x9b: {  	s22 =	simm.s32 $0x1BFF;
	s21 =	sshll.u32 s5, $0x1;
	s2 =	sadd.s32 s19, s18  }
0x9c: {  	s6 =	simm.s32 $0x0;
	s20 =	sshll.u32 s4, $0x1;
	s4 =	sadd.s32 s21, s2  }
0x9d: {  	[timem:s6], [sflag:s22] =	dma.local [hbm:s4], s20  }
0x9e: {  	_ =	swait.ge [sflag:s22], s20  }
0x9f: {  	s3 =	ssub.s32 $0x0, s20;
	[sflag:s22] =	ssyncset.done $0x0  }
0xa0: {  	[sflag:s22] =	ssyncadd.s32 s3;
	_ =	sdelay $0x1  }
0xa1: {  	s23 =	simm.s32 $0x1B8B  }
0xa2: {  	_ =	swait.ge [sflag:s23], $0x1  }
0xa3: {  	[sflag:s23] =	ssyncset.done $0x0  }
0xa4: {  	s25 =	simm.s32 $0x1B8E;
	s24 =	sld [smem:$0x3FFE];
	[sflag:s23] =	ssyncadd.s32 $0xFFFFFFFF  }
0xa5: {  	s26 =	simm.s32 $execute0_lowered;
	[smem:$0x3FD2] =	sst s25  }
0xa6: {  	s4 =	sshll.u32 s26, $0x1;
	_ =	strace $0x8000004F;
	[dreg:$0x1] =	wrdreg $0xFFFFFFFF  }
0xa7: {  	s28 =	simm.s32 $_size_execute0_lowered;
	s2 =	sadd.s32 s2, s4;
	[dreg:$0x0] =	wrdreg $0x0  }
0xa8: {  	s4 =	sshll.u32 s28, $0x1;
	[dreg:$0x2] =	wrdreg s2  }
0xa9: {  	[dreg:$0x3] =	wrdreg s4  }
0xaa: {  	[dreg:$0x4] =	wrdreg $0xC0  }
0xab: {  	_ =	task [dreg:s6], $0x5FFFF  }
0xac: {  	[dreg:$0x1] =	wrdreg $0xFFFFFFFF  }
0xad: {  	[dreg:$0x0] =	wrdreg $0x60  }
0xae: {  	[dreg:$0x2] =	wrdreg s24  }
0xaf: {  	[dreg:$0x3] =	wrdreg $0x9  }
0xb0: {  	_ =	task.clear_ibuf [dreg:s6], $0x4FFFF;
	_ =	strace $0x9000004F  }
0xb1: {  	s29 =	simm.s32 $0x9;
	_ =	strace $0x80000051  }
0xb2: {  	_ =	swait.ge [sflag:s29], $0x1  }
0xb3: {  	[sflag:s29] =	ssyncadd.s32 $0xFFFFFFFF  }
0xb4: {  	_ =	strace $0x90000051  }
0xb5: {  	_ =	sfence  }
0xb6: {  	s30 =	sld [smem:$0x0];
	_ =	sdelay $0x2  }
0xb7: {  	s31 =	sshll.u32 s1, $0xD;
	s1 =	sshrl.u32 s1, $0x2  }
0xb8: {  	s3 =	sand.u32 $0x4000, s31;
	s1 =	sadd.s32 s1, s30  }
0xb9: {  	s0 =	sor.u32 s3, s0;
	s1 =	sshll.u32 s1, $0x11  }
0xba: {  	s0 =	sor.u32 s1, s0  }
0xbb: {  	s0 =	sadd.s32 $0x8F2B, s0  }
0xbc: {  	[sflag:s0] =	ssyncadd.remote.s32 $0x1  }
0xbd: {  	_ =	sfence.sel $0xFFFF  }
0xbe: {  	[dreg:$0x0] =	wrdreg $0xFFFFFFFF;
	(pc) =	sbr.abs _section_cstart, $3  }
0xbf: {  	[dreg:$0x1] =	wrdreg $0xFFFFFFFF  }
0xc0: {  	_ =	task.clear_ibuf [dreg:s6], $0x2FFFF;
	_ =	strace $0x9FFFFFFF  }
0xc1: {  	(tm) =	ssettm $0x7FFFFFFF  }
tec
execute0_lowered:
.L_overlay_start_1:
0x0: {  	(tag) =	ssettag $0x1  }
0x1: {  	s6 =	rddreg [dreg:$0x0]  }
0x2: {  	s0 =	rddreg [dreg:$0x1];
	s3 =	srdreg.scid  }
0x3: {  	s1 =	stileid.u32;
	s2 =	simm.s32 $0x0;
	s17 =	simm.s32 $0x2800  }
0x4: {  	s18 =	simm.s32 $0x80;
	s19 =	simm.s32 $0x3C00;
	s20 =	simm.s32 $0x7C00  }
0x5: {  	s21 =	simm.s32 $0x1;
	s22 =	simm.s32 $0x2;
	s23 =	simm.s32 $0x0  }
0x6: {  	s12 =	sand.u32 $0x1, s3;
	s30 =	sshll.u32 s1, $0x1;
	[smem:$0x7FF] =	sst s2  }
0x7: {  	s3 =	sadd.s32 $0xAE00, s6;
	s5 =	sadd.s32 $0x3C000, s6;
	s8 =	smul.u32 $0x140000, s1  }
0x8: {  	s13 =	sadd.s32 $0xD9600, s6;
	s14 =	sadd.s32 $0x359600, s6;
	s16 =	smul.u32 $0x28000, s1  }
0x9: {  	s15 =	sadd.s32 $0x5D9600, s6;
	s4 =	sor.u32 s12, s30;
	s10 =	smul.u32 $0xA0000, s12  }
0xa: {  	_ =	strace $0x80000050;
	s9 =	ssub.s32 $0x2, s12;
	s7 =	smul.u32 $0x280, s4  }
0xb: {  	s12 =	smul.u32 $0x14000, s12;
	s4 =	sadd.s32 $0x63200, s6;
	s11 =	sshrl.u32 s9, $0x1  }
0xc: {  	s9 =	ssub.s32 s9, s11;
	s8 =	sadd.s32 s10, s8;
	s7 =	sadd.s32 s7, s6  }
0xd: {  	s31 =	sshrl.u32 s8, $0x3;
	s8 =	smax.u32 s9, $0x1;
	s6 =	sadd.s32 $0x32000, s7  }
0xe: {  	s7 =	sadd.s32 $0x37000, s7;
	s9 =	sadd.s32 s31, s15;
	s10 =	sadd.s32 s31, s14  }
0xf: {  	s11 =	sadd.s32 s31, s13;
	s13 =	sadd.s32 s16, s13;
	s14 =	sadd.s32 s16, s14  }
0x10: {  	s15 =	sadd.s32 s16, s15;
	s16 =	simm.s32 $0x1400;
	s13 =	sadd.s32 s12, s13  }
0x11: {  	s14 =	sadd.s32 s12, s14;
	s15 =	sadd.s32 s12, s15;
	s12 =	sadd.s32 $0x800, s13  }
0x12: {  	s13 =	sadd.s32 $0x800, s14;
	s14 =	sadd.s32 $0x800, s15;
	s15 =	simm.s32 $0x3  }
.LBB2_1:
0x13: {  	[tilespmem:s2], [sflag:$0x3] =	stream.linear.gather [hbm4b:s6+s2], $0x1400, $0x38;
	[tilespmem:$0xBC00] =	vst v63  }
0x14: {  	_ =	swait.ge [sflag:s15], $0x1400  }
0x15: {  	[sflag:s15] =	ssyncset.done $0x0  }
0x16: {  	[sflag:s15] =	ssyncadd.s32 $0xFFFFEC00  }
0x17: {  	[tilespmem:s16], [sflag:$0x3] =	stream.linear.gather [hbm4b:s7+s2], $0x1400, $0x38;
	[tilespmem:$0xBC00] =	vst v63  }
0x18: {  	_ =	swait.ge [sflag:s15], $0x1400  }
0x19: {  	[sflag:s15] =	ssyncset.done $0x0  }
0x1a: {  	[sflag:s15] =	ssyncadd.s32 $0xFFFFEC00  }
0x1b: {  	[tilespmem:s17], [sflag:$0x3] =	stream.linear.gather [hbm4b:s6+s2], $0x1400, $0x38;
	[tilespmem:$0xBC00] =	vst v63  }
0x1c: {  	_ =	swait.ge [sflag:s15], $0x1400  }
0x1d: {  	[sflag:s15] =	ssyncset.done $0x0  }
0x1e: {  	s24 =	simm.s32 $0x0;
	[sflag:s15] =	ssyncadd.s32 $0xFFFFEC00  }
0x1f: {  	[tilespmem:s19], [sflag:$0x1] =	stream.indirect.gather [hbm4b:s3+s18], $0x80, s24, s18, $0xb8;
	[tilespmem:$0xBC00] =	vst v63  }
0x20: {  	s26 =	simm.s32 $0x80  }
0x21: {  	[tilespmem:s20], [sflag:$0x2] =	stream.indirect.gather [hbm4b:s3+s18], $0x80, s26, s18, $0xb8;
	[tilespmem:$0xBC00] =	vst v63  }
0x22: {  	_ =	swait.ge [sflag:s21], $0x4000  }
0x23: {  	[sflag:s21] =	ssyncset.done $0x0  }
0x24: {  	s28 =	sadd.s32 $0x0, s11;
	[sflag:s21] =	ssyncadd.s32 $0xFFFFC000  }
0x25: {  	[hbm4b:s28+s2] =	stream.linear.scatter [tilespmem:s19], [sflag:$0x3], $0x4000, $0x38;
	[tilespmem:$0xBC00] =	vst v63  }
0x26: {  	_ =	swait.ge [sflag:s15], $0x4000  }
0x27: {  	[sflag:s15] =	ssyncset.done $0x0  }
0x28: {  	[sflag:s15] =	ssyncadd.s32 $0xFFFFC000  }
0x29: {  	_ =	swait.ge [sflag:s22], $0x4000  }
0x2a: {  	[sflag:s22] =	ssyncset.done $0x0  }
0x2b: {  	s29 =	sadd.s32 $0x0, s12;
	[sflag:s22] =	ssyncadd.s32 $0xFFFFC000  }
0x2c: {  	[hbm4b:s29+s2] =	stream.linear.scatter [tilespmem:s20], [sflag:$0x3], $0x4000, $0x38;
	[tilespmem:$0xBC00] =	vst v63  }
0x2d: {  	_ =	swait.ge [sflag:s15], $0x4000  }
0x2e: {  	[sflag:s15] =	ssyncset.done $0x0  }
0x2f: {  	s30 =	simm.s32 $0x1400;
	[sflag:s15] =	ssyncadd.s32 $0xFFFFC000  }
0x30: {  	[tilespmem:s19], [sflag:$0x1] =	stream.indirect.gather [hbm4b:s4+s18], $0x80, s30, s18, $0xb8;
	[tilespmem:$0xBC00] =	vst v63  }
0x31: {  	s31 =	simm.s32 $0x1480  }
0x32: {  	[tilespmem:s20], [sflag:$0x2] =	stream.indirect.gather [hbm4b:s4+s18], $0x80, s31, s18, $0xb8;
	[tilespmem:$0xBC00] =	vst v63  }
0x33: {  	_ =	swait.ge [sflag:s21], $0x4000  }
0x34: {  	[sflag:s21] =	ssyncset.done $0x0  }
0x35: {  	s25 =	sadd.s32 $0x0, s10;
	[sflag:s21] =	ssyncadd.s32 $0xFFFFC000  }
0x36: {  	[hbm4b:s25+s2] =	stream.linear.scatter [tilespmem:s19], [sflag:$0x3], $0x4000, $0x38;
	[tilespmem:$0xBC00] =	vst v63  }
0x37: {  	_ =	swait.ge [sflag:s15], $0x4000  }
0x38: {  	[sflag:s15] =	ssyncset.done $0x0  }
0x39: {  	[sflag:s15] =	ssyncadd.s32 $0xFFFFC000  }
0x3a: {  	_ =	swait.ge [sflag:s22], $0x4000  }
0x3b: {  	[sflag:s22] =	ssyncset.done $0x0  }
0x3c: {  	s26 =	sadd.s32 $0x0, s13;
	[sflag:s22] =	ssyncadd.s32 $0xFFFFC000  }
0x3d: {  	[hbm4b:s26+s2] =	stream.linear.scatter [tilespmem:s20], [sflag:$0x3], $0x4000, $0x38;
	[tilespmem:$0xBC00] =	vst v63  }
0x3e: {  	_ =	swait.ge [sflag:s15], $0x4000  }
0x3f: {  	[sflag:s15] =	ssyncset.done $0x0  }
0x40: {  	s28 =	simm.s32 $0x2800;
	[sflag:s15] =	ssyncadd.s32 $0xFFFFC000  }
0x41: {  	[tilespmem:s19], [sflag:$0x1] =	stream.indirect.gather [hbm4b:s5+s18], $0x80, s28, s18, $0xb8;
	[tilespmem:$0xBC00] =	vst v63  }
0x42: {  	s29 =	simm.s32 $0x2880  }
0x43: {  	[tilespmem:s20], [sflag:$0x2] =	stream.indirect.gather [hbm4b:s5+s18], $0x80, s29, s18, $0xb8;
	[tilespmem:$0xBC00] =	vst v63  }
0x44: {  	_ =	swait.ge [sflag:s21], $0x4000  }
0x45: {  	[sflag:s21] =	ssyncset.done $0x0  }
0x46: {  	s30 =	sadd.s32 $0x0, s9;
	[sflag:s21] =	ssyncadd.s32 $0xFFFFC000  }
0x47: {  	[hbm4b:s30+s2] =	stream.linear.scatter [tilespmem:s19], [sflag:$0x3], $0x4000, $0x38;
	[tilespmem:$0xBC00] =	vst v63  }
0x48: {  	_ =	swait.ge [sflag:s15], $0x4000  }
0x49: {  	[sflag:s15] =	ssyncset.done $0x0  }
0x4a: {  	[sflag:s15] =	ssyncadd.s32 $0xFFFFC000  }
0x4b: {  	_ =	swait.ge [sflag:s22], $0x4000  }
0x4c: {  	[sflag:s22] =	ssyncset.done $0x0  }
0x4d: {  	s31 =	sadd.s32 $0x0, s14;
	[sflag:s22] =	ssyncadd.s32 $0xFFFFC000  }
0x4e: {  	[hbm4b:s31+s2] =	stream.linear.scatter [tilespmem:s20], [sflag:$0x3], $0x4000, $0x38;
	[tilespmem:$0xBC00] =	vst v63  }
0x4f: {  	s24 =	simm.s32 $0x1000;
	_ =	swait.ge [sflag:s15], $0x4000  }
0x50: {  	s25 =	simm.s32 $0x2980;
	s26 =	simm.s32 $0x2000;
	[sflag:s15] =	ssyncset.done $0x0  }
.LBB2_2:
0x51: {  	p0 =	sne.s32 s26, $0x13000;
	s28 =	sadd.s32 $0xFFFFD780, s25;
	[sflag:s15] =	ssyncadd.s32 $0xFFFFC000  }
0x52: {  	[tilespmem:s19], [sflag:$0x1] =	stream.indirect.gather [hbm4b:s3+s18], $0x80, s28, s18, $0xb8;
	[tilespmem:$0xBC00] =	vst v63  }
0x53: {  	s29 =	sadd.s32 $0xFFFFD800, s25;
	s28 =	smov.u32 s26;
	s26 =	sadd.s32 $0x1000, s26  }
0x54: {  	[tilespmem:s20], [sflag:$0x2] =	stream.indirect.gather [hbm4b:s3+s18], $0x80, s29, s18, $0xb8;
	[tilespmem:$0xBC00] =	vst v63  }
0x55: {  	_ =	swait.ge [sflag:s21], $0x4000  }
0x56: {  	[sflag:s21] =	ssyncset.done $0x0  }
0x57: {  	s29 =	sadd.s32 s24, s11;
	[sflag:s21] =	ssyncadd.s32 $0xFFFFC000  }
0x58: {  	[hbm4b:s29+s2] =	stream.linear.scatter [tilespmem:s19], [sflag:$0x3], $0x4000, $0x38;
	[tilespmem:$0xBC00] =	vst v63  }
0x59: {  	_ =	swait.ge [sflag:s15], $0x4000  }
0x5a: {  	[sflag:s15] =	ssyncset.done $0x0  }
0x5b: {  	[sflag:s15] =	ssyncadd.s32 $0xFFFFC000  }
0x5c: {  	_ =	swait.ge [sflag:s22], $0x4000  }
0x5d: {  	[sflag:s22] =	ssyncset.done $0x0  }
0x5e: {  	s29 =	sadd.s32 s24, s12;
	[sflag:s22] =	ssyncadd.s32 $0xFFFFC000  }
0x5f: {  	[hbm4b:s29+s2] =	stream.linear.scatter [tilespmem:s20], [sflag:$0x3], $0x4000, $0x38;
	[tilespmem:$0xBC00] =	vst v63  }
0x60: {  	_ =	swait.ge [sflag:s15], $0x4000  }
0x61: {  	[sflag:s15] =	ssyncset.done $0x0  }
0x62: {  	s29 =	sadd.s32 $0xFFFFEB80, s25;
	[sflag:s15] =	ssyncadd.s32 $0xFFFFC000  }
0x63: {  	[tilespmem:s19], [sflag:$0x1] =	stream.indirect.gather [hbm4b:s4+s18], $0x80, s29, s18, $0xb8;
	[tilespmem:$0xBC00] =	vst v63  }
0x64: {  	s29 =	sadd.s32 $0xFFFFEC00, s25  }
0x65: {  	[tilespmem:s20], [sflag:$0x2] =	stream.indirect.gather [hbm4b:s4+s18], $0x80, s29, s18, $0xb8;
	[tilespmem:$0xBC00] =	vst v63  }
0x66: {  	_ =	swait.ge [sflag:s21], $0x4000  }
0x67: {  	[sflag:s21] =	ssyncset.done $0x0  }
0x68: {  	s29 =	sadd.s32 s24, s10;
	[sflag:s21] =	ssyncadd.s32 $0xFFFFC000  }
0x69: {  	[hbm4b:s29+s2] =	stream.linear.scatter [tilespmem:s19], [sflag:$0x3], $0x4000, $0x38;
	[tilespmem:$0xBC00] =	vst v63  }
0x6a: {  	_ =	swait.ge [sflag:s15], $0x4000  }
0x6b: {  	[sflag:s15] =	ssyncset.done $0x0  }
0x6c: {  	[sflag:s15] =	ssyncadd.s32 $0xFFFFC000  }
0x6d: {  	_ =	swait.ge [sflag:s22], $0x4000  }
0x6e: {  	[sflag:s22] =	ssyncset.done $0x0  }
0x6f: {  	s29 =	sadd.s32 s24, s13;
	[sflag:s22] =	ssyncadd.s32 $0xFFFFC000  }
0x70: {  	[hbm4b:s29+s2] =	stream.linear.scatter [tilespmem:s20], [sflag:$0x3], $0x4000, $0x38;
	[tilespmem:$0xBC00] =	vst v63  }
0x71: {  	_ =	swait.ge [sflag:s15], $0x4000  }
0x72: {  	[sflag:s15] =	ssyncset.done $0x0  }
0x73: {  	s29 =	sadd.s32 $0xFFFFFF80, s25;
	[sflag:s15] =	ssyncadd.s32 $0xFFFFC000  }
0x74: {  	[tilespmem:s19], [sflag:$0x1] =	stream.indirect.gather [hbm4b:s5+s18], $0x80, s29, s18, $0xb8;
	[tilespmem:$0xBC00] =	vst v63  }
0x75: {  	_ = 	snop  }
0x76: {  	[tilespmem:s20], [sflag:$0x2] =	stream.indirect.gather [hbm4b:s5+s18], $0x80, s25, s18, $0xb8;
	[tilespmem:$0xBC00] =	vst v63  }
0x77: {  	_ =	swait.ge [sflag:s21], $0x4000  }
0x78: {  	[sflag:s21] =	ssyncset.done $0x0  }
0x79: {  	s29 =	sadd.s32 s24, s9;
	[sflag:s21] =	ssyncadd.s32 $0xFFFFC000  }
0x7a: {  	[hbm4b:s29+s2] =	stream.linear.scatter [tilespmem:s19], [sflag:$0x3], $0x4000, $0x38;
	[tilespmem:$0xBC00] =	vst v63  }
0x7b: {  	_ =	swait.ge [sflag:s15], $0x4000  }
0x7c: {  	[sflag:s15] =	ssyncset.done $0x0  }
0x7d: {  	[sflag:s15] =	ssyncadd.s32 $0xFFFFC000  }
0x7e: {  	_ =	swait.ge [sflag:s22], $0x4000  }
.Ltmp0:
0x7f: {  	[sflag:s22] =	ssyncset.done $0x0;
	(pc) =	sbr.rel @p0 .LBB2_2-.Ltmp0, $4  }
0x80: {  	s29 =	sadd.s32 s24, s14;
	s24 =	smov.u32 s28;
	[sflag:s22] =	ssyncadd.s32 $0xFFFFC000  }
0x81: {  	[hbm4b:s29+s2] =	stream.linear.scatter [tilespmem:s20], [sflag:$0x3], $0x4000, $0x38;
	[tilespmem:$0xBC00] =	vst v63  }
0x82: {  	_ =	swait.ge [sflag:s15], $0x4000  }
0x83: {  	s25 =	sadd.s32 $0x100, s25;
	[sflag:s15] =	ssyncset.done $0x0  }
0x84: {  	s26 =	sadd.s32 $0xFFFFD780, s25;
	[sflag:s15] =	ssyncadd.s32 $0xFFFFC000  }
0x85: {  	[tilespmem:s19], [sflag:$0x1] =	stream.indirect.gather [hbm4b:s3+s18], $0x80, s26, s18, $0xb8;
	[tilespmem:$0xBC00] =	vst v63  }
0x86: {  	s30 =	sadd.s32 $0xFFFFD800, s25  }
0x87: {  	[tilespmem:s20], [sflag:$0x2] =	stream.indirect.gather [hbm4b:s3+s18], $0x80, s30, s18, $0xb8;
	[tilespmem:$0xBC00] =	vst v63  }
0x88: {  	_ =	swait.ge [sflag:s21], $0x4000  }
0x89: {  	[sflag:s21] =	ssyncset.done $0x0  }
0x8a: {  	s31 =	sadd.s32 s24, s11;
	[sflag:s21] =	ssyncadd.s32 $0xFFFFC000  }
0x8b: {  	[hbm4b:s31+s2] =	stream.linear.scatter [tilespmem:s19], [sflag:$0x3], $0x4000, $0x38;
	[tilespmem:$0xBC00] =	vst v63  }
0x8c: {  	_ =	swait.ge [sflag:s15], $0x4000  }
0x8d: {  	[sflag:s15] =	ssyncset.done $0x0  }
0x8e: {  	[sflag:s15] =	ssyncadd.s32 $0xFFFFC000  }
0x8f: {  	_ =	swait.ge [sflag:s22], $0x4000  }
0x90: {  	[sflag:s22] =	ssyncset.done $0x0  }
0x91: {  	s28 =	sadd.s32 s24, s12;
	[sflag:s22] =	ssyncadd.s32 $0xFFFFC000  }
0x92: {  	[hbm4b:s28+s2] =	stream.linear.scatter [tilespmem:s20], [sflag:$0x3], $0x4000, $0x38;
	[tilespmem:$0xBC00] =	vst v63  }
0x93: {  	_ =	swait.ge [sflag:s15], $0x4000  }
0x94: {  	[sflag:s15] =	ssyncset.done $0x0  }
0x95: {  	s29 =	sadd.s32 $0xFFFFEB80, s25;
	[sflag:s15] =	ssyncadd.s32 $0xFFFFC000  }
0x96: {  	[tilespmem:s19], [sflag:$0x1] =	stream.indirect.gather [hbm4b:s4+s18], $0x80, s29, s18, $0xb8;
	[tilespmem:$0xBC00] =	vst v63  }
0x97: {  	s30 =	sadd.s32 $0xFFFFEC00, s25  }
0x98: {  	[tilespmem:s20], [sflag:$0x2] =	stream.indirect.gather [hbm4b:s4+s18], $0x80, s30, s18, $0xb8;
	[tilespmem:$0xBC00] =	vst v63  }
0x99: {  	_ =	swait.ge [sflag:s21], $0x4000  }
0x9a: {  	[sflag:s21] =	ssyncset.done $0x0  }
0x9b: {  	s31 =	sadd.s32 s24, s10;
	[sflag:s21] =	ssyncadd.s32 $0xFFFFC000  }
0x9c: {  	[hbm4b:s31+s2] =	stream.linear.scatter [tilespmem:s19], [sflag:$0x3], $0x4000, $0x38;
	[tilespmem:$0xBC00] =	vst v63  }
0x9d: {  	_ =	swait.ge [sflag:s15], $0x4000  }
0x9e: {  	[sflag:s15] =	ssyncset.done $0x0  }
0x9f: {  	[sflag:s15] =	ssyncadd.s32 $0xFFFFC000  }
0xa0: {  	_ =	swait.ge [sflag:s22], $0x4000  }
0xa1: {  	[sflag:s22] =	ssyncset.done $0x0  }
0xa2: {  	s28 =	sadd.s32 s24, s13;
	[sflag:s22] =	ssyncadd.s32 $0xFFFFC000  }
0xa3: {  	[hbm4b:s28+s2] =	stream.linear.scatter [tilespmem:s20], [sflag:$0x3], $0x4000, $0x38;
	[tilespmem:$0xBC00] =	vst v63  }
0xa4: {  	_ =	swait.ge [sflag:s15], $0x4000  }
0xa5: {  	[sflag:s15] =	ssyncset.done $0x0  }
0xa6: {  	s29 =	sadd.s32 $0xFFFFFF80, s25;
	[sflag:s15] =	ssyncadd.s32 $0xFFFFC000  }
0xa7: {  	[tilespmem:s19], [sflag:$0x1] =	stream.indirect.gather [hbm4b:s5+s18], $0x80, s29, s18, $0xb8;
	[tilespmem:$0xBC00] =	vst v63  }
0xa8: {  	_ = 	snop  }
0xa9: {  	[tilespmem:s20], [sflag:$0x2] =	stream.indirect.gather [hbm4b:s5+s18], $0x80, s25, s18, $0xb8;
	[tilespmem:$0xBC00] =	vst v63  }
0xaa: {  	_ =	swait.ge [sflag:s21], $0x4000  }
0xab: {  	[sflag:s21] =	ssyncset.done $0x0  }
0xac: {  	s30 =	sadd.s32 s24, s9;
	[sflag:s21] =	ssyncadd.s32 $0xFFFFC000  }
0xad: {  	[hbm4b:s30+s2] =	stream.linear.scatter [tilespmem:s19], [sflag:$0x3], $0x4000, $0x38;
	[tilespmem:$0xBC00] =	vst v63  }
0xae: {  	_ =	swait.ge [sflag:s15], $0x4000  }
0xaf: {  	[sflag:s15] =	ssyncset.done $0x0  }
0xb0: {  	[sflag:s15] =	ssyncadd.s32 $0xFFFFC000  }
0xb1: {  	s23 =	sadd.s32 $0x1, s23;
	_ =	swait.ge [sflag:s22], $0x4000  }
0xb2: {  	p0 =	sne.s32 s23, s8;
	[sflag:s22] =	ssyncset.done $0x0  }
.Ltmp1:
0xb3: {  	s31 =	sadd.s32 s24, s14;
	[sflag:s22] =	ssyncadd.s32 $0xFFFFC000;
	(pc) =	sbr.rel @p0 .LBB2_1-.Ltmp1, $4  }
0xb4: {  	[hbm4b:s31+s2] =	stream.linear.scatter [tilespmem:s20], [sflag:$0x3], $0x4000, $0x38;
	[tilespmem:$0xBC00] =	vst v63  }
0xb5: {  	_ =	swait.ge [sflag:s15], $0x4000  }
0xb6: {  	[sflag:s15] =	ssyncset.done $0x0  }
0xb7: {  	[sflag:s15] =	ssyncadd.s32 $0xFFFFC000  }
0xb8: {  	_ =	sfence.sel $0x180000  }
0xb9: {  	[bflag:$0x0] =	sbarrier.arrive $0xFFFF  }
0xba: {  	p0 =	sne.s32 s1, $0x0;
	_ =	strace $0x90000050  }
0xbb: {  	s0 =	sadd.s32 @!p0 $0x100000, s0;
	[bflag:$0x2] =	sbarrier.arrive $0xFFFF  }
0xbc: {  	[sflag:s0] =	ssyncadd.tile.s32 @!p0 $0x1;
	_ =	shalt  }
.Lfunc_end2:
_tile_overlayer_lowered:
.L_overlay_start_2:
0xbd: {  	(tag) =	ssettag $0x2  }
0xbe: {  	s0 =	rddreg [dreg:$0x0];
	s2 =	stileid.u32  }
0xbf: {  	s1 =	rddreg [dreg:$0x1];
	p0 =	sne.s32 s2, $0x0  }
0xc0: {  	s3 =	rddreg [dreg:$0x2];
	[bflag:$0x3] =	sbarrier.arrive $0xFFFF;
	s2 =	simm.s32 @!p0 $0x1C03  }
0xc1: {  	[timem:s3], [sflag:s2] =	dma.local @!p0 [hbm:s0], s1  }
0xc2: {  	s0 =	simm.s32 @!p0 $0x3  }
0xc3: {  	_ =	swait.ge @!p0 [sflag:s0], s1  }
0xc4: {  	s1 =	ssub.s32 @!p0 $0x0, s1;
	[sflag:s0] =	ssyncset.done @!p0 $0x0  }
0xc5: {  	[sflag:s0] =	ssyncadd.s32 @!p0 s1  }
0xc6: {  	[bflag:$0x3] =	sbarrier.arrive $0xFFFF  }
0xc7: {  	_ =	shalt  }

// kernel: kernel.34.cloned.1.call-start
scs
__scs_entry_jumppad:
0x0: {  	(pc) =	sbr.rel $0x88, $3  }
0x1: {  	(tag) =	ssettag $0x0;
	lr =	simm.s32 $0x1  }
0x2: {  	[smem:$0x3F76] =	sst lr;
	_ =	strace $0xD0000000  }
0x3: {  	_ = 	snop  }
0x4: {  	_ = 	snop  }
0x5: {  	_ = 	snop  }
0x6: {  	_ = 	snop  }
0x7: {  	_ = 	snop  }
__scs_overlays_trampoline_lowered:
0x8: {  	[smem:$0x3F85] =	sst s0  }
0x9: {  	[smem:$0x3F86] =	sst s1  }
0xa: {  	[smem:$0x3F87] =	sst s2  }
0xb: {  	[smem:$0x3F88] =	sst s3  }
0xc: {  	[smem:$0x3F89] =	sst s4  }
0xd: {  	[smem:$0x3F8A] =	sst s5  }
0xe: {  	[smem:$0x3F8B] =	sst s6  }
0xf: {  	[smem:$0x3F8C] =	sst s7  }
0x10: {  	[smem:$0x3F8D] =	sst s8  }
0x11: {  	[smem:$0x3F8E] =	sst s9;
	s0 =	simm.s32 @!p0 $0x0  }
0x12: {  	s1 =	sld [smem:$0x3F74];
	s0 =	simm.s32 @p0 $0x1  }
0x13: {  	[smem:$0x3F8F] =	sst s0;
	s0 =	simm.s32 @!p1 $0x0  }
0x14: {  	s2 =	sld [smem:$0x3F73];
	s0 =	simm.s32 @p1 $0x1  }
0x15: {  	[smem:$0x3F90] =	sst s0;
	s0 =	simm.s32 @!p2 $0x0  }
0x16: {  	s3 =	sld [smem:$0x3FDB];
	s0 =	simm.s32 @p2 $0x1  }
0x17: {  	s4 =	simm.s32 $0x1BF5;
	[smem:$0x3F92] =	sst s0  }
0x18: {  	s0 =	sld [smem:$0x3F75];
	_ =	swait.ge [sflag:s4], $0x0  }
0x19: {  	s7 =	sld [smem:$0x3F76]  }
0x1a: {  	s8 =	sadd.s32 $0xFFFFE003, lr  }
0x1b: {  	s9 =	sadd.s32 $0xFFFFFEF7, lr;
	s5 =	simm.s32 $0xFFFFFFFF;
	p2 =	slt.u32 s8, $0xFFFFF086  }
0x1c: {  	p1 =	slt.u32 s9, $0xF7A;
	s5 =	simm.s32 @!p2 $0x0  }
0x1d: {  	s5 =	simm.s32 @p1 $0x1;
	p0 =	seq.s32 s7, s2  }
0x1e: {  	s7 =	smul.u32 @!p0 $0xF7A, s2;
	p2 =	seq.s32 @!p0 s5, $0x0  }
0x1f: {  	s9 =	smul.u32 $0xF7A, s1;
	s8 =	simm.s32 @!p0 $0x1BF5;
	p2 =	por !p2, p0  }
0x20: {  	[sflag:s8] =	ssyncset.s32 @!p0 $0xFFFFF086;
	s6 =	sadd.s32 @!p0 s3, s7;
	s7 =	simm.s32 @!p0 $0x108  }
0x21: {  	s3 =	sadd.s32 s3, s9;
	s6 =	sadd.s32 @!p0 $0x88, s6;
	s7 =	simm.s32 @p2 $0x1082  }
0x22: {  	[simem:s7], [sflag:s8] =	dma.local @!p0 [hbm:s6], $0xF7A  }
0x23: {  	s9 =	sor.u32 $0xD0000000, s2;
	s6 =	simm.s32 $0x108;
	_ =	swait.ge @!p0 [sflag:s8], $0x0  }
0x24: {  	s3 =	sadd.s32 $0x88, s3;
	s6 =	simm.s32 @!p1 $0x1082;
	[sflag:s4] =	ssyncset.s32 $0xFFFFF086  }
0x25: {  	[simem:s6], [sflag:s4] =	dma.local [hbm:s3], $0xF7A  }
0x26: {  	[smem:$0x3F76] =	sst s1;
	(tag) =	ssettag s2;
	_ =	strace s9  }
0x27: {  	s1 =	sld [smem:$0x3F86]  }
0x28: {  	s2 =	sld [smem:$0x3F87]  }
0x29: {  	s4 =	sld [smem:$0x3F89]  }
0x2a: {  	p0 =	seq.s32 s5, $0x0;
	s5 =	sld [smem:$0x3F8A]  }
0x2b: {  	s6 =	sld [smem:$0x3F8B]  }
0x2c: {  	s7 =	sld [smem:$0x3F8C]  }
0x2d: {  	s3 =	simm.s32 $0x108;
	s8 =	sld [smem:$0x3F8D]  }
0x2e: {  	s3 =	simm.s32 @!p0 $0x1082;
	s9 =	sld [smem:$0x3F8E]  }
0x2f: {  	lr =	sadd.s32 s0, s3;
	s0 =	sld [smem:$0x3F85]  }
0x30: {  	s3 =	sld [smem:$0x3F88]  }
0x31: {  	[smem:$0x3F91] =	sst s10  }
0x32: {  	s10 =	sld [smem:$0x3F8F];
	_ =	sdelay $0x3  }
0x33: {  	p0 =	seq.s32 s10, $0x1;
	s10 =	sld [smem:$0x3F91];
	_ =	sdelay $0x3  }
0x34: {  	[smem:$0x3F91] =	sst s10  }
0x35: {  	s10 =	sld [smem:$0x3F90];
	_ =	sdelay $0x3  }
0x36: {  	p1 =	seq.s32 s10, $0x1;
	s10 =	sld [smem:$0x3F91];
	_ =	sdelay $0x3  }
0x37: {  	[smem:$0x3F91] =	sst s10  }
0x38: {  	s10 =	sld [smem:$0x3F92]  }
0x39: {  	_ = 	snop;
	(pc) =	sbr.ind lr, $3  }
0x3a: {  	_ = 	snop  }
0x3b: {  	_ = 	snop  }
0x3c: {  	p2 =	seq.s32 s10, $0x1;
	s10 =	sld [smem:$0x3F91]  }
0x3d: {  	_ =	shalt  }
0x3e: {  	_ =	shalt  }
0x3f: {  	_ =	shalt  }
0x40: {  	_ =	shalt  }
0x41: {  	_ =	shalt  }
0x42: {  	_ =	shalt  }
0x43: {  	_ =	shalt  }
0x44: {  	_ =	shalt  }
0x45: {  	_ =	shalt  }
0x46: {  	_ =	shalt  }
0x47: {  	_ =	shalt  }
0x48: {  	_ =	shalt  }
0x49: {  	_ =	shalt  }
0x4a: {  	_ =	shalt  }
0x4b: {  	_ =	shalt  }
0x4c: {  	_ =	shalt  }
0x4d: {  	_ =	shalt  }
0x4e: {  	_ =	shalt  }
0x4f: {  	_ =	shalt  }
0x50: {  	_ =	shalt  }
0x51: {  	_ =	shalt  }
0x52: {  	_ =	shalt  }
0x53: {  	_ =	shalt  }
0x54: {  	_ =	shalt  }
0x55: {  	_ =	shalt  }
0x56: {  	_ =	shalt  }
0x57: {  	_ =	shalt  }
0x58: {  	_ =	shalt  }
0x59: {  	_ =	shalt  }
0x5a: {  	_ =	shalt  }
0x5b: {  	_ =	shalt  }
0x5c: {  	_ =	shalt  }
0x5d: {  	_ =	shalt  }
0x5e: {  	_ =	shalt  }
0x5f: {  	_ =	shalt  }
0x60: {  	_ =	shalt  }
0x61: {  	_ =	shalt  }
0x62: {  	_ =	shalt  }
0x63: {  	_ =	shalt  }
0x64: {  	_ =	shalt  }
0x65: {  	_ =	shalt  }
0x66: {  	_ =	shalt  }
0x67: {  	_ =	shalt  }
0x68: {  	_ =	shalt  }
0x69: {  	_ =	shalt  }
0x6a: {  	_ =	shalt  }
0x6b: {  	_ =	shalt  }
0x6c: {  	_ =	shalt  }
0x6d: {  	_ =	shalt  }
0x6e: {  	_ =	shalt  }
0x6f: {  	_ =	shalt  }
0x70: {  	_ =	shalt  }
0x71: {  	_ =	shalt  }
0x72: {  	_ =	shalt  }
0x73: {  	_ =	shalt  }
0x74: {  	_ =	shalt  }
0x75: {  	_ =	shalt  }
0x76: {  	_ =	shalt  }
0x77: {  	_ =	shalt  }
0x78: {  	_ =	shalt  }
0x79: {  	_ =	shalt  }
0x7a: {  	_ =	shalt  }
0x7b: {  	_ =	shalt  }
0x7c: {  	_ =	shalt  }
0x7d: {  	_ =	shalt  }
0x7e: {  	_ =	shalt  }
0x7f: {  	_ =	shalt  }
0x80: {  	_ =	shalt  }
0x81: {  	_ =	shalt  }
0x82: {  	_ =	shalt  }
0x83: {  	_ =	shalt  }
0x84: {  	_ =	shalt  }
0x85: {  	_ =	shalt  }
0x86: {  	_ =	shalt  }
0x87: {  	_ =	shalt  }
.Lfunc_end0:
.L_simem_size_0:
called_computation.4_lowered:
.L_overlay_start_0:
0x88: {  	s2 =	sld [smem:$0x3FD9]  }
0x89: {  	s3 =	sld [smem:$0x3FFE];
	_ =	sdelay $0x1  }
0x8a: {  	s1 =	srdreg.scid  }
0x8b: {  	s0 =	sand.u32 $0x1, s1  }
0x8c: {  	s16 =	sshll.u32 s0, $0xA;
	s2 =	sadd.s32 s3, s2  }
0x8d: {  	s2 =	sadd.s32 s2, s16  }
0x8e: {  	[smem:$0x3F9D] =	sst s2  }
0x8f: {  	_ = 	snop  }
0x90: {  	(tm) =	ssettm $0x1  }
0x91: {  	s17 =	sld [smem:$0x3FFB];
	_ =	sdelay $0x3  }
0x92: {  	_ =	strace s17  }
0x93: {  	s2 =	sld [smem:$0x3FFC];
	_ =	sdelay $0x3  }
0x94: {  	_ =	strace s2  }
0x95: {  	s2 =	sld [smem:$0x3FFD];
	_ =	sdelay $0x3  }
0x96: {  	_ =	strace s2  }
0x97: {  	_ =	strace $0x8FFFFFFF  }
0x98: {  	s18 =	sld [smem:$0x3FDB];
	_ =	sdelay $0x1  }
0x99: {  	s19 =	simm.s32 $_scs_section_size  }
0x9a: {  	s4 =	simm.s32 $_size__tile_overlayer_lowered;
	s5 =	simm.s32 $_tile_overlayer_lowered  }
0x9b: {  	s22 =	simm.s32 $0x1BFF;
	s21 =	sshll.u32 s5, $0x1;
	s2 =	sadd.s32 s19, s18  }
0x9c: {  	s6 =	simm.s32 $0x0;
	s20 =	sshll.u32 s4, $0x1;
	s4 =	sadd.s32 s21, s2  }
0x9d: {  	[timem:s6], [sflag:s22] =	dma.local [hbm:s4], s20  }
0x9e: {  	_ =	swait.ge [sflag:s22], s20  }
0x9f: {  	s3 =	ssub.s32 $0x0, s20;
	[sflag:s22] =	ssyncset.done $0x0  }
0xa0: {  	[sflag:s22] =	ssyncadd.s32 s3;
	_ =	sdelay $0x1  }
0xa1: {  	s23 =	simm.s32 $0x1B8B  }
0xa2: {  	_ =	swait.ge [sflag:s23], $0x1  }
0xa3: {  	[sflag:s23] =	ssyncset.done $0x0  }
0xa4: {  	s25 =	simm.s32 $0x1B8E;
	s24 =	sld [smem:$0x3FFE];
	[sflag:s23] =	ssyncadd.s32 $0xFFFFFFFF  }
0xa5: {  	s26 =	simm.s32 $execute0_lowered;
	[smem:$0x3FD2] =	sst s25  }
0xa6: {  	s4 =	sshll.u32 s26, $0x1;
	_ =	strace $0x80000052;
	[dreg:$0x1] =	wrdreg $0xFFFFFFFF  }
0xa7: {  	s28 =	simm.s32 $_size_execute0_lowered;
	s2 =	sadd.s32 s2, s4;
	[dreg:$0x0] =	wrdreg $0x0  }
0xa8: {  	s4 =	sshll.u32 s28, $0x1;
	[dreg:$0x2] =	wrdreg s2  }
0xa9: {  	[dreg:$0x3] =	wrdreg s4  }
0xaa: {  	[dreg:$0x4] =	wrdreg $0xC0  }
0xab: {  	_ =	task [dreg:s6], $0x5FFFF  }
0xac: {  	[dreg:$0x1] =	wrdreg $0xFFFFFFFF  }
0xad: {  	[dreg:$0x0] =	wrdreg $0x60  }
0xae: {  	[dreg:$0x2] =	wrdreg s24  }
0xaf: {  	[dreg:$0x3] =	wrdreg $0x54000  }
0xb0: {  	[dreg:$0x4] =	wrdreg $0x9  }
0xb1: {  	_ =	task.clear_ibuf [dreg:s6], $0x5FFFF;
	_ =	strace $0x90000052  }
0xb2: {  	s29 =	simm.s32 $0x9;
	_ =	strace $0x80000054  }
0xb3: {  	_ =	swait.ge [sflag:s29], $0x1  }
0xb4: {  	[sflag:s29] =	ssyncadd.s32 $0xFFFFFFFF  }
0xb5: {  	_ =	strace $0x90000054  }
0xb6: {  	_ =	sfence  }
0xb7: {  	s30 =	sld [smem:$0x0];
	_ =	sdelay $0x2  }
0xb8: {  	s31 =	sshll.u32 s1, $0xD;
	s1 =	sshrl.u32 s1, $0x2  }
0xb9: {  	s3 =	sand.u32 $0x4000, s31;
	s1 =	sadd.s32 s1, s30  }
0xba: {  	s0 =	sor.u32 s3, s0;
	s1 =	sshll.u32 s1, $0x11  }
0xbb: {  	s0 =	sor.u32 s1, s0  }
0xbc: {  	s0 =	sadd.s32 $0x8F2B, s0  }
0xbd: {  	[sflag:s0] =	ssyncadd.remote.s32 $0x1  }
0xbe: {  	_ =	sfence.sel $0xFFFF  }
0xbf: {  	[dreg:$0x0] =	wrdreg $0xFFFFFFFF;
	(pc) =	sbr.abs _section_cstart, $3  }
0xc0: {  	[dreg:$0x1] =	wrdreg $0xFFFFFFFF  }
0xc1: {  	_ =	task.clear_ibuf [dreg:s6], $0x2FFFF;
	_ =	strace $0x9FFFFFFF  }
0xc2: {  	(tm) =	ssettm $0x7FFFFFFF  }
0xc3: {  	_ =	shalt  }
tec
execute0_lowered:
.L_overlay_start_1:
0x0: {  	(tag) =	ssettag $0x1  }
0x1: {  	s0 =	stileid.u32  }
0x2: {  	s1 =	srdreg.scid;
	s4 =	rddreg [dreg:$0x0]  }
0x3: {  	s2 =	rddreg [dreg:$0x1];
	s3 =	simm.s32 $0x0;
	s6 =	smul.u32 $0x28000, s0  }
0x4: {  	s14 =	simm.s32 $0x0;
	s5 =	sand.u32 $0x1, s1;
	s8 =	smul.u32 $0x14000, s0  }
0x5: {  	s24 =	sshll.u32 s0, $0x1;
	s1 =	rddreg [dreg:$0x2];
	s11 =	smul.u32 $0x50000, s0  }
0x6: {  	[smem:$0x7FF] =	sst s3;
	s30 =	sshll.u32 s0, $0x6;
	s9 =	smul.u32 $0x140000, s5  }
0x7: {  	s7 =	sor.u32 s5, s24;
	_ =	strace $0x80000053;
	s13 =	smul.u32 $0x14000, s5  }
0x8: {  	s28 =	ssub.s32 $0x2, s5;
	s5 =	sor.u32 $0x1C01, s30;
	s7 =	smul.u32 $0x280, s7  }
0x9: {  	s10 =	sadd.s32 s6, s4;
	s26 =	sshrl.u32 s8, $0x3;
	s12 =	sshrl.u32 s28, $0x1  }
0xa: {  	s29 =	sshrl.u32 s11, $0x2;
	s8 =	sadd.s32 s8, s9;
	s9 =	ssub.s32 s28, s12  }
0xb: {  	s11 =	sadd.s32 s29, s2;
	s31 =	sadd.s32 s13, s10;
	s12 =	simm.s32 $0x1400  }
0xc: {  	s13 =	simm.s32 $0x80;
	s25 =	sadd.s32 s7, s4;
	s7 =	sadd.s32 s26, s4  }
0xd: {  	s8 =	sshrl.u32 s8, $0x3;
	s10 =	sshrl.u32 s11, $0x3;
	s11 =	simm.s32 $0x1  }
0xe: {  	s8 =	sadd.s32 s8, s4;
	s4 =	sadd.s32 $0x8A400, s7;
	s6 =	sadd.s32 $0x37000, s25  }
0xf: {  	s7 =	sadd.s32 $0xD9600, s8;
	s8 =	smax.u32 s9, $0x1;
	s9 =	sadd.s32 $0xD4A600, s31  }
.LBB2_1:
0x10: {  	[spmem:s10], [sflag:s5] =	dma.local [hbm:s4], $0x2800  }
0x11: {  	_ =	swait.ge [sflag:s11], $0x2800  }
0x12: {  	[sflag:s11] =	ssyncset.done $0x0  }
0x13: {  	[sflag:s11] =	ssyncadd.s32 $0xFFFFD800  }
0x14: {  	[tilespmem:s3], [sflag:$0x1] =	stream.linear.gather [hbm4b:s6+s3], $0x1400, $0x38;
	[tilespmem:$0x19400] =	vst v63  }
0x15: {  	_ =	swait.ge [sflag:s11], $0x1400  }
0x16: {  	[sflag:s11] =	ssyncset.done $0x0  }
0x17: {  	[sflag:s11] =	ssyncadd.s32 $0xFFFFEC00  }
0x18: {  	[bflag:$0x0] =	sbarrier.arrive $0xFFFF  }
0x19: {  	[tilespmem:s12], [sflag:$0x1] =	stream.linear.gather [hbm4b:s9+s3], $0x4000, $0x38;
	[tilespmem:$0x19400] =	vst v63  }
0x1a: {  	_ =	swait.ge [sflag:s11], $0x4000  }
0x1b: {  	[sflag:s11] =	ssyncset.done $0x0  }
0x1c: {  	s15 =	simm.s32 $0x0;
	[sflag:s11] =	ssyncadd.s32 $0xFFFFC000  }
0x1d: {  	[spmem:s2] =	stream.indirect.scatter.add.f32 [tilespmem:s12], [sflag:$0x1], $0x80, s15, s13, $0xb8;
	[tilespmem:$0x19400] =	vst v63  }
0x1e: {  	_ =	swait.ge [sflag:s11], $0x4000  }
0x1f: {  	s16 =	smov.u32 s9;
	s15 =	simm.s32 $0x200;
	[sflag:s11] =	ssyncset.done $0x0  }
.LBB2_2:
0x20: {  	p0 =	sne.s32 s15, $0x4E00;
	[sflag:s11] =	ssyncadd.s32 $0xFFFFC000;
	s16 =	sadd.s32 $0x800, s16  }
0x21: {  	[tilespmem:s12], [sflag:$0x1] =	stream.linear.gather [hbm4b:s16+s3], $0x4000, $0x38;
	[tilespmem:$0x19400] =	vst v63  }
0x22: {  	s17 =	smov.u32 s15;
	s15 =	sadd.s32 $0x200, s15;
	_ =	swait.ge [sflag:s11], $0x4000  }
.Ltmp0:
0x23: {  	[sflag:s11] =	ssyncset.done $0x0;
	(pc) =	sbr.rel @p0 .LBB2_2-.Ltmp0, $4  }
0x24: {  	s17 =	sshra.s32 s17, $0x2;
	[sflag:s11] =	ssyncadd.s32 $0xFFFFC000  }
0x25: {  	[spmem:s2] =	stream.indirect.scatter.add.f32 [tilespmem:s12], [sflag:$0x1], $0x80, s17, s13, $0xb8;
	[tilespmem:$0x19400] =	vst v63  }
0x26: {  	_ =	swait.ge [sflag:s11], $0x4000  }
0x27: {  	[sflag:s11] =	ssyncset.done $0x0  }
0x28: {  	s14 =	sadd.s32 $0x1, s14  }
0x29: {  	[sflag:s11] =	ssyncadd.s32 $0xFFFFC000;
	p0 =	sne.s32 s14, s8  }
.Ltmp1:
0x2a: {  	[bflag:$0x0] =	sbarrier.arrive $0xFFFF;
	(pc) =	sbr.rel @p0 .LBB2_1-.Ltmp1, $4  }
0x2b: {  	[hbm:s7], [sflag:s5] =	dma.local [spmem:s10], $0x2800  }
0x2c: {  	_ =	swait.ge [sflag:s11], $0x2800  }
0x2d: {  	[sflag:s11] =	ssyncset.done $0x0  }
0x2e: {  	[sflag:s11] =	ssyncadd.s32 $0xFFFFD800  }
0x2f: {  	_ =	sfence.sel $0x180000  }
0x30: {  	[bflag:$0x0] =	sbarrier.arrive $0xFFFF  }
0x31: {  	p0 =	sne.s32 s0, $0x0;
	_ =	strace $0x90000053  }
0x32: {  	s0 =	sadd.s32 @!p0 $0x100000, s1;
	[bflag:$0x2] =	sbarrier.arrive $0xFFFF  }
0x33: {  	[sflag:s0] =	ssyncadd.tile.s32 @!p0 $0x1;
	_ =	shalt  }
.Lfunc_end2:
_tile_overlayer_lowered:
.L_overlay_start_2:
0x34: {  	(tag) =	ssettag $0x2  }
0x35: {  	s0 =	rddreg [dreg:$0x0];
	s2 =	stileid.u32  }
0x36: {  	s1 =	rddreg [dreg:$0x1];
	p0 =	sne.s32 s2, $0x0  }
0x37: {  	s3 =	rddreg [dreg:$0x2];
	[bflag:$0x3] =	sbarrier.arrive $0xFFFF;
	s2 =	simm.s32 @!p0 $0x1C01  }
0x38: {  	[timem:s3], [sflag:s2] =	dma.local @!p0 [hbm:s0], s1  }
0x39: {  	s0 =	simm.s32 @!p0 $0x1  }
0x3a: {  	_ =	swait.ge @!p0 [sflag:s0], s1  }
0x3b: {  	s1 =	ssub.s32 @!p0 $0x0, s1;
	[sflag:s0] =	ssyncset.done @!p0 $0x0  }
0x3c: {  	[sflag:s0] =	ssyncadd.s32 @!p0 s1  }
0x3d: {  	[bflag:$0x3] =	sbarrier.arrive $0xFFFF  }
0x3e: {  	_ =	shalt  }

// kernel: kernel.37.cloned.1.call-start
scs
__scs_entry_jumppad:
0x0: {  	(pc) =	sbr.rel $0x88, $3  }
0x1: {  	(tag) =	ssettag $0x0;
	lr =	simm.s32 $0x1  }
0x2: {  	[smem:$0x3F76] =	sst lr;
	_ =	strace $0xD0000000  }
0x3: {  	_ = 	snop  }
0x4: {  	_ = 	snop  }
0x5: {  	_ = 	snop  }
0x6: {  	_ = 	snop  }
0x7: {  	_ = 	snop  }
__scs_overlays_trampoline_lowered:
0x8: {  	[smem:$0x3F85] =	sst s0  }
0x9: {  	[smem:$0x3F86] =	sst s1  }
0xa: {  	[smem:$0x3F87] =	sst s2  }
0xb: {  	[smem:$0x3F88] =	sst s3  }
0xc: {  	[smem:$0x3F89] =	sst s4  }
0xd: {  	[smem:$0x3F8A] =	sst s5  }
0xe: {  	[smem:$0x3F8B] =	sst s6  }
0xf: {  	[smem:$0x3F8C] =	sst s7  }
0x10: {  	[smem:$0x3F8D] =	sst s8  }
0x11: {  	[smem:$0x3F8E] =	sst s9;
	s0 =	simm.s32 @!p0 $0x0  }
0x12: {  	s1 =	sld [smem:$0x3F74];
	s0 =	simm.s32 @p0 $0x1  }
0x13: {  	[smem:$0x3F8F] =	sst s0;
	s0 =	simm.s32 @!p1 $0x0  }
0x14: {  	s2 =	sld [smem:$0x3F73];
	s0 =	simm.s32 @p1 $0x1  }
0x15: {  	[smem:$0x3F90] =	sst s0;
	s0 =	simm.s32 @!p2 $0x0  }
0x16: {  	s3 =	sld [smem:$0x3FDB];
	s0 =	simm.s32 @p2 $0x1  }
0x17: {  	s4 =	simm.s32 $0x1BF5;
	[smem:$0x3F92] =	sst s0  }
0x18: {  	s0 =	sld [smem:$0x3F75];
	_ =	swait.ge [sflag:s4], $0x0  }
0x19: {  	s7 =	sld [smem:$0x3F76]  }
0x1a: {  	s8 =	sadd.s32 $0xFFFFE003, lr  }
0x1b: {  	s9 =	sadd.s32 $0xFFFFFEF7, lr;
	s5 =	simm.s32 $0xFFFFFFFF;
	p2 =	slt.u32 s8, $0xFFFFF086  }
0x1c: {  	p1 =	slt.u32 s9, $0xF7A;
	s5 =	simm.s32 @!p2 $0x0  }
0x1d: {  	s5 =	simm.s32 @p1 $0x1;
	p0 =	seq.s32 s7, s2  }
0x1e: {  	s7 =	smul.u32 @!p0 $0xF7A, s2;
	p2 =	seq.s32 @!p0 s5, $0x0  }
0x1f: {  	s9 =	smul.u32 $0xF7A, s1;
	s8 =	simm.s32 @!p0 $0x1BF5;
	p2 =	por !p2, p0  }
0x20: {  	[sflag:s8] =	ssyncset.s32 @!p0 $0xFFFFF086;
	s6 =	sadd.s32 @!p0 s3, s7;
	s7 =	simm.s32 @!p0 $0x108  }
0x21: {  	s3 =	sadd.s32 s3, s9;
	s6 =	sadd.s32 @!p0 $0x88, s6;
	s7 =	simm.s32 @p2 $0x1082  }
0x22: {  	[simem:s7], [sflag:s8] =	dma.local @!p0 [hbm:s6], $0xF7A  }
0x23: {  	s9 =	sor.u32 $0xD0000000, s2;
	s6 =	simm.s32 $0x108;
	_ =	swait.ge @!p0 [sflag:s8], $0x0  }
0x24: {  	s3 =	sadd.s32 $0x88, s3;
	s6 =	simm.s32 @!p1 $0x1082;
	[sflag:s4] =	ssyncset.s32 $0xFFFFF086  }
0x25: {  	[simem:s6], [sflag:s4] =	dma.local [hbm:s3], $0xF7A  }
0x26: {  	[smem:$0x3F76] =	sst s1;
	(tag) =	ssettag s2;
	_ =	strace s9  }
0x27: {  	s1 =	sld [smem:$0x3F86]  }
0x28: {  	s2 =	sld [smem:$0x3F87]  }
0x29: {  	s4 =	sld [smem:$0x3F89]  }
0x2a: {  	p0 =	seq.s32 s5, $0x0;
	s5 =	sld [smem:$0x3F8A]  }
0x2b: {  	s6 =	sld [smem:$0x3F8B]  }
0x2c: {  	s7 =	sld [smem:$0x3F8C]  }
0x2d: {  	s3 =	simm.s32 $0x108;
	s8 =	sld [smem:$0x3F8D]  }
0x2e: {  	s3 =	simm.s32 @!p0 $0x1082;
	s9 =	sld [smem:$0x3F8E]  }
0x2f: {  	lr =	sadd.s32 s0, s3;
	s0 =	sld [smem:$0x3F85]  }
0x30: {  	s3 =	sld [smem:$0x3F88]  }
0x31: {  	[smem:$0x3F91] =	sst s10  }
0x32: {  	s10 =	sld [smem:$0x3F8F];
	_ =	sdelay $0x3  }
0x33: {  	p0 =	seq.s32 s10, $0x1;
	s10 =	sld [smem:$0x3F91];
	_ =	sdelay $0x3  }
0x34: {  	[smem:$0x3F91] =	sst s10  }
0x35: {  	s10 =	sld [smem:$0x3F90];
	_ =	sdelay $0x3  }
0x36: {  	p1 =	seq.s32 s10, $0x1;
	s10 =	sld [smem:$0x3F91];
	_ =	sdelay $0x3  }
0x37: {  	[smem:$0x3F91] =	sst s10  }
0x38: {  	s10 =	sld [smem:$0x3F92]  }
0x39: {  	_ = 	snop;
	(pc) =	sbr.ind lr, $3  }
0x3a: {  	_ = 	snop  }
0x3b: {  	_ = 	snop  }
0x3c: {  	p2 =	seq.s32 s10, $0x1;
	s10 =	sld [smem:$0x3F91]  }
0x3d: {  	_ =	shalt  }
0x3e: {  	_ =	shalt  }
0x3f: {  	_ =	shalt  }
0x40: {  	_ =	shalt  }
0x41: {  	_ =	shalt  }
0x42: {  	_ =	shalt  }
0x43: {  	_ =	shalt  }
0x44: {  	_ =	shalt  }
0x45: {  	_ =	shalt  }
0x46: {  	_ =	shalt  }
0x47: {  	_ =	shalt  }
0x48: {  	_ =	shalt  }
0x49: {  	_ =	shalt  }
0x4a: {  	_ =	shalt  }
0x4b: {  	_ =	shalt  }
0x4c: {  	_ =	shalt  }
0x4d: {  	_ =	shalt  }
0x4e: {  	_ =	shalt  }
0x4f: {  	_ =	shalt  }
0x50: {  	_ =	shalt  }
0x51: {  	_ =	shalt  }
0x52: {  	_ =	shalt  }
0x53: {  	_ =	shalt  }
0x54: {  	_ =	shalt  }
0x55: {  	_ =	shalt  }
0x56: {  	_ =	shalt  }
0x57: {  	_ =	shalt  }
0x58: {  	_ =	shalt  }
0x59: {  	_ =	shalt  }
0x5a: {  	_ =	shalt  }
0x5b: {  	_ =	shalt  }
0x5c: {  	_ =	shalt  }
0x5d: {  	_ =	shalt  }
0x5e: {  	_ =	shalt  }
0x5f: {  	_ =	shalt  }
0x60: {  	_ =	shalt  }
0x61: {  	_ =	shalt  }
0x62: {  	_ =	shalt  }
0x63: {  	_ =	shalt  }
0x64: {  	_ =	shalt  }
0x65: {  	_ =	shalt  }
0x66: {  	_ =	shalt  }
0x67: {  	_ =	shalt  }
0x68: {  	_ =	shalt  }
0x69: {  	_ =	shalt  }
0x6a: {  	_ =	shalt  }
0x6b: {  	_ =	shalt  }
0x6c: {  	_ =	shalt  }
0x6d: {  	_ =	shalt  }
0x6e: {  	_ =	shalt  }
0x6f: {  	_ =	shalt  }
0x70: {  	_ =	shalt  }
0x71: {  	_ =	shalt  }
0x72: {  	_ =	shalt  }
0x73: {  	_ =	shalt  }
0x74: {  	_ =	shalt  }
0x75: {  	_ =	shalt  }
0x76: {  	_ =	shalt  }
0x77: {  	_ =	shalt  }
0x78: {  	_ =	shalt  }
0x79: {  	_ =	shalt  }
0x7a: {  	_ =	shalt  }
0x7b: {  	_ =	shalt  }
0x7c: {  	_ =	shalt  }
0x7d: {  	_ =	shalt  }
0x7e: {  	_ =	shalt  }
0x7f: {  	_ =	shalt  }
0x80: {  	_ =	shalt  }
0x81: {  	_ =	shalt  }
0x82: {  	_ =	shalt  }
0x83: {  	_ =	shalt  }
0x84: {  	_ =	shalt  }
0x85: {  	_ =	shalt  }
0x86: {  	_ =	shalt  }
0x87: {  	_ =	shalt  }
.Lfunc_end0:
.L_simem_size_0:
called_computation.5_lowered:
.L_overlay_start_0:
0x88: {  	s2 =	sld [smem:$0x3FD9]  }
0x89: {  	s3 =	sld [smem:$0x3FFE];
	_ =	sdelay $0x1  }
0x8a: {  	s1 =	srdreg.scid  }
0x8b: {  	s0 =	sand.u32 $0x1, s1  }
0x8c: {  	s16 =	sshll.u32 s0, $0xA;
	s2 =	sadd.s32 s3, s2  }
0x8d: {  	s2 =	sadd.s32 s2, s16  }
0x8e: {  	[smem:$0x3F9D] =	sst s2  }
0x8f: {  	_ = 	snop  }
0x90: {  	(tm) =	ssettm $0x1  }
0x91: {  	s17 =	sld [smem:$0x3FFB];
	_ =	sdelay $0x3  }
0x92: {  	_ =	strace s17  }
0x93: {  	s2 =	sld [smem:$0x3FFC];
	_ =	sdelay $0x3  }
0x94: {  	_ =	strace s2  }
0x95: {  	s2 =	sld [smem:$0x3FFD];
	_ =	sdelay $0x3  }
0x96: {  	_ =	strace s2  }
0x97: {  	_ =	strace $0x8FFFFFFF  }
0x98: {  	s18 =	sld [smem:$0x3FDB];
	_ =	sdelay $0x1  }
0x99: {  	s19 =	simm.s32 $_scs_section_size  }
0x9a: {  	s4 =	simm.s32 $_size__tile_overlayer_lowered;
	s5 =	simm.s32 $_tile_overlayer_lowered  }
0x9b: {  	s22 =	simm.s32 $0x1BFF;
	s21 =	sshll.u32 s5, $0x1;
	s2 =	sadd.s32 s19, s18  }
0x9c: {  	s6 =	simm.s32 $0x0;
	s20 =	sshll.u32 s4, $0x1;
	s4 =	sadd.s32 s21, s2  }
0x9d: {  	[timem:s6], [sflag:s22] =	dma.local [hbm:s4], s20  }
0x9e: {  	_ =	swait.ge [sflag:s22], s20  }
0x9f: {  	s3 =	ssub.s32 $0x0, s20;
	[sflag:s22] =	ssyncset.done $0x0  }
0xa0: {  	[sflag:s22] =	ssyncadd.s32 s3;
	_ =	sdelay $0x1  }
0xa1: {  	s23 =	simm.s32 $0x1B8B  }
0xa2: {  	_ =	swait.ge [sflag:s23], $0x1  }
0xa3: {  	[sflag:s23] =	ssyncset.done $0x0  }
0xa4: {  	s25 =	simm.s32 $0x1B8E;
	s24 =	sld [smem:$0x3FFE];
	[sflag:s23] =	ssyncadd.s32 $0xFFFFFFFF  }
0xa5: {  	s26 =	simm.s32 $execute0_lowered;
	[smem:$0x3FD2] =	sst s25  }
0xa6: {  	s4 =	sshll.u32 s26, $0x1;
	_ =	strace $0x80000055;
	[dreg:$0x1] =	wrdreg $0xFFFFFFFF  }
0xa7: {  	s28 =	simm.s32 $_size_execute0_lowered;
	s2 =	sadd.s32 s2, s4;
	[dreg:$0x0] =	wrdreg $0x0  }
0xa8: {  	s4 =	sshll.u32 s28, $0x1;
	[dreg:$0x2] =	wrdreg s2  }
0xa9: {  	[dreg:$0x3] =	wrdreg s4  }
0xaa: {  	[dreg:$0x4] =	wrdreg $0xC0  }
0xab: {  	_ =	task [dreg:s6], $0x5FFFF  }
0xac: {  	[dreg:$0x1] =	wrdreg $0xFFFFFFFF  }
0xad: {  	[dreg:$0x0] =	wrdreg $0x60  }
0xae: {  	[dreg:$0x2] =	wrdreg s24  }
0xaf: {  	[dreg:$0x3] =	wrdreg $0x9  }
0xb0: {  	_ =	task.clear_ibuf [dreg:s6], $0x4FFFF;
	_ =	strace $0x90000055  }
0xb1: {  	s29 =	simm.s32 $0x9;
	_ =	strace $0x80000057  }
0xb2: {  	_ =	swait.ge [sflag:s29], $0x1  }
0xb3: {  	[sflag:s29] =	ssyncadd.s32 $0xFFFFFFFF  }
0xb4: {  	_ =	strace $0x90000057  }
0xb5: {  	_ =	sfence  }
0xb6: {  	s30 =	sld [smem:$0x0];
	_ =	sdelay $0x2  }
0xb7: {  	s31 =	sshll.u32 s1, $0xD;
	s1 =	sshrl.u32 s1, $0x2  }
0xb8: {  	s3 =	sand.u32 $0x4000, s31;
	s1 =	sadd.s32 s1, s30  }
0xb9: {  	s0 =	sor.u32 s3, s0;
	s1 =	sshll.u32 s1, $0x11  }
0xba: {  	s0 =	sor.u32 s1, s0  }
0xbb: {  	s0 =	sadd.s32 $0x8F2B, s0  }
0xbc: {  	[sflag:s0] =	ssyncadd.remote.s32 $0x1  }
0xbd: {  	_ =	sfence.sel $0xFFFF  }
0xbe: {  	[dreg:$0x0] =	wrdreg $0xFFFFFFFF;
	(pc) =	sbr.abs _section_cstart, $3  }
0xbf: {  	[dreg:$0x1] =	wrdreg $0xFFFFFFFF  }
0xc0: {  	_ =	task.clear_ibuf [dreg:s6], $0x2FFFF;
	_ =	strace $0x9FFFFFFF  }
0xc1: {  	(tm) =	ssettm $0x7FFFFFFF  }
tec
execute0_lowered:
.L_overlay_start_1:
0x0: {  	(tag) =	ssettag $0x1  }
0x1: {  	s6 =	rddreg [dreg:$0x0]  }
0x2: {  	s0 =	rddreg [dreg:$0x1];
	s3 =	srdreg.scid  }
0x3: {  	s1 =	stileid.u32;
	s2 =	simm.s32 $0x0;
	s17 =	simm.s32 $0x2800  }
0x4: {  	s18 =	simm.s32 $0x80;
	s19 =	simm.s32 $0x3C00;
	s20 =	simm.s32 $0x7C00  }
0x5: {  	s21 =	simm.s32 $0x1;
	s22 =	simm.s32 $0x2;
	s23 =	simm.s32 $0x0  }
0x6: {  	s12 =	sand.u32 $0x1, s3;
	s30 =	sshll.u32 s1, $0x1;
	[smem:$0x7FF] =	sst s2  }
0x7: {  	s3 =	sadd.s32 $0xAE00, s6;
	s5 =	sadd.s32 $0x3C000, s6;
	s8 =	smul.u32 $0x140000, s1  }
0x8: {  	s13 =	sadd.s32 $0xD9600, s6;
	s14 =	sadd.s32 $0x359600, s6;
	s16 =	smul.u32 $0x28000, s1  }
0x9: {  	s15 =	sadd.s32 $0x5D9600, s6;
	s4 =	sor.u32 s12, s30;
	s10 =	smul.u32 $0xA0000, s12  }
0xa: {  	_ =	strace $0x80000056;
	s9 =	ssub.s32 $0x2, s12;
	s7 =	smul.u32 $0x280, s4  }
0xb: {  	s12 =	smul.u32 $0x14000, s12;
	s4 =	sadd.s32 $0x63200, s6;
	s11 =	sshrl.u32 s9, $0x1  }
0xc: {  	s9 =	ssub.s32 s9, s11;
	s8 =	sadd.s32 s10, s8;
	s7 =	sadd.s32 s7, s6  }
0xd: {  	s31 =	sshrl.u32 s8, $0x3;
	s8 =	smax.u32 s9, $0x1;
	s6 =	sadd.s32 $0x32000, s7  }
0xe: {  	s7 =	sadd.s32 $0x37000, s7;
	s9 =	sadd.s32 s31, s15;
	s10 =	sadd.s32 s31, s14  }
0xf: {  	s11 =	sadd.s32 s31, s13;
	s13 =	sadd.s32 s16, s13;
	s14 =	sadd.s32 s16, s14  }
0x10: {  	s15 =	sadd.s32 s16, s15;
	s16 =	simm.s32 $0x1400;
	s13 =	sadd.s32 s12, s13  }
0x11: {  	s14 =	sadd.s32 s12, s14;
	s15 =	sadd.s32 s12, s15;
	s12 =	sadd.s32 $0x800, s13  }
0x12: {  	s13 =	sadd.s32 $0x800, s14;
	s14 =	sadd.s32 $0x800, s15;
	s15 =	simm.s32 $0x3  }
.LBB2_1:
0x13: {  	[tilespmem:s2], [sflag:$0x3] =	stream.linear.gather [hbm4b:s6+s2], $0x1400, $0x38;
	[tilespmem:$0xBC00] =	vst v63  }
0x14: {  	_ =	swait.ge [sflag:s15], $0x1400  }
0x15: {  	[sflag:s15] =	ssyncset.done $0x0  }
0x16: {  	[sflag:s15] =	ssyncadd.s32 $0xFFFFEC00  }
0x17: {  	[tilespmem:s16], [sflag:$0x3] =	stream.linear.gather [hbm4b:s7+s2], $0x1400, $0x38;
	[tilespmem:$0xBC00] =	vst v63  }
0x18: {  	_ =	swait.ge [sflag:s15], $0x1400  }
0x19: {  	[sflag:s15] =	ssyncset.done $0x0  }
0x1a: {  	[sflag:s15] =	ssyncadd.s32 $0xFFFFEC00  }
0x1b: {  	[tilespmem:s17], [sflag:$0x3] =	stream.linear.gather [hbm4b:s6+s2], $0x1400, $0x38;
	[tilespmem:$0xBC00] =	vst v63  }
0x1c: {  	_ =	swait.ge [sflag:s15], $0x1400  }
0x1d: {  	[sflag:s15] =	ssyncset.done $0x0  }
0x1e: {  	s24 =	simm.s32 $0x0;
	[sflag:s15] =	ssyncadd.s32 $0xFFFFEC00  }
0x1f: {  	[tilespmem:s19], [sflag:$0x1] =	stream.indirect.gather [hbm4b:s3+s18], $0x80, s24, s18, $0xb8;
	[tilespmem:$0xBC00] =	vst v63  }
0x20: {  	s26 =	simm.s32 $0x80  }
0x21: {  	[tilespmem:s20], [sflag:$0x2] =	stream.indirect.gather [hbm4b:s3+s18], $0x80, s26, s18, $0xb8;
	[tilespmem:$0xBC00] =	vst v63  }
0x22: {  	_ =	swait.ge [sflag:s21], $0x4000  }
0x23: {  	[sflag:s21] =	ssyncset.done $0x0  }
0x24: {  	s28 =	sadd.s32 $0x0, s11;
	[sflag:s21] =	ssyncadd.s32 $0xFFFFC000  }
0x25: {  	[hbm4b:s28+s2] =	stream.linear.scatter [tilespmem:s19], [sflag:$0x3], $0x4000, $0x38;
	[tilespmem:$0xBC00] =	vst v63  }
0x26: {  	_ =	swait.ge [sflag:s15], $0x4000  }
0x27: {  	[sflag:s15] =	ssyncset.done $0x0  }
0x28: {  	[sflag:s15] =	ssyncadd.s32 $0xFFFFC000  }
0x29: {  	_ =	swait.ge [sflag:s22], $0x4000  }
0x2a: {  	[sflag:s22] =	ssyncset.done $0x0  }
0x2b: {  	s29 =	sadd.s32 $0x0, s12;
	[sflag:s22] =	ssyncadd.s32 $0xFFFFC000  }
0x2c: {  	[hbm4b:s29+s2] =	stream.linear.scatter [tilespmem:s20], [sflag:$0x3], $0x4000, $0x38;
	[tilespmem:$0xBC00] =	vst v63  }
0x2d: {  	_ =	swait.ge [sflag:s15], $0x4000  }
0x2e: {  	[sflag:s15] =	ssyncset.done $0x0  }
0x2f: {  	s30 =	simm.s32 $0x1400;
	[sflag:s15] =	ssyncadd.s32 $0xFFFFC000  }
0x30: {  	[tilespmem:s19], [sflag:$0x1] =	stream.indirect.gather [hbm4b:s4+s18], $0x80, s30, s18, $0xb8;
	[tilespmem:$0xBC00] =	vst v63  }
0x31: {  	s31 =	simm.s32 $0x1480  }
0x32: {  	[tilespmem:s20], [sflag:$0x2] =	stream.indirect.gather [hbm4b:s4+s18], $0x80, s31, s18, $0xb8;
	[tilespmem:$0xBC00] =	vst v63  }
0x33: {  	_ =	swait.ge [sflag:s21], $0x4000  }
0x34: {  	[sflag:s21] =	ssyncset.done $0x0  }
0x35: {  	s25 =	sadd.s32 $0x0, s10;
	[sflag:s21] =	ssyncadd.s32 $0xFFFFC000  }
0x36: {  	[hbm4b:s25+s2] =	stream.linear.scatter [tilespmem:s19], [sflag:$0x3], $0x4000, $0x38;
	[tilespmem:$0xBC00] =	vst v63  }
0x37: {  	_ =	swait.ge [sflag:s15], $0x4000  }
0x38: {  	[sflag:s15] =	ssyncset.done $0x0  }
0x39: {  	[sflag:s15] =	ssyncadd.s32 $0xFFFFC000  }
0x3a: {  	_ =	swait.ge [sflag:s22], $0x4000  }
0x3b: {  	[sflag:s22] =	ssyncset.done $0x0  }
0x3c: {  	s26 =	sadd.s32 $0x0, s13;
	[sflag:s22] =	ssyncadd.s32 $0xFFFFC000  }
0x3d: {  	[hbm4b:s26+s2] =	stream.linear.scatter [tilespmem:s20], [sflag:$0x3], $0x4000, $0x38;
	[tilespmem:$0xBC00] =	vst v63  }
0x3e: {  	_ =	swait.ge [sflag:s15], $0x4000  }
0x3f: {  	[sflag:s15] =	ssyncset.done $0x0  }
0x40: {  	s28 =	simm.s32 $0x2800;
	[sflag:s15] =	ssyncadd.s32 $0xFFFFC000  }
0x41: {  	[tilespmem:s19], [sflag:$0x1] =	stream.indirect.gather [hbm4b:s5+s18], $0x80, s28, s18, $0xb8;
	[tilespmem:$0xBC00] =	vst v63  }
0x42: {  	s29 =	simm.s32 $0x2880  }
0x43: {  	[tilespmem:s20], [sflag:$0x2] =	stream.indirect.gather [hbm4b:s5+s18], $0x80, s29, s18, $0xb8;
	[tilespmem:$0xBC00] =	vst v63  }
0x44: {  	_ =	swait.ge [sflag:s21], $0x4000  }
0x45: {  	[sflag:s21] =	ssyncset.done $0x0  }
0x46: {  	s30 =	sadd.s32 $0x0, s9;
	[sflag:s21] =	ssyncadd.s32 $0xFFFFC000  }
0x47: {  	[hbm4b:s30+s2] =	stream.linear.scatter [tilespmem:s19], [sflag:$0x3], $0x4000, $0x38;
	[tilespmem:$0xBC00] =	vst v63  }
0x48: {  	_ =	swait.ge [sflag:s15], $0x4000  }
0x49: {  	[sflag:s15] =	ssyncset.done $0x0  }
0x4a: {  	[sflag:s15] =	ssyncadd.s32 $0xFFFFC000  }
0x4b: {  	_ =	swait.ge [sflag:s22], $0x4000  }
0x4c: {  	[sflag:s22] =	ssyncset.done $0x0  }
0x4d: {  	s31 =	sadd.s32 $0x0, s14;
	[sflag:s22] =	ssyncadd.s32 $0xFFFFC000  }
0x4e: {  	[hbm4b:s31+s2] =	stream.linear.scatter [tilespmem:s20], [sflag:$0x3], $0x4000, $0x38;
	[tilespmem:$0xBC00] =	vst v63  }
0x4f: {  	s24 =	simm.s32 $0x1000;
	_ =	swait.ge [sflag:s15], $0x4000  }
0x50: {  	s25 =	simm.s32 $0x2980;
	s26 =	simm.s32 $0x2000;
	[sflag:s15] =	ssyncset.done $0x0  }
.LBB2_2:
0x51: {  	p0 =	sne.s32 s26, $0x13000;
	s28 =	sadd.s32 $0xFFFFD780, s25;
	[sflag:s15] =	ssyncadd.s32 $0xFFFFC000  }
0x52: {  	[tilespmem:s19], [sflag:$0x1] =	stream.indirect.gather [hbm4b:s3+s18], $0x80, s28, s18, $0xb8;
	[tilespmem:$0xBC00] =	vst v63  }
0x53: {  	s29 =	sadd.s32 $0xFFFFD800, s25;
	s28 =	smov.u32 s26;
	s26 =	sadd.s32 $0x1000, s26  }
0x54: {  	[tilespmem:s20], [sflag:$0x2] =	stream.indirect.gather [hbm4b:s3+s18], $0x80, s29, s18, $0xb8;
	[tilespmem:$0xBC00] =	vst v63  }
0x55: {  	_ =	swait.ge [sflag:s21], $0x4000  }
0x56: {  	[sflag:s21] =	ssyncset.done $0x0  }
0x57: {  	s29 =	sadd.s32 s24, s11;
	[sflag:s21] =	ssyncadd.s32 $0xFFFFC000  }
0x58: {  	[hbm4b:s29+s2] =	stream.linear.scatter [tilespmem:s19], [sflag:$0x3], $0x4000, $0x38;
	[tilespmem:$0xBC00] =	vst v63  }
0x59: {  	_ =	swait.ge [sflag:s15], $0x4000  }
0x5a: {  	[sflag:s15] =	ssyncset.done $0x0  }
0x5b: {  	[sflag:s15] =	ssyncadd.s32 $0xFFFFC000  }
0x5c: {  	_ =	swait.ge [sflag:s22], $0x4000  }
0x5d: {  	[sflag:s22] =	ssyncset.done $0x0  }
0x5e: {  	s29 =	sadd.s32 s24, s12;
	[sflag:s22] =	ssyncadd.s32 $0xFFFFC000  }
0x5f: {  	[hbm4b:s29+s2] =	stream.linear.scatter [tilespmem:s20], [sflag:$0x3], $0x4000, $0x38;
	[tilespmem:$0xBC00] =	vst v63  }
0x60: {  	_ =	swait.ge [sflag:s15], $0x4000  }
0x61: {  	[sflag:s15] =	ssyncset.done $0x0  }
0x62: {  	s29 =	sadd.s32 $0xFFFFEB80, s25;
	[sflag:s15] =	ssyncadd.s32 $0xFFFFC000  }
0x63: {  	[tilespmem:s19], [sflag:$0x1] =	stream.indirect.gather [hbm4b:s4+s18], $0x80, s29, s18, $0xb8;
	[tilespmem:$0xBC00] =	vst v63  }
0x64: {  	s29 =	sadd.s32 $0xFFFFEC00, s25  }
0x65: {  	[tilespmem:s20], [sflag:$0x2] =	stream.indirect.gather [hbm4b:s4+s18], $0x80, s29, s18, $0xb8;
	[tilespmem:$0xBC00] =	vst v63  }
0x66: {  	_ =	swait.ge [sflag:s21], $0x4000  }
0x67: {  	[sflag:s21] =	ssyncset.done $0x0  }
0x68: {  	s29 =	sadd.s32 s24, s10;
	[sflag:s21] =	ssyncadd.s32 $0xFFFFC000  }
0x69: {  	[hbm4b:s29+s2] =	stream.linear.scatter [tilespmem:s19], [sflag:$0x3], $0x4000, $0x38;
	[tilespmem:$0xBC00] =	vst v63  }
0x6a: {  	_ =	swait.ge [sflag:s15], $0x4000  }
0x6b: {  	[sflag:s15] =	ssyncset.done $0x0  }
0x6c: {  	[sflag:s15] =	ssyncadd.s32 $0xFFFFC000  }
0x6d: {  	_ =	swait.ge [sflag:s22], $0x4000  }
0x6e: {  	[sflag:s22] =	ssyncset.done $0x0  }
0x6f: {  	s29 =	sadd.s32 s24, s13;
	[sflag:s22] =	ssyncadd.s32 $0xFFFFC000  }
0x70: {  	[hbm4b:s29+s2] =	stream.linear.scatter [tilespmem:s20], [sflag:$0x3], $0x4000, $0x38;
	[tilespmem:$0xBC00] =	vst v63  }
0x71: {  	_ =	swait.ge [sflag:s15], $0x4000  }
0x72: {  	[sflag:s15] =	ssyncset.done $0x0  }
0x73: {  	s29 =	sadd.s32 $0xFFFFFF80, s25;
	[sflag:s15] =	ssyncadd.s32 $0xFFFFC000  }
0x74: {  	[tilespmem:s19], [sflag:$0x1] =	stream.indirect.gather [hbm4b:s5+s18], $0x80, s29, s18, $0xb8;
	[tilespmem:$0xBC00] =	vst v63  }
0x75: {  	_ = 	snop  }
0x76: {  	[tilespmem:s20], [sflag:$0x2] =	stream.indirect.gather [hbm4b:s5+s18], $0x80, s25, s18, $0xb8;
	[tilespmem:$0xBC00] =	vst v63  }
0x77: {  	_ =	swait.ge [sflag:s21], $0x4000  }
0x78: {  	[sflag:s21] =	ssyncset.done $0x0  }
0x79: {  	s29 =	sadd.s32 s24, s9;
	[sflag:s21] =	ssyncadd.s32 $0xFFFFC000  }
0x7a: {  	[hbm4b:s29+s2] =	stream.linear.scatter [tilespmem:s19], [sflag:$0x3], $0x4000, $0x38;
	[tilespmem:$0xBC00] =	vst v63  }
0x7b: {  	_ =	swait.ge [sflag:s15], $0x4000  }
0x7c: {  	[sflag:s15] =	ssyncset.done $0x0  }
0x7d: {  	[sflag:s15] =	ssyncadd.s32 $0xFFFFC000  }
0x7e: {  	_ =	swait.ge [sflag:s22], $0x4000  }
.Ltmp0:
0x7f: {  	[sflag:s22] =	ssyncset.done $0x0;
	(pc) =	sbr.rel @p0 .LBB2_2-.Ltmp0, $4  }
0x80: {  	s29 =	sadd.s32 s24, s14;
	s24 =	smov.u32 s28;
	[sflag:s22] =	ssyncadd.s32 $0xFFFFC000  }
0x81: {  	[hbm4b:s29+s2] =	stream.linear.scatter [tilespmem:s20], [sflag:$0x3], $0x4000, $0x38;
	[tilespmem:$0xBC00] =	vst v63  }
0x82: {  	_ =	swait.ge [sflag:s15], $0x4000  }
0x83: {  	s25 =	sadd.s32 $0x100, s25;
	[sflag:s15] =	ssyncset.done $0x0  }
0x84: {  	s26 =	sadd.s32 $0xFFFFD780, s25;
	[sflag:s15] =	ssyncadd.s32 $0xFFFFC000  }
0x85: {  	[tilespmem:s19], [sflag:$0x1] =	stream.indirect.gather [hbm4b:s3+s18], $0x80, s26, s18, $0xb8;
	[tilespmem:$0xBC00] =	vst v63  }
0x86: {  	s30 =	sadd.s32 $0xFFFFD800, s25  }
0x87: {  	[tilespmem:s20], [sflag:$0x2] =	stream.indirect.gather [hbm4b:s3+s18], $0x80, s30, s18, $0xb8;
	[tilespmem:$0xBC00] =	vst v63  }
0x88: {  	_ =	swait.ge [sflag:s21], $0x4000  }
0x89: {  	[sflag:s21] =	ssyncset.done $0x0  }
0x8a: {  	s31 =	sadd.s32 s24, s11;
	[sflag:s21] =	ssyncadd.s32 $0xFFFFC000  }
0x8b: {  	[hbm4b:s31+s2] =	stream.linear.scatter [tilespmem:s19], [sflag:$0x3], $0x4000, $0x38;
	[tilespmem:$0xBC00] =	vst v63  }
0x8c: {  	_ =	swait.ge [sflag:s15], $0x4000  }
0x8d: {  	[sflag:s15] =	ssyncset.done $0x0  }
0x8e: {  	[sflag:s15] =	ssyncadd.s32 $0xFFFFC000  }
0x8f: {  	_ =	swait.ge [sflag:s22], $0x4000  }
0x90: {  	[sflag:s22] =	ssyncset.done $0x0  }
0x91: {  	s28 =	sadd.s32 s24, s12;
	[sflag:s22] =	ssyncadd.s32 $0xFFFFC000  }
0x92: {  	[hbm4b:s28+s2] =	stream.linear.scatter [tilespmem:s20], [sflag:$0x3], $0x4000, $0x38;
	[tilespmem:$0xBC00] =	vst v63  }
0x93: {  	_ =	swait.ge [sflag:s15], $0x4000  }
0x94: {  	[sflag:s15] =	ssyncset.done $0x0  }
0x95: {  	s29 =	sadd.s32 $0xFFFFEB80, s25;
	[sflag:s15] =	ssyncadd.s32 $0xFFFFC000  }
0x96: {  	[tilespmem:s19], [sflag:$0x1] =	stream.indirect.gather [hbm4b:s4+s18], $0x80, s29, s18, $0xb8;
	[tilespmem:$0xBC00] =	vst v63  }
0x97: {  	s30 =	sadd.s32 $0xFFFFEC00, s25  }
0x98: {  	[tilespmem:s20], [sflag:$0x2] =	stream.indirect.gather [hbm4b:s4+s18], $0x80, s30, s18, $0xb8;
	[tilespmem:$0xBC00] =	vst v63  }
0x99: {  	_ =	swait.ge [sflag:s21], $0x4000  }
0x9a: {  	[sflag:s21] =	ssyncset.done $0x0  }
0x9b: {  	s31 =	sadd.s32 s24, s10;
	[sflag:s21] =	ssyncadd.s32 $0xFFFFC000  }
0x9c: {  	[hbm4b:s31+s2] =	stream.linear.scatter [tilespmem:s19], [sflag:$0x3], $0x4000, $0x38;
	[tilespmem:$0xBC00] =	vst v63  }
0x9d: {  	_ =	swait.ge [sflag:s15], $0x4000  }
0x9e: {  	[sflag:s15] =	ssyncset.done $0x0  }
0x9f: {  	[sflag:s15] =	ssyncadd.s32 $0xFFFFC000  }
0xa0: {  	_ =	swait.ge [sflag:s22], $0x4000  }
0xa1: {  	[sflag:s22] =	ssyncset.done $0x0  }
0xa2: {  	s28 =	sadd.s32 s24, s13;
	[sflag:s22] =	ssyncadd.s32 $0xFFFFC000  }
0xa3: {  	[hbm4b:s28+s2] =	stream.linear.scatter [tilespmem:s20], [sflag:$0x3], $0x4000, $0x38;
	[tilespmem:$0xBC00] =	vst v63  }
0xa4: {  	_ =	swait.ge [sflag:s15], $0x4000  }
0xa5: {  	[sflag:s15] =	ssyncset.done $0x0  }
0xa6: {  	s29 =	sadd.s32 $0xFFFFFF80, s25;
	[sflag:s15] =	ssyncadd.s32 $0xFFFFC000  }
0xa7: {  	[tilespmem:s19], [sflag:$0x1] =	stream.indirect.gather [hbm4b:s5+s18], $0x80, s29, s18, $0xb8;
	[tilespmem:$0xBC00] =	vst v63  }
0xa8: {  	_ = 	snop  }
0xa9: {  	[tilespmem:s20], [sflag:$0x2] =	stream.indirect.gather [hbm4b:s5+s18], $0x80, s25, s18, $0xb8;
	[tilespmem:$0xBC00] =	vst v63  }
0xaa: {  	_ =	swait.ge [sflag:s21], $0x4000  }
0xab: {  	[sflag:s21] =	ssyncset.done $0x0  }
0xac: {  	s30 =	sadd.s32 s24, s9;
	[sflag:s21] =	ssyncadd.s32 $0xFFFFC000  }
0xad: {  	[hbm4b:s30+s2] =	stream.linear.scatter [tilespmem:s19], [sflag:$0x3], $0x4000, $0x38;
	[tilespmem:$0xBC00] =	vst v63  }
0xae: {  	_ =	swait.ge [sflag:s15], $0x4000  }
0xaf: {  	[sflag:s15] =	ssyncset.done $0x0  }
0xb0: {  	[sflag:s15] =	ssyncadd.s32 $0xFFFFC000  }
0xb1: {  	s23 =	sadd.s32 $0x1, s23;
	_ =	swait.ge [sflag:s22], $0x4000  }
0xb2: {  	p0 =	sne.s32 s23, s8;
	[sflag:s22] =	ssyncset.done $0x0  }
.Ltmp1:
0xb3: {  	s31 =	sadd.s32 s24, s14;
	[sflag:s22] =	ssyncadd.s32 $0xFFFFC000;
	(pc) =	sbr.rel @p0 .LBB2_1-.Ltmp1, $4  }
0xb4: {  	[hbm4b:s31+s2] =	stream.linear.scatter [tilespmem:s20], [sflag:$0x3], $0x4000, $0x38;
	[tilespmem:$0xBC00] =	vst v63  }
0xb5: {  	_ =	swait.ge [sflag:s15], $0x4000  }
0xb6: {  	[sflag:s15] =	ssyncset.done $0x0  }
0xb7: {  	[sflag:s15] =	ssyncadd.s32 $0xFFFFC000  }
0xb8: {  	_ =	sfence.sel $0x180000  }
0xb9: {  	[bflag:$0x0] =	sbarrier.arrive $0xFFFF  }
0xba: {  	p0 =	sne.s32 s1, $0x0;
	_ =	strace $0x90000056  }
0xbb: {  	s0 =	sadd.s32 @!p0 $0x100000, s0;
	[bflag:$0x2] =	sbarrier.arrive $0xFFFF  }
0xbc: {  	[sflag:s0] =	ssyncadd.tile.s32 @!p0 $0x1;
	_ =	shalt  }
.Lfunc_end2:
_tile_overlayer_lowered:
.L_overlay_start_2:
0xbd: {  	(tag) =	ssettag $0x2  }
0xbe: {  	s0 =	rddreg [dreg:$0x0];
	s2 =	stileid.u32  }
0xbf: {  	s1 =	rddreg [dreg:$0x1];
	p0 =	sne.s32 s2, $0x0  }
0xc0: {  	s3 =	rddreg [dreg:$0x2];
	[bflag:$0x3] =	sbarrier.arrive $0xFFFF;
	s2 =	simm.s32 @!p0 $0x1C03  }
0xc1: {  	[timem:s3], [sflag:s2] =	dma.local @!p0 [hbm:s0], s1  }
0xc2: {  	s0 =	simm.s32 @!p0 $0x3  }
0xc3: {  	_ =	swait.ge @!p0 [sflag:s0], s1  }
0xc4: {  	s1 =	ssub.s32 @!p0 $0x0, s1;
	[sflag:s0] =	ssyncset.done @!p0 $0x0  }
0xc5: {  	[sflag:s0] =	ssyncadd.s32 @!p0 s1  }
0xc6: {  	[bflag:$0x3] =	sbarrier.arrive $0xFFFF  }
0xc7: {  	_ =	shalt  }

// kernel: kernel.40.cloned.1.call-start
scs
__scs_entry_jumppad:
0x0: {  	(pc) =	sbr.rel $0x88, $3  }
0x1: {  	(tag) =	ssettag $0x0;
	lr =	simm.s32 $0x1  }
0x2: {  	[smem:$0x3F76] =	sst lr;
	_ =	strace $0xD0000000  }
0x3: {  	_ = 	snop  }
0x4: {  	_ = 	snop  }
0x5: {  	_ = 	snop  }
0x6: {  	_ = 	snop  }
0x7: {  	_ = 	snop  }
__scs_overlays_trampoline_lowered:
0x8: {  	[smem:$0x3F85] =	sst s0  }
0x9: {  	[smem:$0x3F86] =	sst s1  }
0xa: {  	[smem:$0x3F87] =	sst s2  }
0xb: {  	[smem:$0x3F88] =	sst s3  }
0xc: {  	[smem:$0x3F89] =	sst s4  }
0xd: {  	[smem:$0x3F8A] =	sst s5  }
0xe: {  	[smem:$0x3F8B] =	sst s6  }
0xf: {  	[smem:$0x3F8C] =	sst s7  }
0x10: {  	[smem:$0x3F8D] =	sst s8  }
0x11: {  	[smem:$0x3F8E] =	sst s9;
	s0 =	simm.s32 @!p0 $0x0  }
0x12: {  	s1 =	sld [smem:$0x3F74];
	s0 =	simm.s32 @p0 $0x1  }
0x13: {  	[smem:$0x3F8F] =	sst s0;
	s0 =	simm.s32 @!p1 $0x0  }
0x14: {  	s2 =	sld [smem:$0x3F73];
	s0 =	simm.s32 @p1 $0x1  }
0x15: {  	[smem:$0x3F90] =	sst s0;
	s0 =	simm.s32 @!p2 $0x0  }
0x16: {  	s3 =	sld [smem:$0x3FDB];
	s0 =	simm.s32 @p2 $0x1  }
0x17: {  	s4 =	simm.s32 $0x1BF5;
	[smem:$0x3F92] =	sst s0  }
0x18: {  	s0 =	sld [smem:$0x3F75];
	_ =	swait.ge [sflag:s4], $0x0  }
0x19: {  	s7 =	sld [smem:$0x3F76]  }
0x1a: {  	s8 =	sadd.s32 $0xFFFFE003, lr  }
0x1b: {  	s9 =	sadd.s32 $0xFFFFFEF7, lr;
	s5 =	simm.s32 $0xFFFFFFFF;
	p2 =	slt.u32 s8, $0xFFFFF086  }
0x1c: {  	p1 =	slt.u32 s9, $0xF7A;
	s5 =	simm.s32 @!p2 $0x0  }
0x1d: {  	s5 =	simm.s32 @p1 $0x1;
	p0 =	seq.s32 s7, s2  }
0x1e: {  	s7 =	smul.u32 @!p0 $0xF7A, s2;
	p2 =	seq.s32 @!p0 s5, $0x0  }
0x1f: {  	s9 =	smul.u32 $0xF7A, s1;
	s8 =	simm.s32 @!p0 $0x1BF5;
	p2 =	por !p2, p0  }
0x20: {  	[sflag:s8] =	ssyncset.s32 @!p0 $0xFFFFF086;
	s6 =	sadd.s32 @!p0 s3, s7;
	s7 =	simm.s32 @!p0 $0x108  }
0x21: {  	s3 =	sadd.s32 s3, s9;
	s6 =	sadd.s32 @!p0 $0x88, s6;
	s7 =	simm.s32 @p2 $0x1082  }
0x22: {  	[simem:s7], [sflag:s8] =	dma.local @!p0 [hbm:s6], $0xF7A  }
0x23: {  	s9 =	sor.u32 $0xD0000000, s2;
	s6 =	simm.s32 $0x108;
	_ =	swait.ge @!p0 [sflag:s8], $0x0  }
0x24: {  	s3 =	sadd.s32 $0x88, s3;
	s6 =	simm.s32 @!p1 $0x1082;
	[sflag:s4] =	ssyncset.s32 $0xFFFFF086  }
0x25: {  	[simem:s6], [sflag:s4] =	dma.local [hbm:s3], $0xF7A  }
0x26: {  	[smem:$0x3F76] =	sst s1;
	(tag) =	ssettag s2;
	_ =	strace s9  }
0x27: {  	s1 =	sld [smem:$0x3F86]  }
0x28: {  	s2 =	sld [smem:$0x3F87]  }
0x29: {  	s4 =	sld [smem:$0x3F89]  }
0x2a: {  	p0 =	seq.s32 s5, $0x0;
	s5 =	sld [smem:$0x3F8A]  }
0x2b: {  	s6 =	sld [smem:$0x3F8B]  }
0x2c: {  	s7 =	sld [smem:$0x3F8C]  }
0x2d: {  	s3 =	simm.s32 $0x108;
	s8 =	sld [smem:$0x3F8D]  }
0x2e: {  	s3 =	simm.s32 @!p0 $0x1082;
	s9 =	sld [smem:$0x3F8E]  }
0x2f: {  	lr =	sadd.s32 s0, s3;
	s0 =	sld [smem:$0x3F85]  }
0x30: {  	s3 =	sld [smem:$0x3F88]  }
0x31: {  	[smem:$0x3F91] =	sst s10  }
0x32: {  	s10 =	sld [smem:$0x3F8F];
	_ =	sdelay $0x3  }
0x33: {  	p0 =	seq.s32 s10, $0x1;
	s10 =	sld [smem:$0x3F91];
	_ =	sdelay $0x3  }
0x34: {  	[smem:$0x3F91] =	sst s10  }
0x35: {  	s10 =	sld [smem:$0x3F90];
	_ =	sdelay $0x3  }
0x36: {  	p1 =	seq.s32 s10, $0x1;
	s10 =	sld [smem:$0x3F91];
	_ =	sdelay $0x3  }
0x37: {  	[smem:$0x3F91] =	sst s10  }
0x38: {  	s10 =	sld [smem:$0x3F92]  }
0x39: {  	_ = 	snop;
	(pc) =	sbr.ind lr, $3  }
0x3a: {  	_ = 	snop  }
0x3b: {  	_ = 	snop  }
0x3c: {  	p2 =	seq.s32 s10, $0x1;
	s10 =	sld [smem:$0x3F91]  }
0x3d: {  	_ =	shalt  }
0x3e: {  	_ =	shalt  }
0x3f: {  	_ =	shalt  }
0x40: {  	_ =	shalt  }
0x41: {  	_ =	shalt  }
0x42: {  	_ =	shalt  }
0x43: {  	_ =	shalt  }
0x44: {  	_ =	shalt  }
0x45: {  	_ =	shalt  }
0x46: {  	_ =	shalt  }
0x47: {  	_ =	shalt  }
0x48: {  	_ =	shalt  }
0x49: {  	_ =	shalt  }
0x4a: {  	_ =	shalt  }
0x4b: {  	_ =	shalt  }
0x4c: {  	_ =	shalt  }
0x4d: {  	_ =	shalt  }
0x4e: {  	_ =	shalt  }
0x4f: {  	_ =	shalt  }
0x50: {  	_ =	shalt  }
0x51: {  	_ =	shalt  }
0x52: {  	_ =	shalt  }
0x53: {  	_ =	shalt  }
0x54: {  	_ =	shalt  }
0x55: {  	_ =	shalt  }
0x56: {  	_ =	shalt  }
0x57: {  	_ =	shalt  }
0x58: {  	_ =	shalt  }
0x59: {  	_ =	shalt  }
0x5a: {  	_ =	shalt  }
0x5b: {  	_ =	shalt  }
0x5c: {  	_ =	shalt  }
0x5d: {  	_ =	shalt  }
0x5e: {  	_ =	shalt  }
0x5f: {  	_ =	shalt  }
0x60: {  	_ =	shalt  }
0x61: {  	_ =	shalt  }
0x62: {  	_ =	shalt  }
0x63: {  	_ =	shalt  }
0x64: {  	_ =	shalt  }
0x65: {  	_ =	shalt  }
0x66: {  	_ =	shalt  }
0x67: {  	_ =	shalt  }
0x68: {  	_ =	shalt  }
0x69: {  	_ =	shalt  }
0x6a: {  	_ =	shalt  }
0x6b: {  	_ =	shalt  }
0x6c: {  	_ =	shalt  }
0x6d: {  	_ =	shalt  }
0x6e: {  	_ =	shalt  }
0x6f: {  	_ =	shalt  }
0x70: {  	_ =	shalt  }
0x71: {  	_ =	shalt  }
0x72: {  	_ =	shalt  }
0x73: {  	_ =	shalt  }
0x74: {  	_ =	shalt  }
0x75: {  	_ =	shalt  }
0x76: {  	_ =	shalt  }
0x77: {  	_ =	shalt  }
0x78: {  	_ =	shalt  }
0x79: {  	_ =	shalt  }
0x7a: {  	_ =	shalt  }
0x7b: {  	_ =	shalt  }
0x7c: {  	_ =	shalt  }
0x7d: {  	_ =	shalt  }
0x7e: {  	_ =	shalt  }
0x7f: {  	_ =	shalt  }
0x80: {  	_ =	shalt  }
0x81: {  	_ =	shalt  }
0x82: {  	_ =	shalt  }
0x83: {  	_ =	shalt  }
0x84: {  	_ =	shalt  }
0x85: {  	_ =	shalt  }
0x86: {  	_ =	shalt  }
0x87: {  	_ =	shalt  }
.Lfunc_end0:
.L_simem_size_0:
called_computation.6_lowered:
.L_overlay_start_0:
0x88: {  	s2 =	sld [smem:$0x3FD9]  }
0x89: {  	s3 =	sld [smem:$0x3FFE];
	_ =	sdelay $0x1  }
0x8a: {  	s1 =	srdreg.scid  }
0x8b: {  	s0 =	sand.u32 $0x1, s1  }
0x8c: {  	s16 =	sshll.u32 s0, $0xA;
	s2 =	sadd.s32 s3, s2  }
0x8d: {  	s2 =	sadd.s32 s2, s16  }
0x8e: {  	[smem:$0x3F9D] =	sst s2  }
0x8f: {  	_ = 	snop  }
0x90: {  	(tm) =	ssettm $0x1  }
0x91: {  	s17 =	sld [smem:$0x3FFB];
	_ =	sdelay $0x3  }
0x92: {  	_ =	strace s17  }
0x93: {  	s2 =	sld [smem:$0x3FFC];
	_ =	sdelay $0x3  }
0x94: {  	_ =	strace s2  }
0x95: {  	s2 =	sld [smem:$0x3FFD];
	_ =	sdelay $0x3  }
0x96: {  	_ =	strace s2  }
0x97: {  	_ =	strace $0x8FFFFFFF  }
0x98: {  	s18 =	sld [smem:$0x3FDB];
	_ =	sdelay $0x1  }
0x99: {  	s19 =	simm.s32 $_scs_section_size  }
0x9a: {  	s4 =	simm.s32 $_size__tile_overlayer_lowered;
	s5 =	simm.s32 $_tile_overlayer_lowered  }
0x9b: {  	s22 =	simm.s32 $0x1BFF;
	s21 =	sshll.u32 s5, $0x1;
	s2 =	sadd.s32 s19, s18  }
0x9c: {  	s6 =	simm.s32 $0x0;
	s20 =	sshll.u32 s4, $0x1;
	s4 =	sadd.s32 s21, s2  }
0x9d: {  	[timem:s6], [sflag:s22] =	dma.local [hbm:s4], s20  }
0x9e: {  	_ =	swait.ge [sflag:s22], s20  }
0x9f: {  	s3 =	ssub.s32 $0x0, s20;
	[sflag:s22] =	ssyncset.done $0x0  }
0xa0: {  	[sflag:s22] =	ssyncadd.s32 s3;
	_ =	sdelay $0x1  }
0xa1: {  	s23 =	simm.s32 $0x1B8B  }
0xa2: {  	_ =	swait.ge [sflag:s23], $0x1  }
0xa3: {  	[sflag:s23] =	ssyncset.done $0x0  }
0xa4: {  	s25 =	simm.s32 $0x1B8E;
	s24 =	sld [smem:$0x3FFE];
	[sflag:s23] =	ssyncadd.s32 $0xFFFFFFFF  }
0xa5: {  	s26 =	simm.s32 $execute0_lowered;
	[smem:$0x3FD2] =	sst s25  }
0xa6: {  	s4 =	sshll.u32 s26, $0x1;
	_ =	strace $0x80000058;
	[dreg:$0x1] =	wrdreg $0xFFFFFFFF  }
0xa7: {  	s28 =	simm.s32 $_size_execute0_lowered;
	s2 =	sadd.s32 s2, s4;
	[dreg:$0x0] =	wrdreg $0x0  }
0xa8: {  	s4 =	sshll.u32 s28, $0x1;
	[dreg:$0x2] =	wrdreg s2  }
0xa9: {  	[dreg:$0x3] =	wrdreg s4  }
0xaa: {  	[dreg:$0x4] =	wrdreg $0xC0  }
0xab: {  	_ =	task [dreg:s6], $0x5FFFF  }
0xac: {  	[dreg:$0x1] =	wrdreg $0xFFFFFFFF  }
0xad: {  	[dreg:$0x0] =	wrdreg $0x60  }
0xae: {  	[dreg:$0x2] =	wrdreg s24  }
0xaf: {  	[dreg:$0x3] =	wrdreg $0x54000  }
0xb0: {  	[dreg:$0x4] =	wrdreg $0x9  }
0xb1: {  	_ =	task.clear_ibuf [dreg:s6], $0x5FFFF;
	_ =	strace $0x90000058  }
0xb2: {  	s29 =	simm.s32 $0x9;
	_ =	strace $0x8000005A  }
0xb3: {  	_ =	swait.ge [sflag:s29], $0x1  }
0xb4: {  	[sflag:s29] =	ssyncadd.s32 $0xFFFFFFFF  }
0xb5: {  	_ =	strace $0x9000005A  }
0xb6: {  	_ =	sfence  }
0xb7: {  	s30 =	sld [smem:$0x0];
	_ =	sdelay $0x2  }
0xb8: {  	s31 =	sshll.u32 s1, $0xD;
	s1 =	sshrl.u32 s1, $0x2  }
0xb9: {  	s3 =	sand.u32 $0x4000, s31;
	s1 =	sadd.s32 s1, s30  }
0xba: {  	s0 =	sor.u32 s3, s0;
	s1 =	sshll.u32 s1, $0x11  }
0xbb: {  	s0 =	sor.u32 s1, s0  }
0xbc: {  	s0 =	sadd.s32 $0x8F2B, s0  }
0xbd: {  	[sflag:s0] =	ssyncadd.remote.s32 $0x1  }
0xbe: {  	_ =	sfence.sel $0xFFFF  }
0xbf: {  	[dreg:$0x0] =	wrdreg $0xFFFFFFFF;
	(pc) =	sbr.abs _section_cstart, $3  }
0xc0: {  	[dreg:$0x1] =	wrdreg $0xFFFFFFFF  }
0xc1: {  	_ =	task.clear_ibuf [dreg:s6], $0x2FFFF;
	_ =	strace $0x9FFFFFFF  }
0xc2: {  	(tm) =	ssettm $0x7FFFFFFF  }
0xc3: {  	_ =	shalt  }
tec
execute0_lowered:
.L_overlay_start_1:
0x0: {  	(tag) =	ssettag $0x1  }
0x1: {  	s0 =	stileid.u32  }
0x2: {  	s1 =	srdreg.scid;
	s4 =	rddreg [dreg:$0x0]  }
0x3: {  	s2 =	rddreg [dreg:$0x1];
	s3 =	simm.s32 $0x0;
	s6 =	smul.u32 $0x28000, s0  }
0x4: {  	s14 =	simm.s32 $0x0;
	s5 =	sand.u32 $0x1, s1;
	s8 =	smul.u32 $0x14000, s0  }
0x5: {  	s24 =	sshll.u32 s0, $0x1;
	s1 =	rddreg [dreg:$0x2];
	s11 =	smul.u32 $0x50000, s0  }
0x6: {  	[smem:$0x7FF] =	sst s3;
	s30 =	sshll.u32 s0, $0x6;
	s9 =	smul.u32 $0x140000, s5  }
0x7: {  	s7 =	sor.u32 s5, s24;
	_ =	strace $0x80000059;
	s13 =	smul.u32 $0x14000, s5  }
0x8: {  	s28 =	ssub.s32 $0x2, s5;
	s5 =	sor.u32 $0x1C01, s30;
	s7 =	smul.u32 $0x280, s7  }
0x9: {  	s10 =	sadd.s32 s6, s4;
	s26 =	sshrl.u32 s8, $0x3;
	s12 =	sshrl.u32 s28, $0x1  }
0xa: {  	s29 =	sshrl.u32 s11, $0x2;
	s8 =	sadd.s32 s8, s9;
	s9 =	ssub.s32 s28, s12  }
0xb: {  	s11 =	sadd.s32 s29, s2;
	s31 =	sadd.s32 s13, s10;
	s12 =	simm.s32 $0x1400  }
0xc: {  	s13 =	simm.s32 $0x80;
	s25 =	sadd.s32 s7, s4;
	s7 =	sadd.s32 s26, s4  }
0xd: {  	s8 =	sshrl.u32 s8, $0x3;
	s10 =	sshrl.u32 s11, $0x3;
	s11 =	simm.s32 $0x1  }
0xe: {  	s8 =	sadd.s32 s8, s4;
	s4 =	sadd.s32 $0x8A400, s7;
	s6 =	sadd.s32 $0x37000, s25  }
0xf: {  	s7 =	sadd.s32 $0xD9600, s8;
	s8 =	smax.u32 s9, $0x1;
	s9 =	sadd.s32 $0xD4A600, s31  }
.LBB2_1:
0x10: {  	[spmem:s10], [sflag:s5] =	dma.local [hbm:s4], $0x2800  }
0x11: {  	_ =	swait.ge [sflag:s11], $0x2800  }
0x12: {  	[sflag:s11] =	ssyncset.done $0x0  }
0x13: {  	[sflag:s11] =	ssyncadd.s32 $0xFFFFD800  }
0x14: {  	[tilespmem:s3], [sflag:$0x1] =	stream.linear.gather [hbm4b:s6+s3], $0x1400, $0x38;
	[tilespmem:$0x19400] =	vst v63  }
0x15: {  	_ =	swait.ge [sflag:s11], $0x1400  }
0x16: {  	[sflag:s11] =	ssyncset.done $0x0  }
0x17: {  	[sflag:s11] =	ssyncadd.s32 $0xFFFFEC00  }
0x18: {  	[bflag:$0x0] =	sbarrier.arrive $0xFFFF  }
0x19: {  	[tilespmem:s12], [sflag:$0x1] =	stream.linear.gather [hbm4b:s9+s3], $0x4000, $0x38;
	[tilespmem:$0x19400] =	vst v63  }
0x1a: {  	_ =	swait.ge [sflag:s11], $0x4000  }
0x1b: {  	[sflag:s11] =	ssyncset.done $0x0  }
0x1c: {  	s15 =	simm.s32 $0x0;
	[sflag:s11] =	ssyncadd.s32 $0xFFFFC000  }
0x1d: {  	[spmem:s2] =	stream.indirect.scatter.add.f32 [tilespmem:s12], [sflag:$0x1], $0x80, s15, s13, $0xb8;
	[tilespmem:$0x19400] =	vst v63  }
0x1e: {  	_ =	swait.ge [sflag:s11], $0x4000  }
0x1f: {  	s16 =	smov.u32 s9;
	s15 =	simm.s32 $0x200;
	[sflag:s11] =	ssyncset.done $0x0  }
.LBB2_2:
0x20: {  	p0 =	sne.s32 s15, $0x4E00;
	[sflag:s11] =	ssyncadd.s32 $0xFFFFC000;
	s16 =	sadd.s32 $0x800, s16  }
0x21: {  	[tilespmem:s12], [sflag:$0x1] =	stream.linear.gather [hbm4b:s16+s3], $0x4000, $0x38;
	[tilespmem:$0x19400] =	vst v63  }
0x22: {  	s17 =	smov.u32 s15;
	s15 =	sadd.s32 $0x200, s15;
	_ =	swait.ge [sflag:s11], $0x4000  }
.Ltmp0:
0x23: {  	[sflag:s11] =	ssyncset.done $0x0;
	(pc) =	sbr.rel @p0 .LBB2_2-.Ltmp0, $4  }
0x24: {  	s17 =	sshra.s32 s17, $0x2;
	[sflag:s11] =	ssyncadd.s32 $0xFFFFC000  }
0x25: {  	[spmem:s2] =	stream.indirect.scatter.add.f32 [tilespmem:s12], [sflag:$0x1], $0x80, s17, s13, $0xb8;
	[tilespmem:$0x19400] =	vst v63  }
0x26: {  	_ =	swait.ge [sflag:s11], $0x4000  }
0x27: {  	[sflag:s11] =	ssyncset.done $0x0  }
0x28: {  	s14 =	sadd.s32 $0x1, s14  }
0x29: {  	[sflag:s11] =	ssyncadd.s32 $0xFFFFC000;
	p0 =	sne.s32 s14, s8  }
.Ltmp1:
0x2a: {  	[bflag:$0x0] =	sbarrier.arrive $0xFFFF;
	(pc) =	sbr.rel @p0 .LBB2_1-.Ltmp1, $4  }
0x2b: {  	[hbm:s7], [sflag:s5] =	dma.local [spmem:s10], $0x2800  }
0x2c: {  	_ =	swait.ge [sflag:s11], $0x2800  }
0x2d: {  	[sflag:s11] =	ssyncset.done $0x0  }
0x2e: {  	[sflag:s11] =	ssyncadd.s32 $0xFFFFD800  }
0x2f: {  	_ =	sfence.sel $0x180000  }
0x30: {  	[bflag:$0x0] =	sbarrier.arrive $0xFFFF  }
0x31: {  	p0 =	sne.s32 s0, $0x0;
	_ =	strace $0x90000059  }
0x32: {  	s0 =	sadd.s32 @!p0 $0x100000, s1;
	[bflag:$0x2] =	sbarrier.arrive $0xFFFF  }
0x33: {  	[sflag:s0] =	ssyncadd.tile.s32 @!p0 $0x1;
	_ =	shalt  }
.Lfunc_end2:
_tile_overlayer_lowered:
.L_overlay_start_2:
0x34: {  	(tag) =	ssettag $0x2  }
0x35: {  	s0 =	rddreg [dreg:$0x0];
	s2 =	stileid.u32  }
0x36: {  	s1 =	rddreg [dreg:$0x1];
	p0 =	sne.s32 s2, $0x0  }
0x37: {  	s3 =	rddreg [dreg:$0x2];
	[bflag:$0x3] =	sbarrier.arrive $0xFFFF;
	s2 =	simm.s32 @!p0 $0x1C01  }
0x38: {  	[timem:s3], [sflag:s2] =	dma.local @!p0 [hbm:s0], s1  }
0x39: {  	s0 =	simm.s32 @!p0 $0x1  }
0x3a: {  	_ =	swait.ge @!p0 [sflag:s0], s1  }
0x3b: {  	s1 =	ssub.s32 @!p0 $0x0, s1;
	[sflag:s0] =	ssyncset.done @!p0 $0x0  }
0x3c: {  	[sflag:s0] =	ssyncadd.s32 @!p0 s1  }
0x3d: {  	[bflag:$0x3] =	sbarrier.arrive $0xFFFF  }
0x3e: {  	_ =	shalt  }

// kernel: kernel.43.cloned.1.call-start
scs
__scs_entry_jumppad:
0x0: {  	(pc) =	sbr.rel $0x88, $3  }
0x1: {  	(tag) =	ssettag $0x0;
	lr =	simm.s32 $0x1  }
0x2: {  	[smem:$0x3F76] =	sst lr;
	_ =	strace $0xD0000000  }
0x3: {  	_ = 	snop  }
0x4: {  	_ = 	snop  }
0x5: {  	_ = 	snop  }
0x6: {  	_ = 	snop  }
0x7: {  	_ = 	snop  }
__scs_overlays_trampoline_lowered:
0x8: {  	[smem:$0x3F85] =	sst s0  }
0x9: {  	[smem:$0x3F86] =	sst s1  }
0xa: {  	[smem:$0x3F87] =	sst s2  }
0xb: {  	[smem:$0x3F88] =	sst s3  }
0xc: {  	[smem:$0x3F89] =	sst s4  }
0xd: {  	[smem:$0x3F8A] =	sst s5  }
0xe: {  	[smem:$0x3F8B] =	sst s6  }
0xf: {  	[smem:$0x3F8C] =	sst s7  }
0x10: {  	[smem:$0x3F8D] =	sst s8  }
0x11: {  	[smem:$0x3F8E] =	sst s9;
	s0 =	simm.s32 @!p0 $0x0  }
0x12: {  	s1 =	sld [smem:$0x3F74];
	s0 =	simm.s32 @p0 $0x1  }
0x13: {  	[smem:$0x3F8F] =	sst s0;
	s0 =	simm.s32 @!p1 $0x0  }
0x14: {  	s2 =	sld [smem:$0x3F73];
	s0 =	simm.s32 @p1 $0x1  }
0x15: {  	[smem:$0x3F90] =	sst s0;
	s0 =	simm.s32 @!p2 $0x0  }
0x16: {  	s3 =	sld [smem:$0x3FDB];
	s0 =	simm.s32 @p2 $0x1  }
0x17: {  	s4 =	simm.s32 $0x1BF5;
	[smem:$0x3F92] =	sst s0  }
0x18: {  	s0 =	sld [smem:$0x3F75];
	_ =	swait.ge [sflag:s4], $0x0  }
0x19: {  	s7 =	sld [smem:$0x3F76]  }
0x1a: {  	s8 =	sadd.s32 $0xFFFFE003, lr  }
0x1b: {  	s9 =	sadd.s32 $0xFFFFFEF7, lr;
	s5 =	simm.s32 $0xFFFFFFFF;
	p2 =	slt.u32 s8, $0xFFFFF086  }
0x1c: {  	p1 =	slt.u32 s9, $0xF7A;
	s5 =	simm.s32 @!p2 $0x0  }
0x1d: {  	s5 =	simm.s32 @p1 $0x1;
	p0 =	seq.s32 s7, s2  }
0x1e: {  	s7 =	smul.u32 @!p0 $0xF7A, s2;
	p2 =	seq.s32 @!p0 s5, $0x0  }
0x1f: {  	s9 =	smul.u32 $0xF7A, s1;
	s8 =	simm.s32 @!p0 $0x1BF5;
	p2 =	por !p2, p0  }
0x20: {  	[sflag:s8] =	ssyncset.s32 @!p0 $0xFFFFF086;
	s6 =	sadd.s32 @!p0 s3, s7;
	s7 =	simm.s32 @!p0 $0x108  }
0x21: {  	s3 =	sadd.s32 s3, s9;
	s6 =	sadd.s32 @!p0 $0x88, s6;
	s7 =	simm.s32 @p2 $0x1082  }
0x22: {  	[simem:s7], [sflag:s8] =	dma.local @!p0 [hbm:s6], $0xF7A  }
0x23: {  	s9 =	sor.u32 $0xD0000000, s2;
	s6 =	simm.s32 $0x108;
	_ =	swait.ge @!p0 [sflag:s8], $0x0  }
0x24: {  	s3 =	sadd.s32 $0x88, s3;
	s6 =	simm.s32 @!p1 $0x1082;
	[sflag:s4] =	ssyncset.s32 $0xFFFFF086  }
0x25: {  	[simem:s6], [sflag:s4] =	dma.local [hbm:s3], $0xF7A  }
0x26: {  	[smem:$0x3F76] =	sst s1;
	(tag) =	ssettag s2;
	_ =	strace s9  }
0x27: {  	s1 =	sld [smem:$0x3F86]  }
0x28: {  	s2 =	sld [smem:$0x3F87]  }
0x29: {  	s4 =	sld [smem:$0x3F89]  }
0x2a: {  	p0 =	seq.s32 s5, $0x0;
	s5 =	sld [smem:$0x3F8A]  }
0x2b: {  	s6 =	sld [smem:$0x3F8B]  }
0x2c: {  	s7 =	sld [smem:$0x3F8C]  }
0x2d: {  	s3 =	simm.s32 $0x108;
	s8 =	sld [smem:$0x3F8D]  }
0x2e: {  	s3 =	simm.s32 @!p0 $0x1082;
	s9 =	sld [smem:$0x3F8E]  }
0x2f: {  	lr =	sadd.s32 s0, s3;
	s0 =	sld [smem:$0x3F85]  }
0x30: {  	s3 =	sld [smem:$0x3F88]  }
0x31: {  	[smem:$0x3F91] =	sst s10  }
0x32: {  	s10 =	sld [smem:$0x3F8F];
	_ =	sdelay $0x3  }
0x33: {  	p0 =	seq.s32 s10, $0x1;
	s10 =	sld [smem:$0x3F91];
	_ =	sdelay $0x3  }
0x34: {  	[smem:$0x3F91] =	sst s10  }
0x35: {  	s10 =	sld [smem:$0x3F90];
	_ =	sdelay $0x3  }
0x36: {  	p1 =	seq.s32 s10, $0x1;
	s10 =	sld [smem:$0x3F91];
	_ =	sdelay $0x3  }
0x37: {  	[smem:$0x3F91] =	sst s10  }
0x38: {  	s10 =	sld [smem:$0x3F92]  }
0x39: {  	_ = 	snop;
	(pc) =	sbr.ind lr, $3  }
0x3a: {  	_ = 	snop  }
0x3b: {  	_ = 	snop  }
0x3c: {  	p2 =	seq.s32 s10, $0x1;
	s10 =	sld [smem:$0x3F91]  }
0x3d: {  	_ =	shalt  }
0x3e: {  	_ =	shalt  }
0x3f: {  	_ =	shalt  }
0x40: {  	_ =	shalt  }
0x41: {  	_ =	shalt  }
0x42: {  	_ =	shalt  }
0x43: {  	_ =	shalt  }
0x44: {  	_ =	shalt  }
0x45: {  	_ =	shalt  }
0x46: {  	_ =	shalt  }
0x47: {  	_ =	shalt  }
0x48: {  	_ =	shalt  }
0x49: {  	_ =	shalt  }
0x4a: {  	_ =	shalt  }
0x4b: {  	_ =	shalt  }
0x4c: {  	_ =	shalt  }
0x4d: {  	_ =	shalt  }
0x4e: {  	_ =	shalt  }
0x4f: {  	_ =	shalt  }
0x50: {  	_ =	shalt  }
0x51: {  	_ =	shalt  }
0x52: {  	_ =	shalt  }
0x53: {  	_ =	shalt  }
0x54: {  	_ =	shalt  }
0x55: {  	_ =	shalt  }
0x56: {  	_ =	shalt  }
0x57: {  	_ =	shalt  }
0x58: {  	_ =	shalt  }
0x59: {  	_ =	shalt  }
0x5a: {  	_ =	shalt  }
0x5b: {  	_ =	shalt  }
0x5c: {  	_ =	shalt  }
0x5d: {  	_ =	shalt  }
0x5e: {  	_ =	shalt  }
0x5f: {  	_ =	shalt  }
0x60: {  	_ =	shalt  }
0x61: {  	_ =	shalt  }
0x62: {  	_ =	shalt  }
0x63: {  	_ =	shalt  }
0x64: {  	_ =	shalt  }
0x65: {  	_ =	shalt  }
0x66: {  	_ =	shalt  }
0x67: {  	_ =	shalt  }
0x68: {  	_ =	shalt  }
0x69: {  	_ =	shalt  }
0x6a: {  	_ =	shalt  }
0x6b: {  	_ =	shalt  }
0x6c: {  	_ =	shalt  }
0x6d: {  	_ =	shalt  }
0x6e: {  	_ =	shalt  }
0x6f: {  	_ =	shalt  }
0x70: {  	_ =	shalt  }
0x71: {  	_ =	shalt  }
0x72: {  	_ =	shalt  }
0x73: {  	_ =	shalt  }
0x74: {  	_ =	shalt  }
0x75: {  	_ =	shalt  }
0x76: {  	_ =	shalt  }
0x77: {  	_ =	shalt  }
0x78: {  	_ =	shalt  }
0x79: {  	_ =	shalt  }
0x7a: {  	_ =	shalt  }
0x7b: {  	_ =	shalt  }
0x7c: {  	_ =	shalt  }
0x7d: {  	_ =	shalt  }
0x7e: {  	_ =	shalt  }
0x7f: {  	_ =	shalt  }
0x80: {  	_ =	shalt  }
0x81: {  	_ =	shalt  }
0x82: {  	_ =	shalt  }
0x83: {  	_ =	shalt  }
0x84: {  	_ =	shalt  }
0x85: {  	_ =	shalt  }
0x86: {  	_ =	shalt  }
0x87: {  	_ =	shalt  }
.Lfunc_end0:
.L_simem_size_0:
called_computation.7_lowered:
.L_overlay_start_0:
0x88: {  	s2 =	sld [smem:$0x3FD9]  }
0x89: {  	s3 =	sld [smem:$0x3FFE];
	_ =	sdelay $0x1  }
0x8a: {  	s1 =	srdreg.scid  }
0x8b: {  	s0 =	sand.u32 $0x1, s1  }
0x8c: {  	s16 =	sshll.u32 s0, $0xA;
	s2 =	sadd.s32 s3, s2  }
0x8d: {  	s2 =	sadd.s32 s2, s16  }
0x8e: {  	[smem:$0x3F9D] =	sst s2  }
0x8f: {  	_ = 	snop  }
0x90: {  	(tm) =	ssettm $0x1  }
0x91: {  	s17 =	sld [smem:$0x3FFB];
	_ =	sdelay $0x3  }
0x92: {  	_ =	strace s17  }
0x93: {  	s2 =	sld [smem:$0x3FFC];
	_ =	sdelay $0x3  }
0x94: {  	_ =	strace s2  }
0x95: {  	s2 =	sld [smem:$0x3FFD];
	_ =	sdelay $0x3  }
0x96: {  	_ =	strace s2  }
0x97: {  	_ =	strace $0x8FFFFFFF  }
0x98: {  	s18 =	sld [smem:$0x3FDB];
	_ =	sdelay $0x1  }
0x99: {  	s19 =	simm.s32 $_scs_section_size  }
0x9a: {  	s4 =	simm.s32 $_size__tile_overlayer_lowered;
	s5 =	simm.s32 $_tile_overlayer_lowered  }
0x9b: {  	s22 =	simm.s32 $0x1BFF;
	s21 =	sshll.u32 s5, $0x1;
	s2 =	sadd.s32 s19, s18  }
0x9c: {  	s6 =	simm.s32 $0x0;
	s20 =	sshll.u32 s4, $0x1;
	s4 =	sadd.s32 s21, s2  }
0x9d: {  	[timem:s6], [sflag:s22] =	dma.local [hbm:s4], s20  }
0x9e: {  	_ =	swait.ge [sflag:s22], s20  }
0x9f: {  	s3 =	ssub.s32 $0x0, s20;
	[sflag:s22] =	ssyncset.done $0x0  }
0xa0: {  	[sflag:s22] =	ssyncadd.s32 s3;
	_ =	sdelay $0x1  }
0xa1: {  	s23 =	simm.s32 $0x1B8B  }
0xa2: {  	_ =	swait.ge [sflag:s23], $0x1  }
0xa3: {  	[sflag:s23] =	ssyncset.done $0x0  }
0xa4: {  	s25 =	simm.s32 $0x1B8E;
	s24 =	sld [smem:$0x3FFE];
	[sflag:s23] =	ssyncadd.s32 $0xFFFFFFFF  }
0xa5: {  	s26 =	simm.s32 $execute0_lowered;
	[smem:$0x3FD2] =	sst s25  }
0xa6: {  	s4 =	sshll.u32 s26, $0x1;
	_ =	strace $0x8000005B;
	[dreg:$0x1] =	wrdreg $0xFFFFFFFF  }
0xa7: {  	s28 =	simm.s32 $_size_execute0_lowered;
	s2 =	sadd.s32 s2, s4;
	[dreg:$0x0] =	wrdreg $0x0  }
0xa8: {  	s4 =	sshll.u32 s28, $0x1;
	[dreg:$0x2] =	wrdreg s2  }
0xa9: {  	[dreg:$0x3] =	wrdreg s4  }
0xaa: {  	[dreg:$0x4] =	wrdreg $0xC0  }
0xab: {  	_ =	task [dreg:s6], $0x5FFFF  }
0xac: {  	[dreg:$0x1] =	wrdreg $0xFFFFFFFF  }
0xad: {  	[dreg:$0x0] =	wrdreg $0x60  }
0xae: {  	[dreg:$0x2] =	wrdreg s24  }
0xaf: {  	[dreg:$0x3] =	wrdreg $0x9  }
0xb0: {  	_ =	task.clear_ibuf [dreg:s6], $0x4FFFF;
	_ =	strace $0x9000005B  }
0xb1: {  	s29 =	simm.s32 $0x9;
	_ =	strace $0x8000005D  }
0xb2: {  	_ =	swait.ge [sflag:s29], $0x1  }
0xb3: {  	[sflag:s29] =	ssyncadd.s32 $0xFFFFFFFF  }
0xb4: {  	_ =	strace $0x9000005D  }
0xb5: {  	_ =	sfence  }
0xb6: {  	s30 =	sld [smem:$0x0];
	_ =	sdelay $0x2  }
0xb7: {  	s31 =	sshll.u32 s1, $0xD;
	s1 =	sshrl.u32 s1, $0x2  }
0xb8: {  	s3 =	sand.u32 $0x4000, s31;
	s1 =	sadd.s32 s1, s30  }
0xb9: {  	s0 =	sor.u32 s3, s0;
	s1 =	sshll.u32 s1, $0x11  }
0xba: {  	s0 =	sor.u32 s1, s0  }
0xbb: {  	s0 =	sadd.s32 $0x8F2B, s0  }
0xbc: {  	[sflag:s0] =	ssyncadd.remote.s32 $0x1  }
0xbd: {  	_ =	sfence.sel $0xFFFF  }
0xbe: {  	[dreg:$0x0] =	wrdreg $0xFFFFFFFF;
	(pc) =	sbr.abs _section_cstart, $3  }
0xbf: {  	[dreg:$0x1] =	wrdreg $0xFFFFFFFF  }
0xc0: {  	_ =	task.clear_ibuf [dreg:s6], $0x2FFFF;
	_ =	strace $0x9FFFFFFF  }
0xc1: {  	(tm) =	ssettm $0x7FFFFFFF  }
tec
execute0_lowered:
.L_overlay_start_1:
0x0: {  	(tag) =	ssettag $0x1  }
0x1: {  	s6 =	rddreg [dreg:$0x0]  }
0x2: {  	s0 =	rddreg [dreg:$0x1];
	s3 =	srdreg.scid  }
0x3: {  	s1 =	stileid.u32;
	s2 =	simm.s32 $0x0;
	s17 =	simm.s32 $0x2800  }
0x4: {  	s18 =	simm.s32 $0x80;
	s19 =	simm.s32 $0x3C00;
	s20 =	simm.s32 $0x7C00  }
0x5: {  	s21 =	simm.s32 $0x1;
	s22 =	simm.s32 $0x2;
	s23 =	simm.s32 $0x0  }
0x6: {  	s12 =	sand.u32 $0x1, s3;
	s30 =	sshll.u32 s1, $0x1;
	[smem:$0x7FF] =	sst s2  }
0x7: {  	s3 =	sadd.s32 $0xAE00, s6;
	s5 =	sadd.s32 $0x3C000, s6;
	s8 =	smul.u32 $0x140000, s1  }
0x8: {  	s13 =	sadd.s32 $0xD9600, s6;
	s14 =	sadd.s32 $0x359600, s6;
	s16 =	smul.u32 $0x28000, s1  }
0x9: {  	s15 =	sadd.s32 $0x5D9600, s6;
	s4 =	sor.u32 s12, s30;
	s10 =	smul.u32 $0xA0000, s12  }
0xa: {  	_ =	strace $0x8000005C;
	s9 =	ssub.s32 $0x2, s12;
	s7 =	smul.u32 $0x280, s4  }
0xb: {  	s12 =	smul.u32 $0x14000, s12;
	s4 =	sadd.s32 $0x63200, s6;
	s11 =	sshrl.u32 s9, $0x1  }
0xc: {  	s9 =	ssub.s32 s9, s11;
	s8 =	sadd.s32 s10, s8;
	s7 =	sadd.s32 s7, s6  }
0xd: {  	s31 =	sshrl.u32 s8, $0x3;
	s8 =	smax.u32 s9, $0x1;
	s6 =	sadd.s32 $0x32000, s7  }
0xe: {  	s7 =	sadd.s32 $0x37000, s7;
	s9 =	sadd.s32 s31, s15;
	s10 =	sadd.s32 s31, s14  }
0xf: {  	s11 =	sadd.s32 s31, s13;
	s13 =	sadd.s32 s16, s13;
	s14 =	sadd.s32 s16, s14  }
0x10: {  	s15 =	sadd.s32 s16, s15;
	s16 =	simm.s32 $0x1400;
	s13 =	sadd.s32 s12, s13  }
0x11: {  	s14 =	sadd.s32 s12, s14;
	s15 =	sadd.s32 s12, s15;
	s12 =	sadd.s32 $0x800, s13  }
0x12: {  	s13 =	sadd.s32 $0x800, s14;
	s14 =	sadd.s32 $0x800, s15;
	s15 =	simm.s32 $0x3  }
.LBB2_1:
0x13: {  	[tilespmem:s2], [sflag:$0x3] =	stream.linear.gather [hbm4b:s6+s2], $0x1400, $0x38;
	[tilespmem:$0xBC00] =	vst v63  }
0x14: {  	_ =	swait.ge [sflag:s15], $0x1400  }
0x15: {  	[sflag:s15] =	ssyncset.done $0x0  }
0x16: {  	[sflag:s15] =	ssyncadd.s32 $0xFFFFEC00  }
0x17: {  	[tilespmem:s16], [sflag:$0x3] =	stream.linear.gather [hbm4b:s7+s2], $0x1400, $0x38;
	[tilespmem:$0xBC00] =	vst v63  }
0x18: {  	_ =	swait.ge [sflag:s15], $0x1400  }
0x19: {  	[sflag:s15] =	ssyncset.done $0x0  }
0x1a: {  	[sflag:s15] =	ssyncadd.s32 $0xFFFFEC00  }
0x1b: {  	[tilespmem:s17], [sflag:$0x3] =	stream.linear.gather [hbm4b:s6+s2], $0x1400, $0x38;
	[tilespmem:$0xBC00] =	vst v63  }
0x1c: {  	_ =	swait.ge [sflag:s15], $0x1400  }
0x1d: {  	[sflag:s15] =	ssyncset.done $0x0  }
0x1e: {  	s24 =	simm.s32 $0x0;
	[sflag:s15] =	ssyncadd.s32 $0xFFFFEC00  }
0x1f: {  	[tilespmem:s19], [sflag:$0x1] =	stream.indirect.gather [hbm4b:s3+s18], $0x80, s24, s18, $0xb8;
	[tilespmem:$0xBC00] =	vst v63  }
0x20: {  	s26 =	simm.s32 $0x80  }
0x21: {  	[tilespmem:s20], [sflag:$0x2] =	stream.indirect.gather [hbm4b:s3+s18], $0x80, s26, s18, $0xb8;
	[tilespmem:$0xBC00] =	vst v63  }
0x22: {  	_ =	swait.ge [sflag:s21], $0x4000  }
0x23: {  	[sflag:s21] =	ssyncset.done $0x0  }
0x24: {  	s28 =	sadd.s32 $0x0, s11;
	[sflag:s21] =	ssyncadd.s32 $0xFFFFC000  }
0x25: {  	[hbm4b:s28+s2] =	stream.linear.scatter [tilespmem:s19], [sflag:$0x3], $0x4000, $0x38;
	[tilespmem:$0xBC00] =	vst v63  }
0x26: {  	_ =	swait.ge [sflag:s15], $0x4000  }
0x27: {  	[sflag:s15] =	ssyncset.done $0x0  }
0x28: {  	[sflag:s15] =	ssyncadd.s32 $0xFFFFC000  }
0x29: {  	_ =	swait.ge [sflag:s22], $0x4000  }
0x2a: {  	[sflag:s22] =	ssyncset.done $0x0  }
0x2b: {  	s29 =	sadd.s32 $0x0, s12;
	[sflag:s22] =	ssyncadd.s32 $0xFFFFC000  }
0x2c: {  	[hbm4b:s29+s2] =	stream.linear.scatter [tilespmem:s20], [sflag:$0x3], $0x4000, $0x38;
	[tilespmem:$0xBC00] =	vst v63  }
0x2d: {  	_ =	swait.ge [sflag:s15], $0x4000  }
0x2e: {  	[sflag:s15] =	ssyncset.done $0x0  }
0x2f: {  	s30 =	simm.s32 $0x1400;
	[sflag:s15] =	ssyncadd.s32 $0xFFFFC000  }
0x30: {  	[tilespmem:s19], [sflag:$0x1] =	stream.indirect.gather [hbm4b:s4+s18], $0x80, s30, s18, $0xb8;
	[tilespmem:$0xBC00] =	vst v63  }
0x31: {  	s31 =	simm.s32 $0x1480  }
0x32: {  	[tilespmem:s20], [sflag:$0x2] =	stream.indirect.gather [hbm4b:s4+s18], $0x80, s31, s18, $0xb8;
	[tilespmem:$0xBC00] =	vst v63  }
0x33: {  	_ =	swait.ge [sflag:s21], $0x4000  }
0x34: {  	[sflag:s21] =	ssyncset.done $0x0  }
0x35: {  	s25 =	sadd.s32 $0x0, s10;
	[sflag:s21] =	ssyncadd.s32 $0xFFFFC000  }
0x36: {  	[hbm4b:s25+s2] =	stream.linear.scatter [tilespmem:s19], [sflag:$0x3], $0x4000, $0x38;
	[tilespmem:$0xBC00] =	vst v63  }
0x37: {  	_ =	swait.ge [sflag:s15], $0x4000  }
0x38: {  	[sflag:s15] =	ssyncset.done $0x0  }
0x39: {  	[sflag:s15] =	ssyncadd.s32 $0xFFFFC000  }
0x3a: {  	_ =	swait.ge [sflag:s22], $0x4000  }
0x3b: {  	[sflag:s22] =	ssyncset.done $0x0  }
0x3c: {  	s26 =	sadd.s32 $0x0, s13;
	[sflag:s22] =	ssyncadd.s32 $0xFFFFC000  }
0x3d: {  	[hbm4b:s26+s2] =	stream.linear.scatter [tilespmem:s20], [sflag:$0x3], $0x4000, $0x38;
	[tilespmem:$0xBC00] =	vst v63  }
0x3e: {  	_ =	swait.ge [sflag:s15], $0x4000  }
0x3f: {  	[sflag:s15] =	ssyncset.done $0x0  }
0x40: {  	s28 =	simm.s32 $0x2800;
	[sflag:s15] =	ssyncadd.s32 $0xFFFFC000  }
0x41: {  	[tilespmem:s19], [sflag:$0x1] =	stream.indirect.gather [hbm4b:s5+s18], $0x80, s28, s18, $0xb8;
	[tilespmem:$0xBC00] =	vst v63  }
0x42: {  	s29 =	simm.s32 $0x2880  }
0x43: {  	[tilespmem:s20], [sflag:$0x2] =	stream.indirect.gather [hbm4b:s5+s18], $0x80, s29, s18, $0xb8;
	[tilespmem:$0xBC00] =	vst v63  }
0x44: {  	_ =	swait.ge [sflag:s21], $0x4000  }
0x45: {  	[sflag:s21] =	ssyncset.done $0x0  }
0x46: {  	s30 =	sadd.s32 $0x0, s9;
	[sflag:s21] =	ssyncadd.s32 $0xFFFFC000  }
0x47: {  	[hbm4b:s30+s2] =	stream.linear.scatter [tilespmem:s19], [sflag:$0x3], $0x4000, $0x38;
	[tilespmem:$0xBC00] =	vst v63  }
0x48: {  	_ =	swait.ge [sflag:s15], $0x4000  }
0x49: {  	[sflag:s15] =	ssyncset.done $0x0  }
0x4a: {  	[sflag:s15] =	ssyncadd.s32 $0xFFFFC000  }
0x4b: {  	_ =	swait.ge [sflag:s22], $0x4000  }
0x4c: {  	[sflag:s22] =	ssyncset.done $0x0  }
0x4d: {  	s31 =	sadd.s32 $0x0, s14;
	[sflag:s22] =	ssyncadd.s32 $0xFFFFC000  }
0x4e: {  	[hbm4b:s31+s2] =	stream.linear.scatter [tilespmem:s20], [sflag:$0x3], $0x4000, $0x38;
	[tilespmem:$0xBC00] =	vst v63  }
0x4f: {  	s24 =	simm.s32 $0x1000;
	_ =	swait.ge [sflag:s15], $0x4000  }
0x50: {  	s25 =	simm.s32 $0x2980;
	s26 =	simm.s32 $0x2000;
	[sflag:s15] =	ssyncset.done $0x0  }
.LBB2_2:
0x51: {  	p0 =	sne.s32 s26, $0x13000;
	s28 =	sadd.s32 $0xFFFFD780, s25;
	[sflag:s15] =	ssyncadd.s32 $0xFFFFC000  }
0x52: {  	[tilespmem:s19], [sflag:$0x1] =	stream.indirect.gather [hbm4b:s3+s18], $0x80, s28, s18, $0xb8;
	[tilespmem:$0xBC00] =	vst v63  }
0x53: {  	s29 =	sadd.s32 $0xFFFFD800, s25;
	s28 =	smov.u32 s26;
	s26 =	sadd.s32 $0x1000, s26  }
0x54: {  	[tilespmem:s20], [sflag:$0x2] =	stream.indirect.gather [hbm4b:s3+s18], $0x80, s29, s18, $0xb8;
	[tilespmem:$0xBC00] =	vst v63  }
0x55: {  	_ =	swait.ge [sflag:s21], $0x4000  }
0x56: {  	[sflag:s21] =	ssyncset.done $0x0  }
0x57: {  	s29 =	sadd.s32 s24, s11;
	[sflag:s21] =	ssyncadd.s32 $0xFFFFC000  }
0x58: {  	[hbm4b:s29+s2] =	stream.linear.scatter [tilespmem:s19], [sflag:$0x3], $0x4000, $0x38;
	[tilespmem:$0xBC00] =	vst v63  }
0x59: {  	_ =	swait.ge [sflag:s15], $0x4000  }
0x5a: {  	[sflag:s15] =	ssyncset.done $0x0  }
0x5b: {  	[sflag:s15] =	ssyncadd.s32 $0xFFFFC000  }
0x5c: {  	_ =	swait.ge [sflag:s22], $0x4000  }
0x5d: {  	[sflag:s22] =	ssyncset.done $0x0  }
0x5e: {  	s29 =	sadd.s32 s24, s12;
	[sflag:s22] =	ssyncadd.s32 $0xFFFFC000  }
0x5f: {  	[hbm4b:s29+s2] =	stream.linear.scatter [tilespmem:s20], [sflag:$0x3], $0x4000, $0x38;
	[tilespmem:$0xBC00] =	vst v63  }
0x60: {  	_ =	swait.ge [sflag:s15], $0x4000  }
0x61: {  	[sflag:s15] =	ssyncset.done $0x0  }
0x62: {  	s29 =	sadd.s32 $0xFFFFEB80, s25;
	[sflag:s15] =	ssyncadd.s32 $0xFFFFC000  }
0x63: {  	[tilespmem:s19], [sflag:$0x1] =	stream.indirect.gather [hbm4b:s4+s18], $0x80, s29, s18, $0xb8;
	[tilespmem:$0xBC00] =	vst v63  }
0x64: {  	s29 =	sadd.s32 $0xFFFFEC00, s25  }
0x65: {  	[tilespmem:s20], [sflag:$0x2] =	stream.indirect.gather [hbm4b:s4+s18], $0x80, s29, s18, $0xb8;
	[tilespmem:$0xBC00] =	vst v63  }
0x66: {  	_ =	swait.ge [sflag:s21], $0x4000  }
0x67: {  	[sflag:s21] =	ssyncset.done $0x0  }
0x68: {  	s29 =	sadd.s32 s24, s10;
	[sflag:s21] =	ssyncadd.s32 $0xFFFFC000  }
0x69: {  	[hbm4b:s29+s2] =	stream.linear.scatter [tilespmem:s19], [sflag:$0x3], $0x4000, $0x38;
	[tilespmem:$0xBC00] =	vst v63  }
0x6a: {  	_ =	swait.ge [sflag:s15], $0x4000  }
0x6b: {  	[sflag:s15] =	ssyncset.done $0x0  }
0x6c: {  	[sflag:s15] =	ssyncadd.s32 $0xFFFFC000  }
0x6d: {  	_ =	swait.ge [sflag:s22], $0x4000  }
0x6e: {  	[sflag:s22] =	ssyncset.done $0x0  }
0x6f: {  	s29 =	sadd.s32 s24, s13;
	[sflag:s22] =	ssyncadd.s32 $0xFFFFC000  }
0x70: {  	[hbm4b:s29+s2] =	stream.linear.scatter [tilespmem:s20], [sflag:$0x3], $0x4000, $0x38;
	[tilespmem:$0xBC00] =	vst v63  }
0x71: {  	_ =	swait.ge [sflag:s15], $0x4000  }
0x72: {  	[sflag:s15] =	ssyncset.done $0x0  }
0x73: {  	s29 =	sadd.s32 $0xFFFFFF80, s25;
	[sflag:s15] =	ssyncadd.s32 $0xFFFFC000  }
0x74: {  	[tilespmem:s19], [sflag:$0x1] =	stream.indirect.gather [hbm4b:s5+s18], $0x80, s29, s18, $0xb8;
	[tilespmem:$0xBC00] =	vst v63  }
0x75: {  	_ = 	snop  }
0x76: {  	[tilespmem:s20], [sflag:$0x2] =	stream.indirect.gather [hbm4b:s5+s18], $0x80, s25, s18, $0xb8;
	[tilespmem:$0xBC00] =	vst v63  }
0x77: {  	_ =	swait.ge [sflag:s21], $0x4000  }
0x78: {  	[sflag:s21] =	ssyncset.done $0x0  }
0x79: {  	s29 =	sadd.s32 s24, s9;
	[sflag:s21] =	ssyncadd.s32 $0xFFFFC000  }
0x7a: {  	[hbm4b:s29+s2] =	stream.linear.scatter [tilespmem:s19], [sflag:$0x3], $0x4000, $0x38;
	[tilespmem:$0xBC00] =	vst v63  }
0x7b: {  	_ =	swait.ge [sflag:s15], $0x4000  }
0x7c: {  	[sflag:s15] =	ssyncset.done $0x0  }
0x7d: {  	[sflag:s15] =	ssyncadd.s32 $0xFFFFC000  }
0x7e: {  	_ =	swait.ge [sflag:s22], $0x4000  }
.Ltmp0:
0x7f: {  	[sflag:s22] =	ssyncset.done $0x0;
	(pc) =	sbr.rel @p0 .LBB2_2-.Ltmp0, $4  }
0x80: {  	s29 =	sadd.s32 s24, s14;
	s24 =	smov.u32 s28;
	[sflag:s22] =	ssyncadd.s32 $0xFFFFC000  }
0x81: {  	[hbm4b:s29+s2] =	stream.linear.scatter [tilespmem:s20], [sflag:$0x3], $0x4000, $0x38;
	[tilespmem:$0xBC00] =	vst v63  }
0x82: {  	_ =	swait.ge [sflag:s15], $0x4000  }
0x83: {  	s25 =	sadd.s32 $0x100, s25;
	[sflag:s15] =	ssyncset.done $0x0  }
0x84: {  	s26 =	sadd.s32 $0xFFFFD780, s25;
	[sflag:s15] =	ssyncadd.s32 $0xFFFFC000  }
0x85: {  	[tilespmem:s19], [sflag:$0x1] =	stream.indirect.gather [hbm4b:s3+s18], $0x80, s26, s18, $0xb8;
	[tilespmem:$0xBC00] =	vst v63  }
0x86: {  	s30 =	sadd.s32 $0xFFFFD800, s25  }
0x87: {  	[tilespmem:s20], [sflag:$0x2] =	stream.indirect.gather [hbm4b:s3+s18], $0x80, s30, s18, $0xb8;
	[tilespmem:$0xBC00] =	vst v63  }
0x88: {  	_ =	swait.ge [sflag:s21], $0x4000  }
0x89: {  	[sflag:s21] =	ssyncset.done $0x0  }
0x8a: {  	s31 =	sadd.s32 s24, s11;
	[sflag:s21] =	ssyncadd.s32 $0xFFFFC000  }
0x8b: {  	[hbm4b:s31+s2] =	stream.linear.scatter [tilespmem:s19], [sflag:$0x3], $0x4000, $0x38;
	[tilespmem:$0xBC00] =	vst v63  }
0x8c: {  	_ =	swait.ge [sflag:s15], $0x4000  }
0x8d: {  	[sflag:s15] =	ssyncset.done $0x0  }
0x8e: {  	[sflag:s15] =	ssyncadd.s32 $0xFFFFC000  }
0x8f: {  	_ =	swait.ge [sflag:s22], $0x4000  }
0x90: {  	[sflag:s22] =	ssyncset.done $0x0  }
0x91: {  	s28 =	sadd.s32 s24, s12;
	[sflag:s22] =	ssyncadd.s32 $0xFFFFC000  }
0x92: {  	[hbm4b:s28+s2] =	stream.linear.scatter [tilespmem:s20], [sflag:$0x3], $0x4000, $0x38;
	[tilespmem:$0xBC00] =	vst v63  }
0x93: {  	_ =	swait.ge [sflag:s15], $0x4000  }
0x94: {  	[sflag:s15] =	ssyncset.done $0x0  }
0x95: {  	s29 =	sadd.s32 $0xFFFFEB80, s25;
	[sflag:s15] =	ssyncadd.s32 $0xFFFFC000  }
0x96: {  	[tilespmem:s19], [sflag:$0x1] =	stream.indirect.gather [hbm4b:s4+s18], $0x80, s29, s18, $0xb8;
	[tilespmem:$0xBC00] =	vst v63  }
0x97: {  	s30 =	sadd.s32 $0xFFFFEC00, s25  }
0x98: {  	[tilespmem:s20], [sflag:$0x2] =	stream.indirect.gather [hbm4b:s4+s18], $0x80, s30, s18, $0xb8;
	[tilespmem:$0xBC00] =	vst v63  }
0x99: {  	_ =	swait.ge [sflag:s21], $0x4000  }
0x9a: {  	[sflag:s21] =	ssyncset.done $0x0  }
0x9b: {  	s31 =	sadd.s32 s24, s10;
	[sflag:s21] =	ssyncadd.s32 $0xFFFFC000  }
0x9c: {  	[hbm4b:s31+s2] =	stream.linear.scatter [tilespmem:s19], [sflag:$0x3], $0x4000, $0x38;
	[tilespmem:$0xBC00] =	vst v63  }
0x9d: {  	_ =	swait.ge [sflag:s15], $0x4000  }
0x9e: {  	[sflag:s15] =	ssyncset.done $0x0  }
0x9f: {  	[sflag:s15] =	ssyncadd.s32 $0xFFFFC000  }
0xa0: {  	_ =	swait.ge [sflag:s22], $0x4000  }
0xa1: {  	[sflag:s22] =	ssyncset.done $0x0  }
0xa2: {  	s28 =	sadd.s32 s24, s13;
	[sflag:s22] =	ssyncadd.s32 $0xFFFFC000  }
0xa3: {  	[hbm4b:s28+s2] =	stream.linear.scatter [tilespmem:s20], [sflag:$0x3], $0x4000, $0x38;
	[tilespmem:$0xBC00] =	vst v63  }
0xa4: {  	_ =	swait.ge [sflag:s15], $0x4000  }
0xa5: {  	[sflag:s15] =	ssyncset.done $0x0  }
0xa6: {  	s29 =	sadd.s32 $0xFFFFFF80, s25;
	[sflag:s15] =	ssyncadd.s32 $0xFFFFC000  }
0xa7: {  	[tilespmem:s19], [sflag:$0x1] =	stream.indirect.gather [hbm4b:s5+s18], $0x80, s29, s18, $0xb8;
	[tilespmem:$0xBC00] =	vst v63  }
0xa8: {  	_ = 	snop  }
0xa9: {  	[tilespmem:s20], [sflag:$0x2] =	stream.indirect.gather [hbm4b:s5+s18], $0x80, s25, s18, $0xb8;
	[tilespmem:$0xBC00] =	vst v63  }
0xaa: {  	_ =	swait.ge [sflag:s21], $0x4000  }
0xab: {  	[sflag:s21] =	ssyncset.done $0x0  }
0xac: {  	s30 =	sadd.s32 s24, s9;
	[sflag:s21] =	ssyncadd.s32 $0xFFFFC000  }
0xad: {  	[hbm4b:s30+s2] =	stream.linear.scatter [tilespmem:s19], [sflag:$0x3], $0x4000, $0x38;
	[tilespmem:$0xBC00] =	vst v63  }
0xae: {  	_ =	swait.ge [sflag:s15], $0x4000  }
0xaf: {  	[sflag:s15] =	ssyncset.done $0x0  }
0xb0: {  	[sflag:s15] =	ssyncadd.s32 $0xFFFFC000  }
0xb1: {  	s23 =	sadd.s32 $0x1, s23;
	_ =	swait.ge [sflag:s22], $0x4000  }
0xb2: {  	p0 =	sne.s32 s23, s8;
	[sflag:s22] =	ssyncset.done $0x0  }
.Ltmp1:
0xb3: {  	s31 =	sadd.s32 s24, s14;
	[sflag:s22] =	ssyncadd.s32 $0xFFFFC000;
	(pc) =	sbr.rel @p0 .LBB2_1-.Ltmp1, $4  }
0xb4: {  	[hbm4b:s31+s2] =	stream.linear.scatter [tilespmem:s20], [sflag:$0x3], $0x4000, $0x38;
	[tilespmem:$0xBC00] =	vst v63  }
0xb5: {  	_ =	swait.ge [sflag:s15], $0x4000  }
0xb6: {  	[sflag:s15] =	ssyncset.done $0x0  }
0xb7: {  	[sflag:s15] =	ssyncadd.s32 $0xFFFFC000  }
0xb8: {  	_ =	sfence.sel $0x180000  }
0xb9: {  	[bflag:$0x0] =	sbarrier.arrive $0xFFFF  }
0xba: {  	p0 =	sne.s32 s1, $0x0;
	_ =	strace $0x9000005C  }
0xbb: {  	s0 =	sadd.s32 @!p0 $0x100000, s0;
	[bflag:$0x2] =	sbarrier.arrive $0xFFFF  }
0xbc: {  	[sflag:s0] =	ssyncadd.tile.s32 @!p0 $0x1;
	_ =	shalt  }
.Lfunc_end2:
_tile_overlayer_lowered:
.L_overlay_start_2:
0xbd: {  	(tag) =	ssettag $0x2  }
0xbe: {  	s0 =	rddreg [dreg:$0x0];
	s2 =	stileid.u32  }
0xbf: {  	s1 =	rddreg [dreg:$0x1];
	p0 =	sne.s32 s2, $0x0  }
0xc0: {  	s3 =	rddreg [dreg:$0x2];
	[bflag:$0x3] =	sbarrier.arrive $0xFFFF;
	s2 =	simm.s32 @!p0 $0x1C03  }
0xc1: {  	[timem:s3], [sflag:s2] =	dma.local @!p0 [hbm:s0], s1  }
0xc2: {  	s0 =	simm.s32 @!p0 $0x3  }
0xc3: {  	_ =	swait.ge @!p0 [sflag:s0], s1  }
0xc4: {  	s1 =	ssub.s32 @!p0 $0x0, s1;
	[sflag:s0] =	ssyncset.done @!p0 $0x0  }
0xc5: {  	[sflag:s0] =	ssyncadd.s32 @!p0 s1  }
0xc6: {  	[bflag:$0x3] =	sbarrier.arrive $0xFFFF  }
0xc7: {  	_ =	shalt  }

// kernel: kernel.46.cloned.1.call-start
scs
__scs_entry_jumppad:
0x0: {  	(pc) =	sbr.rel $0x88, $3  }
0x1: {  	(tag) =	ssettag $0x0;
	lr =	simm.s32 $0x1  }
0x2: {  	[smem:$0x3F76] =	sst lr;
	_ =	strace $0xD0000000  }
0x3: {  	_ = 	snop  }
0x4: {  	_ = 	snop  }
0x5: {  	_ = 	snop  }
0x6: {  	_ = 	snop  }
0x7: {  	_ = 	snop  }
__scs_overlays_trampoline_lowered:
0x8: {  	[smem:$0x3F85] =	sst s0  }
0x9: {  	[smem:$0x3F86] =	sst s1  }
0xa: {  	[smem:$0x3F87] =	sst s2  }
0xb: {  	[smem:$0x3F88] =	sst s3  }
0xc: {  	[smem:$0x3F89] =	sst s4  }
0xd: {  	[smem:$0x3F8A] =	sst s5  }
0xe: {  	[smem:$0x3F8B] =	sst s6  }
0xf: {  	[smem:$0x3F8C] =	sst s7  }
0x10: {  	[smem:$0x3F8D] =	sst s8  }
0x11: {  	[smem:$0x3F8E] =	sst s9;
	s0 =	simm.s32 @!p0 $0x0  }
0x12: {  	s1 =	sld [smem:$0x3F74];
	s0 =	simm.s32 @p0 $0x1  }
0x13: {  	[smem:$0x3F8F] =	sst s0;
	s0 =	simm.s32 @!p1 $0x0  }
0x14: {  	s2 =	sld [smem:$0x3F73];
	s0 =	simm.s32 @p1 $0x1  }
0x15: {  	[smem:$0x3F90] =	sst s0;
	s0 =	simm.s32 @!p2 $0x0  }
0x16: {  	s3 =	sld [smem:$0x3FDB];
	s0 =	simm.s32 @p2 $0x1  }
0x17: {  	s4 =	simm.s32 $0x1BF5;
	[smem:$0x3F92] =	sst s0  }
0x18: {  	s0 =	sld [smem:$0x3F75];
	_ =	swait.ge [sflag:s4], $0x0  }
0x19: {  	s7 =	sld [smem:$0x3F76]  }
0x1a: {  	s8 =	sadd.s32 $0xFFFFE003, lr  }
0x1b: {  	s9 =	sadd.s32 $0xFFFFFEF7, lr;
	s5 =	simm.s32 $0xFFFFFFFF;
	p2 =	slt.u32 s8, $0xFFFFF086  }
0x1c: {  	p1 =	slt.u32 s9, $0xF7A;
	s5 =	simm.s32 @!p2 $0x0  }
0x1d: {  	s5 =	simm.s32 @p1 $0x1;
	p0 =	seq.s32 s7, s2  }
0x1e: {  	s7 =	smul.u32 @!p0 $0xF7A, s2;
	p2 =	seq.s32 @!p0 s5, $0x0  }
0x1f: {  	s9 =	smul.u32 $0xF7A, s1;
	s8 =	simm.s32 @!p0 $0x1BF5;
	p2 =	por !p2, p0  }
0x20: {  	[sflag:s8] =	ssyncset.s32 @!p0 $0xFFFFF086;
	s6 =	sadd.s32 @!p0 s3, s7;
	s7 =	simm.s32 @!p0 $0x108  }
0x21: {  	s3 =	sadd.s32 s3, s9;
	s6 =	sadd.s32 @!p0 $0x88, s6;
	s7 =	simm.s32 @p2 $0x1082  }
0x22: {  	[simem:s7], [sflag:s8] =	dma.local @!p0 [hbm:s6], $0xF7A  }
0x23: {  	s9 =	sor.u32 $0xD0000000, s2;
	s6 =	simm.s32 $0x108;
	_ =	swait.ge @!p0 [sflag:s8], $0x0  }
0x24: {  	s3 =	sadd.s32 $0x88, s3;
	s6 =	simm.s32 @!p1 $0x1082;
	[sflag:s4] =	ssyncset.s32 $0xFFFFF086  }
0x25: {  	[simem:s6], [sflag:s4] =	dma.local [hbm:s3], $0xF7A  }
0x26: {  	[smem:$0x3F76] =	sst s1;
	(tag) =	ssettag s2;
	_ =	strace s9  }
0x27: {  	s1 =	sld [smem:$0x3F86]  }
0x28: {  	s2 =	sld [smem:$0x3F87]  }
0x29: {  	s4 =	sld [smem:$0x3F89]  }
0x2a: {  	p0 =	seq.s32 s5, $0x0;
	s5 =	sld [smem:$0x3F8A]  }
0x2b: {  	s6 =	sld [smem:$0x3F8B]  }
0x2c: {  	s7 =	sld [smem:$0x3F8C]  }
0x2d: {  	s3 =	simm.s32 $0x108;
	s8 =	sld [smem:$0x3F8D]  }
0x2e: {  	s3 =	simm.s32 @!p0 $0x1082;
	s9 =	sld [smem:$0x3F8E]  }
0x2f: {  	lr =	sadd.s32 s0, s3;
	s0 =	sld [smem:$0x3F85]  }
0x30: {  	s3 =	sld [smem:$0x3F88]  }
0x31: {  	[smem:$0x3F91] =	sst s10  }
0x32: {  	s10 =	sld [smem:$0x3F8F];
	_ =	sdelay $0x3  }
0x33: {  	p0 =	seq.s32 s10, $0x1;
	s10 =	sld [smem:$0x3F91];
	_ =	sdelay $0x3  }
0x34: {  	[smem:$0x3F91] =	sst s10  }
0x35: {  	s10 =	sld [smem:$0x3F90];
	_ =	sdelay $0x3  }
0x36: {  	p1 =	seq.s32 s10, $0x1;
	s10 =	sld [smem:$0x3F91];
	_ =	sdelay $0x3  }
0x37: {  	[smem:$0x3F91] =	sst s10  }
0x38: {  	s10 =	sld [smem:$0x3F92]  }
0x39: {  	_ = 	snop;
	(pc) =	sbr.ind lr, $3  }
0x3a: {  	_ = 	snop  }
0x3b: {  	_ = 	snop  }
0x3c: {  	p2 =	seq.s32 s10, $0x1;
	s10 =	sld [smem:$0x3F91]  }
0x3d: {  	_ =	shalt  }
0x3e: {  	_ =	shalt  }
0x3f: {  	_ =	shalt  }
0x40: {  	_ =	shalt  }
0x41: {  	_ =	shalt  }
0x42: {  	_ =	shalt  }
0x43: {  	_ =	shalt  }
0x44: {  	_ =	shalt  }
0x45: {  	_ =	shalt  }
0x46: {  	_ =	shalt  }
0x47: {  	_ =	shalt  }
0x48: {  	_ =	shalt  }
0x49: {  	_ =	shalt  }
0x4a: {  	_ =	shalt  }
0x4b: {  	_ =	shalt  }
0x4c: {  	_ =	shalt  }
0x4d: {  	_ =	shalt  }
0x4e: {  	_ =	shalt  }
0x4f: {  	_ =	shalt  }
0x50: {  	_ =	shalt  }
0x51: {  	_ =	shalt  }
0x52: {  	_ =	shalt  }
0x53: {  	_ =	shalt  }
0x54: {  	_ =	shalt  }
0x55: {  	_ =	shalt  }
0x56: {  	_ =	shalt  }
0x57: {  	_ =	shalt  }
0x58: {  	_ =	shalt  }
0x59: {  	_ =	shalt  }
0x5a: {  	_ =	shalt  }
0x5b: {  	_ =	shalt  }
0x5c: {  	_ =	shalt  }
0x5d: {  	_ =	shalt  }
0x5e: {  	_ =	shalt  }
0x5f: {  	_ =	shalt  }
0x60: {  	_ =	shalt  }
0x61: {  	_ =	shalt  }
0x62: {  	_ =	shalt  }
0x63: {  	_ =	shalt  }
0x64: {  	_ =	shalt  }
0x65: {  	_ =	shalt  }
0x66: {  	_ =	shalt  }
0x67: {  	_ =	shalt  }
0x68: {  	_ =	shalt  }
0x69: {  	_ =	shalt  }
0x6a: {  	_ =	shalt  }
0x6b: {  	_ =	shalt  }
0x6c: {  	_ =	shalt  }
0x6d: {  	_ =	shalt  }
0x6e: {  	_ =	shalt  }
0x6f: {  	_ =	shalt  }
0x70: {  	_ =	shalt  }
0x71: {  	_ =	shalt  }
0x72: {  	_ =	shalt  }
0x73: {  	_ =	shalt  }
0x74: {  	_ =	shalt  }
0x75: {  	_ =	shalt  }
0x76: {  	_ =	shalt  }
0x77: {  	_ =	shalt  }
0x78: {  	_ =	shalt  }
0x79: {  	_ =	shalt  }
0x7a: {  	_ =	shalt  }
0x7b: {  	_ =	shalt  }
0x7c: {  	_ =	shalt  }
0x7d: {  	_ =	shalt  }
0x7e: {  	_ =	shalt  }
0x7f: {  	_ =	shalt  }
0x80: {  	_ =	shalt  }
0x81: {  	_ =	shalt  }
0x82: {  	_ =	shalt  }
0x83: {  	_ =	shalt  }
0x84: {  	_ =	shalt  }
0x85: {  	_ =	shalt  }
0x86: {  	_ =	shalt  }
0x87: {  	_ =	shalt  }
.Lfunc_end0:
.L_simem_size_0:
called_computation.8_lowered:
.L_overlay_start_0:
0x88: {  	s2 =	sld [smem:$0x3FD9]  }
0x89: {  	s3 =	sld [smem:$0x3FFE];
	_ =	sdelay $0x1  }
0x8a: {  	s1 =	srdreg.scid  }
0x8b: {  	s0 =	sand.u32 $0x1, s1  }
0x8c: {  	s16 =	sshll.u32 s0, $0xA;
	s2 =	sadd.s32 s3, s2  }
0x8d: {  	s2 =	sadd.s32 s2, s16  }
0x8e: {  	[smem:$0x3F9D] =	sst s2  }
0x8f: {  	_ = 	snop  }
0x90: {  	(tm) =	ssettm $0x1  }
0x91: {  	s17 =	sld [smem:$0x3FFB];
	_ =	sdelay $0x3  }
0x92: {  	_ =	strace s17  }
0x93: {  	s2 =	sld [smem:$0x3FFC];
	_ =	sdelay $0x3  }
0x94: {  	_ =	strace s2  }
0x95: {  	s2 =	sld [smem:$0x3FFD];
	_ =	sdelay $0x3  }
0x96: {  	_ =	strace s2  }
0x97: {  	_ =	strace $0x8FFFFFFF  }
0x98: {  	s18 =	sld [smem:$0x3FDB];
	_ =	sdelay $0x1  }
0x99: {  	s19 =	simm.s32 $_scs_section_size  }
0x9a: {  	s4 =	simm.s32 $_size__tile_overlayer_lowered;
	s5 =	simm.s32 $_tile_overlayer_lowered  }
0x9b: {  	s22 =	simm.s32 $0x1BFF;
	s21 =	sshll.u32 s5, $0x1;
	s2 =	sadd.s32 s19, s18  }
0x9c: {  	s6 =	simm.s32 $0x0;
	s20 =	sshll.u32 s4, $0x1;
	s4 =	sadd.s32 s21, s2  }
0x9d: {  	[timem:s6], [sflag:s22] =	dma.local [hbm:s4], s20  }
0x9e: {  	_ =	swait.ge [sflag:s22], s20  }
0x9f: {  	s3 =	ssub.s32 $0x0, s20;
	[sflag:s22] =	ssyncset.done $0x0  }
0xa0: {  	[sflag:s22] =	ssyncadd.s32 s3;
	_ =	sdelay $0x1  }
0xa1: {  	s23 =	simm.s32 $0x1B8B  }
0xa2: {  	_ =	swait.ge [sflag:s23], $0x1  }
0xa3: {  	[sflag:s23] =	ssyncset.done $0x0  }
0xa4: {  	s25 =	simm.s32 $0x1B8E;
	s24 =	sld [smem:$0x3FFE];
	[sflag:s23] =	ssyncadd.s32 $0xFFFFFFFF  }
0xa5: {  	s26 =	simm.s32 $execute0_lowered;
	[smem:$0x3FD2] =	sst s25  }
0xa6: {  	s4 =	sshll.u32 s26, $0x1;
	_ =	strace $0x8000005E;
	[dreg:$0x1] =	wrdreg $0xFFFFFFFF  }
0xa7: {  	s28 =	simm.s32 $_size_execute0_lowered;
	s2 =	sadd.s32 s2, s4;
	[dreg:$0x0] =	wrdreg $0x0  }
0xa8: {  	s4 =	sshll.u32 s28, $0x1;
	[dreg:$0x2] =	wrdreg s2  }
0xa9: {  	[dreg:$0x3] =	wrdreg s4  }
0xaa: {  	[dreg:$0x4] =	wrdreg $0xC0  }
0xab: {  	_ =	task [dreg:s6], $0x5FFFF  }
0xac: {  	[dreg:$0x1] =	wrdreg $0xFFFFFFFF  }
0xad: {  	[dreg:$0x0] =	wrdreg $0x60  }
0xae: {  	[dreg:$0x2] =	wrdreg s24  }
0xaf: {  	[dreg:$0x3] =	wrdreg $0x54000  }
0xb0: {  	[dreg:$0x4] =	wrdreg $0x9  }
0xb1: {  	_ =	task.clear_ibuf [dreg:s6], $0x5FFFF;
	_ =	strace $0x9000005E  }
0xb2: {  	s29 =	simm.s32 $0x9;
	_ =	strace $0x80000060  }
0xb3: {  	_ =	swait.ge [sflag:s29], $0x1  }
0xb4: {  	[sflag:s29] =	ssyncadd.s32 $0xFFFFFFFF  }
0xb5: {  	_ =	strace $0x90000060  }
0xb6: {  	_ =	sfence  }
0xb7: {  	s30 =	sld [smem:$0x0];
	_ =	sdelay $0x2  }
0xb8: {  	s31 =	sshll.u32 s1, $0xD;
	s1 =	sshrl.u32 s1, $0x2  }
0xb9: {  	s3 =	sand.u32 $0x4000, s31;
	s1 =	sadd.s32 s1, s30  }
0xba: {  	s0 =	sor.u32 s3, s0;
	s1 =	sshll.u32 s1, $0x11  }
0xbb: {  	s0 =	sor.u32 s1, s0  }
0xbc: {  	s0 =	sadd.s32 $0x8F2B, s0  }
0xbd: {  	[sflag:s0] =	ssyncadd.remote.s32 $0x1  }
0xbe: {  	_ =	sfence.sel $0xFFFF  }
0xbf: {  	[dreg:$0x0] =	wrdreg $0xFFFFFFFF;
	(pc) =	sbr.abs _section_cstart, $3  }
0xc0: {  	[dreg:$0x1] =	wrdreg $0xFFFFFFFF  }
0xc1: {  	_ =	task.clear_ibuf [dreg:s6], $0x2FFFF;
	_ =	strace $0x9FFFFFFF  }
0xc2: {  	(tm) =	ssettm $0x7FFFFFFF  }
0xc3: {  	_ =	shalt  }
tec
execute0_lowered:
.L_overlay_start_1:
0x0: {  	(tag) =	ssettag $0x1  }
0x1: {  	s0 =	stileid.u32  }
0x2: {  	s1 =	srdreg.scid;
	s4 =	rddreg [dreg:$0x0]  }
0x3: {  	s2 =	rddreg [dreg:$0x1];
	s3 =	simm.s32 $0x0;
	s6 =	smul.u32 $0x28000, s0  }
0x4: {  	s14 =	simm.s32 $0x0;
	s5 =	sand.u32 $0x1, s1;
	s8 =	smul.u32 $0x14000, s0  }
0x5: {  	s24 =	sshll.u32 s0, $0x1;
	s1 =	rddreg [dreg:$0x2];
	s11 =	smul.u32 $0x50000, s0  }
0x6: {  	[smem:$0x7FF] =	sst s3;
	s30 =	sshll.u32 s0, $0x6;
	s9 =	smul.u32 $0x140000, s5  }
0x7: {  	s7 =	sor.u32 s5, s24;
	_ =	strace $0x8000005F;
	s13 =	smul.u32 $0x14000, s5  }
0x8: {  	s28 =	ssub.s32 $0x2, s5;
	s5 =	sor.u32 $0x1C01, s30;
	s7 =	smul.u32 $0x280, s7  }
0x9: {  	s10 =	sadd.s32 s6, s4;
	s26 =	sshrl.u32 s8, $0x3;
	s12 =	sshrl.u32 s28, $0x1  }
0xa: {  	s29 =	sshrl.u32 s11, $0x2;
	s8 =	sadd.s32 s8, s9;
	s9 =	ssub.s32 s28, s12  }
0xb: {  	s11 =	sadd.s32 s29, s2;
	s31 =	sadd.s32 s13, s10;
	s12 =	simm.s32 $0x1400  }
0xc: {  	s13 =	simm.s32 $0x80;
	s25 =	sadd.s32 s7, s4;
	s7 =	sadd.s32 s26, s4  }
0xd: {  	s8 =	sshrl.u32 s8, $0x3;
	s10 =	sshrl.u32 s11, $0x3;
	s11 =	simm.s32 $0x1  }
0xe: {  	s8 =	sadd.s32 s8, s4;
	s4 =	sadd.s32 $0x8A400, s7;
	s6 =	sadd.s32 $0x37000, s25  }
0xf: {  	s7 =	sadd.s32 $0xD9600, s8;
	s8 =	smax.u32 s9, $0x1;
	s9 =	sadd.s32 $0xD4A600, s31  }
.LBB2_1:
0x10: {  	[spmem:s10], [sflag:s5] =	dma.local [hbm:s4], $0x2800  }
0x11: {  	_ =	swait.ge [sflag:s11], $0x2800  }
0x12: {  	[sflag:s11] =	ssyncset.done $0x0  }
0x13: {  	[sflag:s11] =	ssyncadd.s32 $0xFFFFD800  }
0x14: {  	[tilespmem:s3], [sflag:$0x1] =	stream.linear.gather [hbm4b:s6+s3], $0x1400, $0x38;
	[tilespmem:$0x19400] =	vst v63  }
0x15: {  	_ =	swait.ge [sflag:s11], $0x1400  }
0x16: {  	[sflag:s11] =	ssyncset.done $0x0  }
0x17: {  	[sflag:s11] =	ssyncadd.s32 $0xFFFFEC00  }
0x18: {  	[bflag:$0x0] =	sbarrier.arrive $0xFFFF  }
0x19: {  	[tilespmem:s12], [sflag:$0x1] =	stream.linear.gather [hbm4b:s9+s3], $0x4000, $0x38;
	[tilespmem:$0x19400] =	vst v63  }
0x1a: {  	_ =	swait.ge [sflag:s11], $0x4000  }
0x1b: {  	[sflag:s11] =	ssyncset.done $0x0  }
0x1c: {  	s15 =	simm.s32 $0x0;
	[sflag:s11] =	ssyncadd.s32 $0xFFFFC000  }
0x1d: {  	[spmem:s2] =	stream.indirect.scatter.add.f32 [tilespmem:s12], [sflag:$0x1], $0x80, s15, s13, $0xb8;
	[tilespmem:$0x19400] =	vst v63  }
0x1e: {  	_ =	swait.ge [sflag:s11], $0x4000  }
0x1f: {  	s16 =	smov.u32 s9;
	s15 =	simm.s32 $0x200;
	[sflag:s11] =	ssyncset.done $0x0  }
.LBB2_2:
0x20: {  	p0 =	sne.s32 s15, $0x4E00;
	[sflag:s11] =	ssyncadd.s32 $0xFFFFC000;
	s16 =	sadd.s32 $0x800, s16  }
0x21: {  	[tilespmem:s12], [sflag:$0x1] =	stream.linear.gather [hbm4b:s16+s3], $0x4000, $0x38;
	[tilespmem:$0x19400] =	vst v63  }
0x22: {  	s17 =	smov.u32 s15;
	s15 =	sadd.s32 $0x200, s15;
	_ =	swait.ge [sflag:s11], $0x4000  }
.Ltmp0:
0x23: {  	[sflag:s11] =	ssyncset.done $0x0;
	(pc) =	sbr.rel @p0 .LBB2_2-.Ltmp0, $4  }
0x24: {  	s17 =	sshra.s32 s17, $0x2;
	[sflag:s11] =	ssyncadd.s32 $0xFFFFC000  }
0x25: {  	[spmem:s2] =	stream.indirect.scatter.add.f32 [tilespmem:s12], [sflag:$0x1], $0x80, s17, s13, $0xb8;
	[tilespmem:$0x19400] =	vst v63  }
0x26: {  	_ =	swait.ge [sflag:s11], $0x4000  }
0x27: {  	[sflag:s11] =	ssyncset.done $0x0  }
0x28: {  	s14 =	sadd.s32 $0x1, s14  }
0x29: {  	[sflag:s11] =	ssyncadd.s32 $0xFFFFC000;
	p0 =	sne.s32 s14, s8  }
.Ltmp1:
0x2a: {  	[bflag:$0x0] =	sbarrier.arrive $0xFFFF;
	(pc) =	sbr.rel @p0 .LBB2_1-.Ltmp1, $4  }
0x2b: {  	[hbm:s7], [sflag:s5] =	dma.local [spmem:s10], $0x2800  }
0x2c: {  	_ =	swait.ge [sflag:s11], $0x2800  }
0x2d: {  	[sflag:s11] =	ssyncset.done $0x0  }
0x2e: {  	[sflag:s11] =	ssyncadd.s32 $0xFFFFD800  }
0x2f: {  	_ =	sfence.sel $0x180000  }
0x30: {  	[bflag:$0x0] =	sbarrier.arrive $0xFFFF  }
0x31: {  	p0 =	sne.s32 s0, $0x0;
	_ =	strace $0x9000005F  }
0x32: {  	s0 =	sadd.s32 @!p0 $0x100000, s1;
	[bflag:$0x2] =	sbarrier.arrive $0xFFFF  }
0x33: {  	[sflag:s0] =	ssyncadd.tile.s32 @!p0 $0x1;
	_ =	shalt  }
.Lfunc_end2:
_tile_overlayer_lowered:
.L_overlay_start_2:
0x34: {  	(tag) =	ssettag $0x2  }
0x35: {  	s0 =	rddreg [dreg:$0x0];
	s2 =	stileid.u32  }
0x36: {  	s1 =	rddreg [dreg:$0x1];
	p0 =	sne.s32 s2, $0x0  }
0x37: {  	s3 =	rddreg [dreg:$0x2];
	[bflag:$0x3] =	sbarrier.arrive $0xFFFF;
	s2 =	simm.s32 @!p0 $0x1C01  }
0x38: {  	[timem:s3], [sflag:s2] =	dma.local @!p0 [hbm:s0], s1  }
0x39: {  	s0 =	simm.s32 @!p0 $0x1  }
0x3a: {  	_ =	swait.ge @!p0 [sflag:s0], s1  }
0x3b: {  	s1 =	ssub.s32 @!p0 $0x0, s1;
	[sflag:s0] =	ssyncset.done @!p0 $0x0  }
0x3c: {  	[sflag:s0] =	ssyncadd.s32 @!p0 s1  }
0x3d: {  	[bflag:$0x3] =	sbarrier.arrive $0xFFFF  }
0x3e: {  	_ =	shalt  }

// kernel: kernel.49.cloned.1.call-start
scs
__scs_entry_jumppad:
0x0: {  	(pc) =	sbr.rel $0x88, $3  }
0x1: {  	(tag) =	ssettag $0x0;
	lr =	simm.s32 $0x1  }
0x2: {  	[smem:$0x3F76] =	sst lr;
	_ =	strace $0xD0000000  }
0x3: {  	_ = 	snop  }
0x4: {  	_ = 	snop  }
0x5: {  	_ = 	snop  }
0x6: {  	_ = 	snop  }
0x7: {  	_ = 	snop  }
__scs_overlays_trampoline_lowered:
0x8: {  	[smem:$0x3F85] =	sst s0  }
0x9: {  	[smem:$0x3F86] =	sst s1  }
0xa: {  	[smem:$0x3F87] =	sst s2  }
0xb: {  	[smem:$0x3F88] =	sst s3  }
0xc: {  	[smem:$0x3F89] =	sst s4  }
0xd: {  	[smem:$0x3F8A] =	sst s5  }
0xe: {  	[smem:$0x3F8B] =	sst s6  }
0xf: {  	[smem:$0x3F8C] =	sst s7  }
0x10: {  	[smem:$0x3F8D] =	sst s8  }
0x11: {  	[smem:$0x3F8E] =	sst s9;
	s0 =	simm.s32 @!p0 $0x0  }
0x12: {  	s1 =	sld [smem:$0x3F74];
	s0 =	simm.s32 @p0 $0x1  }
0x13: {  	[smem:$0x3F8F] =	sst s0;
	s0 =	simm.s32 @!p1 $0x0  }
0x14: {  	s2 =	sld [smem:$0x3F73];
	s0 =	simm.s32 @p1 $0x1  }
0x15: {  	[smem:$0x3F90] =	sst s0;
	s0 =	simm.s32 @!p2 $0x0  }
0x16: {  	s3 =	sld [smem:$0x3FDB];
	s0 =	simm.s32 @p2 $0x1  }
0x17: {  	s4 =	simm.s32 $0x1BF5;
	[smem:$0x3F92] =	sst s0  }
0x18: {  	s0 =	sld [smem:$0x3F75];
	_ =	swait.ge [sflag:s4], $0x0  }
0x19: {  	s7 =	sld [smem:$0x3F76]  }
0x1a: {  	s8 =	sadd.s32 $0xFFFFE003, lr  }
0x1b: {  	s9 =	sadd.s32 $0xFFFFFEF7, lr;
	s5 =	simm.s32 $0xFFFFFFFF;
	p2 =	slt.u32 s8, $0xFFFFF086  }
0x1c: {  	p1 =	slt.u32 s9, $0xF7A;
	s5 =	simm.s32 @!p2 $0x0  }
0x1d: {  	s5 =	simm.s32 @p1 $0x1;
	p0 =	seq.s32 s7, s2  }
0x1e: {  	s7 =	smul.u32 @!p0 $0xF7A, s2;
	p2 =	seq.s32 @!p0 s5, $0x0  }
0x1f: {  	s9 =	smul.u32 $0xF7A, s1;
	s8 =	simm.s32 @!p0 $0x1BF5;
	p2 =	por !p2, p0  }
0x20: {  	[sflag:s8] =	ssyncset.s32 @!p0 $0xFFFFF086;
	s6 =	sadd.s32 @!p0 s3, s7;
	s7 =	simm.s32 @!p0 $0x108  }
0x21: {  	s3 =	sadd.s32 s3, s9;
	s6 =	sadd.s32 @!p0 $0x88, s6;
	s7 =	simm.s32 @p2 $0x1082  }
0x22: {  	[simem:s7], [sflag:s8] =	dma.local @!p0 [hbm:s6], $0xF7A  }
0x23: {  	s9 =	sor.u32 $0xD0000000, s2;
	s6 =	simm.s32 $0x108;
	_ =	swait.ge @!p0 [sflag:s8], $0x0  }
0x24: {  	s3 =	sadd.s32 $0x88, s3;
	s6 =	simm.s32 @!p1 $0x1082;
	[sflag:s4] =	ssyncset.s32 $0xFFFFF086  }
0x25: {  	[simem:s6], [sflag:s4] =	dma.local [hbm:s3], $0xF7A  }
0x26: {  	[smem:$0x3F76] =	sst s1;
	(tag) =	ssettag s2;
	_ =	strace s9  }
0x27: {  	s1 =	sld [smem:$0x3F86]  }
0x28: {  	s2 =	sld [smem:$0x3F87]  }
0x29: {  	s4 =	sld [smem:$0x3F89]  }
0x2a: {  	p0 =	seq.s32 s5, $0x0;
	s5 =	sld [smem:$0x3F8A]  }
0x2b: {  	s6 =	sld [smem:$0x3F8B]  }
0x2c: {  	s7 =	sld [smem:$0x3F8C]  }
0x2d: {  	s3 =	simm.s32 $0x108;
	s8 =	sld [smem:$0x3F8D]  }
0x2e: {  	s3 =	simm.s32 @!p0 $0x1082;
	s9 =	sld [smem:$0x3F8E]  }
0x2f: {  	lr =	sadd.s32 s0, s3;
	s0 =	sld [smem:$0x3F85]  }
0x30: {  	s3 =	sld [smem:$0x3F88]  }
0x31: {  	[smem:$0x3F91] =	sst s10  }
0x32: {  	s10 =	sld [smem:$0x3F8F];
	_ =	sdelay $0x3  }
0x33: {  	p0 =	seq.s32 s10, $0x1;
	s10 =	sld [smem:$0x3F91];
	_ =	sdelay $0x3  }
0x34: {  	[smem:$0x3F91] =	sst s10  }
0x35: {  	s10 =	sld [smem:$0x3F90];
	_ =	sdelay $0x3  }
0x36: {  	p1 =	seq.s32 s10, $0x1;
	s10 =	sld [smem:$0x3F91];
	_ =	sdelay $0x3  }
0x37: {  	[smem:$0x3F91] =	sst s10  }
0x38: {  	s10 =	sld [smem:$0x3F92]  }
0x39: {  	_ = 	snop;
	(pc) =	sbr.ind lr, $3  }
0x3a: {  	_ = 	snop  }
0x3b: {  	_ = 	snop  }
0x3c: {  	p2 =	seq.s32 s10, $0x1;
	s10 =	sld [smem:$0x3F91]  }
0x3d: {  	_ =	shalt  }
0x3e: {  	_ =	shalt  }
0x3f: {  	_ =	shalt  }
0x40: {  	_ =	shalt  }
0x41: {  	_ =	shalt  }
0x42: {  	_ =	shalt  }
0x43: {  	_ =	shalt  }
0x44: {  	_ =	shalt  }
0x45: {  	_ =	shalt  }
0x46: {  	_ =	shalt  }
0x47: {  	_ =	shalt  }
0x48: {  	_ =	shalt  }
0x49: {  	_ =	shalt  }
0x4a: {  	_ =	shalt  }
0x4b: {  	_ =	shalt  }
0x4c: {  	_ =	shalt  }
0x4d: {  	_ =	shalt  }
0x4e: {  	_ =	shalt  }
0x4f: {  	_ =	shalt  }
0x50: {  	_ =	shalt  }
0x51: {  	_ =	shalt  }
0x52: {  	_ =	shalt  }
0x53: {  	_ =	shalt  }
0x54: {  	_ =	shalt  }
0x55: {  	_ =	shalt  }
0x56: {  	_ =	shalt  }
0x57: {  	_ =	shalt  }
0x58: {  	_ =	shalt  }
0x59: {  	_ =	shalt  }
0x5a: {  	_ =	shalt  }
0x5b: {  	_ =	shalt  }
0x5c: {  	_ =	shalt  }
0x5d: {  	_ =	shalt  }
0x5e: {  	_ =	shalt  }
0x5f: {  	_ =	shalt  }
0x60: {  	_ =	shalt  }
0x61: {  	_ =	shalt  }
0x62: {  	_ =	shalt  }
0x63: {  	_ =	shalt  }
0x64: {  	_ =	shalt  }
0x65: {  	_ =	shalt  }
0x66: {  	_ =	shalt  }
0x67: {  	_ =	shalt  }
0x68: {  	_ =	shalt  }
0x69: {  	_ =	shalt  }
0x6a: {  	_ =	shalt  }
0x6b: {  	_ =	shalt  }
0x6c: {  	_ =	shalt  }
0x6d: {  	_ =	shalt  }
0x6e: {  	_ =	shalt  }
0x6f: {  	_ =	shalt  }
0x70: {  	_ =	shalt  }
0x71: {  	_ =	shalt  }
0x72: {  	_ =	shalt  }
0x73: {  	_ =	shalt  }
0x74: {  	_ =	shalt  }
0x75: {  	_ =	shalt  }
0x76: {  	_ =	shalt  }
0x77: {  	_ =	shalt  }
0x78: {  	_ =	shalt  }
0x79: {  	_ =	shalt  }
0x7a: {  	_ =	shalt  }
0x7b: {  	_ =	shalt  }
0x7c: {  	_ =	shalt  }
0x7d: {  	_ =	shalt  }
0x7e: {  	_ =	shalt  }
0x7f: {  	_ =	shalt  }
0x80: {  	_ =	shalt  }
0x81: {  	_ =	shalt  }
0x82: {  	_ =	shalt  }
0x83: {  	_ =	shalt  }
0x84: {  	_ =	shalt  }
0x85: {  	_ =	shalt  }
0x86: {  	_ =	shalt  }
0x87: {  	_ =	shalt  }
.Lfunc_end0:
.L_simem_size_0:
called_computation.9_lowered:
.L_overlay_start_0:
0x88: {  	s2 =	sld [smem:$0x3FD9]  }
0x89: {  	s3 =	sld [smem:$0x3FFE];
	_ =	sdelay $0x1  }
0x8a: {  	s1 =	srdreg.scid  }
0x8b: {  	s0 =	sand.u32 $0x1, s1  }
0x8c: {  	s16 =	sshll.u32 s0, $0xA;
	s2 =	sadd.s32 s3, s2  }
0x8d: {  	s2 =	sadd.s32 s2, s16  }
0x8e: {  	[smem:$0x3F9D] =	sst s2  }
0x8f: {  	_ = 	snop  }
0x90: {  	(tm) =	ssettm $0x1  }
0x91: {  	s17 =	sld [smem:$0x3FFB];
	_ =	sdelay $0x3  }
0x92: {  	_ =	strace s17  }
0x93: {  	s2 =	sld [smem:$0x3FFC];
	_ =	sdelay $0x3  }
0x94: {  	_ =	strace s2  }
0x95: {  	s2 =	sld [smem:$0x3FFD];
	_ =	sdelay $0x3  }
0x96: {  	_ =	strace s2  }
0x97: {  	_ =	strace $0x8FFFFFFF  }
0x98: {  	s18 =	sld [smem:$0x3FDB];
	_ =	sdelay $0x1  }
0x99: {  	s19 =	simm.s32 $_scs_section_size  }
0x9a: {  	s4 =	simm.s32 $_size__tile_overlayer_lowered;
	s5 =	simm.s32 $_tile_overlayer_lowered  }
0x9b: {  	s22 =	simm.s32 $0x1BFF;
	s21 =	sshll.u32 s5, $0x1;
	s2 =	sadd.s32 s19, s18  }
0x9c: {  	s6 =	simm.s32 $0x0;
	s20 =	sshll.u32 s4, $0x1;
	s4 =	sadd.s32 s21, s2  }
0x9d: {  	[timem:s6], [sflag:s22] =	dma.local [hbm:s4], s20  }
0x9e: {  	_ =	swait.ge [sflag:s22], s20  }
0x9f: {  	s3 =	ssub.s32 $0x0, s20;
	[sflag:s22] =	ssyncset.done $0x0  }
0xa0: {  	[sflag:s22] =	ssyncadd.s32 s3;
	_ =	sdelay $0x1  }
0xa1: {  	s23 =	simm.s32 $0x1B8B  }
0xa2: {  	_ =	swait.ge [sflag:s23], $0x1  }
0xa3: {  	[sflag:s23] =	ssyncset.done $0x0  }
0xa4: {  	s25 =	simm.s32 $0x1B8E;
	s24 =	sld [smem:$0x3FFE];
	[sflag:s23] =	ssyncadd.s32 $0xFFFFFFFF  }
0xa5: {  	s26 =	simm.s32 $execute0_lowered;
	[smem:$0x3FD2] =	sst s25  }
0xa6: {  	s4 =	sshll.u32 s26, $0x1;
	_ =	strace $0x80000061;
	[dreg:$0x1] =	wrdreg $0xFFFFFFFF  }
0xa7: {  	s28 =	simm.s32 $_size_execute0_lowered;
	s2 =	sadd.s32 s2, s4;
	[dreg:$0x0] =	wrdreg $0x0  }
0xa8: {  	s4 =	sshll.u32 s28, $0x1;
	[dreg:$0x2] =	wrdreg s2  }
0xa9: {  	[dreg:$0x3] =	wrdreg s4  }
0xaa: {  	[dreg:$0x4] =	wrdreg $0xC0  }
0xab: {  	_ =	task [dreg:s6], $0x5FFFF  }
0xac: {  	[dreg:$0x1] =	wrdreg $0xFFFFFFFF  }
0xad: {  	[dreg:$0x0] =	wrdreg $0x60  }
0xae: {  	[dreg:$0x2] =	wrdreg s24  }
0xaf: {  	[dreg:$0x3] =	wrdreg $0x9  }
0xb0: {  	_ =	task.clear_ibuf [dreg:s6], $0x4FFFF;
	_ =	strace $0x90000061  }
0xb1: {  	s29 =	simm.s32 $0x9;
	_ =	strace $0x80000063  }
0xb2: {  	_ =	swait.ge [sflag:s29], $0x1  }
0xb3: {  	[sflag:s29] =	ssyncadd.s32 $0xFFFFFFFF  }
0xb4: {  	_ =	strace $0x90000063  }
0xb5: {  	_ =	sfence  }
0xb6: {  	s30 =	sld [smem:$0x0];
	_ =	sdelay $0x2  }
0xb7: {  	s31 =	sshll.u32 s1, $0xD;
	s1 =	sshrl.u32 s1, $0x2  }
0xb8: {  	s3 =	sand.u32 $0x4000, s31;
	s1 =	sadd.s32 s1, s30  }
0xb9: {  	s0 =	sor.u32 s3, s0;
	s1 =	sshll.u32 s1, $0x11  }
0xba: {  	s0 =	sor.u32 s1, s0  }
0xbb: {  	s0 =	sadd.s32 $0x8F2B, s0  }
0xbc: {  	[sflag:s0] =	ssyncadd.remote.s32 $0x1  }
0xbd: {  	_ =	sfence.sel $0xFFFF  }
0xbe: {  	[dreg:$0x0] =	wrdreg $0xFFFFFFFF;
	(pc) =	sbr.abs _section_cstart, $3  }
0xbf: {  	[dreg:$0x1] =	wrdreg $0xFFFFFFFF  }
0xc0: {  	_ =	task.clear_ibuf [dreg:s6], $0x2FFFF;
	_ =	strace $0x9FFFFFFF  }
0xc1: {  	(tm) =	ssettm $0x7FFFFFFF  }
tec
execute0_lowered:
.L_overlay_start_1:
0x0: {  	(tag) =	ssettag $0x1  }
0x1: {  	s1 =	srdreg.scid  }
0x2: {  	s0 =	stileid.u32;
	s4 =	rddreg [dreg:$0x0];
	s2 =	simm.s32 $0x0  }
0x3: {  	s14 =	simm.s32 $0x2800;
	s15 =	simm.s32 $0x6800;
	s16 =	simm.s32 $0x1  }
0x4: {  	s17 =	simm.s32 $0x2;
	s18 =	simm.s32 $0x0;
	s6 =	sand.u32 $0x1, s1  }
0x5: {  	s29 =	sshll.u32 s0, $0x1;
	s1 =	rddreg [dreg:$0x1];
	s9 =	smul.u32 $0x140000, s0  }
0x6: {  	[smem:$0x7FF] =	sst s2;
	s8 =	sadd.s32 $0x3C000, s4;
	s12 =	smul.u32 $0x28000, s0  }
0x7: {  	s10 =	sadd.s32 $0x2BC000, s4;
	s3 =	sor.u32 s6, s29;
	s11 =	smul.u32 $0xA0000, s6  }
0x8: {  	_ =	strace $0x80000062;
	s7 =	ssub.s32 $0x2, s6;
	s31 =	smul.u32 $0x14000, s6  }
0x9: {  	s5 =	smul.u32 $0x280, s3;
	s3 =	sadd.s32 $0xAE00, s4;
	s30 =	sshrl.u32 s7, $0x1  }
0xa: {  	s13 =	sadd.s32 s12, s8;
	s7 =	ssub.s32 s7, s30;
	s9 =	sadd.s32 s11, s9  }
0xb: {  	s13 =	sadd.s32 s31, s13;
	s11 =	simm.s32 $0x3;
	s5 =	sadd.s32 s5, s4  }
0xc: {  	s6 =	smax.u32 s7, $0x1;
	s9 =	sshrl.u32 s9, $0x3;
	s4 =	sadd.s32 $0x32000, s5  }
0xd: {  	s5 =	sadd.s32 $0x37000, s5;
	s7 =	sadd.s32 s9, s10;
	s10 =	sadd.s32 s12, s10  }
0xe: {  	s8 =	sadd.s32 s9, s8;
	s9 =	sadd.s32 $0x800, s13;
	s10 =	sadd.s32 s31, s10  }
0xf: {  	s12 =	simm.s32 $0x1400;
	s13 =	simm.s32 $0x80;
	s10 =	sadd.s32 $0x800, s10  }
.LBB2_1:
0x10: {  	[tilespmem:s2], [sflag:$0x3] =	stream.linear.gather [hbm4b:s4+s2], $0x1400, $0x38;
	[tilespmem:$0xA800] =	vst v63  }
0x11: {  	_ =	swait.ge [sflag:s11], $0x1400  }
0x12: {  	[sflag:s11] =	ssyncset.done $0x0  }
0x13: {  	[sflag:s11] =	ssyncadd.s32 $0xFFFFEC00  }
0x14: {  	[tilespmem:s12], [sflag:$0x3] =	stream.linear.gather [hbm4b:s5+s2], $0x1400, $0x38;
	[tilespmem:$0xA800] =	vst v63  }
0x15: {  	_ =	swait.ge [sflag:s11], $0x1400  }
0x16: {  	[sflag:s11] =	ssyncset.done $0x0  }
0x17: {  	s19 =	simm.s32 $0x0;
	[sflag:s11] =	ssyncadd.s32 $0xFFFFEC00  }
0x18: {  	[tilespmem:s14], [sflag:$0x1] =	stream.indirect.gather [hbm4b:s3+s13], $0x80, s19, s13, $0xb8;
	[tilespmem:$0xA800] =	vst v63  }
0x19: {  	s24 =	simm.s32 $0x80  }
0x1a: {  	[tilespmem:s15], [sflag:$0x2] =	stream.indirect.gather [hbm4b:s3+s13], $0x80, s24, s13, $0xb8;
	[tilespmem:$0xA800] =	vst v63  }
0x1b: {  	_ =	swait.ge [sflag:s16], $0x4000  }
0x1c: {  	[sflag:s16] =	ssyncset.done $0x0  }
0x1d: {  	s25 =	sadd.s32 $0x0, s8;
	[sflag:s16] =	ssyncadd.s32 $0xFFFFC000  }
0x1e: {  	[hbm4b:s25+s2] =	stream.linear.scatter [tilespmem:s14], [sflag:$0x3], $0x4000, $0x38;
	[tilespmem:$0xA800] =	vst v63  }
0x1f: {  	_ =	swait.ge [sflag:s11], $0x4000  }
0x20: {  	[sflag:s11] =	ssyncset.done $0x0  }
0x21: {  	[sflag:s11] =	ssyncadd.s32 $0xFFFFC000  }
0x22: {  	_ =	swait.ge [sflag:s17], $0x4000  }
0x23: {  	[sflag:s17] =	ssyncset.done $0x0  }
0x24: {  	s26 =	sadd.s32 $0x0, s9;
	[sflag:s17] =	ssyncadd.s32 $0xFFFFC000  }
0x25: {  	[hbm4b:s26+s2] =	stream.linear.scatter [tilespmem:s15], [sflag:$0x3], $0x4000, $0x38;
	[tilespmem:$0xA800] =	vst v63  }
0x26: {  	_ =	swait.ge [sflag:s11], $0x4000  }
0x27: {  	[sflag:s11] =	ssyncset.done $0x0  }
0x28: {  	s28 =	simm.s32 $0x1400;
	[sflag:s11] =	ssyncadd.s32 $0xFFFFC000  }
0x29: {  	[tilespmem:s14], [sflag:$0x1] =	stream.indirect.gather [hbm4b:s3+s13], $0x80, s28, s13, $0xb8;
	[tilespmem:$0xA800] =	vst v63  }
0x2a: {  	s29 =	simm.s32 $0x1480  }
0x2b: {  	[tilespmem:s15], [sflag:$0x2] =	stream.indirect.gather [hbm4b:s3+s13], $0x80, s29, s13, $0xb8;
	[tilespmem:$0xA800] =	vst v63  }
0x2c: {  	_ =	swait.ge [sflag:s16], $0x4000  }
0x2d: {  	[sflag:s16] =	ssyncset.done $0x0  }
0x2e: {  	s30 =	sadd.s32 $0x0, s7;
	[sflag:s16] =	ssyncadd.s32 $0xFFFFC000  }
0x2f: {  	[hbm4b:s30+s2] =	stream.linear.scatter [tilespmem:s14], [sflag:$0x3], $0x4000, $0x38;
	[tilespmem:$0xA800] =	vst v63  }
0x30: {  	_ =	swait.ge [sflag:s11], $0x4000  }
0x31: {  	[sflag:s11] =	ssyncset.done $0x0  }
0x32: {  	[sflag:s11] =	ssyncadd.s32 $0xFFFFC000  }
0x33: {  	_ =	swait.ge [sflag:s17], $0x4000  }
0x34: {  	[sflag:s17] =	ssyncset.done $0x0  }
0x35: {  	s31 =	sadd.s32 $0x0, s10;
	[sflag:s17] =	ssyncadd.s32 $0xFFFFC000  }
0x36: {  	[hbm4b:s31+s2] =	stream.linear.scatter [tilespmem:s15], [sflag:$0x3], $0x4000, $0x38;
	[tilespmem:$0xA800] =	vst v63  }
0x37: {  	s21 =	simm.s32 $0x2000;
	_ =	swait.ge [sflag:s11], $0x4000  }
0x38: {  	s20 =	simm.s32 $0x1580;
	s19 =	simm.s32 $0x1000;
	[sflag:s11] =	ssyncset.done $0x0  }
.LBB2_2:
0x39: {  	p0 =	sne.s32 s21, $0x13000;
	s22 =	sadd.s32 $0xFFFFEB80, s20;
	[sflag:s11] =	ssyncadd.s32 $0xFFFFC000  }
0x3a: {  	[tilespmem:s14], [sflag:$0x1] =	stream.indirect.gather [hbm4b:s3+s13], $0x80, s22, s13, $0xb8;
	[tilespmem:$0xA800] =	vst v63  }
0x3b: {  	s23 =	smov.u32 s21;
	s21 =	sadd.s32 $0x1000, s21;
	s22 =	sadd.s32 $0xFFFFEC00, s20  }
0x3c: {  	[tilespmem:s15], [sflag:$0x2] =	stream.indirect.gather [hbm4b:s3+s13], $0x80, s22, s13, $0xb8;
	[tilespmem:$0xA800] =	vst v63  }
0x3d: {  	_ =	swait.ge [sflag:s16], $0x4000  }
0x3e: {  	[sflag:s16] =	ssyncset.done $0x0  }
0x3f: {  	s22 =	sadd.s32 s19, s8;
	[sflag:s16] =	ssyncadd.s32 $0xFFFFC000  }
0x40: {  	[hbm4b:s22+s2] =	stream.linear.scatter [tilespmem:s14], [sflag:$0x3], $0x4000, $0x38;
	[tilespmem:$0xA800] =	vst v63  }
0x41: {  	_ =	swait.ge [sflag:s11], $0x4000  }
0x42: {  	[sflag:s11] =	ssyncset.done $0x0  }
0x43: {  	[sflag:s11] =	ssyncadd.s32 $0xFFFFC000  }
0x44: {  	_ =	swait.ge [sflag:s17], $0x4000  }
0x45: {  	[sflag:s17] =	ssyncset.done $0x0  }
0x46: {  	s22 =	sadd.s32 s19, s9;
	[sflag:s17] =	ssyncadd.s32 $0xFFFFC000  }
0x47: {  	[hbm4b:s22+s2] =	stream.linear.scatter [tilespmem:s15], [sflag:$0x3], $0x4000, $0x38;
	[tilespmem:$0xA800] =	vst v63  }
0x48: {  	_ =	swait.ge [sflag:s11], $0x4000  }
0x49: {  	[sflag:s11] =	ssyncset.done $0x0  }
0x4a: {  	s22 =	sadd.s32 $0xFFFFFF80, s20;
	[sflag:s11] =	ssyncadd.s32 $0xFFFFC000  }
0x4b: {  	[tilespmem:s14], [sflag:$0x1] =	stream.indirect.gather [hbm4b:s3+s13], $0x80, s22, s13, $0xb8;
	[tilespmem:$0xA800] =	vst v63  }
0x4c: {  	_ = 	snop  }
0x4d: {  	[tilespmem:s15], [sflag:$0x2] =	stream.indirect.gather [hbm4b:s3+s13], $0x80, s20, s13, $0xb8;
	[tilespmem:$0xA800] =	vst v63  }
0x4e: {  	_ =	swait.ge [sflag:s16], $0x4000  }
0x4f: {  	[sflag:s16] =	ssyncset.done $0x0  }
0x50: {  	s22 =	sadd.s32 s19, s7;
	[sflag:s16] =	ssyncadd.s32 $0xFFFFC000  }
0x51: {  	[hbm4b:s22+s2] =	stream.linear.scatter [tilespmem:s14], [sflag:$0x3], $0x4000, $0x38;
	[tilespmem:$0xA800] =	vst v63  }
0x52: {  	_ =	swait.ge [sflag:s11], $0x4000  }
0x53: {  	[sflag:s11] =	ssyncset.done $0x0  }
0x54: {  	[sflag:s11] =	ssyncadd.s32 $0xFFFFC000  }
0x55: {  	_ =	swait.ge [sflag:s17], $0x4000  }
.Ltmp0:
0x56: {  	[sflag:s17] =	ssyncset.done $0x0;
	(pc) =	sbr.rel @p0 .LBB2_2-.Ltmp0, $4  }
0x57: {  	s22 =	sadd.s32 s19, s10;
	s19 =	smov.u32 s23;
	[sflag:s17] =	ssyncadd.s32 $0xFFFFC000  }
0x58: {  	[hbm4b:s22+s2] =	stream.linear.scatter [tilespmem:s15], [sflag:$0x3], $0x4000, $0x38;
	[tilespmem:$0xA800] =	vst v63  }
0x59: {  	_ =	swait.ge [sflag:s11], $0x4000  }
0x5a: {  	s20 =	sadd.s32 $0x100, s20;
	[sflag:s11] =	ssyncset.done $0x0  }
0x5b: {  	s21 =	sadd.s32 $0xFFFFEB80, s20;
	[sflag:s11] =	ssyncadd.s32 $0xFFFFC000  }
0x5c: {  	[tilespmem:s14], [sflag:$0x1] =	stream.indirect.gather [hbm4b:s3+s13], $0x80, s21, s13, $0xb8;
	[tilespmem:$0xA800] =	vst v63  }
0x5d: {  	s25 =	sadd.s32 $0xFFFFEC00, s20  }
0x5e: {  	[tilespmem:s15], [sflag:$0x2] =	stream.indirect.gather [hbm4b:s3+s13], $0x80, s25, s13, $0xb8;
	[tilespmem:$0xA800] =	vst v63  }
0x5f: {  	_ =	swait.ge [sflag:s16], $0x4000  }
0x60: {  	[sflag:s16] =	ssyncset.done $0x0  }
0x61: {  	s26 =	sadd.s32 s19, s8;
	[sflag:s16] =	ssyncadd.s32 $0xFFFFC000  }
0x62: {  	[hbm4b:s26+s2] =	stream.linear.scatter [tilespmem:s14], [sflag:$0x3], $0x4000, $0x38;
	[tilespmem:$0xA800] =	vst v63  }
0x63: {  	_ =	swait.ge [sflag:s11], $0x4000  }
0x64: {  	[sflag:s11] =	ssyncset.done $0x0  }
0x65: {  	[sflag:s11] =	ssyncadd.s32 $0xFFFFC000  }
0x66: {  	_ =	swait.ge [sflag:s17], $0x4000  }
0x67: {  	[sflag:s17] =	ssyncset.done $0x0  }
0x68: {  	s28 =	sadd.s32 s19, s9;
	[sflag:s17] =	ssyncadd.s32 $0xFFFFC000  }
0x69: {  	[hbm4b:s28+s2] =	stream.linear.scatter [tilespmem:s15], [sflag:$0x3], $0x4000, $0x38;
	[tilespmem:$0xA800] =	vst v63  }
0x6a: {  	_ =	swait.ge [sflag:s11], $0x4000  }
0x6b: {  	[sflag:s11] =	ssyncset.done $0x0  }
0x6c: {  	s29 =	sadd.s32 $0xFFFFFF80, s20;
	[sflag:s11] =	ssyncadd.s32 $0xFFFFC000  }
0x6d: {  	[tilespmem:s14], [sflag:$0x1] =	stream.indirect.gather [hbm4b:s3+s13], $0x80, s29, s13, $0xb8;
	[tilespmem:$0xA800] =	vst v63  }
0x6e: {  	_ = 	snop  }
0x6f: {  	[tilespmem:s15], [sflag:$0x2] =	stream.indirect.gather [hbm4b:s3+s13], $0x80, s20, s13, $0xb8;
	[tilespmem:$0xA800] =	vst v63  }
0x70: {  	_ =	swait.ge [sflag:s16], $0x4000  }
0x71: {  	[sflag:s16] =	ssyncset.done $0x0  }
0x72: {  	s30 =	sadd.s32 s19, s7;
	[sflag:s16] =	ssyncadd.s32 $0xFFFFC000  }
0x73: {  	[hbm4b:s30+s2] =	stream.linear.scatter [tilespmem:s14], [sflag:$0x3], $0x4000, $0x38;
	[tilespmem:$0xA800] =	vst v63  }
0x74: {  	_ =	swait.ge [sflag:s11], $0x4000  }
0x75: {  	[sflag:s11] =	ssyncset.done $0x0  }
0x76: {  	[sflag:s11] =	ssyncadd.s32 $0xFFFFC000  }
0x77: {  	s18 =	sadd.s32 $0x1, s18;
	_ =	swait.ge [sflag:s17], $0x4000  }
0x78: {  	p0 =	sne.s32 s18, s6;
	[sflag:s17] =	ssyncset.done $0x0  }
.Ltmp1:
0x79: {  	s31 =	sadd.s32 s19, s10;
	[sflag:s17] =	ssyncadd.s32 $0xFFFFC000;
	(pc) =	sbr.rel @p0 .LBB2_1-.Ltmp1, $4  }
0x7a: {  	[hbm4b:s31+s2] =	stream.linear.scatter [tilespmem:s15], [sflag:$0x3], $0x4000, $0x38;
	[tilespmem:$0xA800] =	vst v63  }
0x7b: {  	_ =	swait.ge [sflag:s11], $0x4000  }
0x7c: {  	[sflag:s11] =	ssyncset.done $0x0  }
0x7d: {  	[sflag:s11] =	ssyncadd.s32 $0xFFFFC000  }
0x7e: {  	_ =	sfence.sel $0x180000  }
0x7f: {  	[bflag:$0x0] =	sbarrier.arrive $0xFFFF  }
0x80: {  	p0 =	sne.s32 s0, $0x0;
	_ =	strace $0x90000062  }
0x81: {  	s0 =	sadd.s32 @!p0 $0x100000, s1;
	[bflag:$0x2] =	sbarrier.arrive $0xFFFF  }
0x82: {  	[sflag:s0] =	ssyncadd.tile.s32 @!p0 $0x1;
	_ =	shalt  }
.Lfunc_end2:
_tile_overlayer_lowered:
.L_overlay_start_2:
0x83: {  	(tag) =	ssettag $0x2  }
0x84: {  	s0 =	rddreg [dreg:$0x0];
	s2 =	stileid.u32  }
0x85: {  	s1 =	rddreg [dreg:$0x1];
	p0 =	sne.s32 s2, $0x0  }
0x86: {  	s3 =	rddreg [dreg:$0x2];
	[bflag:$0x3] =	sbarrier.arrive $0xFFFF;
	s2 =	simm.s32 @!p0 $0x1C03  }
0x87: {  	[timem:s3], [sflag:s2] =	dma.local @!p0 [hbm:s0], s1  }
0x88: {  	s0 =	simm.s32 @!p0 $0x3  }
0x89: {  	_ =	swait.ge @!p0 [sflag:s0], s1  }
0x8a: {  	s1 =	ssub.s32 @!p0 $0x0, s1;
	[sflag:s0] =	ssyncset.done @!p0 $0x0  }
0x8b: {  	[sflag:s0] =	ssyncadd.s32 @!p0 s1  }
0x8c: {  	[bflag:$0x3] =	sbarrier.arrive $0xFFFF  }
0x8d: {  	_ =	shalt  }

</sc_bundles>
